<compile_context>
chip_gen: v7x
topology: tpu7x:2x2x1
jax: 0.10.2.dev20260603
libtpu: 0.0.44.dev20260713+nightly
codegen_flags: <defaults>
</compile_context>

<pallas_src>
import functools

import jax
import jax.numpy as jnp
from jax import lax
from jax.experimental import pallas as pl
from jax.experimental.pallas import tpu as pltpu
from jax.experimental.pallas import tpu_sc as plsc

B, T, H = 1024, 200, 64
V = 100000
BT = B * T
NC, NS = 2, 16
NW = NC * NS
RPW = BT // NW
CH = 128
NCHUNK = RPW // CH
SB = B // NW
HB = 2 * H

_MESH = plsc.VectorSubcoreMesh(core_axis_name="c", subcore_axis_name="s",
                               num_cores=NC, num_subcores=NS)


def _pack_dst(out, i, p0, n):
    t_ = p0 // B
    rem = p0 - t_ * B
    half = rem // (B // 2)
    u = rem - half * (B // 2)
    return out.at[i, pl.ds(t_ * (B // 2) + u, n), pl.ds(half * H, H)]


def _run_field(tab, idx_slice, out, i, row0, idx_v, rv0, rv1, sem0, sem1):
    pltpu.sync_copy(idx_slice, idx_v)

    def start(g, rv, sem):
        pltpu.async_copy(tab.at[idx_v.at[g]], rv, sem)

    def drain(rv, sem):
        pltpu.make_async_copy(tab.at[pl.ds(0, CH)], rv, sem).wait()

    def store(g, rv):
        pltpu.sync_copy(rv, _pack_dst(out, i, row0 + g * CH, CH))

    start(0, rv0, sem0)

    def pair(it, c):
        g0 = 2 * it
        start(g0 + 1, rv1, sem1)
        drain(rv0, sem0)
        store(g0, rv0)
        start(g0 + 2, rv0, sem0)
        drain(rv1, sem1)
        store(g0 + 1, rv1)
        return c

    lax.fori_loop(0, NCHUNK // 2 - 1, pair, 0)
    g = NCHUNK - 2
    start(g + 1, rv1, sem1)
    drain(rv0, sem0)
    store(g, rv0)
    drain(rv1, sem1)
    store(g + 1, rv1)


_SC_SCRATCH = [
    pltpu.VMEM((NCHUNK, CH), jnp.int32),
    pltpu.VMEM((CH, H), jnp.float32),
    pltpu.VMEM((CH, H), jnp.float32),
    pltpu.SemaphoreType.DMA,
    pltpu.SemaphoreType.DMA,
]


@functools.partial(
    pl.kernel,
    out_type=jax.ShapeDtypeStruct((3, BT // 2, HB), jnp.float32),
    mesh=_MESH,
    compiler_params=pltpu.CompilerParams(use_tc_tiling_on_sc=False),
    scratch_types=_SC_SCRATCH,
)
def _sc_gather_k(kidx, ktab, kst_out, idx_v, rv0, rv1, sem0, sem1):
    wid = lax.axis_index("s") * NC + lax.axis_index("c")
    row0 = wid * RPW
    for i in range(3):
        _run_field(ktab, kidx.at[i, wid], kst_out, i, row0,
                   idx_v, rv0, rv1, sem0, sem1)


@functools.partial(
    pl.kernel,
    out_type=(
        jax.ShapeDtypeStruct((2, BT // 2, HB), jnp.float32),
        jax.ShapeDtypeStruct((3, B // 2, HB), jnp.float32),
    ),
    mesh=_MESH,
    compiler_params=pltpu.CompilerParams(use_tc_tiling_on_sc=False),
    scratch_types=_SC_SCRATCH + [
        pltpu.VMEM((SB,), jnp.int32),
        pltpu.VMEM((SB, H), jnp.float32),
    ],
)
def _sc_gather_os(oidx, sidx, otab, stab, ost_out, sst_out,
                  idx_v, rv0, rv1, sem0, sem1, sidx_v, srv):
    wid = lax.axis_index("s") * NC + lax.axis_index("c")
    row0 = wid * RPW

    for i in range(3):
        pltpu.sync_copy(sidx.at[i, wid], sidx_v)
        pltpu.async_copy(stab.at[sidx_v], srv, sem0).wait()
        pltpu.sync_copy(srv, _pack_dst(sst_out, i, wid * SB, SB))

    for i in range(2):
        _run_field(otab, oidx.at[i, wid], ost_out, i, row0,
                   idx_v, rv0, rv1, sem0, sem1)


def _unpack_t(s):
    return jnp.concatenate([s[:, :H].T, s[:, H:].T], axis=1)


def _assemble_body(ncat, stage_ref, vals_ref, emb_ref, bias_ref, out_ref):
    for i in range(ncat):
        out_ref[0, i] = _unpack_t(stage_ref[i, 0])
    nf = emb_ref.shape[0]
    for j in range(nf):
        out_ref[0, ncat + j] = (emb_ref[j][:, None]
                                * vals_ref[j, 0, 0][None, :]
                                + bias_ref[j][:, None])


def _assemble(stage, vals_t, emb, bias, ncat):
    nf = emb.shape[0]
    f_total = ncat + nf
    return pl.pallas_call(
        functools.partial(_assemble_body, ncat),
        grid=(T,),
        in_specs=[
            pl.BlockSpec((ncat, 1, B // 2, HB), lambda i: (0, i, 0, 0)),
            pl.BlockSpec((nf, 1, 1, B), lambda i: (0, i, 0, 0)),
            pl.BlockSpec((nf, H), lambda i: (0, 0)),
            pl.BlockSpec((nf, H), lambda i: (0, 0)),
        ],
        out_specs=pl.BlockSpec((1, f_total, H, B), lambda i: (i, 0, 0, 0)),
        out_shape=jax.ShapeDtypeStruct((T, f_total, H, B), jnp.float32),
    )(stage, vals_t.reshape(nf, T, 1, B), emb, bias)


def _sinp_body(stage_ref, vals_ref, emb_ref, bias_ref, out_ref):
    for i in range(3):
        out_ref[i] = _unpack_t(stage_ref[i])
    for j in range(4):
        out_ref[3 + j] = (emb_ref[j][:, None] * vals_ref[j][None, :]
                          + bias_ref[j][:, None])


def _sinp_assemble(stage, vals_t, emb, bias):
    return pl.pallas_call(
        _sinp_body,
        grid=(1,),
        in_specs=[
            pl.BlockSpec((3, B // 2, HB), lambda i: (0, 0, 0)),
            pl.BlockSpec((4, B), lambda i: (0, 0)),
            pl.BlockSpec((4, H), lambda i: (0, 0)),
            pl.BlockSpec((4, H), lambda i: (0, 0)),
        ],
        out_specs=pl.BlockSpec((7, H, B), lambda i: (0, 0, 0)),
        out_shape=jax.ShapeDtypeStruct((7, H, B), jnp.float32),
    )(stage, vals_t, emb, bias)


def _tgt_body(vals_ref, emb_ref, bias_ref, out_ref):
    out_ref[0, 0] = (emb_ref[0][:, None] * vals_ref[0, 0, 0][None, :]
                     + bias_ref[0][:, None])


def _tgt_fill(vals_t, emb, bias):
    return pl.pallas_call(
        _tgt_body,
        grid=(T,),
        in_specs=[
            pl.BlockSpec((1, 1, 1, B), lambda i: (0, i, 0, 0)),
            pl.BlockSpec((1, H), lambda i: (0, 0)),
            pl.BlockSpec((1, H), lambda i: (0, 0)),
        ],
        out_specs=pl.BlockSpec((1, 1, H, B), lambda i: (i, 0, 0, 0)),
        out_shape=jax.ShapeDtypeStruct((T, 1, H, B), jnp.float32),
    )(vals_t.reshape(1, T, 1, B), emb, bias)


def kernel(s_cat, s_cont, k_cat, k_cont, o_cat, o_cont, target,
           s_cat_tables, k_cat_tables, o_cat_tables,
           s_cont_emb, s_cont_bias, k_cont_emb, k_cont_bias,
           o_cont_emb, o_cont_bias, tgt_emb, tgt_bias):
    koff = jnp.arange(3, dtype=jnp.int32) * V
    ooff = jnp.arange(2, dtype=jnp.int32) * V
    kidx = (k_cat + koff).transpose(2, 1, 0).reshape(3, NW, NCHUNK, CH)
    oidx = (o_cat + ooff).transpose(2, 1, 0).reshape(2, NW, NCHUNK, CH)
    sidx = (s_cat[:, 0, :] + koff).T.reshape(3, NW, SB)
    ktab = k_cat_tables.reshape(3 * V, H)
    otab = o_cat_tables.reshape(2 * V, H)
    stab = s_cat_tables.reshape(3 * V, H)

    kst = _sc_gather_k(kidx, ktab)
    oidx, sidx = lax.optimization_barrier((oidx, sidx, kst))[:2]
    ost, sst = _sc_gather_os(oidx, sidx, otab, stab)

    kvals = k_cont.transpose(2, 1, 0)
    ovals = o_cont.transpose(2, 1, 0)
    svals = s_cont[:, 0, :].T
    tvals = target.transpose(2, 1, 0)

    tk = _assemble(kst.reshape(3, T, B // 2, HB), kvals,
                   k_cont_emb, k_cont_bias, 3)
    tob = _assemble(ost.reshape(2, T, B // 2, HB), ovals,
                    o_cont_emb, o_cont_bias, 2)
    sin = _sinp_assemble(sst, svals, s_cont_emb, s_cont_bias)
    ttgt = _tgt_fill(tvals, tgt_emb, tgt_bias)

    return (sin.transpose(2, 0, 1),
            tk.transpose(3, 0, 1, 2),
            tob.transpose(3, 0, 1, 2),
            ttgt.transpose(3, 0, 1, 2))

# --- scband reference (transcript-rebuilt; emitter-appended) ---
"""Pipeline reference for scband-tftembedding-20186346291218 (READ-ONLY COPY).

The authoritative reference and input builder live on the scoring server;
editing this copy changes nothing except your own understanding.
"""

import jax, jax.numpy as jnp
import numpy as np

B, T, H = 1024, 200, 64
V = 100000
NS_CAT, NK_CAT, NO_CAT = 3, 3, 2
NS_CONT, NK_CONT, NO_CONT = 4, 4, 6
TGT = 1


def setup_inputs(seed: int = 0) -> dict:
    key = jax.random.key(seed)
    ks = jax.random.split(key, 18)
    inp = {}
    inp['s_cat'] = jax.random.randint(ks[0], (B, T, NS_CAT), 0, V, dtype=jnp.int32)
    inp['s_cont'] = jax.random.normal(ks[1], (B, T, NS_CONT), dtype=jnp.float32)
    inp['k_cat'] = jax.random.randint(ks[2], (B, T, NK_CAT), 0, V, dtype=jnp.int32)
    inp['k_cont'] = jax.random.normal(ks[3], (B, T, NK_CONT), dtype=jnp.float32)
    inp['o_cat'] = jax.random.randint(ks[4], (B, T, NO_CAT), 0, V, dtype=jnp.int32)
    inp['o_cont'] = jax.random.normal(ks[5], (B, T, NO_CONT), dtype=jnp.float32)
    inp['target'] = jax.random.normal(ks[6], (B, T, TGT), dtype=jnp.float32)
    # learned parameters (per init_kwargs)
    inp['s_cat_tables'] = jax.random.normal(ks[7], (NS_CAT, V, H), dtype=jnp.float32) * 0.02
    inp['k_cat_tables'] = jax.random.normal(ks[8], (NK_CAT, V, H), dtype=jnp.float32) * 0.02
    inp['o_cat_tables'] = jax.random.normal(ks[9], (NO_CAT, V, H), dtype=jnp.float32) * 0.02
    inp['s_cont_emb'] = jax.random.normal(ks[10], (NS_CONT, H), dtype=jnp.float32) * 0.1
    inp['s_cont_bias'] = jnp.zeros((NS_CONT, H), dtype=jnp.float32)
    inp['k_cont_emb'] = jax.random.normal(ks[11], (NK_CONT, H), dtype=jnp.float32) * 0.1
    inp['k_cont_bias'] = jnp.zeros((NK_CONT, H), dtype=jnp.float32)
    inp['o_cont_emb'] = jax.random.normal(ks[12], (NO_CONT, H), dtype=jnp.float32) * 0.1
    inp['o_cont_bias'] = jnp.zeros((NO_CONT, H), dtype=jnp.float32)
    inp['tgt_emb'] = jax.random.normal(ks[13], (TGT, H), dtype=jnp.float32) * 0.1
    inp['tgt_bias'] = jnp.zeros((TGT, H), dtype=jnp.float32)
    return inp


def _apply_embedding(cat, cont, cat_tables, cont_emb, cont_bias):
    # categorical: per-field embedding lookup, stacked along a new feature axis
    e_cat = jnp.stack([jnp.take(cat_tables[i], cat[..., i], axis=0)
                       for i in range(cat_tables.shape[0])], axis=-2)
    # continuous: value-scaled embedding vectors + bias
    e_cont = cont[..., None] * cont_emb + cont_bias
    return jnp.concatenate([e_cat, e_cont], axis=-2)


def reference(s_cat, s_cont, k_cat, k_cont, o_cat, o_cont, target,
              s_cat_tables, k_cat_tables, o_cat_tables,
              s_cont_emb, s_cont_bias, k_cont_emb, k_cont_bias,
              o_cont_emb, o_cont_bias, tgt_emb, tgt_bias):
    # static inputs: take first time step
    s_inp = _apply_embedding(s_cat[:, 0, :], s_cont[:, 0, :],
                             s_cat_tables, s_cont_emb, s_cont_bias)
    t_known_inp = _apply_embedding(k_cat, k_cont, k_cat_tables,
                                   k_cont_emb, k_cont_bias)
    t_observed_inp = _apply_embedding(o_cat, o_cont, o_cat_tables,
                                      o_cont_emb, o_cont_bias)
    # target: matmul(target.unsqueeze(3).unsqueeze(4), tgt_emb.unsqueeze(1)).squeeze(3)
    # == per-target-channel scaling of the embedding vector
    t_observed_tgt = target[..., None] * tgt_emb + tgt_bias
    return (s_inp, t_known_inp, t_observed_inp, t_observed_tgt)

if __name__ == "__main__":
    import jax
    _d = setup_inputs()
    print(jax.jit(kernel)(*tuple(_d.values())))

</pallas_src>

<mosaic_0001>
#map = affine_map<(d0, d1) -> (0, 0, 0, 0)>
#map1 = affine_map<(d0, d1) -> (0, 0, 0)>
#map2 = affine_map<(d0, d1) -> (0, 0)>
module attributes {stable_mosaic.version = 14 : i64} {
  func.func @_sc_gather_os(%arg0: i32, %arg1: i32, %arg2: memref<2x32x50x128xi32, #tpu.memory_space<hbm>>, %arg3: memref<3x32x32xi32, #tpu.memory_space<hbm>>, %arg4: memref<200000x64xf32, #tpu.memory_space<hbm>>, %arg5: memref<300000x64xf32, #tpu.memory_space<hbm>>, %arg6: memref<2x102400x128xf32, #tpu.memory_space<hbm>>, %arg7: memref<3x512x128xf32, #tpu.memory_space<hbm>>, %arg8: memref<50x128xi32, #tpu.memory_space<vmem>>, %arg9: memref<128x64xf32, #tpu.memory_space<vmem>>, %arg10: memref<128x64xf32, #tpu.memory_space<vmem>>, %arg11: memref<!tpu.dma_semaphore, #tpu.memory_space<semaphore_mem>>, %arg12: memref<!tpu.dma_semaphore, #tpu.memory_space<semaphore_mem>>, %arg13: memref<32xi32, #tpu.memory_space<vmem>>, %arg14: memref<32x64xf32, #tpu.memory_space<vmem>>) attributes {dimension_semantics = [#tpu.dimension_semantics<core_parallel>, #tpu.dimension_semantics<subcore_parallel>], iteration_bounds = array<i64: 2, 16>, scalar_prefetch = 0 : i64, scratch_operands = 7 : i64, tpu.core_type = #tpu.core_type<sc_vector_subcore>, window_params = [{transform_indices = #map}, {transform_indices = #map1}, {transform_indices = #map2}, {transform_indices = #map2}, {transform_indices = #map1}, {transform_indices = #map1}]} {
    %mul3A = arith.constant 2 : i32
    %mul3A_0 = arith.muli %arg1, %mul3A : i32
    %add3A = arith.addi %mul3A_0, %arg0 : i32
    %mul3A_1 = arith.constant 6400 : i32
    %mul3A_2 = arith.muli %add3A, %mul3A_1 : i32
    %run_scoped3A = arith.constant 0 : i32
    "tpu.region"() ({
      %run_scoped3A_512 = tpu.sem_alloc : memref<!tpu.dma_semaphore, #tpu.memory_space<semaphore_mem>>
      %dma_start3A_513 = arith.constant 0 : i32
      %dma_start3A_514 = tpu.memref_slice %arg3[%run_scoped3A, %add3A, %dma_start3A_513] : memref<3x32x32xi32, #tpu.memory_space<hbm>> -> memref<1x1x32xi32, #tpu.memory_space<hbm>>
      %dma_start3A_515 = tpu.memref_squeeze %dma_start3A_514 : memref<1x1x32xi32, #tpu.memory_space<hbm>> -> memref<32xi32, #tpu.memory_space<hbm>>
      %dma_start3A_516 = arith.constant 0 : i32
      %dma_start3A_517 = tpu.memref_slice %arg3[%run_scoped3A, %add3A, %dma_start3A_516] : memref<3x32x32xi32, #tpu.memory_space<hbm>> -> memref<1x1x32xi32, #tpu.memory_space<hbm>>
      %dma_start3A_518 = tpu.memref_squeeze %dma_start3A_517 : memref<1x1x32xi32, #tpu.memory_space<hbm>> -> memref<32xi32, #tpu.memory_space<hbm>>
      tpu.enqueue_dma source(%dma_start3A_518 : memref<32xi32, #tpu.memory_space<hbm>>) target(%arg13 : memref<32xi32, #tpu.memory_space<vmem>>) target_semaphore(%run_scoped3A_512 : memref<!tpu.dma_semaphore, #tpu.memory_space<semaphore_mem>>)
      %dma_wait3A_519 = arith.constant 0 : i32
      %dma_wait3A_520 = tpu.memref_slice %arg3[%run_scoped3A, %add3A, %dma_wait3A_519] : memref<3x32x32xi32, #tpu.memory_space<hbm>> -> memref<1x1x32xi32, #tpu.memory_space<hbm>>
      %dma_wait3A_521 = tpu.memref_squeeze %dma_wait3A_520 : memref<1x1x32xi32, #tpu.memory_space<hbm>> -> memref<32xi32, #tpu.memory_space<hbm>>
      %dma_wait3A_522 = arith.constant 0 : i32
      %dma_wait3A_523 = tpu.memref_slice %arg3[%run_scoped3A, %add3A, %dma_wait3A_522] : memref<3x32x32xi32, #tpu.memory_space<hbm>> -> memref<1x1x32xi32, #tpu.memory_space<hbm>>
      %dma_wait3A_524 = tpu.memref_squeeze %dma_wait3A_523 : memref<1x1x32xi32, #tpu.memory_space<hbm>> -> memref<32xi32, #tpu.memory_space<hbm>>
      tpu.wait_dma2 semaphore(%run_scoped3A_512 : memref<!tpu.dma_semaphore, #tpu.memory_space<semaphore_mem>>) src(%dma_wait3A_524 : memref<32xi32, #tpu.memory_space<hbm>>) dst(%arg13 : memref<32xi32, #tpu.memory_space<vmem>>)
      tpu.yield
    }) : () -> ()
    %dma_start3A = arith.constant 0 : i32
    %dma_start3A_3 = arith.constant 0 : i32
    %dma_start3A_4 = tpu.memref_slice %arg5[%dma_start3A, %dma_start3A_3] : memref<300000x64xf32, #tpu.memory_space<hbm>> -> memref<300000x64xf32, #tpu.memory_space<hbm>>
    tpu.enqueue_indirect_dma source(%dma_start3A_4 : memref<300000x64xf32, #tpu.memory_space<hbm>>) target(%arg14 : memref<32x64xf32, #tpu.memory_space<vmem>>) offsets(%arg13 : memref<32xi32, #tpu.memory_space<vmem>>) semaphore(%arg11 : memref<!tpu.dma_semaphore, #tpu.memory_space<semaphore_mem>>)
    %dma_wait3A = arith.constant 0 : i32
    %dma_wait3A_5 = arith.constant 0 : i32
    %dma_wait3A_6 = tpu.memref_slice %arg5[%dma_wait3A, %dma_wait3A_5] : memref<300000x64xf32, #tpu.memory_space<hbm>> -> memref<300000x64xf32, #tpu.memory_space<hbm>>
    tpu.wait_indirect_dma semaphore(%arg11 : memref<!tpu.dma_semaphore, #tpu.memory_space<semaphore_mem>>) src(%dma_wait3A_6 : memref<300000x64xf32, #tpu.memory_space<hbm>>) dst(%arg14 : memref<32x64xf32, #tpu.memory_space<vmem>>)
    %mul3A_7 = arith.constant 32 : i32
    %mul3A_8 = arith.muli %add3A, %mul3A_7 : i32
    %jit3A = arith.constant 1024 : i32
    %div3A = arith.divsi %mul3A_8, %jit3A : i32
    %sign3A = arith.constant 0 : i32
    %sign3A_9 = arith.cmpi sgt, %mul3A_8, %sign3A : i32
    %sign3A_10 = arith.extui %sign3A_9 : i1 to i32
    %sign3A_11 = arith.constant 0 : i32
    %sign3A_12 = arith.cmpi slt, %mul3A_8, %sign3A_11 : i32
    %sign3A_13 = arith.extui %sign3A_12 : i1 to i32
    %sign3A_14 = arith.subi %sign3A_10, %sign3A_13 : i32
    %sign3A_15 = arith.constant 0 : i32
    %sign3A_16 = arith.cmpi sgt, %jit3A, %sign3A_15 : i32
    %sign3A_17 = arith.extui %sign3A_16 : i1 to i32
    %sign3A_18 = arith.constant 0 : i32
    %sign3A_19 = arith.cmpi slt, %jit3A, %sign3A_18 : i32
    %sign3A_20 = arith.extui %sign3A_19 : i1 to i32
    %sign3A_21 = arith.subi %sign3A_17, %sign3A_20 : i32
    %ne3A = arith.cmpi ne, %sign3A_14, %sign3A_21 : i32
    %rem3A = arith.remsi %mul3A_8, %jit3A : i32
    %ne3A_22 = arith.constant 0 : i32
    %ne3A_23 = arith.cmpi ne, %rem3A, %ne3A_22 : i32
    %and3A = arith.andi %ne3A, %ne3A_23 : i1
    %sub3A = arith.constant 1 : i32
    %sub3A_24 = arith.subi %div3A, %sub3A : i32
    %select_n3A = arith.select %and3A, %sub3A_24, %div3A : i32
    %mul3A_25 = arith.constant 1024 : i32
    %mul3A_26 = arith.muli %select_n3A, %mul3A_25 : i32
    %sub3A_27 = arith.subi %mul3A_8, %mul3A_26 : i32
    %jit3A_28 = arith.constant 512 : i32
    %div3A_29 = arith.divsi %sub3A_27, %jit3A_28 : i32
    %sign3A_30 = arith.constant 0 : i32
    %sign3A_31 = arith.cmpi sgt, %sub3A_27, %sign3A_30 : i32
    %sign3A_32 = arith.extui %sign3A_31 : i1 to i32
    %sign3A_33 = arith.constant 0 : i32
    %sign3A_34 = arith.cmpi slt, %sub3A_27, %sign3A_33 : i32
    %sign3A_35 = arith.extui %sign3A_34 : i1 to i32
    %sign3A_36 = arith.subi %sign3A_32, %sign3A_35 : i32
    %sign3A_37 = arith.constant 0 : i32
    %sign3A_38 = arith.cmpi sgt, %jit3A_28, %sign3A_37 : i32
    %sign3A_39 = arith.extui %sign3A_38 : i1 to i32
    %sign3A_40 = arith.constant 0 : i32
    %sign3A_41 = arith.cmpi slt, %jit3A_28, %sign3A_40 : i32
    %sign3A_42 = arith.extui %sign3A_41 : i1 to i32
    %sign3A_43 = arith.subi %sign3A_39, %sign3A_42 : i32
    %ne3A_44 = arith.cmpi ne, %sign3A_36, %sign3A_43 : i32
    %rem3A_45 = arith.remsi %sub3A_27, %jit3A_28 : i32
    %ne3A_46 = arith.constant 0 : i32
    %ne3A_47 = arith.cmpi ne, %rem3A_45, %ne3A_46 : i32
    %and3A_48 = arith.andi %ne3A_44, %ne3A_47 : i1
    %sub3A_49 = arith.constant 1 : i32
    %sub3A_50 = arith.subi %div3A_29, %sub3A_49 : i32
    %select_n3A_51 = arith.select %and3A_48, %sub3A_50, %div3A_29 : i32
    %mul3A_52 = arith.constant 512 : i32
    %mul3A_53 = arith.muli %select_n3A_51, %mul3A_52 : i32
    %sub3A_54 = arith.subi %sub3A_27, %mul3A_53 : i32
    %mul3A_55 = arith.constant 512 : i32
    %mul3A_56 = arith.muli %select_n3A, %mul3A_55 : i32
    %add3A_57 = arith.addi %mul3A_56, %sub3A_54 : i32
    %mul3A_58 = arith.constant 64 : i32
    %mul3A_59 = arith.muli %select_n3A_51, %mul3A_58 : i32
    %run_scoped3A_60 = arith.constant 0 : i32
    "tpu.region"() ({
      %run_scoped3A_512 = tpu.sem_alloc : memref<!tpu.dma_semaphore, #tpu.memory_space<semaphore_mem>>
      %dma_start3A_513 = tpu.memref_slice %arg7[%run_scoped3A_60, %add3A_57, %mul3A_59] : memref<3x512x128xf32, #tpu.memory_space<hbm>> -> memref<1x32x64xf32, #tpu.memory_space<hbm>>
      %dma_start3A_514 = tpu.memref_squeeze %dma_start3A_513 : memref<1x32x64xf32, #tpu.memory_space<hbm>> -> memref<32x64xf32, #tpu.memory_space<hbm>>
      %dma_start3A_515 = tpu.memref_slice %arg7[%run_scoped3A_60, %add3A_57, %mul3A_59] : memref<3x512x128xf32, #tpu.memory_space<hbm>> -> memref<1x32x64xf32, #tpu.memory_space<hbm>>
      %dma_start3A_516 = tpu.memref_squeeze %dma_start3A_515 : memref<1x32x64xf32, #tpu.memory_space<hbm>> -> memref<32x64xf32, #tpu.memory_space<hbm>>
      tpu.enqueue_dma source(%arg14 : memref<32x64xf32, #tpu.memory_space<vmem>>) target(%dma_start3A_516 : memref<32x64xf32, #tpu.memory_space<hbm>>) target_semaphore(%run_scoped3A_512 : memref<!tpu.dma_semaphore, #tpu.memory_space<semaphore_mem>>)
      %dma_wait3A_517 = tpu.memref_slice %arg7[%run_scoped3A_60, %add3A_57, %mul3A_59] : memref<3x512x128xf32, #tpu.memory_space<hbm>> -> memref<1x32x64xf32, #tpu.memory_space<hbm>>
      %dma_wait3A_518 = tpu.memref_squeeze %dma_wait3A_517 : memref<1x32x64xf32, #tpu.memory_space<hbm>> -> memref<32x64xf32, #tpu.memory_space<hbm>>
      %dma_wait3A_519 = tpu.memref_slice %arg7[%run_scoped3A_60, %add3A_57, %mul3A_59] : memref<3x512x128xf32, #tpu.memory_space<hbm>> -> memref<1x32x64xf32, #tpu.memory_space<hbm>>
      %dma_wait3A_520 = tpu.memref_squeeze %dma_wait3A_519 : memref<1x32x64xf32, #tpu.memory_space<hbm>> -> memref<32x64xf32, #tpu.memory_space<hbm>>
      tpu.wait_dma2 semaphore(%run_scoped3A_512 : memref<!tpu.dma_semaphore, #tpu.memory_space<semaphore_mem>>) src(%arg14 : memref<32x64xf32, #tpu.memory_space<vmem>>) dst(%dma_wait3A_520 : memref<32x64xf32, #tpu.memory_space<hbm>>)
      tpu.yield
    }) : () -> ()
    %run_scoped3A_61 = arith.constant 1 : i32
    "tpu.region"() ({
      %run_scoped3A_512 = tpu.sem_alloc : memref<!tpu.dma_semaphore, #tpu.memory_space<semaphore_mem>>
      %dma_start3A_513 = arith.constant 0 : i32
      %dma_start3A_514 = tpu.memref_slice %arg3[%run_scoped3A_61, %add3A, %dma_start3A_513] : memref<3x32x32xi32, #tpu.memory_space<hbm>> -> memref<1x1x32xi32, #tpu.memory_space<hbm>>
      %dma_start3A_515 = tpu.memref_squeeze %dma_start3A_514 : memref<1x1x32xi32, #tpu.memory_space<hbm>> -> memref<32xi32, #tpu.memory_space<hbm>>
      %dma_start3A_516 = arith.constant 0 : i32
      %dma_start3A_517 = tpu.memref_slice %arg3[%run_scoped3A_61, %add3A, %dma_start3A_516] : memref<3x32x32xi32, #tpu.memory_space<hbm>> -> memref<1x1x32xi32, #tpu.memory_space<hbm>>
      %dma_start3A_518 = tpu.memref_squeeze %dma_start3A_517 : memref<1x1x32xi32, #tpu.memory_space<hbm>> -> memref<32xi32, #tpu.memory_space<hbm>>
      tpu.enqueue_dma source(%dma_start3A_518 : memref<32xi32, #tpu.memory_space<hbm>>) target(%arg13 : memref<32xi32, #tpu.memory_space<vmem>>) target_semaphore(%run_scoped3A_512 : memref<!tpu.dma_semaphore, #tpu.memory_space<semaphore_mem>>)
      %dma_wait3A_519 = arith.constant 0 : i32
      %dma_wait3A_520 = tpu.memref_slice %arg3[%run_scoped3A_61, %add3A, %dma_wait3A_519] : memref<3x32x32xi32, #tpu.memory_space<hbm>> -> memref<1x1x32xi32, #tpu.memory_space<hbm>>
      %dma_wait3A_521 = tpu.memref_squeeze %dma_wait3A_520 : memref<1x1x32xi32, #tpu.memory_space<hbm>> -> memref<32xi32, #tpu.memory_space<hbm>>
      %dma_wait3A_522 = arith.constant 0 : i32
      %dma_wait3A_523 = tpu.memref_slice %arg3[%run_scoped3A_61, %add3A, %dma_wait3A_522] : memref<3x32x32xi32, #tpu.memory_space<hbm>> -> memref<1x1x32xi32, #tpu.memory_space<hbm>>
      %dma_wait3A_524 = tpu.memref_squeeze %dma_wait3A_523 : memref<1x1x32xi32, #tpu.memory_space<hbm>> -> memref<32xi32, #tpu.memory_space<hbm>>
      tpu.wait_dma2 semaphore(%run_scoped3A_512 : memref<!tpu.dma_semaphore, #tpu.memory_space<semaphore_mem>>) src(%dma_wait3A_524 : memref<32xi32, #tpu.memory_space<hbm>>) dst(%arg13 : memref<32xi32, #tpu.memory_space<vmem>>)
      tpu.yield
    }) : () -> ()
    %dma_start3A_62 = arith.constant 0 : i32
    %dma_start3A_63 = arith.constant 0 : i32
    %dma_start3A_64 = tpu.memref_slice %arg5[%dma_start3A_62, %dma_start3A_63] : memref<300000x64xf32, #tpu.memory_space<hbm>> -> memref<300000x64xf32, #tpu.memory_space<hbm>>
    tpu.enqueue_indirect_dma source(%dma_start3A_64 : memref<300000x64xf32, #tpu.memory_space<hbm>>) target(%arg14 : memref<32x64xf32, #tpu.memory_space<vmem>>) offsets(%arg13 : memref<32xi32, #tpu.memory_space<vmem>>) semaphore(%arg11 : memref<!tpu.dma_semaphore, #tpu.memory_space<semaphore_mem>>)
    %dma_wait3A_65 = arith.constant 0 : i32
    %dma_wait3A_66 = arith.constant 0 : i32
    %dma_wait3A_67 = tpu.memref_slice %arg5[%dma_wait3A_65, %dma_wait3A_66] : memref<300000x64xf32, #tpu.memory_space<hbm>> -> memref<300000x64xf32, #tpu.memory_space<hbm>>
    tpu.wait_indirect_dma semaphore(%arg11 : memref<!tpu.dma_semaphore, #tpu.memory_space<semaphore_mem>>) src(%dma_wait3A_67 : memref<300000x64xf32, #tpu.memory_space<hbm>>) dst(%arg14 : memref<32x64xf32, #tpu.memory_space<vmem>>)
    %mul3A_68 = arith.constant 32 : i32
    %mul3A_69 = arith.muli %add3A, %mul3A_68 : i32
    %jit3A_70 = arith.constant 1024 : i32
    %div3A_71 = arith.divsi %mul3A_69, %jit3A_70 : i32
    %sign3A_72 = arith.constant 0 : i32
    %sign3A_73 = arith.cmpi sgt, %mul3A_69, %sign3A_72 : i32
    %sign3A_74 = arith.extui %sign3A_73 : i1 to i32
    %sign3A_75 = arith.constant 0 : i32
    %sign3A_76 = arith.cmpi slt, %mul3A_69, %sign3A_75 : i32
    %sign3A_77 = arith.extui %sign3A_76 : i1 to i32
    %sign3A_78 = arith.subi %sign3A_74, %sign3A_77 : i32
    %sign3A_79 = arith.constant 0 : i32
    %sign3A_80 = arith.cmpi sgt, %jit3A_70, %sign3A_79 : i32
    %sign3A_81 = arith.extui %sign3A_80 : i1 to i32
    %sign3A_82 = arith.constant 0 : i32
    %sign3A_83 = arith.cmpi slt, %jit3A_70, %sign3A_82 : i32
    %sign3A_84 = arith.extui %sign3A_83 : i1 to i32
    %sign3A_85 = arith.subi %sign3A_81, %sign3A_84 : i32
    %ne3A_86 = arith.cmpi ne, %sign3A_78, %sign3A_85 : i32
    %rem3A_87 = arith.remsi %mul3A_69, %jit3A_70 : i32
    %ne3A_88 = arith.constant 0 : i32
    %ne3A_89 = arith.cmpi ne, %rem3A_87, %ne3A_88 : i32
    %and3A_90 = arith.andi %ne3A_86, %ne3A_89 : i1
    %sub3A_91 = arith.constant 1 : i32
    %sub3A_92 = arith.subi %div3A_71, %sub3A_91 : i32
    %select_n3A_93 = arith.select %and3A_90, %sub3A_92, %div3A_71 : i32
    %mul3A_94 = arith.constant 1024 : i32
    %mul3A_95 = arith.muli %select_n3A_93, %mul3A_94 : i32
    %sub3A_96 = arith.subi %mul3A_69, %mul3A_95 : i32
    %jit3A_97 = arith.constant 512 : i32
    %div3A_98 = arith.divsi %sub3A_96, %jit3A_97 : i32
    %sign3A_99 = arith.constant 0 : i32
    %sign3A_100 = arith.cmpi sgt, %sub3A_96, %sign3A_99 : i32
    %sign3A_101 = arith.extui %sign3A_100 : i1 to i32
    %sign3A_102 = arith.constant 0 : i32
    %sign3A_103 = arith.cmpi slt, %sub3A_96, %sign3A_102 : i32
    %sign3A_104 = arith.extui %sign3A_103 : i1 to i32
    %sign3A_105 = arith.subi %sign3A_101, %sign3A_104 : i32
    %sign3A_106 = arith.constant 0 : i32
    %sign3A_107 = arith.cmpi sgt, %jit3A_97, %sign3A_106 : i32
    %sign3A_108 = arith.extui %sign3A_107 : i1 to i32
    %sign3A_109 = arith.constant 0 : i32
    %sign3A_110 = arith.cmpi slt, %jit3A_97, %sign3A_109 : i32
    %sign3A_111 = arith.extui %sign3A_110 : i1 to i32
    %sign3A_112 = arith.subi %sign3A_108, %sign3A_111 : i32
    %ne3A_113 = arith.cmpi ne, %sign3A_105, %sign3A_112 : i32
    %rem3A_114 = arith.remsi %sub3A_96, %jit3A_97 : i32
    %ne3A_115 = arith.constant 0 : i32
    %ne3A_116 = arith.cmpi ne, %rem3A_114, %ne3A_115 : i32
    %and3A_117 = arith.andi %ne3A_113, %ne3A_116 : i1
    %sub3A_118 = arith.constant 1 : i32
    %sub3A_119 = arith.subi %div3A_98, %sub3A_118 : i32
    %select_n3A_120 = arith.select %and3A_117, %sub3A_119, %div3A_98 : i32
    %mul3A_121 = arith.constant 512 : i32
    %mul3A_122 = arith.muli %select_n3A_120, %mul3A_121 : i32
    %sub3A_123 = arith.subi %sub3A_96, %mul3A_122 : i32
    %mul3A_124 = arith.constant 512 : i32
    %mul3A_125 = arith.muli %select_n3A_93, %mul3A_124 : i32
    %add3A_126 = arith.addi %mul3A_125, %sub3A_123 : i32
    %mul3A_127 = arith.constant 64 : i32
    %mul3A_128 = arith.muli %select_n3A_120, %mul3A_127 : i32
    %run_scoped3A_129 = arith.constant 1 : i32
    "tpu.region"() ({
      %run_scoped3A_512 = tpu.sem_alloc : memref<!tpu.dma_semaphore, #tpu.memory_space<semaphore_mem>>
      %dma_start3A_513 = tpu.memref_slice %arg7[%run_scoped3A_129, %add3A_126, %mul3A_128] : memref<3x512x128xf32, #tpu.memory_space<hbm>> -> memref<1x32x64xf32, #tpu.memory_space<hbm>>
      %dma_start3A_514 = tpu.memref_squeeze %dma_start3A_513 : memref<1x32x64xf32, #tpu.memory_space<hbm>> -> memref<32x64xf32, #tpu.memory_space<hbm>>
      %dma_start3A_515 = tpu.memref_slice %arg7[%run_scoped3A_129, %add3A_126, %mul3A_128] : memref<3x512x128xf32, #tpu.memory_space<hbm>> -> memref<1x32x64xf32, #tpu.memory_space<hbm>>
      %dma_start3A_516 = tpu.memref_squeeze %dma_start3A_515 : memref<1x32x64xf32, #tpu.memory_space<hbm>> -> memref<32x64xf32, #tpu.memory_space<hbm>>
      tpu.enqueue_dma source(%arg14 : memref<32x64xf32, #tpu.memory_space<vmem>>) target(%dma_start3A_516 : memref<32x64xf32, #tpu.memory_space<hbm>>) target_semaphore(%run_scoped3A_512 : memref<!tpu.dma_semaphore, #tpu.memory_space<semaphore_mem>>)
      %dma_wait3A_517 = tpu.memref_slice %arg7[%run_scoped3A_129, %add3A_126, %mul3A_128] : memref<3x512x128xf32, #tpu.memory_space<hbm>> -> memref<1x32x64xf32, #tpu.memory_space<hbm>>
      %dma_wait3A_518 = tpu.memref_squeeze %dma_wait3A_517 : memref<1x32x64xf32, #tpu.memory_space<hbm>> -> memref<32x64xf32, #tpu.memory_space<hbm>>
      %dma_wait3A_519 = tpu.memref_slice %arg7[%run_scoped3A_129, %add3A_126, %mul3A_128] : memref<3x512x128xf32, #tpu.memory_space<hbm>> -> memref<1x32x64xf32, #tpu.memory_space<hbm>>
      %dma_wait3A_520 = tpu.memref_squeeze %dma_wait3A_519 : memref<1x32x64xf32, #tpu.memory_space<hbm>> -> memref<32x64xf32, #tpu.memory_space<hbm>>
      tpu.wait_dma2 semaphore(%run_scoped3A_512 : memref<!tpu.dma_semaphore, #tpu.memory_space<semaphore_mem>>) src(%arg14 : memref<32x64xf32, #tpu.memory_space<vmem>>) dst(%dma_wait3A_520 : memref<32x64xf32, #tpu.memory_space<hbm>>)
      tpu.yield
    }) : () -> ()
    %run_scoped3A_130 = arith.constant 2 : i32
    "tpu.region"() ({
      %run_scoped3A_512 = tpu.sem_alloc : memref<!tpu.dma_semaphore, #tpu.memory_space<semaphore_mem>>
      %dma_start3A_513 = arith.constant 0 : i32
      %dma_start3A_514 = tpu.memref_slice %arg3[%run_scoped3A_130, %add3A, %dma_start3A_513] : memref<3x32x32xi32, #tpu.memory_space<hbm>> -> memref<1x1x32xi32, #tpu.memory_space<hbm>>
      %dma_start3A_515 = tpu.memref_squeeze %dma_start3A_514 : memref<1x1x32xi32, #tpu.memory_space<hbm>> -> memref<32xi32, #tpu.memory_space<hbm>>
      %dma_start3A_516 = arith.constant 0 : i32
      %dma_start3A_517 = tpu.memref_slice %arg3[%run_scoped3A_130, %add3A, %dma_start3A_516] : memref<3x32x32xi32, #tpu.memory_space<hbm>> -> memref<1x1x32xi32, #tpu.memory_space<hbm>>
      %dma_start3A_518 = tpu.memref_squeeze %dma_start3A_517 : memref<1x1x32xi32, #tpu.memory_space<hbm>> -> memref<32xi32, #tpu.memory_space<hbm>>
      tpu.enqueue_dma source(%dma_start3A_518 : memref<32xi32, #tpu.memory_space<hbm>>) target(%arg13 : memref<32xi32, #tpu.memory_space<vmem>>) target_semaphore(%run_scoped3A_512 : memref<!tpu.dma_semaphore, #tpu.memory_space<semaphore_mem>>)
      %dma_wait3A_519 = arith.constant 0 : i32
      %dma_wait3A_520 = tpu.memref_slice %arg3[%run_scoped3A_130, %add3A, %dma_wait3A_519] : memref<3x32x32xi32, #tpu.memory_space<hbm>> -> memref<1x1x32xi32, #tpu.memory_space<hbm>>
      %dma_wait3A_521 = tpu.memref_squeeze %dma_wait3A_520 : memref<1x1x32xi32, #tpu.memory_space<hbm>> -> memref<32xi32, #tpu.memory_space<hbm>>
      %dma_wait3A_522 = arith.constant 0 : i32
      %dma_wait3A_523 = tpu.memref_slice %arg3[%run_scoped3A_130, %add3A, %dma_wait3A_522] : memref<3x32x32xi32, #tpu.memory_space<hbm>> -> memref<1x1x32xi32, #tpu.memory_space<hbm>>
      %dma_wait3A_524 = tpu.memref_squeeze %dma_wait3A_523 : memref<1x1x32xi32, #tpu.memory_space<hbm>> -> memref<32xi32, #tpu.memory_space<hbm>>
      tpu.wait_dma2 semaphore(%run_scoped3A_512 : memref<!tpu.dma_semaphore, #tpu.memory_space<semaphore_mem>>) src(%dma_wait3A_524 : memref<32xi32, #tpu.memory_space<hbm>>) dst(%arg13 : memref<32xi32, #tpu.memory_space<vmem>>)
      tpu.yield
    }) : () -> ()
    %dma_start3A_131 = arith.constant 0 : i32
    %dma_start3A_132 = arith.constant 0 : i32
    %dma_start3A_133 = tpu.memref_slice %arg5[%dma_start3A_131, %dma_start3A_132] : memref<300000x64xf32, #tpu.memory_space<hbm>> -> memref<300000x64xf32, #tpu.memory_space<hbm>>
    tpu.enqueue_indirect_dma source(%dma_start3A_133 : memref<300000x64xf32, #tpu.memory_space<hbm>>) target(%arg14 : memref<32x64xf32, #tpu.memory_space<vmem>>) offsets(%arg13 : memref<32xi32, #tpu.memory_space<vmem>>) semaphore(%arg11 : memref<!tpu.dma_semaphore, #tpu.memory_space<semaphore_mem>>)
    %dma_wait3A_134 = arith.constant 0 : i32
    %dma_wait3A_135 = arith.constant 0 : i32
    %dma_wait3A_136 = tpu.memref_slice %arg5[%dma_wait3A_134, %dma_wait3A_135] : memref<300000x64xf32, #tpu.memory_space<hbm>> -> memref<300000x64xf32, #tpu.memory_space<hbm>>
    tpu.wait_indirect_dma semaphore(%arg11 : memref<!tpu.dma_semaphore, #tpu.memory_space<semaphore_mem>>) src(%dma_wait3A_136 : memref<300000x64xf32, #tpu.memory_space<hbm>>) dst(%arg14 : memref<32x64xf32, #tpu.memory_space<vmem>>)
    %mul3A_137 = arith.constant 32 : i32
    %mul3A_138 = arith.muli %add3A, %mul3A_137 : i32
    %jit3A_139 = arith.constant 1024 : i32
    %div3A_140 = arith.divsi %mul3A_138, %jit3A_139 : i32
    %sign3A_141 = arith.constant 0 : i32
    %sign3A_142 = arith.cmpi sgt, %mul3A_138, %sign3A_141 : i32
    %sign3A_143 = arith.extui %sign3A_142 : i1 to i32
    %sign3A_144 = arith.constant 0 : i32
    %sign3A_145 = arith.cmpi slt, %mul3A_138, %sign3A_144 : i32
    %sign3A_146 = arith.extui %sign3A_145 : i1 to i32
    %sign3A_147 = arith.subi %sign3A_143, %sign3A_146 : i32
    %sign3A_148 = arith.constant 0 : i32
    %sign3A_149 = arith.cmpi sgt, %jit3A_139, %sign3A_148 : i32
    %sign3A_150 = arith.extui %sign3A_149 : i1 to i32
    %sign3A_151 = arith.constant 0 : i32
    %sign3A_152 = arith.cmpi slt, %jit3A_139, %sign3A_151 : i32
    %sign3A_153 = arith.extui %sign3A_152 : i1 to i32
    %sign3A_154 = arith.subi %sign3A_150, %sign3A_153 : i32
    %ne3A_155 = arith.cmpi ne, %sign3A_147, %sign3A_154 : i32
    %rem3A_156 = arith.remsi %mul3A_138, %jit3A_139 : i32
    %ne3A_157 = arith.constant 0 : i32
    %ne3A_158 = arith.cmpi ne, %rem3A_156, %ne3A_157 : i32
    %and3A_159 = arith.andi %ne3A_155, %ne3A_158 : i1
    %sub3A_160 = arith.constant 1 : i32
    %sub3A_161 = arith.subi %div3A_140, %sub3A_160 : i32
    %select_n3A_162 = arith.select %and3A_159, %sub3A_161, %div3A_140 : i32
    %mul3A_163 = arith.constant 1024 : i32
    %mul3A_164 = arith.muli %select_n3A_162, %mul3A_163 : i32
    %sub3A_165 = arith.subi %mul3A_138, %mul3A_164 : i32
    %jit3A_166 = arith.constant 512 : i32
    %div3A_167 = arith.divsi %sub3A_165, %jit3A_166 : i32
    %sign3A_168 = arith.constant 0 : i32
    %sign3A_169 = arith.cmpi sgt, %sub3A_165, %sign3A_168 : i32
    %sign3A_170 = arith.extui %sign3A_169 : i1 to i32
    %sign3A_171 = arith.constant 0 : i32
    %sign3A_172 = arith.cmpi slt, %sub3A_165, %sign3A_171 : i32
    %sign3A_173 = arith.extui %sign3A_172 : i1 to i32
    %sign3A_174 = arith.subi %sign3A_170, %sign3A_173 : i32
    %sign3A_175 = arith.constant 0 : i32
    %sign3A_176 = arith.cmpi sgt, %jit3A_166, %sign3A_175 : i32
    %sign3A_177 = arith.extui %sign3A_176 : i1 to i32
    %sign3A_178 = arith.constant 0 : i32
    %sign3A_179 = arith.cmpi slt, %jit3A_166, %sign3A_178 : i32
    %sign3A_180 = arith.extui %sign3A_179 : i1 to i32
    %sign3A_181 = arith.subi %sign3A_177, %sign3A_180 : i32
    %ne3A_182 = arith.cmpi ne, %sign3A_174, %sign3A_181 : i32
    %rem3A_183 = arith.remsi %sub3A_165, %jit3A_166 : i32
    %ne3A_184 = arith.constant 0 : i32
    %ne3A_185 = arith.cmpi ne, %rem3A_183, %ne3A_184 : i32
    %and3A_186 = arith.andi %ne3A_182, %ne3A_185 : i1
    %sub3A_187 = arith.constant 1 : i32
    %sub3A_188 = arith.subi %div3A_167, %sub3A_187 : i32
    %select_n3A_189 = arith.select %and3A_186, %sub3A_188, %div3A_167 : i32
    %mul3A_190 = arith.constant 512 : i32
    %mul3A_191 = arith.muli %select_n3A_189, %mul3A_190 : i32
    %sub3A_192 = arith.subi %sub3A_165, %mul3A_191 : i32
    %mul3A_193 = arith.constant 512 : i32
    %mul3A_194 = arith.muli %select_n3A_162, %mul3A_193 : i32
    %add3A_195 = arith.addi %mul3A_194, %sub3A_192 : i32
    %mul3A_196 = arith.constant 64 : i32
    %mul3A_197 = arith.muli %select_n3A_189, %mul3A_196 : i32
    %run_scoped3A_198 = arith.constant 2 : i32
    "tpu.region"() ({
      %run_scoped3A_512 = tpu.sem_alloc : memref<!tpu.dma_semaphore, #tpu.memory_space<semaphore_mem>>
      %dma_start3A_513 = tpu.memref_slice %arg7[%run_scoped3A_198, %add3A_195, %mul3A_197] : memref<3x512x128xf32, #tpu.memory_space<hbm>> -> memref<1x32x64xf32, #tpu.memory_space<hbm>>
      %dma_start3A_514 = tpu.memref_squeeze %dma_start3A_513 : memref<1x32x64xf32, #tpu.memory_space<hbm>> -> memref<32x64xf32, #tpu.memory_space<hbm>>
      %dma_start3A_515 = tpu.memref_slice %arg7[%run_scoped3A_198, %add3A_195, %mul3A_197] : memref<3x512x128xf32, #tpu.memory_space<hbm>> -> memref<1x32x64xf32, #tpu.memory_space<hbm>>
      %dma_start3A_516 = tpu.memref_squeeze %dma_start3A_515 : memref<1x32x64xf32, #tpu.memory_space<hbm>> -> memref<32x64xf32, #tpu.memory_space<hbm>>
      tpu.enqueue_dma source(%arg14 : memref<32x64xf32, #tpu.memory_space<vmem>>) target(%dma_start3A_516 : memref<32x64xf32, #tpu.memory_space<hbm>>) target_semaphore(%run_scoped3A_512 : memref<!tpu.dma_semaphore, #tpu.memory_space<semaphore_mem>>)
      %dma_wait3A_517 = tpu.memref_slice %arg7[%run_scoped3A_198, %add3A_195, %mul3A_197] : memref<3x512x128xf32, #tpu.memory_space<hbm>> -> memref<1x32x64xf32, #tpu.memory_space<hbm>>
      %dma_wait3A_518 = tpu.memref_squeeze %dma_wait3A_517 : memref<1x32x64xf32, #tpu.memory_space<hbm>> -> memref<32x64xf32, #tpu.memory_space<hbm>>
      %dma_wait3A_519 = tpu.memref_slice %arg7[%run_scoped3A_198, %add3A_195, %mul3A_197] : memref<3x512x128xf32, #tpu.memory_space<hbm>> -> memref<1x32x64xf32, #tpu.memory_space<hbm>>
      %dma_wait3A_520 = tpu.memref_squeeze %dma_wait3A_519 : memref<1x32x64xf32, #tpu.memory_space<hbm>> -> memref<32x64xf32, #tpu.memory_space<hbm>>
      tpu.wait_dma2 semaphore(%run_scoped3A_512 : memref<!tpu.dma_semaphore, #tpu.memory_space<semaphore_mem>>) src(%arg14 : memref<32x64xf32, #tpu.memory_space<vmem>>) dst(%dma_wait3A_520 : memref<32x64xf32, #tpu.memory_space<hbm>>)
      tpu.yield
    }) : () -> ()
    %run_scoped3A_199 = arith.constant 0 : i32
    "tpu.region"() ({
      %run_scoped3A_512 = tpu.sem_alloc : memref<!tpu.dma_semaphore, #tpu.memory_space<semaphore_mem>>
      %dma_start3A_513 = arith.constant 0 : i32
      %dma_start3A_514 = arith.constant 0 : i32
      %dma_start3A_515 = tpu.memref_slice %arg2[%run_scoped3A_199, %add3A, %dma_start3A_513, %dma_start3A_514] : memref<2x32x50x128xi32, #tpu.memory_space<hbm>> -> memref<1x1x50x128xi32, #tpu.memory_space<hbm>>
      %dma_start3A_516 = tpu.memref_squeeze %dma_start3A_515 : memref<1x1x50x128xi32, #tpu.memory_space<hbm>> -> memref<50x128xi32, #tpu.memory_space<hbm>>
      %dma_start3A_517 = arith.constant 0 : i32
      %dma_start3A_518 = arith.constant 0 : i32
      %dma_start3A_519 = tpu.memref_slice %arg2[%run_scoped3A_199, %add3A, %dma_start3A_517, %dma_start3A_518] : memref<2x32x50x128xi32, #tpu.memory_space<hbm>> -> memref<1x1x50x128xi32, #tpu.memory_space<hbm>>
      %dma_start3A_520 = tpu.memref_squeeze %dma_start3A_519 : memref<1x1x50x128xi32, #tpu.memory_space<hbm>> -> memref<50x128xi32, #tpu.memory_space<hbm>>
      tpu.enqueue_dma source(%dma_start3A_520 : memref<50x128xi32, #tpu.memory_space<hbm>>) target(%arg8 : memref<50x128xi32, #tpu.memory_space<vmem>>) target_semaphore(%run_scoped3A_512 : memref<!tpu.dma_semaphore, #tpu.memory_space<semaphore_mem>>)
      %dma_wait3A_521 = arith.constant 0 : i32
      %dma_wait3A_522 = arith.constant 0 : i32
      %dma_wait3A_523 = tpu.memref_slice %arg2[%run_scoped3A_199, %add3A, %dma_wait3A_521, %dma_wait3A_522] : memref<2x32x50x128xi32, #tpu.memory_space<hbm>> -> memref<1x1x50x128xi32, #tpu.memory_space<hbm>>
      %dma_wait3A_524 = tpu.memref_squeeze %dma_wait3A_523 : memref<1x1x50x128xi32, #tpu.memory_space<hbm>> -> memref<50x128xi32, #tpu.memory_space<hbm>>
      %dma_wait3A_525 = arith.constant 0 : i32
      %dma_wait3A_526 = arith.constant 0 : i32
      %dma_wait3A_527 = tpu.memref_slice %arg2[%run_scoped3A_199, %add3A, %dma_wait3A_525, %dma_wait3A_526] : memref<2x32x50x128xi32, #tpu.memory_space<hbm>> -> memref<1x1x50x128xi32, #tpu.memory_space<hbm>>
      %dma_wait3A_528 = tpu.memref_squeeze %dma_wait3A_527 : memref<1x1x50x128xi32, #tpu.memory_space<hbm>> -> memref<50x128xi32, #tpu.memory_space<hbm>>
      tpu.wait_dma2 semaphore(%run_scoped3A_512 : memref<!tpu.dma_semaphore, #tpu.memory_space<semaphore_mem>>) src(%dma_wait3A_528 : memref<50x128xi32, #tpu.memory_space<hbm>>) dst(%arg8 : memref<50x128xi32, #tpu.memory_space<vmem>>)
      tpu.yield
    }) : () -> ()
    %dma_start3A_200 = arith.constant 0 : i32
    %dma_start3A_201 = arith.constant 0 : i32
    %dma_start3A_202 = tpu.memref_slice %arg8[%dma_start3A_200, %dma_start3A_201] : memref<50x128xi32, #tpu.memory_space<vmem>> -> memref<1x128xi32, #tpu.memory_space<vmem>>
    %dma_start3A_203 = tpu.memref_squeeze %dma_start3A_202 : memref<1x128xi32, #tpu.memory_space<vmem>> -> memref<128xi32, #tpu.memory_space<vmem>>
    %dma_start3A_204 = arith.constant 0 : i32
    %dma_start3A_205 = arith.constant 0 : i32
    %dma_start3A_206 = tpu.memref_slice %arg4[%dma_start3A_204, %dma_start3A_205] : memref<200000x64xf32, #tpu.memory_space<hbm>> -> memref<200000x64xf32, #tpu.memory_space<hbm>>
    tpu.enqueue_indirect_dma source(%dma_start3A_206 : memref<200000x64xf32, #tpu.memory_space<hbm>>) target(%arg9 : memref<128x64xf32, #tpu.memory_space<vmem>>) offsets(%dma_start3A_203 : memref<128xi32, #tpu.memory_space<vmem>>) semaphore(%arg11 : memref<!tpu.dma_semaphore, #tpu.memory_space<semaphore_mem>>)
    %scan3A = arith.constant 0 : i32
    %scan3A_207 = arith.constant 0 : i32
    %scan3A_208 = arith.constant 24 : i32
    %scan3A_209 = arith.addi %scan3A_207, %scan3A_208 : i32
    %scan3A_210 = arith.constant 1 : i32
    scf.for %scan3A_512 = %scan3A_207 to %scan3A_209 step %scan3A_210  : i32 {
      %mul3A_513 = arith.constant 2 : i32
      %mul3A_514 = arith.muli %mul3A_513, %scan3A_512 : i32
      %add3A_515 = arith.constant 1 : i32
      %add3A_516 = arith.addi %mul3A_514, %add3A_515 : i32
      %dma_start3A_517 = arith.constant 0 : i32
      %dma_start3A_518 = tpu.memref_slice %arg8[%add3A_516, %dma_start3A_517] : memref<50x128xi32, #tpu.memory_space<vmem>> -> memref<1x128xi32, #tpu.memory_space<vmem>>
      %dma_start3A_519 = tpu.memref_squeeze %dma_start3A_518 : memref<1x128xi32, #tpu.memory_space<vmem>> -> memref<128xi32, #tpu.memory_space<vmem>>
      %dma_start3A_520 = arith.constant 0 : i32
      %dma_start3A_521 = arith.constant 0 : i32
      %dma_start3A_522 = tpu.memref_slice %arg4[%dma_start3A_520, %dma_start3A_521] : memref<200000x64xf32, #tpu.memory_space<hbm>> -> memref<200000x64xf32, #tpu.memory_space<hbm>>
      tpu.enqueue_indirect_dma source(%dma_start3A_522 : memref<200000x64xf32, #tpu.memory_space<hbm>>) target(%arg10 : memref<128x64xf32, #tpu.memory_space<vmem>>) offsets(%dma_start3A_519 : memref<128xi32, #tpu.memory_space<vmem>>) semaphore(%arg12 : memref<!tpu.dma_semaphore, #tpu.memory_space<semaphore_mem>>)
      %dma_wait3A_523 = arith.constant 0 : i32
      %dma_wait3A_524 = arith.constant 0 : i32
      %dma_wait3A_525 = tpu.memref_slice %arg4[%dma_wait3A_523, %dma_wait3A_524] : memref<200000x64xf32, #tpu.memory_space<hbm>> -> memref<128x64xf32, #tpu.memory_space<hbm>>
      %dma_wait3A_526 = arith.constant 0 : i32
      %dma_wait3A_527 = arith.constant 0 : i32
      %dma_wait3A_528 = tpu.memref_slice %arg4[%dma_wait3A_526, %dma_wait3A_527] : memref<200000x64xf32, #tpu.memory_space<hbm>> -> memref<128x64xf32, #tpu.memory_space<hbm>>
      tpu.wait_dma2 semaphore(%arg11 : memref<!tpu.dma_semaphore, #tpu.memory_space<semaphore_mem>>) src(%dma_wait3A_528 : memref<128x64xf32, #tpu.memory_space<hbm>>) dst(%arg9 : memref<128x64xf32, #tpu.memory_space<vmem>>)
      %mul3A_529 = arith.constant 128 : i32
      %mul3A_530 = arith.muli %mul3A_514, %mul3A_529 : i32
      %add3A_531 = arith.addi %mul3A_2, %mul3A_530 : i32
      %jit3A_532 = arith.constant 1024 : i32
      %div3A_533 = arith.divsi %add3A_531, %jit3A_532 : i32
      %sign3A_534 = arith.constant 0 : i32
      %sign3A_535 = arith.cmpi sgt, %add3A_531, %sign3A_534 : i32
      %sign3A_536 = arith.extui %sign3A_535 : i1 to i32
      %sign3A_537 = arith.constant 0 : i32
      %sign3A_538 = arith.cmpi slt, %add3A_531, %sign3A_537 : i32
      %sign3A_539 = arith.extui %sign3A_538 : i1 to i32
      %sign3A_540 = arith.subi %sign3A_536, %sign3A_539 : i32
      %sign3A_541 = arith.constant 0 : i32
      %sign3A_542 = arith.cmpi sgt, %jit3A_532, %sign3A_541 : i32
      %sign3A_543 = arith.extui %sign3A_542 : i1 to i32
      %sign3A_544 = arith.constant 0 : i32
      %sign3A_545 = arith.cmpi slt, %jit3A_532, %sign3A_544 : i32
      %sign3A_546 = arith.extui %sign3A_545 : i1 to i32
      %sign3A_547 = arith.subi %sign3A_543, %sign3A_546 : i32
      %ne3A_548 = arith.cmpi ne, %sign3A_540, %sign3A_547 : i32
      %rem3A_549 = arith.remsi %add3A_531, %jit3A_532 : i32
      %ne3A_550 = arith.constant 0 : i32
      %ne3A_551 = arith.cmpi ne, %rem3A_549, %ne3A_550 : i32
      %and3A_552 = arith.andi %ne3A_548, %ne3A_551 : i1
      %sub3A_553 = arith.constant 1 : i32
      %sub3A_554 = arith.subi %div3A_533, %sub3A_553 : i32
      %select_n3A_555 = arith.select %and3A_552, %sub3A_554, %div3A_533 : i32
      %mul3A_556 = arith.constant 1024 : i32
      %mul3A_557 = arith.muli %select_n3A_555, %mul3A_556 : i32
      %sub3A_558 = arith.subi %add3A_531, %mul3A_557 : i32
      %jit3A_559 = arith.constant 512 : i32
      %div3A_560 = arith.divsi %sub3A_558, %jit3A_559 : i32
      %sign3A_561 = arith.constant 0 : i32
      %sign3A_562 = arith.cmpi sgt, %sub3A_558, %sign3A_561 : i32
      %sign3A_563 = arith.extui %sign3A_562 : i1 to i32
      %sign3A_564 = arith.constant 0 : i32
      %sign3A_565 = arith.cmpi slt, %sub3A_558, %sign3A_564 : i32
      %sign3A_566 = arith.extui %sign3A_565 : i1 to i32
      %sign3A_567 = arith.subi %sign3A_563, %sign3A_566 : i32
      %sign3A_568 = arith.constant 0 : i32
      %sign3A_569 = arith.cmpi sgt, %jit3A_559, %sign3A_568 : i32
      %sign3A_570 = arith.extui %sign3A_569 : i1 to i32
      %sign3A_571 = arith.constant 0 : i32
      %sign3A_572 = arith.cmpi slt, %jit3A_559, %sign3A_571 : i32
      %sign3A_573 = arith.extui %sign3A_572 : i1 to i32
      %sign3A_574 = arith.subi %sign3A_570, %sign3A_573 : i32
      %ne3A_575 = arith.cmpi ne, %sign3A_567, %sign3A_574 : i32
      %rem3A_576 = arith.remsi %sub3A_558, %jit3A_559 : i32
      %ne3A_577 = arith.constant 0 : i32
      %ne3A_578 = arith.cmpi ne, %rem3A_576, %ne3A_577 : i32
      %and3A_579 = arith.andi %ne3A_575, %ne3A_578 : i1
      %sub3A_580 = arith.constant 1 : i32
      %sub3A_581 = arith.subi %div3A_560, %sub3A_580 : i32
      %select_n3A_582 = arith.select %and3A_579, %sub3A_581, %div3A_560 : i32
      %mul3A_583 = arith.constant 512 : i32
      %mul3A_584 = arith.muli %select_n3A_582, %mul3A_583 : i32
      %sub3A_585 = arith.subi %sub3A_558, %mul3A_584 : i32
      %mul3A_586 = arith.constant 512 : i32
      %mul3A_587 = arith.muli %select_n3A_555, %mul3A_586 : i32
      %add3A_588 = arith.addi %mul3A_587, %sub3A_585 : i32
      %mul3A_589 = arith.constant 64 : i32
      %mul3A_590 = arith.muli %select_n3A_582, %mul3A_589 : i32
      %run_scoped3A_591 = arith.constant 0 : i32
      "tpu.region"() ({
        %run_scoped3A_671 = tpu.sem_alloc : memref<!tpu.dma_semaphore, #tpu.memory_space<semaphore_mem>>
        %dma_start3A_672 = tpu.memref_slice %arg6[%run_scoped3A_591, %add3A_588, %mul3A_590] : memref<2x102400x128xf32, #tpu.memory_space<hbm>> -> memref<1x128x64xf32, #tpu.memory_space<hbm>>
        %dma_start3A_673 = tpu.memref_squeeze %dma_start3A_672 : memref<1x128x64xf32, #tpu.memory_space<hbm>> -> memref<128x64xf32, #tpu.memory_space<hbm>>
        %dma_start3A_674 = tpu.memref_slice %arg6[%run_scoped3A_591, %add3A_588, %mul3A_590] : memref<2x102400x128xf32, #tpu.memory_space<hbm>> -> memref<1x128x64xf32, #tpu.memory_space<hbm>>
        %dma_start3A_675 = tpu.memref_squeeze %dma_start3A_674 : memref<1x128x64xf32, #tpu.memory_space<hbm>> -> memref<128x64xf32, #tpu.memory_space<hbm>>
        tpu.enqueue_dma source(%arg9 : memref<128x64xf32, #tpu.memory_space<vmem>>) target(%dma_start3A_675 : memref<128x64xf32, #tpu.memory_space<hbm>>) target_semaphore(%run_scoped3A_671 : memref<!tpu.dma_semaphore, #tpu.memory_space<semaphore_mem>>)
        %dma_wait3A_676 = tpu.memref_slice %arg6[%run_scoped3A_591, %add3A_588, %mul3A_590] : memref<2x102400x128xf32, #tpu.memory_space<hbm>> -> memref<1x128x64xf32, #tpu.memory_space<hbm>>
        %dma_wait3A_677 = tpu.memref_squeeze %dma_wait3A_676 : memref<1x128x64xf32, #tpu.memory_space<hbm>> -> memref<128x64xf32, #tpu.memory_space<hbm>>
        %dma_wait3A_678 = tpu.memref_slice %arg6[%run_scoped3A_591, %add3A_588, %mul3A_590] : memref<2x102400x128xf32, #tpu.memory_space<hbm>> -> memref<1x128x64xf32, #tpu.memory_space<hbm>>
        %dma_wait3A_679 = tpu.memref_squeeze %dma_wait3A_678 : memref<1x128x64xf32, #tpu.memory_space<hbm>> -> memref<128x64xf32, #tpu.memory_space<hbm>>
        tpu.wait_dma2 semaphore(%run_scoped3A_671 : memref<!tpu.dma_semaphore, #tpu.memory_space<semaphore_mem>>) src(%arg9 : memref<128x64xf32, #tpu.memory_space<vmem>>) dst(%dma_wait3A_679 : memref<128x64xf32, #tpu.memory_space<hbm>>)
        tpu.yield
      }) : () -> ()
      %add3A_592 = arith.constant 2 : i32
      %add3A_593 = arith.addi %mul3A_514, %add3A_592 : i32
      %dma_start3A_594 = arith.constant 0 : i32
      %dma_start3A_595 = tpu.memref_slice %arg8[%add3A_593, %dma_start3A_594] : memref<50x128xi32, #tpu.memory_space<vmem>> -> memref<1x128xi32, #tpu.memory_space<vmem>>
      %dma_start3A_596 = tpu.memref_squeeze %dma_start3A_595 : memref<1x128xi32, #tpu.memory_space<vmem>> -> memref<128xi32, #tpu.memory_space<vmem>>
      %dma_start3A_597 = arith.constant 0 : i32
      %dma_start3A_598 = arith.constant 0 : i32
      %dma_start3A_599 = tpu.memref_slice %arg4[%dma_start3A_597, %dma_start3A_598] : memref<200000x64xf32, #tpu.memory_space<hbm>> -> memref<200000x64xf32, #tpu.memory_space<hbm>>
      tpu.enqueue_indirect_dma source(%dma_start3A_599 : memref<200000x64xf32, #tpu.memory_space<hbm>>) target(%arg9 : memref<128x64xf32, #tpu.memory_space<vmem>>) offsets(%dma_start3A_596 : memref<128xi32, #tpu.memory_space<vmem>>) semaphore(%arg11 : memref<!tpu.dma_semaphore, #tpu.memory_space<semaphore_mem>>)
      %dma_wait3A_600 = arith.constant 0 : i32
      %dma_wait3A_601 = arith.constant 0 : i32
      %dma_wait3A_602 = tpu.memref_slice %arg4[%dma_wait3A_600, %dma_wait3A_601] : memref<200000x64xf32, #tpu.memory_space<hbm>> -> memref<128x64xf32, #tpu.memory_space<hbm>>
      %dma_wait3A_603 = arith.constant 0 : i32
      %dma_wait3A_604 = arith.constant 0 : i32
      %dma_wait3A_605 = tpu.memref_slice %arg4[%dma_wait3A_603, %dma_wait3A_604] : memref<200000x64xf32, #tpu.memory_space<hbm>> -> memref<128x64xf32, #tpu.memory_space<hbm>>
      tpu.wait_dma2 semaphore(%arg12 : memref<!tpu.dma_semaphore, #tpu.memory_space<semaphore_mem>>) src(%dma_wait3A_605 : memref<128x64xf32, #tpu.memory_space<hbm>>) dst(%arg10 : memref<128x64xf32, #tpu.memory_space<vmem>>)
      %add3A_606 = arith.constant 1 : i32
      %add3A_607 = arith.addi %mul3A_514, %add3A_606 : i32
      %mul3A_608 = arith.constant 128 : i32
      %mul3A_609 = arith.muli %add3A_607, %mul3A_608 : i32
      %add3A_610 = arith.addi %mul3A_2, %mul3A_609 : i32
      %jit3A_611 = arith.constant 1024 : i32
      %div3A_612 = arith.divsi %add3A_610, %jit3A_611 : i32
      %sign3A_613 = arith.constant 0 : i32
      %sign3A_614 = arith.cmpi sgt, %add3A_610, %sign3A_613 : i32
      %sign3A_615 = arith.extui %sign3A_614 : i1 to i32
      %sign3A_616 = arith.constant 0 : i32
      %sign3A_617 = arith.cmpi slt, %add3A_610, %sign3A_616 : i32
      %sign3A_618 = arith.extui %sign3A_617 : i1 to i32
      %sign3A_619 = arith.subi %sign3A_615, %sign3A_618 : i32
      %sign3A_620 = arith.constant 0 : i32
      %sign3A_621 = arith.cmpi sgt, %jit3A_611, %sign3A_620 : i32
      %sign3A_622 = arith.extui %sign3A_621 : i1 to i32
      %sign3A_623 = arith.constant 0 : i32
      %sign3A_624 = arith.cmpi slt, %jit3A_611, %sign3A_623 : i32
      %sign3A_625 = arith.extui %sign3A_624 : i1 to i32
      %sign3A_626 = arith.subi %sign3A_622, %sign3A_625 : i32
      %ne3A_627 = arith.cmpi ne, %sign3A_619, %sign3A_626 : i32
      %rem3A_628 = arith.remsi %add3A_610, %jit3A_611 : i32
      %ne3A_629 = arith.constant 0 : i32
      %ne3A_630 = arith.cmpi ne, %rem3A_628, %ne3A_629 : i32
      %and3A_631 = arith.andi %ne3A_627, %ne3A_630 : i1
      %sub3A_632 = arith.constant 1 : i32
      %sub3A_633 = arith.subi %div3A_612, %sub3A_632 : i32
      %select_n3A_634 = arith.select %and3A_631, %sub3A_633, %div3A_612 : i32
      %mul3A_635 = arith.constant 1024 : i32
      %mul3A_636 = arith.muli %select_n3A_634, %mul3A_635 : i32
      %sub3A_637 = arith.subi %add3A_610, %mul3A_636 : i32
      %jit3A_638 = arith.constant 512 : i32
      %div3A_639 = arith.divsi %sub3A_637, %jit3A_638 : i32
      %sign3A_640 = arith.constant 0 : i32
      %sign3A_641 = arith.cmpi sgt, %sub3A_637, %sign3A_640 : i32
      %sign3A_642 = arith.extui %sign3A_641 : i1 to i32
      %sign3A_643 = arith.constant 0 : i32
      %sign3A_644 = arith.cmpi slt, %sub3A_637, %sign3A_643 : i32
      %sign3A_645 = arith.extui %sign3A_644 : i1 to i32
      %sign3A_646 = arith.subi %sign3A_642, %sign3A_645 : i32
      %sign3A_647 = arith.constant 0 : i32
      %sign3A_648 = arith.cmpi sgt, %jit3A_638, %sign3A_647 : i32
      %sign3A_649 = arith.extui %sign3A_648 : i1 to i32
      %sign3A_650 = arith.constant 0 : i32
      %sign3A_651 = arith.cmpi slt, %jit3A_638, %sign3A_650 : i32
      %sign3A_652 = arith.extui %sign3A_651 : i1 to i32
      %sign3A_653 = arith.subi %sign3A_649, %sign3A_652 : i32
      %ne3A_654 = arith.cmpi ne, %sign3A_646, %sign3A_653 : i32
      %rem3A_655 = arith.remsi %sub3A_637, %jit3A_638 : i32
      %ne3A_656 = arith.constant 0 : i32
      %ne3A_657 = arith.cmpi ne, %rem3A_655, %ne3A_656 : i32
      %and3A_658 = arith.andi %ne3A_654, %ne3A_657 : i1
      %sub3A_659 = arith.constant 1 : i32
      %sub3A_660 = arith.subi %div3A_639, %sub3A_659 : i32
      %select_n3A_661 = arith.select %and3A_658, %sub3A_660, %div3A_639 : i32
      %mul3A_662 = arith.constant 512 : i32
      %mul3A_663 = arith.muli %select_n3A_661, %mul3A_662 : i32
      %sub3A_664 = arith.subi %sub3A_637, %mul3A_663 : i32
      %mul3A_665 = arith.constant 512 : i32
      %mul3A_666 = arith.muli %select_n3A_634, %mul3A_665 : i32
      %add3A_667 = arith.addi %mul3A_666, %sub3A_664 : i32
      %mul3A_668 = arith.constant 64 : i32
      %mul3A_669 = arith.muli %select_n3A_661, %mul3A_668 : i32
      %run_scoped3A_670 = arith.constant 0 : i32
      "tpu.region"() ({
        %run_scoped3A_671 = tpu.sem_alloc : memref<!tpu.dma_semaphore, #tpu.memory_space<semaphore_mem>>
        %dma_start3A_672 = tpu.memref_slice %arg6[%run_scoped3A_670, %add3A_667, %mul3A_669] : memref<2x102400x128xf32, #tpu.memory_space<hbm>> -> memref<1x128x64xf32, #tpu.memory_space<hbm>>
        %dma_start3A_673 = tpu.memref_squeeze %dma_start3A_672 : memref<1x128x64xf32, #tpu.memory_space<hbm>> -> memref<128x64xf32, #tpu.memory_space<hbm>>
        %dma_start3A_674 = tpu.memref_slice %arg6[%run_scoped3A_670, %add3A_667, %mul3A_669] : memref<2x102400x128xf32, #tpu.memory_space<hbm>> -> memref<1x128x64xf32, #tpu.memory_space<hbm>>
        %dma_start3A_675 = tpu.memref_squeeze %dma_start3A_674 : memref<1x128x64xf32, #tpu.memory_space<hbm>> -> memref<128x64xf32, #tpu.memory_space<hbm>>
        tpu.enqueue_dma source(%arg10 : memref<128x64xf32, #tpu.memory_space<vmem>>) target(%dma_start3A_675 : memref<128x64xf32, #tpu.memory_space<hbm>>) target_semaphore(%run_scoped3A_671 : memref<!tpu.dma_semaphore, #tpu.memory_space<semaphore_mem>>)
        %dma_wait3A_676 = tpu.memref_slice %arg6[%run_scoped3A_670, %add3A_667, %mul3A_669] : memref<2x102400x128xf32, #tpu.memory_space<hbm>> -> memref<1x128x64xf32, #tpu.memory_space<hbm>>
        %dma_wait3A_677 = tpu.memref_squeeze %dma_wait3A_676 : memref<1x128x64xf32, #tpu.memory_space<hbm>> -> memref<128x64xf32, #tpu.memory_space<hbm>>
        %dma_wait3A_678 = tpu.memref_slice %arg6[%run_scoped3A_670, %add3A_667, %mul3A_669] : memref<2x102400x128xf32, #tpu.memory_space<hbm>> -> memref<1x128x64xf32, #tpu.memory_space<hbm>>
        %dma_wait3A_679 = tpu.memref_squeeze %dma_wait3A_678 : memref<1x128x64xf32, #tpu.memory_space<hbm>> -> memref<128x64xf32, #tpu.memory_space<hbm>>
        tpu.wait_dma2 semaphore(%run_scoped3A_671 : memref<!tpu.dma_semaphore, #tpu.memory_space<semaphore_mem>>) src(%arg10 : memref<128x64xf32, #tpu.memory_space<vmem>>) dst(%dma_wait3A_679 : memref<128x64xf32, #tpu.memory_space<hbm>>)
        tpu.yield
      }) : () -> ()
    }
    %scan3A_211 = arith.constant 24 : i32
    %dma_start3A_212 = arith.constant 49 : i32
    %dma_start3A_213 = arith.constant 0 : i32
    %dma_start3A_214 = tpu.memref_slice %arg8[%dma_start3A_212, %dma_start3A_213] : memref<50x128xi32, #tpu.memory_space<vmem>> -> memref<1x128xi32, #tpu.memory_space<vmem>>
    %dma_start3A_215 = tpu.memref_squeeze %dma_start3A_214 : memref<1x128xi32, #tpu.memory_space<vmem>> -> memref<128xi32, #tpu.memory_space<vmem>>
    %dma_start3A_216 = arith.constant 0 : i32
    %dma_start3A_217 = arith.constant 0 : i32
    %dma_start3A_218 = tpu.memref_slice %arg4[%dma_start3A_216, %dma_start3A_217] : memref<200000x64xf32, #tpu.memory_space<hbm>> -> memref<200000x64xf32, #tpu.memory_space<hbm>>
    tpu.enqueue_indirect_dma source(%dma_start3A_218 : memref<200000x64xf32, #tpu.memory_space<hbm>>) target(%arg10 : memref<128x64xf32, #tpu.memory_space<vmem>>) offsets(%dma_start3A_215 : memref<128xi32, #tpu.memory_space<vmem>>) semaphore(%arg12 : memref<!tpu.dma_semaphore, #tpu.memory_space<semaphore_mem>>)
    %dma_wait3A_219 = arith.constant 0 : i32
    %dma_wait3A_220 = arith.constant 0 : i32
    %dma_wait3A_221 = tpu.memref_slice %arg4[%dma_wait3A_219, %dma_wait3A_220] : memref<200000x64xf32, #tpu.memory_space<hbm>> -> memref<128x64xf32, #tpu.memory_space<hbm>>
    %dma_wait3A_222 = arith.constant 0 : i32
    %dma_wait3A_223 = arith.constant 0 : i32
    %dma_wait3A_224 = tpu.memref_slice %arg4[%dma_wait3A_222, %dma_wait3A_223] : memref<200000x64xf32, #tpu.memory_space<hbm>> -> memref<128x64xf32, #tpu.memory_space<hbm>>
    tpu.wait_dma2 semaphore(%arg11 : memref<!tpu.dma_semaphore, #tpu.memory_space<semaphore_mem>>) src(%dma_wait3A_224 : memref<128x64xf32, #tpu.memory_space<hbm>>) dst(%arg9 : memref<128x64xf32, #tpu.memory_space<vmem>>)
    %add3A_225 = arith.constant 6144 : i32
    %add3A_226 = arith.addi %mul3A_2, %add3A_225 : i32
    %jit3A_227 = arith.constant 1024 : i32
    %div3A_228 = arith.divsi %add3A_226, %jit3A_227 : i32
    %sign3A_229 = arith.constant 0 : i32
    %sign3A_230 = arith.cmpi sgt, %add3A_226, %sign3A_229 : i32
    %sign3A_231 = arith.extui %sign3A_230 : i1 to i32
    %sign3A_232 = arith.constant 0 : i32
    %sign3A_233 = arith.cmpi slt, %add3A_226, %sign3A_232 : i32
    %sign3A_234 = arith.extui %sign3A_233 : i1 to i32
    %sign3A_235 = arith.subi %sign3A_231, %sign3A_234 : i32
    %sign3A_236 = arith.constant 0 : i32
    %sign3A_237 = arith.cmpi sgt, %jit3A_227, %sign3A_236 : i32
    %sign3A_238 = arith.extui %sign3A_237 : i1 to i32
    %sign3A_239 = arith.constant 0 : i32
    %sign3A_240 = arith.cmpi slt, %jit3A_227, %sign3A_239 : i32
    %sign3A_241 = arith.extui %sign3A_240 : i1 to i32
    %sign3A_242 = arith.subi %sign3A_238, %sign3A_241 : i32
    %ne3A_243 = arith.cmpi ne, %sign3A_235, %sign3A_242 : i32
    %rem3A_244 = arith.remsi %add3A_226, %jit3A_227 : i32
    %ne3A_245 = arith.constant 0 : i32
    %ne3A_246 = arith.cmpi ne, %rem3A_244, %ne3A_245 : i32
    %and3A_247 = arith.andi %ne3A_243, %ne3A_246 : i1
    %sub3A_248 = arith.constant 1 : i32
    %sub3A_249 = arith.subi %div3A_228, %sub3A_248 : i32
    %select_n3A_250 = arith.select %and3A_247, %sub3A_249, %div3A_228 : i32
    %mul3A_251 = arith.constant 1024 : i32
    %mul3A_252 = arith.muli %select_n3A_250, %mul3A_251 : i32
    %sub3A_253 = arith.subi %add3A_226, %mul3A_252 : i32
    %jit3A_254 = arith.constant 512 : i32
    %div3A_255 = arith.divsi %sub3A_253, %jit3A_254 : i32
    %sign3A_256 = arith.constant 0 : i32
    %sign3A_257 = arith.cmpi sgt, %sub3A_253, %sign3A_256 : i32
    %sign3A_258 = arith.extui %sign3A_257 : i1 to i32
    %sign3A_259 = arith.constant 0 : i32
    %sign3A_260 = arith.cmpi slt, %sub3A_253, %sign3A_259 : i32
    %sign3A_261 = arith.extui %sign3A_260 : i1 to i32
    %sign3A_262 = arith.subi %sign3A_258, %sign3A_261 : i32
    %sign3A_263 = arith.constant 0 : i32
    %sign3A_264 = arith.cmpi sgt, %jit3A_254, %sign3A_263 : i32
    %sign3A_265 = arith.extui %sign3A_264 : i1 to i32
    %sign3A_266 = arith.constant 0 : i32
    %sign3A_267 = arith.cmpi slt, %jit3A_254, %sign3A_266 : i32
    %sign3A_268 = arith.extui %sign3A_267 : i1 to i32
    %sign3A_269 = arith.subi %sign3A_265, %sign3A_268 : i32
    %ne3A_270 = arith.cmpi ne, %sign3A_262, %sign3A_269 : i32
    %rem3A_271 = arith.remsi %sub3A_253, %jit3A_254 : i32
    %ne3A_272 = arith.constant 0 : i32
    %ne3A_273 = arith.cmpi ne, %rem3A_271, %ne3A_272 : i32
    %and3A_274 = arith.andi %ne3A_270, %ne3A_273 : i1
    %sub3A_275 = arith.constant 1 : i32
    %sub3A_276 = arith.subi %div3A_255, %sub3A_275 : i32
    %select_n3A_277 = arith.select %and3A_274, %sub3A_276, %div3A_255 : i32
    %mul3A_278 = arith.constant 512 : i32
    %mul3A_279 = arith.muli %select_n3A_277, %mul3A_278 : i32
    %sub3A_280 = arith.subi %sub3A_253, %mul3A_279 : i32
    %mul3A_281 = arith.constant 512 : i32
    %mul3A_282 = arith.muli %select_n3A_250, %mul3A_281 : i32
    %add3A_283 = arith.addi %mul3A_282, %sub3A_280 : i32
    %mul3A_284 = arith.constant 64 : i32
    %mul3A_285 = arith.muli %select_n3A_277, %mul3A_284 : i32
    %run_scoped3A_286 = arith.constant 0 : i32
    "tpu.region"() ({
      %run_scoped3A_512 = tpu.sem_alloc : memref<!tpu.dma_semaphore, #tpu.memory_space<semaphore_mem>>
      %dma_start3A_513 = tpu.memref_slice %arg6[%run_scoped3A_286, %add3A_283, %mul3A_285] : memref<2x102400x128xf32, #tpu.memory_space<hbm>> -> memref<1x128x64xf32, #tpu.memory_space<hbm>>
      %dma_start3A_514 = tpu.memref_squeeze %dma_start3A_513 : memref<1x128x64xf32, #tpu.memory_space<hbm>> -> memref<128x64xf32, #tpu.memory_space<hbm>>
      %dma_start3A_515 = tpu.memref_slice %arg6[%run_scoped3A_286, %add3A_283, %mul3A_285] : memref<2x102400x128xf32, #tpu.memory_space<hbm>> -> memref<1x128x64xf32, #tpu.memory_space<hbm>>
      %dma_start3A_516 = tpu.memref_squeeze %dma_start3A_515 : memref<1x128x64xf32, #tpu.memory_space<hbm>> -> memref<128x64xf32, #tpu.memory_space<hbm>>
      tpu.enqueue_dma source(%arg9 : memref<128x64xf32, #tpu.memory_space<vmem>>) target(%dma_start3A_516 : memref<128x64xf32, #tpu.memory_space<hbm>>) target_semaphore(%run_scoped3A_512 : memref<!tpu.dma_semaphore, #tpu.memory_space<semaphore_mem>>)
      %dma_wait3A_517 = tpu.memref_slice %arg6[%run_scoped3A_286, %add3A_283, %mul3A_285] : memref<2x102400x128xf32, #tpu.memory_space<hbm>> -> memref<1x128x64xf32, #tpu.memory_space<hbm>>
      %dma_wait3A_518 = tpu.memref_squeeze %dma_wait3A_517 : memref<1x128x64xf32, #tpu.memory_space<hbm>> -> memref<128x64xf32, #tpu.memory_space<hbm>>
      %dma_wait3A_519 = tpu.memref_slice %arg6[%run_scoped3A_286, %add3A_283, %mul3A_285] : memref<2x102400x128xf32, #tpu.memory_space<hbm>> -> memref<1x128x64xf32, #tpu.memory_space<hbm>>
      %dma_wait3A_520 = tpu.memref_squeeze %dma_wait3A_519 : memref<1x128x64xf32, #tpu.memory_space<hbm>> -> memref<128x64xf32, #tpu.memory_space<hbm>>
      tpu.wait_dma2 semaphore(%run_scoped3A_512 : memref<!tpu.dma_semaphore, #tpu.memory_space<semaphore_mem>>) src(%arg9 : memref<128x64xf32, #tpu.memory_space<vmem>>) dst(%dma_wait3A_520 : memref<128x64xf32, #tpu.memory_space<hbm>>)
      tpu.yield
    }) : () -> ()
    %dma_wait3A_287 = arith.constant 0 : i32
    %dma_wait3A_288 = arith.constant 0 : i32
    %dma_wait3A_289 = tpu.memref_slice %arg4[%dma_wait3A_287, %dma_wait3A_288] : memref<200000x64xf32, #tpu.memory_space<hbm>> -> memref<128x64xf32, #tpu.memory_space<hbm>>
    %dma_wait3A_290 = arith.constant 0 : i32
    %dma_wait3A_291 = arith.constant 0 : i32
    %dma_wait3A_292 = tpu.memref_slice %arg4[%dma_wait3A_290, %dma_wait3A_291] : memref<200000x64xf32, #tpu.memory_space<hbm>> -> memref<128x64xf32, #tpu.memory_space<hbm>>
    tpu.wait_dma2 semaphore(%arg12 : memref<!tpu.dma_semaphore, #tpu.memory_space<semaphore_mem>>) src(%dma_wait3A_292 : memref<128x64xf32, #tpu.memory_space<hbm>>) dst(%arg10 : memref<128x64xf32, #tpu.memory_space<vmem>>)
    %add3A_293 = arith.constant 6272 : i32
    %add3A_294 = arith.addi %mul3A_2, %add3A_293 : i32
    %jit3A_295 = arith.constant 1024 : i32
    %div3A_296 = arith.divsi %add3A_294, %jit3A_295 : i32
    %sign3A_297 = arith.constant 0 : i32
    %sign3A_298 = arith.cmpi sgt, %add3A_294, %sign3A_297 : i32
    %sign3A_299 = arith.extui %sign3A_298 : i1 to i32
    %sign3A_300 = arith.constant 0 : i32
    %sign3A_301 = arith.cmpi slt, %add3A_294, %sign3A_300 : i32
    %sign3A_302 = arith.extui %sign3A_301 : i1 to i32
    %sign3A_303 = arith.subi %sign3A_299, %sign3A_302 : i32
    %sign3A_304 = arith.constant 0 : i32
    %sign3A_305 = arith.cmpi sgt, %jit3A_295, %sign3A_304 : i32
    %sign3A_306 = arith.extui %sign3A_305 : i1 to i32
    %sign3A_307 = arith.constant 0 : i32
    %sign3A_308 = arith.cmpi slt, %jit3A_295, %sign3A_307 : i32
    %sign3A_309 = arith.extui %sign3A_308 : i1 to i32
    %sign3A_310 = arith.subi %sign3A_306, %sign3A_309 : i32
    %ne3A_311 = arith.cmpi ne, %sign3A_303, %sign3A_310 : i32
    %rem3A_312 = arith.remsi %add3A_294, %jit3A_295 : i32
    %ne3A_313 = arith.constant 0 : i32
    %ne3A_314 = arith.cmpi ne, %rem3A_312, %ne3A_313 : i32
    %and3A_315 = arith.andi %ne3A_311, %ne3A_314 : i1
    %sub3A_316 = arith.constant 1 : i32
    %sub3A_317 = arith.subi %div3A_296, %sub3A_316 : i32
    %select_n3A_318 = arith.select %and3A_315, %sub3A_317, %div3A_296 : i32
    %mul3A_319 = arith.constant 1024 : i32
    %mul3A_320 = arith.muli %select_n3A_318, %mul3A_319 : i32
    %sub3A_321 = arith.subi %add3A_294, %mul3A_320 : i32
    %jit3A_322 = arith.constant 512 : i32
    %div3A_323 = arith.divsi %sub3A_321, %jit3A_322 : i32
    %sign3A_324 = arith.constant 0 : i32
    %sign3A_325 = arith.cmpi sgt, %sub3A_321, %sign3A_324 : i32
    %sign3A_326 = arith.extui %sign3A_325 : i1 to i32
    %sign3A_327 = arith.constant 0 : i32
    %sign3A_328 = arith.cmpi slt, %sub3A_321, %sign3A_327 : i32
    %sign3A_329 = arith.extui %sign3A_328 : i1 to i32
    %sign3A_330 = arith.subi %sign3A_326, %sign3A_329 : i32
    %sign3A_331 = arith.constant 0 : i32
    %sign3A_332 = arith.cmpi sgt, %jit3A_322, %sign3A_331 : i32
    %sign3A_333 = arith.extui %sign3A_332 : i1 to i32
    %sign3A_334 = arith.constant 0 : i32
    %sign3A_335 = arith.cmpi slt, %jit3A_322, %sign3A_334 : i32
    %sign3A_336 = arith.extui %sign3A_335 : i1 to i32
    %sign3A_337 = arith.subi %sign3A_333, %sign3A_336 : i32
    %ne3A_338 = arith.cmpi ne, %sign3A_330, %sign3A_337 : i32
    %rem3A_339 = arith.remsi %sub3A_321, %jit3A_322 : i32
    %ne3A_340 = arith.constant 0 : i32
    %ne3A_341 = arith.cmpi ne, %rem3A_339, %ne3A_340 : i32
    %and3A_342 = arith.andi %ne3A_338, %ne3A_341 : i1
    %sub3A_343 = arith.constant 1 : i32
    %sub3A_344 = arith.subi %div3A_323, %sub3A_343 : i32
    %select_n3A_345 = arith.select %and3A_342, %sub3A_344, %div3A_323 : i32
    %mul3A_346 = arith.constant 512 : i32
    %mul3A_347 = arith.muli %select_n3A_345, %mul3A_346 : i32
    %sub3A_348 = arith.subi %sub3A_321, %mul3A_347 : i32
    %mul3A_349 = arith.constant 512 : i32
    %mul3A_350 = arith.muli %select_n3A_318, %mul3A_349 : i32
    %add3A_351 = arith.addi %mul3A_350, %sub3A_348 : i32
    %mul3A_352 = arith.constant 64 : i32
    %mul3A_353 = arith.muli %select_n3A_345, %mul3A_352 : i32
    %run_scoped3A_354 = arith.constant 0 : i32
    "tpu.region"() ({
      %run_scoped3A_512 = tpu.sem_alloc : memref<!tpu.dma_semaphore, #tpu.memory_space<semaphore_mem>>
      %dma_start3A_513 = tpu.memref_slice %arg6[%run_scoped3A_354, %add3A_351, %mul3A_353] : memref<2x102400x128xf32, #tpu.memory_space<hbm>> -> memref<1x128x64xf32, #tpu.memory_space<hbm>>
      %dma_start3A_514 = tpu.memref_squeeze %dma_start3A_513 : memref<1x128x64xf32, #tpu.memory_space<hbm>> -> memref<128x64xf32, #tpu.memory_space<hbm>>
      %dma_start3A_515 = tpu.memref_slice %arg6[%run_scoped3A_354, %add3A_351, %mul3A_353] : memref<2x102400x128xf32, #tpu.memory_space<hbm>> -> memref<1x128x64xf32, #tpu.memory_space<hbm>>
      %dma_start3A_516 = tpu.memref_squeeze %dma_start3A_515 : memref<1x128x64xf32, #tpu.memory_space<hbm>> -> memref<128x64xf32, #tpu.memory_space<hbm>>
      tpu.enqueue_dma source(%arg10 : memref<128x64xf32, #tpu.memory_space<vmem>>) target(%dma_start3A_516 : memref<128x64xf32, #tpu.memory_space<hbm>>) target_semaphore(%run_scoped3A_512 : memref<!tpu.dma_semaphore, #tpu.memory_space<semaphore_mem>>)
      %dma_wait3A_517 = tpu.memref_slice %arg6[%run_scoped3A_354, %add3A_351, %mul3A_353] : memref<2x102400x128xf32, #tpu.memory_space<hbm>> -> memref<1x128x64xf32, #tpu.memory_space<hbm>>
      %dma_wait3A_518 = tpu.memref_squeeze %dma_wait3A_517 : memref<1x128x64xf32, #tpu.memory_space<hbm>> -> memref<128x64xf32, #tpu.memory_space<hbm>>
      %dma_wait3A_519 = tpu.memref_slice %arg6[%run_scoped3A_354, %add3A_351, %mul3A_353] : memref<2x102400x128xf32, #tpu.memory_space<hbm>> -> memref<1x128x64xf32, #tpu.memory_space<hbm>>
      %dma_wait3A_520 = tpu.memref_squeeze %dma_wait3A_519 : memref<1x128x64xf32, #tpu.memory_space<hbm>> -> memref<128x64xf32, #tpu.memory_space<hbm>>
      tpu.wait_dma2 semaphore(%run_scoped3A_512 : memref<!tpu.dma_semaphore, #tpu.memory_space<semaphore_mem>>) src(%arg10 : memref<128x64xf32, #tpu.memory_space<vmem>>) dst(%dma_wait3A_520 : memref<128x64xf32, #tpu.memory_space<hbm>>)
      tpu.yield
    }) : () -> ()
    %run_scoped3A_355 = arith.constant 1 : i32
    "tpu.region"() ({
      %run_scoped3A_512 = tpu.sem_alloc : memref<!tpu.dma_semaphore, #tpu.memory_space<semaphore_mem>>
      %dma_start3A_513 = arith.constant 0 : i32
      %dma_start3A_514 = arith.constant 0 : i32
      %dma_start3A_515 = tpu.memref_slice %arg2[%run_scoped3A_355, %add3A, %dma_start3A_513, %dma_start3A_514] : memref<2x32x50x128xi32, #tpu.memory_space<hbm>> -> memref<1x1x50x128xi32, #tpu.memory_space<hbm>>
      %dma_start3A_516 = tpu.memref_squeeze %dma_start3A_515 : memref<1x1x50x128xi32, #tpu.memory_space<hbm>> -> memref<50x128xi32, #tpu.memory_space<hbm>>
      %dma_start3A_517 = arith.constant 0 : i32
      %dma_start3A_518 = arith.constant 0 : i32
      %dma_start3A_519 = tpu.memref_slice %arg2[%run_scoped3A_355, %add3A, %dma_start3A_517, %dma_start3A_518] : memref<2x32x50x128xi32, #tpu.memory_space<hbm>> -> memref<1x1x50x128xi32, #tpu.memory_space<hbm>>
      %dma_start3A_520 = tpu.memref_squeeze %dma_start3A_519 : memref<1x1x50x128xi32, #tpu.memory_space<hbm>> -> memref<50x128xi32, #tpu.memory_space<hbm>>
      tpu.enqueue_dma source(%dma_start3A_520 : memref<50x128xi32, #tpu.memory_space<hbm>>) target(%arg8 : memref<50x128xi32, #tpu.memory_space<vmem>>) target_semaphore(%run_scoped3A_512 : memref<!tpu.dma_semaphore, #tpu.memory_space<semaphore_mem>>)
      %dma_wait3A_521 = arith.constant 0 : i32
      %dma_wait3A_522 = arith.constant 0 : i32
      %dma_wait3A_523 = tpu.memref_slice %arg2[%run_scoped3A_355, %add3A, %dma_wait3A_521, %dma_wait3A_522] : memref<2x32x50x128xi32, #tpu.memory_space<hbm>> -> memref<1x1x50x128xi32, #tpu.memory_space<hbm>>
      %dma_wait3A_524 = tpu.memref_squeeze %dma_wait3A_523 : memref<1x1x50x128xi32, #tpu.memory_space<hbm>> -> memref<50x128xi32, #tpu.memory_space<hbm>>
      %dma_wait3A_525 = arith.constant 0 : i32
      %dma_wait3A_526 = arith.constant 0 : i32
      %dma_wait3A_527 = tpu.memref_slice %arg2[%run_scoped3A_355, %add3A, %dma_wait3A_525, %dma_wait3A_526] : memref<2x32x50x128xi32, #tpu.memory_space<hbm>> -> memref<1x1x50x128xi32, #tpu.memory_space<hbm>>
      %dma_wait3A_528 = tpu.memref_squeeze %dma_wait3A_527 : memref<1x1x50x128xi32, #tpu.memory_space<hbm>> -> memref<50x128xi32, #tpu.memory_space<hbm>>
      tpu.wait_dma2 semaphore(%run_scoped3A_512 : memref<!tpu.dma_semaphore, #tpu.memory_space<semaphore_mem>>) src(%dma_wait3A_528 : memref<50x128xi32, #tpu.memory_space<hbm>>) dst(%arg8 : memref<50x128xi32, #tpu.memory_space<vmem>>)
      tpu.yield
    }) : () -> ()
    %dma_start3A_356 = arith.constant 0 : i32
    %dma_start3A_357 = arith.constant 0 : i32
    %dma_start3A_358 = tpu.memref_slice %arg8[%dma_start3A_356, %dma_start3A_357] : memref<50x128xi32, #tpu.memory_space<vmem>> -> memref<1x128xi32, #tpu.memory_space<vmem>>
    %dma_start3A_359 = tpu.memref_squeeze %dma_start3A_358 : memref<1x128xi32, #tpu.memory_space<vmem>> -> memref<128xi32, #tpu.memory_space<vmem>>
    %dma_start3A_360 = arith.constant 0 : i32
    %dma_start3A_361 = arith.constant 0 : i32
    %dma_start3A_362 = tpu.memref_slice %arg4[%dma_start3A_360, %dma_start3A_361] : memref<200000x64xf32, #tpu.memory_space<hbm>> -> memref<200000x64xf32, #tpu.memory_space<hbm>>
    tpu.enqueue_indirect_dma source(%dma_start3A_362 : memref<200000x64xf32, #tpu.memory_space<hbm>>) target(%arg9 : memref<128x64xf32, #tpu.memory_space<vmem>>) offsets(%dma_start3A_359 : memref<128xi32, #tpu.memory_space<vmem>>) semaphore(%arg11 : memref<!tpu.dma_semaphore, #tpu.memory_space<semaphore_mem>>)
    %scan3A_363 = arith.constant 0 : i32
    %scan3A_364 = arith.constant 0 : i32
    %scan3A_365 = arith.constant 24 : i32
    %scan3A_366 = arith.addi %scan3A_364, %scan3A_365 : i32
    %scan3A_367 = arith.constant 1 : i32
    scf.for %scan3A_512 = %scan3A_364 to %scan3A_366 step %scan3A_367  : i32 {
      %mul3A_513 = arith.constant 2 : i32
      %mul3A_514 = arith.muli %mul3A_513, %scan3A_512 : i32
      %add3A_515 = arith.constant 1 : i32
      %add3A_516 = arith.addi %mul3A_514, %add3A_515 : i32
      %dma_start3A_517 = arith.constant 0 : i32
      %dma_start3A_518 = tpu.memref_slice %arg8[%add3A_516, %dma_start3A_517] : memref<50x128xi32, #tpu.memory_space<vmem>> -> memref<1x128xi32, #tpu.memory_space<vmem>>
      %dma_start3A_519 = tpu.memref_squeeze %dma_start3A_518 : memref<1x128xi32, #tpu.memory_space<vmem>> -> memref<128xi32, #tpu.memory_space<vmem>>
      %dma_start3A_520 = arith.constant 0 : i32
      %dma_start3A_521 = arith.constant 0 : i32
      %dma_start3A_522 = tpu.memref_slice %arg4[%dma_start3A_520, %dma_start3A_521] : memref<200000x64xf32, #tpu.memory_space<hbm>> -> memref<200000x64xf32, #tpu.memory_space<hbm>>
      tpu.enqueue_indirect_dma source(%dma_start3A_522 : memref<200000x64xf32, #tpu.memory_space<hbm>>) target(%arg10 : memref<128x64xf32, #tpu.memory_space<vmem>>) offsets(%dma_start3A_519 : memref<128xi32, #tpu.memory_space<vmem>>) semaphore(%arg12 : memref<!tpu.dma_semaphore, #tpu.memory_space<semaphore_mem>>)
      %dma_wait3A_523 = arith.constant 0 : i32
      %dma_wait3A_524 = arith.constant 0 : i32
      %dma_wait3A_525 = tpu.memref_slice %arg4[%dma_wait3A_523, %dma_wait3A_524] : memref<200000x64xf32, #tpu.memory_space<hbm>> -> memref<128x64xf32, #tpu.memory_space<hbm>>
      %dma_wait3A_526 = arith.constant 0 : i32
      %dma_wait3A_527 = arith.constant 0 : i32
      %dma_wait3A_528 = tpu.memref_slice %arg4[%dma_wait3A_526, %dma_wait3A_527] : memref<200000x64xf32, #tpu.memory_space<hbm>> -> memref<128x64xf32, #tpu.memory_space<hbm>>
      tpu.wait_dma2 semaphore(%arg11 : memref<!tpu.dma_semaphore, #tpu.memory_space<semaphore_mem>>) src(%dma_wait3A_528 : memref<128x64xf32, #tpu.memory_space<hbm>>) dst(%arg9 : memref<128x64xf32, #tpu.memory_space<vmem>>)
      %mul3A_529 = arith.constant 128 : i32
      %mul3A_530 = arith.muli %mul3A_514, %mul3A_529 : i32
      %add3A_531 = arith.addi %mul3A_2, %mul3A_530 : i32
      %jit3A_532 = arith.constant 1024 : i32
      %div3A_533 = arith.divsi %add3A_531, %jit3A_532 : i32
      %sign3A_534 = arith.constant 0 : i32
      %sign3A_535 = arith.cmpi sgt, %add3A_531, %sign3A_534 : i32
      %sign3A_536 = arith.extui %sign3A_535 : i1 to i32
      %sign3A_537 = arith.constant 0 : i32
      %sign3A_538 = arith.cmpi slt, %add3A_531, %sign3A_537 : i32
      %sign3A_539 = arith.extui %sign3A_538 : i1 to i32
      %sign3A_540 = arith.subi %sign3A_536, %sign3A_539 : i32
      %sign3A_541 = arith.constant 0 : i32
      %sign3A_542 = arith.cmpi sgt, %jit3A_532, %sign3A_541 : i32
      %sign3A_543 = arith.extui %sign3A_542 : i1 to i32
      %sign3A_544 = arith.constant 0 : i32
      %sign3A_545 = arith.cmpi slt, %jit3A_532, %sign3A_544 : i32
      %sign3A_546 = arith.extui %sign3A_545 : i1 to i32
      %sign3A_547 = arith.subi %sign3A_543, %sign3A_546 : i32
      %ne3A_548 = arith.cmpi ne, %sign3A_540, %sign3A_547 : i32
      %rem3A_549 = arith.remsi %add3A_531, %jit3A_532 : i32
      %ne3A_550 = arith.constant 0 : i32
      %ne3A_551 = arith.cmpi ne, %rem3A_549, %ne3A_550 : i32
      %and3A_552 = arith.andi %ne3A_548, %ne3A_551 : i1
      %sub3A_553 = arith.constant 1 : i32
      %sub3A_554 = arith.subi %div3A_533, %sub3A_553 : i32
      %select_n3A_555 = arith.select %and3A_552, %sub3A_554, %div3A_533 : i32
      %mul3A_556 = arith.constant 1024 : i32
      %mul3A_557 = arith.muli %select_n3A_555, %mul3A_556 : i32
      %sub3A_558 = arith.subi %add3A_531, %mul3A_557 : i32
      %jit3A_559 = arith.constant 512 : i32
      %div3A_560 = arith.divsi %sub3A_558, %jit3A_559 : i32
      %sign3A_561 = arith.constant 0 : i32
      %sign3A_562 = arith.cmpi sgt, %sub3A_558, %sign3A_561 : i32
      %sign3A_563 = arith.extui %sign3A_562 : i1 to i32
      %sign3A_564 = arith.constant 0 : i32
      %sign3A_565 = arith.cmpi slt, %sub3A_558, %sign3A_564 : i32
      %sign3A_566 = arith.extui %sign3A_565 : i1 to i32
      %sign3A_567 = arith.subi %sign3A_563, %sign3A_566 : i32
      %sign3A_568 = arith.constant 0 : i32
      %sign3A_569 = arith.cmpi sgt, %jit3A_559, %sign3A_568 : i32
      %sign3A_570 = arith.extui %sign3A_569 : i1 to i32
      %sign3A_571 = arith.constant 0 : i32
      %sign3A_572 = arith.cmpi slt, %jit3A_559, %sign3A_571 : i32
      %sign3A_573 = arith.extui %sign3A_572 : i1 to i32
      %sign3A_574 = arith.subi %sign3A_570, %sign3A_573 : i32
      %ne3A_575 = arith.cmpi ne, %sign3A_567, %sign3A_574 : i32
      %rem3A_576 = arith.remsi %sub3A_558, %jit3A_559 : i32
      %ne3A_577 = arith.constant 0 : i32
      %ne3A_578 = arith.cmpi ne, %rem3A_576, %ne3A_577 : i32
      %and3A_579 = arith.andi %ne3A_575, %ne3A_578 : i1
      %sub3A_580 = arith.constant 1 : i32
      %sub3A_581 = arith.subi %div3A_560, %sub3A_580 : i32
      %select_n3A_582 = arith.select %and3A_579, %sub3A_581, %div3A_560 : i32
      %mul3A_583 = arith.constant 512 : i32
      %mul3A_584 = arith.muli %select_n3A_582, %mul3A_583 : i32
      %sub3A_585 = arith.subi %sub3A_558, %mul3A_584 : i32
      %mul3A_586 = arith.constant 512 : i32
      %mul3A_587 = arith.muli %select_n3A_555, %mul3A_586 : i32
      %add3A_588 = arith.addi %mul3A_587, %sub3A_585 : i32
      %mul3A_589 = arith.constant 64 : i32
      %mul3A_590 = arith.muli %select_n3A_582, %mul3A_589 : i32
      %run_scoped3A_591 = arith.constant 1 : i32
      "tpu.region"() ({
        %run_scoped3A_671 = tpu.sem_alloc : memref<!tpu.dma_semaphore, #tpu.memory_space<semaphore_mem>>
        %dma_start3A_672 = tpu.memref_slice %arg6[%run_scoped3A_591, %add3A_588, %mul3A_590] : memref<2x102400x128xf32, #tpu.memory_space<hbm>> -> memref<1x128x64xf32, #tpu.memory_space<hbm>>
        %dma_start3A_673 = tpu.memref_squeeze %dma_start3A_672 : memref<1x128x64xf32, #tpu.memory_space<hbm>> -> memref<128x64xf32, #tpu.memory_space<hbm>>
        %dma_start3A_674 = tpu.memref_slice %arg6[%run_scoped3A_591, %add3A_588, %mul3A_590] : memref<2x102400x128xf32, #tpu.memory_space<hbm>> -> memref<1x128x64xf32, #tpu.memory_space<hbm>>
        %dma_start3A_675 = tpu.memref_squeeze %dma_start3A_674 : memref<1x128x64xf32, #tpu.memory_space<hbm>> -> memref<128x64xf32, #tpu.memory_space<hbm>>
        tpu.enqueue_dma source(%arg9 : memref<128x64xf32, #tpu.memory_space<vmem>>) target(%dma_start3A_675 : memref<128x64xf32, #tpu.memory_space<hbm>>) target_semaphore(%run_scoped3A_671 : memref<!tpu.dma_semaphore, #tpu.memory_space<semaphore_mem>>)
        %dma_wait3A_676 = tpu.memref_slice %arg6[%run_scoped3A_591, %add3A_588, %mul3A_590] : memref<2x102400x128xf32, #tpu.memory_space<hbm>> -> memref<1x128x64xf32, #tpu.memory_space<hbm>>
        %dma_wait3A_677 = tpu.memref_squeeze %dma_wait3A_676 : memref<1x128x64xf32, #tpu.memory_space<hbm>> -> memref<128x64xf32, #tpu.memory_space<hbm>>
        %dma_wait3A_678 = tpu.memref_slice %arg6[%run_scoped3A_591, %add3A_588, %mul3A_590] : memref<2x102400x128xf32, #tpu.memory_space<hbm>> -> memref<1x128x64xf32, #tpu.memory_space<hbm>>
        %dma_wait3A_679 = tpu.memref_squeeze %dma_wait3A_678 : memref<1x128x64xf32, #tpu.memory_space<hbm>> -> memref<128x64xf32, #tpu.memory_space<hbm>>
        tpu.wait_dma2 semaphore(%run_scoped3A_671 : memref<!tpu.dma_semaphore, #tpu.memory_space<semaphore_mem>>) src(%arg9 : memref<128x64xf32, #tpu.memory_space<vmem>>) dst(%dma_wait3A_679 : memref<128x64xf32, #tpu.memory_space<hbm>>)
        tpu.yield
      }) : () -> ()
      %add3A_592 = arith.constant 2 : i32
      %add3A_593 = arith.addi %mul3A_514, %add3A_592 : i32
      %dma_start3A_594 = arith.constant 0 : i32
      %dma_start3A_595 = tpu.memref_slice %arg8[%add3A_593, %dma_start3A_594] : memref<50x128xi32, #tpu.memory_space<vmem>> -> memref<1x128xi32, #tpu.memory_space<vmem>>
      %dma_start3A_596 = tpu.memref_squeeze %dma_start3A_595 : memref<1x128xi32, #tpu.memory_space<vmem>> -> memref<128xi32, #tpu.memory_space<vmem>>
      %dma_start3A_597 = arith.constant 0 : i32
      %dma_start3A_598 = arith.constant 0 : i32
      %dma_start3A_599 = tpu.memref_slice %arg4[%dma_start3A_597, %dma_start3A_598] : memref<200000x64xf32, #tpu.memory_space<hbm>> -> memref<200000x64xf32, #tpu.memory_space<hbm>>
      tpu.enqueue_indirect_dma source(%dma_start3A_599 : memref<200000x64xf32, #tpu.memory_space<hbm>>) target(%arg9 : memref<128x64xf32, #tpu.memory_space<vmem>>) offsets(%dma_start3A_596 : memref<128xi32, #tpu.memory_space<vmem>>) semaphore(%arg11 : memref<!tpu.dma_semaphore, #tpu.memory_space<semaphore_mem>>)
      %dma_wait3A_600 = arith.constant 0 : i32
      %dma_wait3A_601 = arith.constant 0 : i32
      %dma_wait3A_602 = tpu.memref_slice %arg4[%dma_wait3A_600, %dma_wait3A_601] : memref<200000x64xf32, #tpu.memory_space<hbm>> -> memref<128x64xf32, #tpu.memory_space<hbm>>
      %dma_wait3A_603 = arith.constant 0 : i32
      %dma_wait3A_604 = arith.constant 0 : i32
      %dma_wait3A_605 = tpu.memref_slice %arg4[%dma_wait3A_603, %dma_wait3A_604] : memref<200000x64xf32, #tpu.memory_space<hbm>> -> memref<128x64xf32, #tpu.memory_space<hbm>>
      tpu.wait_dma2 semaphore(%arg12 : memref<!tpu.dma_semaphore, #tpu.memory_space<semaphore_mem>>) src(%dma_wait3A_605 : memref<128x64xf32, #tpu.memory_space<hbm>>) dst(%arg10 : memref<128x64xf32, #tpu.memory_space<vmem>>)
      %add3A_606 = arith.constant 1 : i32
      %add3A_607 = arith.addi %mul3A_514, %add3A_606 : i32
      %mul3A_608 = arith.constant 128 : i32
      %mul3A_609 = arith.muli %add3A_607, %mul3A_608 : i32
      %add3A_610 = arith.addi %mul3A_2, %mul3A_609 : i32
      %jit3A_611 = arith.constant 1024 : i32
      %div3A_612 = arith.divsi %add3A_610, %jit3A_611 : i32
      %sign3A_613 = arith.constant 0 : i32
      %sign3A_614 = arith.cmpi sgt, %add3A_610, %sign3A_613 : i32
      %sign3A_615 = arith.extui %sign3A_614 : i1 to i32
      %sign3A_616 = arith.constant 0 : i32
      %sign3A_617 = arith.cmpi slt, %add3A_610, %sign3A_616 : i32
      %sign3A_618 = arith.extui %sign3A_617 : i1 to i32
      %sign3A_619 = arith.subi %sign3A_615, %sign3A_618 : i32
      %sign3A_620 = arith.constant 0 : i32
      %sign3A_621 = arith.cmpi sgt, %jit3A_611, %sign3A_620 : i32
      %sign3A_622 = arith.extui %sign3A_621 : i1 to i32
      %sign3A_623 = arith.constant 0 : i32
      %sign3A_624 = arith.cmpi slt, %jit3A_611, %sign3A_623 : i32
      %sign3A_625 = arith.extui %sign3A_624 : i1 to i32
      %sign3A_626 = arith.subi %sign3A_622, %sign3A_625 : i32
      %ne3A_627 = arith.cmpi ne, %sign3A_619, %sign3A_626 : i32
      %rem3A_628 = arith.remsi %add3A_610, %jit3A_611 : i32
      %ne3A_629 = arith.constant 0 : i32
      %ne3A_630 = arith.cmpi ne, %rem3A_628, %ne3A_629 : i32
      %and3A_631 = arith.andi %ne3A_627, %ne3A_630 : i1
      %sub3A_632 = arith.constant 1 : i32
      %sub3A_633 = arith.subi %div3A_612, %sub3A_632 : i32
      %select_n3A_634 = arith.select %and3A_631, %sub3A_633, %div3A_612 : i32
      %mul3A_635 = arith.constant 1024 : i32
      %mul3A_636 = arith.muli %select_n3A_634, %mul3A_635 : i32
      %sub3A_637 = arith.subi %add3A_610, %mul3A_636 : i32
      %jit3A_638 = arith.constant 512 : i32
      %div3A_639 = arith.divsi %sub3A_637, %jit3A_638 : i32
      %sign3A_640 = arith.constant 0 : i32
      %sign3A_641 = arith.cmpi sgt, %sub3A_637, %sign3A_640 : i32
      %sign3A_642 = arith.extui %sign3A_641 : i1 to i32
      %sign3A_643 = arith.constant 0 : i32
      %sign3A_644 = arith.cmpi slt, %sub3A_637, %sign3A_643 : i32
      %sign3A_645 = arith.extui %sign3A_644 : i1 to i32
      %sign3A_646 = arith.subi %sign3A_642, %sign3A_645 : i32
      %sign3A_647 = arith.constant 0 : i32
      %sign3A_648 = arith.cmpi sgt, %jit3A_638, %sign3A_647 : i32
      %sign3A_649 = arith.extui %sign3A_648 : i1 to i32
      %sign3A_650 = arith.constant 0 : i32
      %sign3A_651 = arith.cmpi slt, %jit3A_638, %sign3A_650 : i32
      %sign3A_652 = arith.extui %sign3A_651 : i1 to i32
      %sign3A_653 = arith.subi %sign3A_649, %sign3A_652 : i32
      %ne3A_654 = arith.cmpi ne, %sign3A_646, %sign3A_653 : i32
      %rem3A_655 = arith.remsi %sub3A_637, %jit3A_638 : i32
      %ne3A_656 = arith.constant 0 : i32
      %ne3A_657 = arith.cmpi ne, %rem3A_655, %ne3A_656 : i32
      %and3A_658 = arith.andi %ne3A_654, %ne3A_657 : i1
      %sub3A_659 = arith.constant 1 : i32
      %sub3A_660 = arith.subi %div3A_639, %sub3A_659 : i32
      %select_n3A_661 = arith.select %and3A_658, %sub3A_660, %div3A_639 : i32
      %mul3A_662 = arith.constant 512 : i32
      %mul3A_663 = arith.muli %select_n3A_661, %mul3A_662 : i32
      %sub3A_664 = arith.subi %sub3A_637, %mul3A_663 : i32
      %mul3A_665 = arith.constant 512 : i32
      %mul3A_666 = arith.muli %select_n3A_634, %mul3A_665 : i32
      %add3A_667 = arith.addi %mul3A_666, %sub3A_664 : i32
      %mul3A_668 = arith.constant 64 : i32
      %mul3A_669 = arith.muli %select_n3A_661, %mul3A_668 : i32
      %run_scoped3A_670 = arith.constant 1 : i32
      "tpu.region"() ({
        %run_scoped3A_671 = tpu.sem_alloc : memref<!tpu.dma_semaphore, #tpu.memory_space<semaphore_mem>>
        %dma_start3A_672 = tpu.memref_slice %arg6[%run_scoped3A_670, %add3A_667, %mul3A_669] : memref<2x102400x128xf32, #tpu.memory_space<hbm>> -> memref<1x128x64xf32, #tpu.memory_space<hbm>>
        %dma_start3A_673 = tpu.memref_squeeze %dma_start3A_672 : memref<1x128x64xf32, #tpu.memory_space<hbm>> -> memref<128x64xf32, #tpu.memory_space<hbm>>
        %dma_start3A_674 = tpu.memref_slice %arg6[%run_scoped3A_670, %add3A_667, %mul3A_669] : memref<2x102400x128xf32, #tpu.memory_space<hbm>> -> memref<1x128x64xf32, #tpu.memory_space<hbm>>
        %dma_start3A_675 = tpu.memref_squeeze %dma_start3A_674 : memref<1x128x64xf32, #tpu.memory_space<hbm>> -> memref<128x64xf32, #tpu.memory_space<hbm>>
        tpu.enqueue_dma source(%arg10 : memref<128x64xf32, #tpu.memory_space<vmem>>) target(%dma_start3A_675 : memref<128x64xf32, #tpu.memory_space<hbm>>) target_semaphore(%run_scoped3A_671 : memref<!tpu.dma_semaphore, #tpu.memory_space<semaphore_mem>>)
        %dma_wait3A_676 = tpu.memref_slice %arg6[%run_scoped3A_670, %add3A_667, %mul3A_669] : memref<2x102400x128xf32, #tpu.memory_space<hbm>> -> memref<1x128x64xf32, #tpu.memory_space<hbm>>
        %dma_wait3A_677 = tpu.memref_squeeze %dma_wait3A_676 : memref<1x128x64xf32, #tpu.memory_space<hbm>> -> memref<128x64xf32, #tpu.memory_space<hbm>>
        %dma_wait3A_678 = tpu.memref_slice %arg6[%run_scoped3A_670, %add3A_667, %mul3A_669] : memref<2x102400x128xf32, #tpu.memory_space<hbm>> -> memref<1x128x64xf32, #tpu.memory_space<hbm>>
        %dma_wait3A_679 = tpu.memref_squeeze %dma_wait3A_678 : memref<1x128x64xf32, #tpu.memory_space<hbm>> -> memref<128x64xf32, #tpu.memory_space<hbm>>
        tpu.wait_dma2 semaphore(%run_scoped3A_671 : memref<!tpu.dma_semaphore, #tpu.memory_space<semaphore_mem>>) src(%arg10 : memref<128x64xf32, #tpu.memory_space<vmem>>) dst(%dma_wait3A_679 : memref<128x64xf32, #tpu.memory_space<hbm>>)
        tpu.yield
      }) : () -> ()
    }
    %scan3A_368 = arith.constant 24 : i32
    %dma_start3A_369 = arith.constant 49 : i32
    %dma_start3A_370 = arith.constant 0 : i32
    %dma_start3A_371 = tpu.memref_slice %arg8[%dma_start3A_369, %dma_start3A_370] : memref<50x128xi32, #tpu.memory_space<vmem>> -> memref<1x128xi32, #tpu.memory_space<vmem>>
    %dma_start3A_372 = tpu.memref_squeeze %dma_start3A_371 : memref<1x128xi32, #tpu.memory_space<vmem>> -> memref<128xi32, #tpu.memory_space<vmem>>
    %dma_start3A_373 = arith.constant 0 : i32
    %dma_start3A_374 = arith.constant 0 : i32
    %dma_start3A_375 = tpu.memref_slice %arg4[%dma_start3A_373, %dma_start3A_374] : memref<200000x64xf32, #tpu.memory_space<hbm>> -> memref<200000x64xf32, #tpu.memory_space<hbm>>
    tpu.enqueue_indirect_dma source(%dma_start3A_375 : memref<200000x64xf32, #tpu.memory_space<hbm>>) target(%arg10 : memref<128x64xf32, #tpu.memory_space<vmem>>) offsets(%dma_start3A_372 : memref<128xi32, #tpu.memory_space<vmem>>) semaphore(%arg12 : memref<!tpu.dma_semaphore, #tpu.memory_space<semaphore_mem>>)
    %dma_wait3A_376 = arith.constant 0 : i32
    %dma_wait3A_377 = arith.constant 0 : i32
    %dma_wait3A_378 = tpu.memref_slice %arg4[%dma_wait3A_376, %dma_wait3A_377] : memref<200000x64xf32, #tpu.memory_space<hbm>> -> memref<128x64xf32, #tpu.memory_space<hbm>>
    %dma_wait3A_379 = arith.constant 0 : i32
    %dma_wait3A_380 = arith.constant 0 : i32
    %dma_wait3A_381 = tpu.memref_slice %arg4[%dma_wait3A_379, %dma_wait3A_380] : memref<200000x64xf32, #tpu.memory_space<hbm>> -> memref<128x64xf32, #tpu.memory_space<hbm>>
    tpu.wait_dma2 semaphore(%arg11 : memref<!tpu.dma_semaphore, #tpu.memory_space<semaphore_mem>>) src(%dma_wait3A_381 : memref<128x64xf32, #tpu.memory_space<hbm>>) dst(%arg9 : memref<128x64xf32, #tpu.memory_space<vmem>>)
    %add3A_382 = arith.constant 6144 : i32
    %add3A_383 = arith.addi %mul3A_2, %add3A_382 : i32
    %jit3A_384 = arith.constant 1024 : i32
    %div3A_385 = arith.divsi %add3A_383, %jit3A_384 : i32
    %sign3A_386 = arith.constant 0 : i32
    %sign3A_387 = arith.cmpi sgt, %add3A_383, %sign3A_386 : i32
    %sign3A_388 = arith.extui %sign3A_387 : i1 to i32
    %sign3A_389 = arith.constant 0 : i32
    %sign3A_390 = arith.cmpi slt, %add3A_383, %sign3A_389 : i32
    %sign3A_391 = arith.extui %sign3A_390 : i1 to i32
    %sign3A_392 = arith.subi %sign3A_388, %sign3A_391 : i32
    %sign3A_393 = arith.constant 0 : i32
    %sign3A_394 = arith.cmpi sgt, %jit3A_384, %sign3A_393 : i32
    %sign3A_395 = arith.extui %sign3A_394 : i1 to i32
    %sign3A_396 = arith.constant 0 : i32
    %sign3A_397 = arith.cmpi slt, %jit3A_384, %sign3A_396 : i32
    %sign3A_398 = arith.extui %sign3A_397 : i1 to i32
    %sign3A_399 = arith.subi %sign3A_395, %sign3A_398 : i32
    %ne3A_400 = arith.cmpi ne, %sign3A_392, %sign3A_399 : i32
    %rem3A_401 = arith.remsi %add3A_383, %jit3A_384 : i32
    %ne3A_402 = arith.constant 0 : i32
    %ne3A_403 = arith.cmpi ne, %rem3A_401, %ne3A_402 : i32
    %and3A_404 = arith.andi %ne3A_400, %ne3A_403 : i1
    %sub3A_405 = arith.constant 1 : i32
    %sub3A_406 = arith.subi %div3A_385, %sub3A_405 : i32
    %select_n3A_407 = arith.select %and3A_404, %sub3A_406, %div3A_385 : i32
    %mul3A_408 = arith.constant 1024 : i32
    %mul3A_409 = arith.muli %select_n3A_407, %mul3A_408 : i32
    %sub3A_410 = arith.subi %add3A_383, %mul3A_409 : i32
    %jit3A_411 = arith.constant 512 : i32
    %div3A_412 = arith.divsi %sub3A_410, %jit3A_411 : i32
    %sign3A_413 = arith.constant 0 : i32
    %sign3A_414 = arith.cmpi sgt, %sub3A_410, %sign3A_413 : i32
    %sign3A_415 = arith.extui %sign3A_414 : i1 to i32
    %sign3A_416 = arith.constant 0 : i32
    %sign3A_417 = arith.cmpi slt, %sub3A_410, %sign3A_416 : i32
    %sign3A_418 = arith.extui %sign3A_417 : i1 to i32
    %sign3A_419 = arith.subi %sign3A_415, %sign3A_418 : i32
    %sign3A_420 = arith.constant 0 : i32
    %sign3A_421 = arith.cmpi sgt, %jit3A_411, %sign3A_420 : i32
    %sign3A_422 = arith.extui %sign3A_421 : i1 to i32
    %sign3A_423 = arith.constant 0 : i32
    %sign3A_424 = arith.cmpi slt, %jit3A_411, %sign3A_423 : i32
    %sign3A_425 = arith.extui %sign3A_424 : i1 to i32
    %sign3A_426 = arith.subi %sign3A_422, %sign3A_425 : i32
    %ne3A_427 = arith.cmpi ne, %sign3A_419, %sign3A_426 : i32
    %rem3A_428 = arith.remsi %sub3A_410, %jit3A_411 : i32
    %ne3A_429 = arith.constant 0 : i32
    %ne3A_430 = arith.cmpi ne, %rem3A_428, %ne3A_429 : i32
    %and3A_431 = arith.andi %ne3A_427, %ne3A_430 : i1
    %sub3A_432 = arith.constant 1 : i32
    %sub3A_433 = arith.subi %div3A_412, %sub3A_432 : i32
    %select_n3A_434 = arith.select %and3A_431, %sub3A_433, %div3A_412 : i32
    %mul3A_435 = arith.constant 512 : i32
    %mul3A_436 = arith.muli %select_n3A_434, %mul3A_435 : i32
    %sub3A_437 = arith.subi %sub3A_410, %mul3A_436 : i32
    %mul3A_438 = arith.constant 512 : i32
    %mul3A_439 = arith.muli %select_n3A_407, %mul3A_438 : i32
    %add3A_440 = arith.addi %mul3A_439, %sub3A_437 : i32
    %mul3A_441 = arith.constant 64 : i32
    %mul3A_442 = arith.muli %select_n3A_434, %mul3A_441 : i32
    %run_scoped3A_443 = arith.constant 1 : i32
    "tpu.region"() ({
      %run_scoped3A_512 = tpu.sem_alloc : memref<!tpu.dma_semaphore, #tpu.memory_space<semaphore_mem>>
      %dma_start3A_513 = tpu.memref_slice %arg6[%run_scoped3A_443, %add3A_440, %mul3A_442] : memref<2x102400x128xf32, #tpu.memory_space<hbm>> -> memref<1x128x64xf32, #tpu.memory_space<hbm>>
      %dma_start3A_514 = tpu.memref_squeeze %dma_start3A_513 : memref<1x128x64xf32, #tpu.memory_space<hbm>> -> memref<128x64xf32, #tpu.memory_space<hbm>>
      %dma_start3A_515 = tpu.memref_slice %arg6[%run_scoped3A_443, %add3A_440, %mul3A_442] : memref<2x102400x128xf32, #tpu.memory_space<hbm>> -> memref<1x128x64xf32, #tpu.memory_space<hbm>>
      %dma_start3A_516 = tpu.memref_squeeze %dma_start3A_515 : memref<1x128x64xf32, #tpu.memory_space<hbm>> -> memref<128x64xf32, #tpu.memory_space<hbm>>
      tpu.enqueue_dma source(%arg9 : memref<128x64xf32, #tpu.memory_space<vmem>>) target(%dma_start3A_516 : memref<128x64xf32, #tpu.memory_space<hbm>>) target_semaphore(%run_scoped3A_512 : memref<!tpu.dma_semaphore, #tpu.memory_space<semaphore_mem>>)
      %dma_wait3A_517 = tpu.memref_slice %arg6[%run_scoped3A_443, %add3A_440, %mul3A_442] : memref<2x102400x128xf32, #tpu.memory_space<hbm>> -> memref<1x128x64xf32, #tpu.memory_space<hbm>>
      %dma_wait3A_518 = tpu.memref_squeeze %dma_wait3A_517 : memref<1x128x64xf32, #tpu.memory_space<hbm>> -> memref<128x64xf32, #tpu.memory_space<hbm>>
      %dma_wait3A_519 = tpu.memref_slice %arg6[%run_scoped3A_443, %add3A_440, %mul3A_442] : memref<2x102400x128xf32, #tpu.memory_space<hbm>> -> memref<1x128x64xf32, #tpu.memory_space<hbm>>
      %dma_wait3A_520 = tpu.memref_squeeze %dma_wait3A_519 : memref<1x128x64xf32, #tpu.memory_space<hbm>> -> memref<128x64xf32, #tpu.memory_space<hbm>>
      tpu.wait_dma2 semaphore(%run_scoped3A_512 : memref<!tpu.dma_semaphore, #tpu.memory_space<semaphore_mem>>) src(%arg9 : memref<128x64xf32, #tpu.memory_space<vmem>>) dst(%dma_wait3A_520 : memref<128x64xf32, #tpu.memory_space<hbm>>)
      tpu.yield
    }) : () -> ()
    %dma_wait3A_444 = arith.constant 0 : i32
    %dma_wait3A_445 = arith.constant 0 : i32
    %dma_wait3A_446 = tpu.memref_slice %arg4[%dma_wait3A_444, %dma_wait3A_445] : memref<200000x64xf32, #tpu.memory_space<hbm>> -> memref<128x64xf32, #tpu.memory_space<hbm>>
    %dma_wait3A_447 = arith.constant 0 : i32
    %dma_wait3A_448 = arith.constant 0 : i32
    %dma_wait3A_449 = tpu.memref_slice %arg4[%dma_wait3A_447, %dma_wait3A_448] : memref<200000x64xf32, #tpu.memory_space<hbm>> -> memref<128x64xf32, #tpu.memory_space<hbm>>
    tpu.wait_dma2 semaphore(%arg12 : memref<!tpu.dma_semaphore, #tpu.memory_space<semaphore_mem>>) src(%dma_wait3A_449 : memref<128x64xf32, #tpu.memory_space<hbm>>) dst(%arg10 : memref<128x64xf32, #tpu.memory_space<vmem>>)
    %add3A_450 = arith.constant 6272 : i32
    %add3A_451 = arith.addi %mul3A_2, %add3A_450 : i32
    %jit3A_452 = arith.constant 1024 : i32
    %div3A_453 = arith.divsi %add3A_451, %jit3A_452 : i32
    %sign3A_454 = arith.constant 0 : i32
    %sign3A_455 = arith.cmpi sgt, %add3A_451, %sign3A_454 : i32
    %sign3A_456 = arith.extui %sign3A_455 : i1 to i32
    %sign3A_457 = arith.constant 0 : i32
    %sign3A_458 = arith.cmpi slt, %add3A_451, %sign3A_457 : i32
    %sign3A_459 = arith.extui %sign3A_458 : i1 to i32
    %sign3A_460 = arith.subi %sign3A_456, %sign3A_459 : i32
    %sign3A_461 = arith.constant 0 : i32
    %sign3A_462 = arith.cmpi sgt, %jit3A_452, %sign3A_461 : i32
    %sign3A_463 = arith.extui %sign3A_462 : i1 to i32
    %sign3A_464 = arith.constant 0 : i32
    %sign3A_465 = arith.cmpi slt, %jit3A_452, %sign3A_464 : i32
    %sign3A_466 = arith.extui %sign3A_465 : i1 to i32
    %sign3A_467 = arith.subi %sign3A_463, %sign3A_466 : i32
    %ne3A_468 = arith.cmpi ne, %sign3A_460, %sign3A_467 : i32
    %rem3A_469 = arith.remsi %add3A_451, %jit3A_452 : i32
    %ne3A_470 = arith.constant 0 : i32
    %ne3A_471 = arith.cmpi ne, %rem3A_469, %ne3A_470 : i32
    %and3A_472 = arith.andi %ne3A_468, %ne3A_471 : i1
    %sub3A_473 = arith.constant 1 : i32
    %sub3A_474 = arith.subi %div3A_453, %sub3A_473 : i32
    %select_n3A_475 = arith.select %and3A_472, %sub3A_474, %div3A_453 : i32
    %mul3A_476 = arith.constant 1024 : i32
    %mul3A_477 = arith.muli %select_n3A_475, %mul3A_476 : i32
    %sub3A_478 = arith.subi %add3A_451, %mul3A_477 : i32
    %jit3A_479 = arith.constant 512 : i32
    %div3A_480 = arith.divsi %sub3A_478, %jit3A_479 : i32
    %sign3A_481 = arith.constant 0 : i32
    %sign3A_482 = arith.cmpi sgt, %sub3A_478, %sign3A_481 : i32
    %sign3A_483 = arith.extui %sign3A_482 : i1 to i32
    %sign3A_484 = arith.constant 0 : i32
    %sign3A_485 = arith.cmpi slt, %sub3A_478, %sign3A_484 : i32
    %sign3A_486 = arith.extui %sign3A_485 : i1 to i32
    %sign3A_487 = arith.subi %sign3A_483, %sign3A_486 : i32
    %sign3A_488 = arith.constant 0 : i32
    %sign3A_489 = arith.cmpi sgt, %jit3A_479, %sign3A_488 : i32
    %sign3A_490 = arith.extui %sign3A_489 : i1 to i32
    %sign3A_491 = arith.constant 0 : i32
    %sign3A_492 = arith.cmpi slt, %jit3A_479, %sign3A_491 : i32
    %sign3A_493 = arith.extui %sign3A_492 : i1 to i32
    %sign3A_494 = arith.subi %sign3A_490, %sign3A_493 : i32
    %ne3A_495 = arith.cmpi ne, %sign3A_487, %sign3A_494 : i32
    %rem3A_496 = arith.remsi %sub3A_478, %jit3A_479 : i32
    %ne3A_497 = arith.constant 0 : i32
    %ne3A_498 = arith.cmpi ne, %rem3A_496, %ne3A_497 : i32
    %and3A_499 = arith.andi %ne3A_495, %ne3A_498 : i1
    %sub3A_500 = arith.constant 1 : i32
    %sub3A_501 = arith.subi %div3A_480, %sub3A_500 : i32
    %select_n3A_502 = arith.select %and3A_499, %sub3A_501, %div3A_480 : i32
    %mul3A_503 = arith.constant 512 : i32
    %mul3A_504 = arith.muli %select_n3A_502, %mul3A_503 : i32
    %sub3A_505 = arith.subi %sub3A_478, %mul3A_504 : i32
    %mul3A_506 = arith.constant 512 : i32
    %mul3A_507 = arith.muli %select_n3A_475, %mul3A_506 : i32
    %add3A_508 = arith.addi %mul3A_507, %sub3A_505 : i32
    %mul3A_509 = arith.constant 64 : i32
    %mul3A_510 = arith.muli %select_n3A_502, %mul3A_509 : i32
    %run_scoped3A_511 = arith.constant 1 : i32
    "tpu.region"() ({
      %run_scoped3A_512 = tpu.sem_alloc : memref<!tpu.dma_semaphore, #tpu.memory_space<semaphore_mem>>
      %dma_start3A_513 = tpu.memref_slice %arg6[%run_scoped3A_511, %add3A_508, %mul3A_510] : memref<2x102400x128xf32, #tpu.memory_space<hbm>> -> memref<1x128x64xf32, #tpu.memory_space<hbm>>
      %dma_start3A_514 = tpu.memref_squeeze %dma_start3A_513 : memref<1x128x64xf32, #tpu.memory_space<hbm>> -> memref<128x64xf32, #tpu.memory_space<hbm>>
      %dma_start3A_515 = tpu.memref_slice %arg6[%run_scoped3A_511, %add3A_508, %mul3A_510] : memref<2x102400x128xf32, #tpu.memory_space<hbm>> -> memref<1x128x64xf32, #tpu.memory_space<hbm>>
      %dma_start3A_516 = tpu.memref_squeeze %dma_start3A_515 : memref<1x128x64xf32, #tpu.memory_space<hbm>> -> memref<128x64xf32, #tpu.memory_space<hbm>>
      tpu.enqueue_dma source(%arg10 : memref<128x64xf32, #tpu.memory_space<vmem>>) target(%dma_start3A_516 : memref<128x64xf32, #tpu.memory_space<hbm>>) target_semaphore(%run_scoped3A_512 : memref<!tpu.dma_semaphore, #tpu.memory_space<semaphore_mem>>)
      %dma_wait3A_517 = tpu.memref_slice %arg6[%run_scoped3A_511, %add3A_508, %mul3A_510] : memref<2x102400x128xf32, #tpu.memory_space<hbm>> -> memref<1x128x64xf32, #tpu.memory_space<hbm>>
      %dma_wait3A_518 = tpu.memref_squeeze %dma_wait3A_517 : memref<1x128x64xf32, #tpu.memory_space<hbm>> -> memref<128x64xf32, #tpu.memory_space<hbm>>
      %dma_wait3A_519 = tpu.memref_slice %arg6[%run_scoped3A_511, %add3A_508, %mul3A_510] : memref<2x102400x128xf32, #tpu.memory_space<hbm>> -> memref<1x128x64xf32, #tpu.memory_space<hbm>>
      %dma_wait3A_520 = tpu.memref_squeeze %dma_wait3A_519 : memref<1x128x64xf32, #tpu.memory_space<hbm>> -> memref<128x64xf32, #tpu.memory_space<hbm>>
      tpu.wait_dma2 semaphore(%run_scoped3A_512 : memref<!tpu.dma_semaphore, #tpu.memory_space<semaphore_mem>>) src(%arg10 : memref<128x64xf32, #tpu.memory_space<vmem>>) dst(%dma_wait3A_520 : memref<128x64xf32, #tpu.memory_space<hbm>>)
      tpu.yield
    }) : () -> ()
    return
  }
}

#map = affine_map<(d0, d1) -> (0, 0, 0, 0)>
#map1 = affine_map<(d0, d1) -> (0, 0)>
#map2 = affine_map<(d0, d1) -> (0, 0, 0)>
module attributes {stable_mosaic.version = 14 : i64} {
  func.func @_sc_gather_k(%arg0: i32, %arg1: i32, %arg2: memref<3x32x50x128xi32, #tpu.memory_space<hbm>>, %arg3: memref<300000x64xf32, #tpu.memory_space<hbm>>, %arg4: memref<3x102400x128xf32, #tpu.memory_space<hbm>>, %arg5: memref<50x128xi32, #tpu.memory_space<vmem>>, %arg6: memref<128x64xf32, #tpu.memory_space<vmem>>, %arg7: memref<128x64xf32, #tpu.memory_space<vmem>>, %arg8: memref<!tpu.dma_semaphore, #tpu.memory_space<semaphore_mem>>, %arg9: memref<!tpu.dma_semaphore, #tpu.memory_space<semaphore_mem>>) attributes {dimension_semantics = [#tpu.dimension_semantics<core_parallel>, #tpu.dimension_semantics<subcore_parallel>], iteration_bounds = array<i64: 2, 16>, scalar_prefetch = 0 : i64, scratch_operands = 5 : i64, tpu.core_type = #tpu.core_type<sc_vector_subcore>, window_params = [{transform_indices = #map}, {transform_indices = #map1}, {transform_indices = #map2}]} {
    %mul3A = arith.constant 2 : i32
    %mul3A_0 = arith.muli %arg1, %mul3A : i32
    %add3A = arith.addi %mul3A_0, %arg0 : i32
    %mul3A_1 = arith.constant 6400 : i32
    %mul3A_2 = arith.muli %add3A, %mul3A_1 : i32
    %run_scoped3A = arith.constant 0 : i32
    "tpu.region"() ({
      %run_scoped3A_462 = tpu.sem_alloc : memref<!tpu.dma_semaphore, #tpu.memory_space<semaphore_mem>>
      %dma_start3A_463 = arith.constant 0 : i32
      %dma_start3A_464 = arith.constant 0 : i32
      %dma_start3A_465 = tpu.memref_slice %arg2[%run_scoped3A, %add3A, %dma_start3A_463, %dma_start3A_464] : memref<3x32x50x128xi32, #tpu.memory_space<hbm>> -> memref<1x1x50x128xi32, #tpu.memory_space<hbm>>
      %dma_start3A_466 = tpu.memref_squeeze %dma_start3A_465 : memref<1x1x50x128xi32, #tpu.memory_space<hbm>> -> memref<50x128xi32, #tpu.memory_space<hbm>>
      %dma_start3A_467 = arith.constant 0 : i32
      %dma_start3A_468 = arith.constant 0 : i32
      %dma_start3A_469 = tpu.memref_slice %arg2[%run_scoped3A, %add3A, %dma_start3A_467, %dma_start3A_468] : memref<3x32x50x128xi32, #tpu.memory_space<hbm>> -> memref<1x1x50x128xi32, #tpu.memory_space<hbm>>
      %dma_start3A_470 = tpu.memref_squeeze %dma_start3A_469 : memref<1x1x50x128xi32, #tpu.memory_space<hbm>> -> memref<50x128xi32, #tpu.memory_space<hbm>>
      tpu.enqueue_dma source(%dma_start3A_470 : memref<50x128xi32, #tpu.memory_space<hbm>>) target(%arg5 : memref<50x128xi32, #tpu.memory_space<vmem>>) target_semaphore(%run_scoped3A_462 : memref<!tpu.dma_semaphore, #tpu.memory_space<semaphore_mem>>)
      %dma_wait3A_471 = arith.constant 0 : i32
      %dma_wait3A_472 = arith.constant 0 : i32
      %dma_wait3A_473 = tpu.memref_slice %arg2[%run_scoped3A, %add3A, %dma_wait3A_471, %dma_wait3A_472] : memref<3x32x50x128xi32, #tpu.memory_space<hbm>> -> memref<1x1x50x128xi32, #tpu.memory_space<hbm>>
      %dma_wait3A_474 = tpu.memref_squeeze %dma_wait3A_473 : memref<1x1x50x128xi32, #tpu.memory_space<hbm>> -> memref<50x128xi32, #tpu.memory_space<hbm>>
      %dma_wait3A_475 = arith.constant 0 : i32
      %dma_wait3A_476 = arith.constant 0 : i32
      %dma_wait3A_477 = tpu.memref_slice %arg2[%run_scoped3A, %add3A, %dma_wait3A_475, %dma_wait3A_476] : memref<3x32x50x128xi32, #tpu.memory_space<hbm>> -> memref<1x1x50x128xi32, #tpu.memory_space<hbm>>
      %dma_wait3A_478 = tpu.memref_squeeze %dma_wait3A_477 : memref<1x1x50x128xi32, #tpu.memory_space<hbm>> -> memref<50x128xi32, #tpu.memory_space<hbm>>
      tpu.wait_dma2 semaphore(%run_scoped3A_462 : memref<!tpu.dma_semaphore, #tpu.memory_space<semaphore_mem>>) src(%dma_wait3A_478 : memref<50x128xi32, #tpu.memory_space<hbm>>) dst(%arg5 : memref<50x128xi32, #tpu.memory_space<vmem>>)
      tpu.yield
    }) : () -> ()
    %dma_start3A = arith.constant 0 : i32
    %dma_start3A_3 = arith.constant 0 : i32
    %dma_start3A_4 = tpu.memref_slice %arg5[%dma_start3A, %dma_start3A_3] : memref<50x128xi32, #tpu.memory_space<vmem>> -> memref<1x128xi32, #tpu.memory_space<vmem>>
    %dma_start3A_5 = tpu.memref_squeeze %dma_start3A_4 : memref<1x128xi32, #tpu.memory_space<vmem>> -> memref<128xi32, #tpu.memory_space<vmem>>
    %dma_start3A_6 = arith.constant 0 : i32
    %dma_start3A_7 = arith.constant 0 : i32
    %dma_start3A_8 = tpu.memref_slice %arg3[%dma_start3A_6, %dma_start3A_7] : memref<300000x64xf32, #tpu.memory_space<hbm>> -> memref<300000x64xf32, #tpu.memory_space<hbm>>
    tpu.enqueue_indirect_dma source(%dma_start3A_8 : memref<300000x64xf32, #tpu.memory_space<hbm>>) target(%arg6 : memref<128x64xf32, #tpu.memory_space<vmem>>) offsets(%dma_start3A_5 : memref<128xi32, #tpu.memory_space<vmem>>) semaphore(%arg8 : memref<!tpu.dma_semaphore, #tpu.memory_space<semaphore_mem>>)
    %scan3A = arith.constant 0 : i32
    %scan3A_9 = arith.constant 0 : i32
    %scan3A_10 = arith.constant 24 : i32
    %scan3A_11 = arith.addi %scan3A_9, %scan3A_10 : i32
    %scan3A_12 = arith.constant 1 : i32
    scf.for %scan3A_462 = %scan3A_9 to %scan3A_11 step %scan3A_12  : i32 {
      %mul3A_463 = arith.constant 2 : i32
      %mul3A_464 = arith.muli %mul3A_463, %scan3A_462 : i32
      %add3A_465 = arith.constant 1 : i32
      %add3A_466 = arith.addi %mul3A_464, %add3A_465 : i32
      %dma_start3A_467 = arith.constant 0 : i32
      %dma_start3A_468 = tpu.memref_slice %arg5[%add3A_466, %dma_start3A_467] : memref<50x128xi32, #tpu.memory_space<vmem>> -> memref<1x128xi32, #tpu.memory_space<vmem>>
      %dma_start3A_469 = tpu.memref_squeeze %dma_start3A_468 : memref<1x128xi32, #tpu.memory_space<vmem>> -> memref<128xi32, #tpu.memory_space<vmem>>
      %dma_start3A_470 = arith.constant 0 : i32
      %dma_start3A_471 = arith.constant 0 : i32
      %dma_start3A_472 = tpu.memref_slice %arg3[%dma_start3A_470, %dma_start3A_471] : memref<300000x64xf32, #tpu.memory_space<hbm>> -> memref<300000x64xf32, #tpu.memory_space<hbm>>
      tpu.enqueue_indirect_dma source(%dma_start3A_472 : memref<300000x64xf32, #tpu.memory_space<hbm>>) target(%arg7 : memref<128x64xf32, #tpu.memory_space<vmem>>) offsets(%dma_start3A_469 : memref<128xi32, #tpu.memory_space<vmem>>) semaphore(%arg9 : memref<!tpu.dma_semaphore, #tpu.memory_space<semaphore_mem>>)
      %dma_wait3A_473 = arith.constant 0 : i32
      %dma_wait3A_474 = arith.constant 0 : i32
      %dma_wait3A_475 = tpu.memref_slice %arg3[%dma_wait3A_473, %dma_wait3A_474] : memref<300000x64xf32, #tpu.memory_space<hbm>> -> memref<128x64xf32, #tpu.memory_space<hbm>>
      %dma_wait3A_476 = arith.constant 0 : i32
      %dma_wait3A_477 = arith.constant 0 : i32
      %dma_wait3A_478 = tpu.memref_slice %arg3[%dma_wait3A_476, %dma_wait3A_477] : memref<300000x64xf32, #tpu.memory_space<hbm>> -> memref<128x64xf32, #tpu.memory_space<hbm>>
      tpu.wait_dma2 semaphore(%arg8 : memref<!tpu.dma_semaphore, #tpu.memory_space<semaphore_mem>>) src(%dma_wait3A_478 : memref<128x64xf32, #tpu.memory_space<hbm>>) dst(%arg6 : memref<128x64xf32, #tpu.memory_space<vmem>>)
      %mul3A_479 = arith.constant 128 : i32
      %mul3A_480 = arith.muli %mul3A_464, %mul3A_479 : i32
      %add3A_481 = arith.addi %mul3A_2, %mul3A_480 : i32
      %jit3A_482 = arith.constant 1024 : i32
      %div3A_483 = arith.divsi %add3A_481, %jit3A_482 : i32
      %sign3A_484 = arith.constant 0 : i32
      %sign3A_485 = arith.cmpi sgt, %add3A_481, %sign3A_484 : i32
      %sign3A_486 = arith.extui %sign3A_485 : i1 to i32
      %sign3A_487 = arith.constant 0 : i32
      %sign3A_488 = arith.cmpi slt, %add3A_481, %sign3A_487 : i32
      %sign3A_489 = arith.extui %sign3A_488 : i1 to i32
      %sign3A_490 = arith.subi %sign3A_486, %sign3A_489 : i32
      %sign3A_491 = arith.constant 0 : i32
      %sign3A_492 = arith.cmpi sgt, %jit3A_482, %sign3A_491 : i32
      %sign3A_493 = arith.extui %sign3A_492 : i1 to i32
      %sign3A_494 = arith.constant 0 : i32
      %sign3A_495 = arith.cmpi slt, %jit3A_482, %sign3A_494 : i32
      %sign3A_496 = arith.extui %sign3A_495 : i1 to i32
      %sign3A_497 = arith.subi %sign3A_493, %sign3A_496 : i32
      %ne3A_498 = arith.cmpi ne, %sign3A_490, %sign3A_497 : i32
      %rem3A_499 = arith.remsi %add3A_481, %jit3A_482 : i32
      %ne3A_500 = arith.constant 0 : i32
      %ne3A_501 = arith.cmpi ne, %rem3A_499, %ne3A_500 : i32
      %and3A_502 = arith.andi %ne3A_498, %ne3A_501 : i1
      %sub3A_503 = arith.constant 1 : i32
      %sub3A_504 = arith.subi %div3A_483, %sub3A_503 : i32
      %select_n3A_505 = arith.select %and3A_502, %sub3A_504, %div3A_483 : i32
      %mul3A_506 = arith.constant 1024 : i32
      %mul3A_507 = arith.muli %select_n3A_505, %mul3A_506 : i32
      %sub3A_508 = arith.subi %add3A_481, %mul3A_507 : i32
      %jit3A_509 = arith.constant 512 : i32
      %div3A_510 = arith.divsi %sub3A_508, %jit3A_509 : i32
      %sign3A_511 = arith.constant 0 : i32
      %sign3A_512 = arith.cmpi sgt, %sub3A_508, %sign3A_511 : i32
      %sign3A_513 = arith.extui %sign3A_512 : i1 to i32
      %sign3A_514 = arith.constant 0 : i32
      %sign3A_515 = arith.cmpi slt, %sub3A_508, %sign3A_514 : i32
      %sign3A_516 = arith.extui %sign3A_515 : i1 to i32
      %sign3A_517 = arith.subi %sign3A_513, %sign3A_516 : i32
      %sign3A_518 = arith.constant 0 : i32
      %sign3A_519 = arith.cmpi sgt, %jit3A_509, %sign3A_518 : i32
      %sign3A_520 = arith.extui %sign3A_519 : i1 to i32
      %sign3A_521 = arith.constant 0 : i32
      %sign3A_522 = arith.cmpi slt, %jit3A_509, %sign3A_521 : i32
      %sign3A_523 = arith.extui %sign3A_522 : i1 to i32
      %sign3A_524 = arith.subi %sign3A_520, %sign3A_523 : i32
      %ne3A_525 = arith.cmpi ne, %sign3A_517, %sign3A_524 : i32
      %rem3A_526 = arith.remsi %sub3A_508, %jit3A_509 : i32
      %ne3A_527 = arith.constant 0 : i32
      %ne3A_528 = arith.cmpi ne, %rem3A_526, %ne3A_527 : i32
      %and3A_529 = arith.andi %ne3A_525, %ne3A_528 : i1
      %sub3A_530 = arith.constant 1 : i32
      %sub3A_531 = arith.subi %div3A_510, %sub3A_530 : i32
      %select_n3A_532 = arith.select %and3A_529, %sub3A_531, %div3A_510 : i32
      %mul3A_533 = arith.constant 512 : i32
      %mul3A_534 = arith.muli %select_n3A_532, %mul3A_533 : i32
      %sub3A_535 = arith.subi %sub3A_508, %mul3A_534 : i32
      %mul3A_536 = arith.constant 512 : i32
      %mul3A_537 = arith.muli %select_n3A_505, %mul3A_536 : i32
      %add3A_538 = arith.addi %mul3A_537, %sub3A_535 : i32
      %mul3A_539 = arith.constant 64 : i32
      %mul3A_540 = arith.muli %select_n3A_532, %mul3A_539 : i32
      %run_scoped3A_541 = arith.constant 0 : i32
      "tpu.region"() ({
        %run_scoped3A_621 = tpu.sem_alloc : memref<!tpu.dma_semaphore, #tpu.memory_space<semaphore_mem>>
        %dma_start3A_622 = tpu.memref_slice %arg4[%run_scoped3A_541, %add3A_538, %mul3A_540] : memref<3x102400x128xf32, #tpu.memory_space<hbm>> -> memref<1x128x64xf32, #tpu.memory_space<hbm>>
        %dma_start3A_623 = tpu.memref_squeeze %dma_start3A_622 : memref<1x128x64xf32, #tpu.memory_space<hbm>> -> memref<128x64xf32, #tpu.memory_space<hbm>>
        %dma_start3A_624 = tpu.memref_slice %arg4[%run_scoped3A_541, %add3A_538, %mul3A_540] : memref<3x102400x128xf32, #tpu.memory_space<hbm>> -> memref<1x128x64xf32, #tpu.memory_space<hbm>>
        %dma_start3A_625 = tpu.memref_squeeze %dma_start3A_624 : memref<1x128x64xf32, #tpu.memory_space<hbm>> -> memref<128x64xf32, #tpu.memory_space<hbm>>
        tpu.enqueue_dma source(%arg6 : memref<128x64xf32, #tpu.memory_space<vmem>>) target(%dma_start3A_625 : memref<128x64xf32, #tpu.memory_space<hbm>>) target_semaphore(%run_scoped3A_621 : memref<!tpu.dma_semaphore, #tpu.memory_space<semaphore_mem>>)
        %dma_wait3A_626 = tpu.memref_slice %arg4[%run_scoped3A_541, %add3A_538, %mul3A_540] : memref<3x102400x128xf32, #tpu.memory_space<hbm>> -> memref<1x128x64xf32, #tpu.memory_space<hbm>>
        %dma_wait3A_627 = tpu.memref_squeeze %dma_wait3A_626 : memref<1x128x64xf32, #tpu.memory_space<hbm>> -> memref<128x64xf32, #tpu.memory_space<hbm>>
        %dma_wait3A_628 = tpu.memref_slice %arg4[%run_scoped3A_541, %add3A_538, %mul3A_540] : memref<3x102400x128xf32, #tpu.memory_space<hbm>> -> memref<1x128x64xf32, #tpu.memory_space<hbm>>
        %dma_wait3A_629 = tpu.memref_squeeze %dma_wait3A_628 : memref<1x128x64xf32, #tpu.memory_space<hbm>> -> memref<128x64xf32, #tpu.memory_space<hbm>>
        tpu.wait_dma2 semaphore(%run_scoped3A_621 : memref<!tpu.dma_semaphore, #tpu.memory_space<semaphore_mem>>) src(%arg6 : memref<128x64xf32, #tpu.memory_space<vmem>>) dst(%dma_wait3A_629 : memref<128x64xf32, #tpu.memory_space<hbm>>)
        tpu.yield
      }) : () -> ()
      %add3A_542 = arith.constant 2 : i32
      %add3A_543 = arith.addi %mul3A_464, %add3A_542 : i32
      %dma_start3A_544 = arith.constant 0 : i32
      %dma_start3A_545 = tpu.memref_slice %arg5[%add3A_543, %dma_start3A_544] : memref<50x128xi32, #tpu.memory_space<vmem>> -> memref<1x128xi32, #tpu.memory_space<vmem>>
      %dma_start3A_546 = tpu.memref_squeeze %dma_start3A_545 : memref<1x128xi32, #tpu.memory_space<vmem>> -> memref<128xi32, #tpu.memory_space<vmem>>
      %dma_start3A_547 = arith.constant 0 : i32
      %dma_start3A_548 = arith.constant 0 : i32
      %dma_start3A_549 = tpu.memref_slice %arg3[%dma_start3A_547, %dma_start3A_548] : memref<300000x64xf32, #tpu.memory_space<hbm>> -> memref<300000x64xf32, #tpu.memory_space<hbm>>
      tpu.enqueue_indirect_dma source(%dma_start3A_549 : memref<300000x64xf32, #tpu.memory_space<hbm>>) target(%arg6 : memref<128x64xf32, #tpu.memory_space<vmem>>) offsets(%dma_start3A_546 : memref<128xi32, #tpu.memory_space<vmem>>) semaphore(%arg8 : memref<!tpu.dma_semaphore, #tpu.memory_space<semaphore_mem>>)
      %dma_wait3A_550 = arith.constant 0 : i32
      %dma_wait3A_551 = arith.constant 0 : i32
      %dma_wait3A_552 = tpu.memref_slice %arg3[%dma_wait3A_550, %dma_wait3A_551] : memref<300000x64xf32, #tpu.memory_space<hbm>> -> memref<128x64xf32, #tpu.memory_space<hbm>>
      %dma_wait3A_553 = arith.constant 0 : i32
      %dma_wait3A_554 = arith.constant 0 : i32
      %dma_wait3A_555 = tpu.memref_slice %arg3[%dma_wait3A_553, %dma_wait3A_554] : memref<300000x64xf32, #tpu.memory_space<hbm>> -> memref<128x64xf32, #tpu.memory_space<hbm>>
      tpu.wait_dma2 semaphore(%arg9 : memref<!tpu.dma_semaphore, #tpu.memory_space<semaphore_mem>>) src(%dma_wait3A_555 : memref<128x64xf32, #tpu.memory_space<hbm>>) dst(%arg7 : memref<128x64xf32, #tpu.memory_space<vmem>>)
      %add3A_556 = arith.constant 1 : i32
      %add3A_557 = arith.addi %mul3A_464, %add3A_556 : i32
      %mul3A_558 = arith.constant 128 : i32
      %mul3A_559 = arith.muli %add3A_557, %mul3A_558 : i32
      %add3A_560 = arith.addi %mul3A_2, %mul3A_559 : i32
      %jit3A_561 = arith.constant 1024 : i32
      %div3A_562 = arith.divsi %add3A_560, %jit3A_561 : i32
      %sign3A_563 = arith.constant 0 : i32
      %sign3A_564 = arith.cmpi sgt, %add3A_560, %sign3A_563 : i32
      %sign3A_565 = arith.extui %sign3A_564 : i1 to i32
      %sign3A_566 = arith.constant 0 : i32
      %sign3A_567 = arith.cmpi slt, %add3A_560, %sign3A_566 : i32
      %sign3A_568 = arith.extui %sign3A_567 : i1 to i32
      %sign3A_569 = arith.subi %sign3A_565, %sign3A_568 : i32
      %sign3A_570 = arith.constant 0 : i32
      %sign3A_571 = arith.cmpi sgt, %jit3A_561, %sign3A_570 : i32
      %sign3A_572 = arith.extui %sign3A_571 : i1 to i32
      %sign3A_573 = arith.constant 0 : i32
      %sign3A_574 = arith.cmpi slt, %jit3A_561, %sign3A_573 : i32
      %sign3A_575 = arith.extui %sign3A_574 : i1 to i32
      %sign3A_576 = arith.subi %sign3A_572, %sign3A_575 : i32
      %ne3A_577 = arith.cmpi ne, %sign3A_569, %sign3A_576 : i32
      %rem3A_578 = arith.remsi %add3A_560, %jit3A_561 : i32
      %ne3A_579 = arith.constant 0 : i32
      %ne3A_580 = arith.cmpi ne, %rem3A_578, %ne3A_579 : i32
      %and3A_581 = arith.andi %ne3A_577, %ne3A_580 : i1
      %sub3A_582 = arith.constant 1 : i32
      %sub3A_583 = arith.subi %div3A_562, %sub3A_582 : i32
      %select_n3A_584 = arith.select %and3A_581, %sub3A_583, %div3A_562 : i32
      %mul3A_585 = arith.constant 1024 : i32
      %mul3A_586 = arith.muli %select_n3A_584, %mul3A_585 : i32
      %sub3A_587 = arith.subi %add3A_560, %mul3A_586 : i32
      %jit3A_588 = arith.constant 512 : i32
      %div3A_589 = arith.divsi %sub3A_587, %jit3A_588 : i32
      %sign3A_590 = arith.constant 0 : i32
      %sign3A_591 = arith.cmpi sgt, %sub3A_587, %sign3A_590 : i32
      %sign3A_592 = arith.extui %sign3A_591 : i1 to i32
      %sign3A_593 = arith.constant 0 : i32
      %sign3A_594 = arith.cmpi slt, %sub3A_587, %sign3A_593 : i32
      %sign3A_595 = arith.extui %sign3A_594 : i1 to i32
      %sign3A_596 = arith.subi %sign3A_592, %sign3A_595 : i32
      %sign3A_597 = arith.constant 0 : i32
      %sign3A_598 = arith.cmpi sgt, %jit3A_588, %sign3A_597 : i32
      %sign3A_599 = arith.extui %sign3A_598 : i1 to i32
      %sign3A_600 = arith.constant 0 : i32
      %sign3A_601 = arith.cmpi slt, %jit3A_588, %sign3A_600 : i32
      %sign3A_602 = arith.extui %sign3A_601 : i1 to i32
      %sign3A_603 = arith.subi %sign3A_599, %sign3A_602 : i32
      %ne3A_604 = arith.cmpi ne, %sign3A_596, %sign3A_603 : i32
      %rem3A_605 = arith.remsi %sub3A_587, %jit3A_588 : i32
      %ne3A_606 = arith.constant 0 : i32
      %ne3A_607 = arith.cmpi ne, %rem3A_605, %ne3A_606 : i32
      %and3A_608 = arith.andi %ne3A_604, %ne3A_607 : i1
      %sub3A_609 = arith.constant 1 : i32
      %sub3A_610 = arith.subi %div3A_589, %sub3A_609 : i32
      %select_n3A_611 = arith.select %and3A_608, %sub3A_610, %div3A_589 : i32
      %mul3A_612 = arith.constant 512 : i32
      %mul3A_613 = arith.muli %select_n3A_611, %mul3A_612 : i32
      %sub3A_614 = arith.subi %sub3A_587, %mul3A_613 : i32
      %mul3A_615 = arith.constant 512 : i32
      %mul3A_616 = arith.muli %select_n3A_584, %mul3A_615 : i32
      %add3A_617 = arith.addi %mul3A_616, %sub3A_614 : i32
      %mul3A_618 = arith.constant 64 : i32
      %mul3A_619 = arith.muli %select_n3A_611, %mul3A_618 : i32
      %run_scoped3A_620 = arith.constant 0 : i32
      "tpu.region"() ({
        %run_scoped3A_621 = tpu.sem_alloc : memref<!tpu.dma_semaphore, #tpu.memory_space<semaphore_mem>>
        %dma_start3A_622 = tpu.memref_slice %arg4[%run_scoped3A_620, %add3A_617, %mul3A_619] : memref<3x102400x128xf32, #tpu.memory_space<hbm>> -> memref<1x128x64xf32, #tpu.memory_space<hbm>>
        %dma_start3A_623 = tpu.memref_squeeze %dma_start3A_622 : memref<1x128x64xf32, #tpu.memory_space<hbm>> -> memref<128x64xf32, #tpu.memory_space<hbm>>
        %dma_start3A_624 = tpu.memref_slice %arg4[%run_scoped3A_620, %add3A_617, %mul3A_619] : memref<3x102400x128xf32, #tpu.memory_space<hbm>> -> memref<1x128x64xf32, #tpu.memory_space<hbm>>
        %dma_start3A_625 = tpu.memref_squeeze %dma_start3A_624 : memref<1x128x64xf32, #tpu.memory_space<hbm>> -> memref<128x64xf32, #tpu.memory_space<hbm>>
        tpu.enqueue_dma source(%arg7 : memref<128x64xf32, #tpu.memory_space<vmem>>) target(%dma_start3A_625 : memref<128x64xf32, #tpu.memory_space<hbm>>) target_semaphore(%run_scoped3A_621 : memref<!tpu.dma_semaphore, #tpu.memory_space<semaphore_mem>>)
        %dma_wait3A_626 = tpu.memref_slice %arg4[%run_scoped3A_620, %add3A_617, %mul3A_619] : memref<3x102400x128xf32, #tpu.memory_space<hbm>> -> memref<1x128x64xf32, #tpu.memory_space<hbm>>
        %dma_wait3A_627 = tpu.memref_squeeze %dma_wait3A_626 : memref<1x128x64xf32, #tpu.memory_space<hbm>> -> memref<128x64xf32, #tpu.memory_space<hbm>>
        %dma_wait3A_628 = tpu.memref_slice %arg4[%run_scoped3A_620, %add3A_617, %mul3A_619] : memref<3x102400x128xf32, #tpu.memory_space<hbm>> -> memref<1x128x64xf32, #tpu.memory_space<hbm>>
        %dma_wait3A_629 = tpu.memref_squeeze %dma_wait3A_628 : memref<1x128x64xf32, #tpu.memory_space<hbm>> -> memref<128x64xf32, #tpu.memory_space<hbm>>
        tpu.wait_dma2 semaphore(%run_scoped3A_621 : memref<!tpu.dma_semaphore, #tpu.memory_space<semaphore_mem>>) src(%arg7 : memref<128x64xf32, #tpu.memory_space<vmem>>) dst(%dma_wait3A_629 : memref<128x64xf32, #tpu.memory_space<hbm>>)
        tpu.yield
      }) : () -> ()
    }
    %scan3A_13 = arith.constant 24 : i32
    %dma_start3A_14 = arith.constant 49 : i32
    %dma_start3A_15 = arith.constant 0 : i32
    %dma_start3A_16 = tpu.memref_slice %arg5[%dma_start3A_14, %dma_start3A_15] : memref<50x128xi32, #tpu.memory_space<vmem>> -> memref<1x128xi32, #tpu.memory_space<vmem>>
    %dma_start3A_17 = tpu.memref_squeeze %dma_start3A_16 : memref<1x128xi32, #tpu.memory_space<vmem>> -> memref<128xi32, #tpu.memory_space<vmem>>
    %dma_start3A_18 = arith.constant 0 : i32
    %dma_start3A_19 = arith.constant 0 : i32
    %dma_start3A_20 = tpu.memref_slice %arg3[%dma_start3A_18, %dma_start3A_19] : memref<300000x64xf32, #tpu.memory_space<hbm>> -> memref<300000x64xf32, #tpu.memory_space<hbm>>
    tpu.enqueue_indirect_dma source(%dma_start3A_20 : memref<300000x64xf32, #tpu.memory_space<hbm>>) target(%arg7 : memref<128x64xf32, #tpu.memory_space<vmem>>) offsets(%dma_start3A_17 : memref<128xi32, #tpu.memory_space<vmem>>) semaphore(%arg9 : memref<!tpu.dma_semaphore, #tpu.memory_space<semaphore_mem>>)
    %dma_wait3A = arith.constant 0 : i32
    %dma_wait3A_21 = arith.constant 0 : i32
    %dma_wait3A_22 = tpu.memref_slice %arg3[%dma_wait3A, %dma_wait3A_21] : memref<300000x64xf32, #tpu.memory_space<hbm>> -> memref<128x64xf32, #tpu.memory_space<hbm>>
    %dma_wait3A_23 = arith.constant 0 : i32
    %dma_wait3A_24 = arith.constant 0 : i32
    %dma_wait3A_25 = tpu.memref_slice %arg3[%dma_wait3A_23, %dma_wait3A_24] : memref<300000x64xf32, #tpu.memory_space<hbm>> -> memref<128x64xf32, #tpu.memory_space<hbm>>
    tpu.wait_dma2 semaphore(%arg8 : memref<!tpu.dma_semaphore, #tpu.memory_space<semaphore_mem>>) src(%dma_wait3A_25 : memref<128x64xf32, #tpu.memory_space<hbm>>) dst(%arg6 : memref<128x64xf32, #tpu.memory_space<vmem>>)
    %add3A_26 = arith.constant 6144 : i32
    %add3A_27 = arith.addi %mul3A_2, %add3A_26 : i32
    %jit3A = arith.constant 1024 : i32
    %div3A = arith.divsi %add3A_27, %jit3A : i32
    %sign3A = arith.constant 0 : i32
    %sign3A_28 = arith.cmpi sgt, %add3A_27, %sign3A : i32
    %sign3A_29 = arith.extui %sign3A_28 : i1 to i32
    %sign3A_30 = arith.constant 0 : i32
    %sign3A_31 = arith.cmpi slt, %add3A_27, %sign3A_30 : i32
    %sign3A_32 = arith.extui %sign3A_31 : i1 to i32
    %sign3A_33 = arith.subi %sign3A_29, %sign3A_32 : i32
    %sign3A_34 = arith.constant 0 : i32
    %sign3A_35 = arith.cmpi sgt, %jit3A, %sign3A_34 : i32
    %sign3A_36 = arith.extui %sign3A_35 : i1 to i32
    %sign3A_37 = arith.constant 0 : i32
    %sign3A_38 = arith.cmpi slt, %jit3A, %sign3A_37 : i32
    %sign3A_39 = arith.extui %sign3A_38 : i1 to i32
    %sign3A_40 = arith.subi %sign3A_36, %sign3A_39 : i32
    %ne3A = arith.cmpi ne, %sign3A_33, %sign3A_40 : i32
    %rem3A = arith.remsi %add3A_27, %jit3A : i32
    %ne3A_41 = arith.constant 0 : i32
    %ne3A_42 = arith.cmpi ne, %rem3A, %ne3A_41 : i32
    %and3A = arith.andi %ne3A, %ne3A_42 : i1
    %sub3A = arith.constant 1 : i32
    %sub3A_43 = arith.subi %div3A, %sub3A : i32
    %select_n3A = arith.select %and3A, %sub3A_43, %div3A : i32
    %mul3A_44 = arith.constant 1024 : i32
    %mul3A_45 = arith.muli %select_n3A, %mul3A_44 : i32
    %sub3A_46 = arith.subi %add3A_27, %mul3A_45 : i32
    %jit3A_47 = arith.constant 512 : i32
    %div3A_48 = arith.divsi %sub3A_46, %jit3A_47 : i32
    %sign3A_49 = arith.constant 0 : i32
    %sign3A_50 = arith.cmpi sgt, %sub3A_46, %sign3A_49 : i32
    %sign3A_51 = arith.extui %sign3A_50 : i1 to i32
    %sign3A_52 = arith.constant 0 : i32
    %sign3A_53 = arith.cmpi slt, %sub3A_46, %sign3A_52 : i32
    %sign3A_54 = arith.extui %sign3A_53 : i1 to i32
    %sign3A_55 = arith.subi %sign3A_51, %sign3A_54 : i32
    %sign3A_56 = arith.constant 0 : i32
    %sign3A_57 = arith.cmpi sgt, %jit3A_47, %sign3A_56 : i32
    %sign3A_58 = arith.extui %sign3A_57 : i1 to i32
    %sign3A_59 = arith.constant 0 : i32
    %sign3A_60 = arith.cmpi slt, %jit3A_47, %sign3A_59 : i32
    %sign3A_61 = arith.extui %sign3A_60 : i1 to i32
    %sign3A_62 = arith.subi %sign3A_58, %sign3A_61 : i32
    %ne3A_63 = arith.cmpi ne, %sign3A_55, %sign3A_62 : i32
    %rem3A_64 = arith.remsi %sub3A_46, %jit3A_47 : i32
    %ne3A_65 = arith.constant 0 : i32
    %ne3A_66 = arith.cmpi ne, %rem3A_64, %ne3A_65 : i32
    %and3A_67 = arith.andi %ne3A_63, %ne3A_66 : i1
    %sub3A_68 = arith.constant 1 : i32
    %sub3A_69 = arith.subi %div3A_48, %sub3A_68 : i32
    %select_n3A_70 = arith.select %and3A_67, %sub3A_69, %div3A_48 : i32
    %mul3A_71 = arith.constant 512 : i32
    %mul3A_72 = arith.muli %select_n3A_70, %mul3A_71 : i32
    %sub3A_73 = arith.subi %sub3A_46, %mul3A_72 : i32
    %mul3A_74 = arith.constant 512 : i32
    %mul3A_75 = arith.muli %select_n3A, %mul3A_74 : i32
    %add3A_76 = arith.addi %mul3A_75, %sub3A_73 : i32
    %mul3A_77 = arith.constant 64 : i32
    %mul3A_78 = arith.muli %select_n3A_70, %mul3A_77 : i32
    %run_scoped3A_79 = arith.constant 0 : i32
    "tpu.region"() ({
      %run_scoped3A_462 = tpu.sem_alloc : memref<!tpu.dma_semaphore, #tpu.memory_space<semaphore_mem>>
      %dma_start3A_463 = tpu.memref_slice %arg4[%run_scoped3A_79, %add3A_76, %mul3A_78] : memref<3x102400x128xf32, #tpu.memory_space<hbm>> -> memref<1x128x64xf32, #tpu.memory_space<hbm>>
      %dma_start3A_464 = tpu.memref_squeeze %dma_start3A_463 : memref<1x128x64xf32, #tpu.memory_space<hbm>> -> memref<128x64xf32, #tpu.memory_space<hbm>>
      %dma_start3A_465 = tpu.memref_slice %arg4[%run_scoped3A_79, %add3A_76, %mul3A_78] : memref<3x102400x128xf32, #tpu.memory_space<hbm>> -> memref<1x128x64xf32, #tpu.memory_space<hbm>>
      %dma_start3A_466 = tpu.memref_squeeze %dma_start3A_465 : memref<1x128x64xf32, #tpu.memory_space<hbm>> -> memref<128x64xf32, #tpu.memory_space<hbm>>
      tpu.enqueue_dma source(%arg6 : memref<128x64xf32, #tpu.memory_space<vmem>>) target(%dma_start3A_466 : memref<128x64xf32, #tpu.memory_space<hbm>>) target_semaphore(%run_scoped3A_462 : memref<!tpu.dma_semaphore, #tpu.memory_space<semaphore_mem>>)
      %dma_wait3A_467 = tpu.memref_slice %arg4[%run_scoped3A_79, %add3A_76, %mul3A_78] : memref<3x102400x128xf32, #tpu.memory_space<hbm>> -> memref<1x128x64xf32, #tpu.memory_space<hbm>>
      %dma_wait3A_468 = tpu.memref_squeeze %dma_wait3A_467 : memref<1x128x64xf32, #tpu.memory_space<hbm>> -> memref<128x64xf32, #tpu.memory_space<hbm>>
      %dma_wait3A_469 = tpu.memref_slice %arg4[%run_scoped3A_79, %add3A_76, %mul3A_78] : memref<3x102400x128xf32, #tpu.memory_space<hbm>> -> memref<1x128x64xf32, #tpu.memory_space<hbm>>
      %dma_wait3A_470 = tpu.memref_squeeze %dma_wait3A_469 : memref<1x128x64xf32, #tpu.memory_space<hbm>> -> memref<128x64xf32, #tpu.memory_space<hbm>>
      tpu.wait_dma2 semaphore(%run_scoped3A_462 : memref<!tpu.dma_semaphore, #tpu.memory_space<semaphore_mem>>) src(%arg6 : memref<128x64xf32, #tpu.memory_space<vmem>>) dst(%dma_wait3A_470 : memref<128x64xf32, #tpu.memory_space<hbm>>)
      tpu.yield
    }) : () -> ()
    %dma_wait3A_80 = arith.constant 0 : i32
    %dma_wait3A_81 = arith.constant 0 : i32
    %dma_wait3A_82 = tpu.memref_slice %arg3[%dma_wait3A_80, %dma_wait3A_81] : memref<300000x64xf32, #tpu.memory_space<hbm>> -> memref<128x64xf32, #tpu.memory_space<hbm>>
    %dma_wait3A_83 = arith.constant 0 : i32
    %dma_wait3A_84 = arith.constant 0 : i32
    %dma_wait3A_85 = tpu.memref_slice %arg3[%dma_wait3A_83, %dma_wait3A_84] : memref<300000x64xf32, #tpu.memory_space<hbm>> -> memref<128x64xf32, #tpu.memory_space<hbm>>
    tpu.wait_dma2 semaphore(%arg9 : memref<!tpu.dma_semaphore, #tpu.memory_space<semaphore_mem>>) src(%dma_wait3A_85 : memref<128x64xf32, #tpu.memory_space<hbm>>) dst(%arg7 : memref<128x64xf32, #tpu.memory_space<vmem>>)
    %add3A_86 = arith.constant 6272 : i32
    %add3A_87 = arith.addi %mul3A_2, %add3A_86 : i32
    %jit3A_88 = arith.constant 1024 : i32
    %div3A_89 = arith.divsi %add3A_87, %jit3A_88 : i32
    %sign3A_90 = arith.constant 0 : i32
    %sign3A_91 = arith.cmpi sgt, %add3A_87, %sign3A_90 : i32
    %sign3A_92 = arith.extui %sign3A_91 : i1 to i32
    %sign3A_93 = arith.constant 0 : i32
    %sign3A_94 = arith.cmpi slt, %add3A_87, %sign3A_93 : i32
    %sign3A_95 = arith.extui %sign3A_94 : i1 to i32
    %sign3A_96 = arith.subi %sign3A_92, %sign3A_95 : i32
    %sign3A_97 = arith.constant 0 : i32
    %sign3A_98 = arith.cmpi sgt, %jit3A_88, %sign3A_97 : i32
    %sign3A_99 = arith.extui %sign3A_98 : i1 to i32
    %sign3A_100 = arith.constant 0 : i32
    %sign3A_101 = arith.cmpi slt, %jit3A_88, %sign3A_100 : i32
    %sign3A_102 = arith.extui %sign3A_101 : i1 to i32
    %sign3A_103 = arith.subi %sign3A_99, %sign3A_102 : i32
    %ne3A_104 = arith.cmpi ne, %sign3A_96, %sign3A_103 : i32
    %rem3A_105 = arith.remsi %add3A_87, %jit3A_88 : i32
    %ne3A_106 = arith.constant 0 : i32
    %ne3A_107 = arith.cmpi ne, %rem3A_105, %ne3A_106 : i32
    %and3A_108 = arith.andi %ne3A_104, %ne3A_107 : i1
    %sub3A_109 = arith.constant 1 : i32
    %sub3A_110 = arith.subi %div3A_89, %sub3A_109 : i32
    %select_n3A_111 = arith.select %and3A_108, %sub3A_110, %div3A_89 : i32
    %mul3A_112 = arith.constant 1024 : i32
    %mul3A_113 = arith.muli %select_n3A_111, %mul3A_112 : i32
    %sub3A_114 = arith.subi %add3A_87, %mul3A_113 : i32
    %jit3A_115 = arith.constant 512 : i32
    %div3A_116 = arith.divsi %sub3A_114, %jit3A_115 : i32
    %sign3A_117 = arith.constant 0 : i32
    %sign3A_118 = arith.cmpi sgt, %sub3A_114, %sign3A_117 : i32
    %sign3A_119 = arith.extui %sign3A_118 : i1 to i32
    %sign3A_120 = arith.constant 0 : i32
    %sign3A_121 = arith.cmpi slt, %sub3A_114, %sign3A_120 : i32
    %sign3A_122 = arith.extui %sign3A_121 : i1 to i32
    %sign3A_123 = arith.subi %sign3A_119, %sign3A_122 : i32
    %sign3A_124 = arith.constant 0 : i32
    %sign3A_125 = arith.cmpi sgt, %jit3A_115, %sign3A_124 : i32
    %sign3A_126 = arith.extui %sign3A_125 : i1 to i32
    %sign3A_127 = arith.constant 0 : i32
    %sign3A_128 = arith.cmpi slt, %jit3A_115, %sign3A_127 : i32
    %sign3A_129 = arith.extui %sign3A_128 : i1 to i32
    %sign3A_130 = arith.subi %sign3A_126, %sign3A_129 : i32
    %ne3A_131 = arith.cmpi ne, %sign3A_123, %sign3A_130 : i32
    %rem3A_132 = arith.remsi %sub3A_114, %jit3A_115 : i32
    %ne3A_133 = arith.constant 0 : i32
    %ne3A_134 = arith.cmpi ne, %rem3A_132, %ne3A_133 : i32
    %and3A_135 = arith.andi %ne3A_131, %ne3A_134 : i1
    %sub3A_136 = arith.constant 1 : i32
    %sub3A_137 = arith.subi %div3A_116, %sub3A_136 : i32
    %select_n3A_138 = arith.select %and3A_135, %sub3A_137, %div3A_116 : i32
    %mul3A_139 = arith.constant 512 : i32
    %mul3A_140 = arith.muli %select_n3A_138, %mul3A_139 : i32
    %sub3A_141 = arith.subi %sub3A_114, %mul3A_140 : i32
    %mul3A_142 = arith.constant 512 : i32
    %mul3A_143 = arith.muli %select_n3A_111, %mul3A_142 : i32
    %add3A_144 = arith.addi %mul3A_143, %sub3A_141 : i32
    %mul3A_145 = arith.constant 64 : i32
    %mul3A_146 = arith.muli %select_n3A_138, %mul3A_145 : i32
    %run_scoped3A_147 = arith.constant 0 : i32
    "tpu.region"() ({
      %run_scoped3A_462 = tpu.sem_alloc : memref<!tpu.dma_semaphore, #tpu.memory_space<semaphore_mem>>
      %dma_start3A_463 = tpu.memref_slice %arg4[%run_scoped3A_147, %add3A_144, %mul3A_146] : memref<3x102400x128xf32, #tpu.memory_space<hbm>> -> memref<1x128x64xf32, #tpu.memory_space<hbm>>
      %dma_start3A_464 = tpu.memref_squeeze %dma_start3A_463 : memref<1x128x64xf32, #tpu.memory_space<hbm>> -> memref<128x64xf32, #tpu.memory_space<hbm>>
      %dma_start3A_465 = tpu.memref_slice %arg4[%run_scoped3A_147, %add3A_144, %mul3A_146] : memref<3x102400x128xf32, #tpu.memory_space<hbm>> -> memref<1x128x64xf32, #tpu.memory_space<hbm>>
      %dma_start3A_466 = tpu.memref_squeeze %dma_start3A_465 : memref<1x128x64xf32, #tpu.memory_space<hbm>> -> memref<128x64xf32, #tpu.memory_space<hbm>>
      tpu.enqueue_dma source(%arg7 : memref<128x64xf32, #tpu.memory_space<vmem>>) target(%dma_start3A_466 : memref<128x64xf32, #tpu.memory_space<hbm>>) target_semaphore(%run_scoped3A_462 : memref<!tpu.dma_semaphore, #tpu.memory_space<semaphore_mem>>)
      %dma_wait3A_467 = tpu.memref_slice %arg4[%run_scoped3A_147, %add3A_144, %mul3A_146] : memref<3x102400x128xf32, #tpu.memory_space<hbm>> -> memref<1x128x64xf32, #tpu.memory_space<hbm>>
      %dma_wait3A_468 = tpu.memref_squeeze %dma_wait3A_467 : memref<1x128x64xf32, #tpu.memory_space<hbm>> -> memref<128x64xf32, #tpu.memory_space<hbm>>
      %dma_wait3A_469 = tpu.memref_slice %arg4[%run_scoped3A_147, %add3A_144, %mul3A_146] : memref<3x102400x128xf32, #tpu.memory_space<hbm>> -> memref<1x128x64xf32, #tpu.memory_space<hbm>>
      %dma_wait3A_470 = tpu.memref_squeeze %dma_wait3A_469 : memref<1x128x64xf32, #tpu.memory_space<hbm>> -> memref<128x64xf32, #tpu.memory_space<hbm>>
      tpu.wait_dma2 semaphore(%run_scoped3A_462 : memref<!tpu.dma_semaphore, #tpu.memory_space<semaphore_mem>>) src(%arg7 : memref<128x64xf32, #tpu.memory_space<vmem>>) dst(%dma_wait3A_470 : memref<128x64xf32, #tpu.memory_space<hbm>>)
      tpu.yield
    }) : () -> ()
    %run_scoped3A_148 = arith.constant 1 : i32
    "tpu.region"() ({
      %run_scoped3A_462 = tpu.sem_alloc : memref<!tpu.dma_semaphore, #tpu.memory_space<semaphore_mem>>
      %dma_start3A_463 = arith.constant 0 : i32
      %dma_start3A_464 = arith.constant 0 : i32
      %dma_start3A_465 = tpu.memref_slice %arg2[%run_scoped3A_148, %add3A, %dma_start3A_463, %dma_start3A_464] : memref<3x32x50x128xi32, #tpu.memory_space<hbm>> -> memref<1x1x50x128xi32, #tpu.memory_space<hbm>>
      %dma_start3A_466 = tpu.memref_squeeze %dma_start3A_465 : memref<1x1x50x128xi32, #tpu.memory_space<hbm>> -> memref<50x128xi32, #tpu.memory_space<hbm>>
      %dma_start3A_467 = arith.constant 0 : i32
      %dma_start3A_468 = arith.constant 0 : i32
      %dma_start3A_469 = tpu.memref_slice %arg2[%run_scoped3A_148, %add3A, %dma_start3A_467, %dma_start3A_468] : memref<3x32x50x128xi32, #tpu.memory_space<hbm>> -> memref<1x1x50x128xi32, #tpu.memory_space<hbm>>
      %dma_start3A_470 = tpu.memref_squeeze %dma_start3A_469 : memref<1x1x50x128xi32, #tpu.memory_space<hbm>> -> memref<50x128xi32, #tpu.memory_space<hbm>>
      tpu.enqueue_dma source(%dma_start3A_470 : memref<50x128xi32, #tpu.memory_space<hbm>>) target(%arg5 : memref<50x128xi32, #tpu.memory_space<vmem>>) target_semaphore(%run_scoped3A_462 : memref<!tpu.dma_semaphore, #tpu.memory_space<semaphore_mem>>)
      %dma_wait3A_471 = arith.constant 0 : i32
      %dma_wait3A_472 = arith.constant 0 : i32
      %dma_wait3A_473 = tpu.memref_slice %arg2[%run_scoped3A_148, %add3A, %dma_wait3A_471, %dma_wait3A_472] : memref<3x32x50x128xi32, #tpu.memory_space<hbm>> -> memref<1x1x50x128xi32, #tpu.memory_space<hbm>>
      %dma_wait3A_474 = tpu.memref_squeeze %dma_wait3A_473 : memref<1x1x50x128xi32, #tpu.memory_space<hbm>> -> memref<50x128xi32, #tpu.memory_space<hbm>>
      %dma_wait3A_475 = arith.constant 0 : i32
      %dma_wait3A_476 = arith.constant 0 : i32
      %dma_wait3A_477 = tpu.memref_slice %arg2[%run_scoped3A_148, %add3A, %dma_wait3A_475, %dma_wait3A_476] : memref<3x32x50x128xi32, #tpu.memory_space<hbm>> -> memref<1x1x50x128xi32, #tpu.memory_space<hbm>>
      %dma_wait3A_478 = tpu.memref_squeeze %dma_wait3A_477 : memref<1x1x50x128xi32, #tpu.memory_space<hbm>> -> memref<50x128xi32, #tpu.memory_space<hbm>>
      tpu.wait_dma2 semaphore(%run_scoped3A_462 : memref<!tpu.dma_semaphore, #tpu.memory_space<semaphore_mem>>) src(%dma_wait3A_478 : memref<50x128xi32, #tpu.memory_space<hbm>>) dst(%arg5 : memref<50x128xi32, #tpu.memory_space<vmem>>)
      tpu.yield
    }) : () -> ()
    %dma_start3A_149 = arith.constant 0 : i32
    %dma_start3A_150 = arith.constant 0 : i32
    %dma_start3A_151 = tpu.memref_slice %arg5[%dma_start3A_149, %dma_start3A_150] : memref<50x128xi32, #tpu.memory_space<vmem>> -> memref<1x128xi32, #tpu.memory_space<vmem>>
    %dma_start3A_152 = tpu.memref_squeeze %dma_start3A_151 : memref<1x128xi32, #tpu.memory_space<vmem>> -> memref<128xi32, #tpu.memory_space<vmem>>
    %dma_start3A_153 = arith.constant 0 : i32
    %dma_start3A_154 = arith.constant 0 : i32
    %dma_start3A_155 = tpu.memref_slice %arg3[%dma_start3A_153, %dma_start3A_154] : memref<300000x64xf32, #tpu.memory_space<hbm>> -> memref<300000x64xf32, #tpu.memory_space<hbm>>
    tpu.enqueue_indirect_dma source(%dma_start3A_155 : memref<300000x64xf32, #tpu.memory_space<hbm>>) target(%arg6 : memref<128x64xf32, #tpu.memory_space<vmem>>) offsets(%dma_start3A_152 : memref<128xi32, #tpu.memory_space<vmem>>) semaphore(%arg8 : memref<!tpu.dma_semaphore, #tpu.memory_space<semaphore_mem>>)
    %scan3A_156 = arith.constant 0 : i32
    %scan3A_157 = arith.constant 0 : i32
    %scan3A_158 = arith.constant 24 : i32
    %scan3A_159 = arith.addi %scan3A_157, %scan3A_158 : i32
    %scan3A_160 = arith.constant 1 : i32
    scf.for %scan3A_462 = %scan3A_157 to %scan3A_159 step %scan3A_160  : i32 {
      %mul3A_463 = arith.constant 2 : i32
      %mul3A_464 = arith.muli %mul3A_463, %scan3A_462 : i32
      %add3A_465 = arith.constant 1 : i32
      %add3A_466 = arith.addi %mul3A_464, %add3A_465 : i32
      %dma_start3A_467 = arith.constant 0 : i32
      %dma_start3A_468 = tpu.memref_slice %arg5[%add3A_466, %dma_start3A_467] : memref<50x128xi32, #tpu.memory_space<vmem>> -> memref<1x128xi32, #tpu.memory_space<vmem>>
      %dma_start3A_469 = tpu.memref_squeeze %dma_start3A_468 : memref<1x128xi32, #tpu.memory_space<vmem>> -> memref<128xi32, #tpu.memory_space<vmem>>
      %dma_start3A_470 = arith.constant 0 : i32
      %dma_start3A_471 = arith.constant 0 : i32
      %dma_start3A_472 = tpu.memref_slice %arg3[%dma_start3A_470, %dma_start3A_471] : memref<300000x64xf32, #tpu.memory_space<hbm>> -> memref<300000x64xf32, #tpu.memory_space<hbm>>
      tpu.enqueue_indirect_dma source(%dma_start3A_472 : memref<300000x64xf32, #tpu.memory_space<hbm>>) target(%arg7 : memref<128x64xf32, #tpu.memory_space<vmem>>) offsets(%dma_start3A_469 : memref<128xi32, #tpu.memory_space<vmem>>) semaphore(%arg9 : memref<!tpu.dma_semaphore, #tpu.memory_space<semaphore_mem>>)
      %dma_wait3A_473 = arith.constant 0 : i32
      %dma_wait3A_474 = arith.constant 0 : i32
      %dma_wait3A_475 = tpu.memref_slice %arg3[%dma_wait3A_473, %dma_wait3A_474] : memref<300000x64xf32, #tpu.memory_space<hbm>> -> memref<128x64xf32, #tpu.memory_space<hbm>>
      %dma_wait3A_476 = arith.constant 0 : i32
      %dma_wait3A_477 = arith.constant 0 : i32
      %dma_wait3A_478 = tpu.memref_slice %arg3[%dma_wait3A_476, %dma_wait3A_477] : memref<300000x64xf32, #tpu.memory_space<hbm>> -> memref<128x64xf32, #tpu.memory_space<hbm>>
      tpu.wait_dma2 semaphore(%arg8 : memref<!tpu.dma_semaphore, #tpu.memory_space<semaphore_mem>>) src(%dma_wait3A_478 : memref<128x64xf32, #tpu.memory_space<hbm>>) dst(%arg6 : memref<128x64xf32, #tpu.memory_space<vmem>>)
      %mul3A_479 = arith.constant 128 : i32
      %mul3A_480 = arith.muli %mul3A_464, %mul3A_479 : i32
      %add3A_481 = arith.addi %mul3A_2, %mul3A_480 : i32
      %jit3A_482 = arith.constant 1024 : i32
      %div3A_483 = arith.divsi %add3A_481, %jit3A_482 : i32
      %sign3A_484 = arith.constant 0 : i32
      %sign3A_485 = arith.cmpi sgt, %add3A_481, %sign3A_484 : i32
      %sign3A_486 = arith.extui %sign3A_485 : i1 to i32
      %sign3A_487 = arith.constant 0 : i32
      %sign3A_488 = arith.cmpi slt, %add3A_481, %sign3A_487 : i32
      %sign3A_489 = arith.extui %sign3A_488 : i1 to i32
      %sign3A_490 = arith.subi %sign3A_486, %sign3A_489 : i32
      %sign3A_491 = arith.constant 0 : i32
      %sign3A_492 = arith.cmpi sgt, %jit3A_482, %sign3A_491 : i32
      %sign3A_493 = arith.extui %sign3A_492 : i1 to i32
      %sign3A_494 = arith.constant 0 : i32
      %sign3A_495 = arith.cmpi slt, %jit3A_482, %sign3A_494 : i32
      %sign3A_496 = arith.extui %sign3A_495 : i1 to i32
      %sign3A_497 = arith.subi %sign3A_493, %sign3A_496 : i32
      %ne3A_498 = arith.cmpi ne, %sign3A_490, %sign3A_497 : i32
      %rem3A_499 = arith.remsi %add3A_481, %jit3A_482 : i32
      %ne3A_500 = arith.constant 0 : i32
      %ne3A_501 = arith.cmpi ne, %rem3A_499, %ne3A_500 : i32
      %and3A_502 = arith.andi %ne3A_498, %ne3A_501 : i1
      %sub3A_503 = arith.constant 1 : i32
      %sub3A_504 = arith.subi %div3A_483, %sub3A_503 : i32
      %select_n3A_505 = arith.select %and3A_502, %sub3A_504, %div3A_483 : i32
      %mul3A_506 = arith.constant 1024 : i32
      %mul3A_507 = arith.muli %select_n3A_505, %mul3A_506 : i32
      %sub3A_508 = arith.subi %add3A_481, %mul3A_507 : i32
      %jit3A_509 = arith.constant 512 : i32
      %div3A_510 = arith.divsi %sub3A_508, %jit3A_509 : i32
      %sign3A_511 = arith.constant 0 : i32
      %sign3A_512 = arith.cmpi sgt, %sub3A_508, %sign3A_511 : i32
      %sign3A_513 = arith.extui %sign3A_512 : i1 to i32
      %sign3A_514 = arith.constant 0 : i32
      %sign3A_515 = arith.cmpi slt, %sub3A_508, %sign3A_514 : i32
      %sign3A_516 = arith.extui %sign3A_515 : i1 to i32
      %sign3A_517 = arith.subi %sign3A_513, %sign3A_516 : i32
      %sign3A_518 = arith.constant 0 : i32
      %sign3A_519 = arith.cmpi sgt, %jit3A_509, %sign3A_518 : i32
      %sign3A_520 = arith.extui %sign3A_519 : i1 to i32
      %sign3A_521 = arith.constant 0 : i32
      %sign3A_522 = arith.cmpi slt, %jit3A_509, %sign3A_521 : i32
      %sign3A_523 = arith.extui %sign3A_522 : i1 to i32
      %sign3A_524 = arith.subi %sign3A_520, %sign3A_523 : i32
      %ne3A_525 = arith.cmpi ne, %sign3A_517, %sign3A_524 : i32
      %rem3A_526 = arith.remsi %sub3A_508, %jit3A_509 : i32
      %ne3A_527 = arith.constant 0 : i32
      %ne3A_528 = arith.cmpi ne, %rem3A_526, %ne3A_527 : i32
      %and3A_529 = arith.andi %ne3A_525, %ne3A_528 : i1
      %sub3A_530 = arith.constant 1 : i32
      %sub3A_531 = arith.subi %div3A_510, %sub3A_530 : i32
      %select_n3A_532 = arith.select %and3A_529, %sub3A_531, %div3A_510 : i32
      %mul3A_533 = arith.constant 512 : i32
      %mul3A_534 = arith.muli %select_n3A_532, %mul3A_533 : i32
      %sub3A_535 = arith.subi %sub3A_508, %mul3A_534 : i32
      %mul3A_536 = arith.constant 512 : i32
      %mul3A_537 = arith.muli %select_n3A_505, %mul3A_536 : i32
      %add3A_538 = arith.addi %mul3A_537, %sub3A_535 : i32
      %mul3A_539 = arith.constant 64 : i32
      %mul3A_540 = arith.muli %select_n3A_532, %mul3A_539 : i32
      %run_scoped3A_541 = arith.constant 1 : i32
      "tpu.region"() ({
        %run_scoped3A_621 = tpu.sem_alloc : memref<!tpu.dma_semaphore, #tpu.memory_space<semaphore_mem>>
        %dma_start3A_622 = tpu.memref_slice %arg4[%run_scoped3A_541, %add3A_538, %mul3A_540] : memref<3x102400x128xf32, #tpu.memory_space<hbm>> -> memref<1x128x64xf32, #tpu.memory_space<hbm>>
        %dma_start3A_623 = tpu.memref_squeeze %dma_start3A_622 : memref<1x128x64xf32, #tpu.memory_space<hbm>> -> memref<128x64xf32, #tpu.memory_space<hbm>>
        %dma_start3A_624 = tpu.memref_slice %arg4[%run_scoped3A_541, %add3A_538, %mul3A_540] : memref<3x102400x128xf32, #tpu.memory_space<hbm>> -> memref<1x128x64xf32, #tpu.memory_space<hbm>>
        %dma_start3A_625 = tpu.memref_squeeze %dma_start3A_624 : memref<1x128x64xf32, #tpu.memory_space<hbm>> -> memref<128x64xf32, #tpu.memory_space<hbm>>
        tpu.enqueue_dma source(%arg6 : memref<128x64xf32, #tpu.memory_space<vmem>>) target(%dma_start3A_625 : memref<128x64xf32, #tpu.memory_space<hbm>>) target_semaphore(%run_scoped3A_621 : memref<!tpu.dma_semaphore, #tpu.memory_space<semaphore_mem>>)
        %dma_wait3A_626 = tpu.memref_slice %arg4[%run_scoped3A_541, %add3A_538, %mul3A_540] : memref<3x102400x128xf32, #tpu.memory_space<hbm>> -> memref<1x128x64xf32, #tpu.memory_space<hbm>>
        %dma_wait3A_627 = tpu.memref_squeeze %dma_wait3A_626 : memref<1x128x64xf32, #tpu.memory_space<hbm>> -> memref<128x64xf32, #tpu.memory_space<hbm>>
        %dma_wait3A_628 = tpu.memref_slice %arg4[%run_scoped3A_541, %add3A_538, %mul3A_540] : memref<3x102400x128xf32, #tpu.memory_space<hbm>> -> memref<1x128x64xf32, #tpu.memory_space<hbm>>
        %dma_wait3A_629 = tpu.memref_squeeze %dma_wait3A_628 : memref<1x128x64xf32, #tpu.memory_space<hbm>> -> memref<128x64xf32, #tpu.memory_space<hbm>>
        tpu.wait_dma2 semaphore(%run_scoped3A_621 : memref<!tpu.dma_semaphore, #tpu.memory_space<semaphore_mem>>) src(%arg6 : memref<128x64xf32, #tpu.memory_space<vmem>>) dst(%dma_wait3A_629 : memref<128x64xf32, #tpu.memory_space<hbm>>)
        tpu.yield
      }) : () -> ()
      %add3A_542 = arith.constant 2 : i32
      %add3A_543 = arith.addi %mul3A_464, %add3A_542 : i32
      %dma_start3A_544 = arith.constant 0 : i32
      %dma_start3A_545 = tpu.memref_slice %arg5[%add3A_543, %dma_start3A_544] : memref<50x128xi32, #tpu.memory_space<vmem>> -> memref<1x128xi32, #tpu.memory_space<vmem>>
      %dma_start3A_546 = tpu.memref_squeeze %dma_start3A_545 : memref<1x128xi32, #tpu.memory_space<vmem>> -> memref<128xi32, #tpu.memory_space<vmem>>
      %dma_start3A_547 = arith.constant 0 : i32
      %dma_start3A_548 = arith.constant 0 : i32
      %dma_start3A_549 = tpu.memref_slice %arg3[%dma_start3A_547, %dma_start3A_548] : memref<300000x64xf32, #tpu.memory_space<hbm>> -> memref<300000x64xf32, #tpu.memory_space<hbm>>
      tpu.enqueue_indirect_dma source(%dma_start3A_549 : memref<300000x64xf32, #tpu.memory_space<hbm>>) target(%arg6 : memref<128x64xf32, #tpu.memory_space<vmem>>) offsets(%dma_start3A_546 : memref<128xi32, #tpu.memory_space<vmem>>) semaphore(%arg8 : memref<!tpu.dma_semaphore, #tpu.memory_space<semaphore_mem>>)
      %dma_wait3A_550 = arith.constant 0 : i32
      %dma_wait3A_551 = arith.constant 0 : i32
      %dma_wait3A_552 = tpu.memref_slice %arg3[%dma_wait3A_550, %dma_wait3A_551] : memref<300000x64xf32, #tpu.memory_space<hbm>> -> memref<128x64xf32, #tpu.memory_space<hbm>>
      %dma_wait3A_553 = arith.constant 0 : i32
      %dma_wait3A_554 = arith.constant 0 : i32
      %dma_wait3A_555 = tpu.memref_slice %arg3[%dma_wait3A_553, %dma_wait3A_554] : memref<300000x64xf32, #tpu.memory_space<hbm>> -> memref<128x64xf32, #tpu.memory_space<hbm>>
      tpu.wait_dma2 semaphore(%arg9 : memref<!tpu.dma_semaphore, #tpu.memory_space<semaphore_mem>>) src(%dma_wait3A_555 : memref<128x64xf32, #tpu.memory_space<hbm>>) dst(%arg7 : memref<128x64xf32, #tpu.memory_space<vmem>>)
      %add3A_556 = arith.constant 1 : i32
      %add3A_557 = arith.addi %mul3A_464, %add3A_556 : i32
      %mul3A_558 = arith.constant 128 : i32
      %mul3A_559 = arith.muli %add3A_557, %mul3A_558 : i32
      %add3A_560 = arith.addi %mul3A_2, %mul3A_559 : i32
      %jit3A_561 = arith.constant 1024 : i32
      %div3A_562 = arith.divsi %add3A_560, %jit3A_561 : i32
      %sign3A_563 = arith.constant 0 : i32
      %sign3A_564 = arith.cmpi sgt, %add3A_560, %sign3A_563 : i32
      %sign3A_565 = arith.extui %sign3A_564 : i1 to i32
      %sign3A_566 = arith.constant 0 : i32
      %sign3A_567 = arith.cmpi slt, %add3A_560, %sign3A_566 : i32
      %sign3A_568 = arith.extui %sign3A_567 : i1 to i32
      %sign3A_569 = arith.subi %sign3A_565, %sign3A_568 : i32
      %sign3A_570 = arith.constant 0 : i32
      %sign3A_571 = arith.cmpi sgt, %jit3A_561, %sign3A_570 : i32
      %sign3A_572 = arith.extui %sign3A_571 : i1 to i32
      %sign3A_573 = arith.constant 0 : i32
      %sign3A_574 = arith.cmpi slt, %jit3A_561, %sign3A_573 : i32
      %sign3A_575 = arith.extui %sign3A_574 : i1 to i32
      %sign3A_576 = arith.subi %sign3A_572, %sign3A_575 : i32
      %ne3A_577 = arith.cmpi ne, %sign3A_569, %sign3A_576 : i32
      %rem3A_578 = arith.remsi %add3A_560, %jit3A_561 : i32
      %ne3A_579 = arith.constant 0 : i32
      %ne3A_580 = arith.cmpi ne, %rem3A_578, %ne3A_579 : i32
      %and3A_581 = arith.andi %ne3A_577, %ne3A_580 : i1
      %sub3A_582 = arith.constant 1 : i32
      %sub3A_583 = arith.subi %div3A_562, %sub3A_582 : i32
      %select_n3A_584 = arith.select %and3A_581, %sub3A_583, %div3A_562 : i32
      %mul3A_585 = arith.constant 1024 : i32
      %mul3A_586 = arith.muli %select_n3A_584, %mul3A_585 : i32
      %sub3A_587 = arith.subi %add3A_560, %mul3A_586 : i32
      %jit3A_588 = arith.constant 512 : i32
      %div3A_589 = arith.divsi %sub3A_587, %jit3A_588 : i32
      %sign3A_590 = arith.constant 0 : i32
      %sign3A_591 = arith.cmpi sgt, %sub3A_587, %sign3A_590 : i32
      %sign3A_592 = arith.extui %sign3A_591 : i1 to i32
      %sign3A_593 = arith.constant 0 : i32
      %sign3A_594 = arith.cmpi slt, %sub3A_587, %sign3A_593 : i32
      %sign3A_595 = arith.extui %sign3A_594 : i1 to i32
      %sign3A_596 = arith.subi %sign3A_592, %sign3A_595 : i32
      %sign3A_597 = arith.constant 0 : i32
      %sign3A_598 = arith.cmpi sgt, %jit3A_588, %sign3A_597 : i32
      %sign3A_599 = arith.extui %sign3A_598 : i1 to i32
      %sign3A_600 = arith.constant 0 : i32
      %sign3A_601 = arith.cmpi slt, %jit3A_588, %sign3A_600 : i32
      %sign3A_602 = arith.extui %sign3A_601 : i1 to i32
      %sign3A_603 = arith.subi %sign3A_599, %sign3A_602 : i32
      %ne3A_604 = arith.cmpi ne, %sign3A_596, %sign3A_603 : i32
      %rem3A_605 = arith.remsi %sub3A_587, %jit3A_588 : i32
      %ne3A_606 = arith.constant 0 : i32
      %ne3A_607 = arith.cmpi ne, %rem3A_605, %ne3A_606 : i32
      %and3A_608 = arith.andi %ne3A_604, %ne3A_607 : i1
      %sub3A_609 = arith.constant 1 : i32
      %sub3A_610 = arith.subi %div3A_589, %sub3A_609 : i32
      %select_n3A_611 = arith.select %and3A_608, %sub3A_610, %div3A_589 : i32
      %mul3A_612 = arith.constant 512 : i32
      %mul3A_613 = arith.muli %select_n3A_611, %mul3A_612 : i32
      %sub3A_614 = arith.subi %sub3A_587, %mul3A_613 : i32
      %mul3A_615 = arith.constant 512 : i32
      %mul3A_616 = arith.muli %select_n3A_584, %mul3A_615 : i32
      %add3A_617 = arith.addi %mul3A_616, %sub3A_614 : i32
      %mul3A_618 = arith.constant 64 : i32
      %mul3A_619 = arith.muli %select_n3A_611, %mul3A_618 : i32
      %run_scoped3A_620 = arith.constant 1 : i32
      "tpu.region"() ({
        %run_scoped3A_621 = tpu.sem_alloc : memref<!tpu.dma_semaphore, #tpu.memory_space<semaphore_mem>>
        %dma_start3A_622 = tpu.memref_slice %arg4[%run_scoped3A_620, %add3A_617, %mul3A_619] : memref<3x102400x128xf32, #tpu.memory_space<hbm>> -> memref<1x128x64xf32, #tpu.memory_space<hbm>>
        %dma_start3A_623 = tpu.memref_squeeze %dma_start3A_622 : memref<1x128x64xf32, #tpu.memory_space<hbm>> -> memref<128x64xf32, #tpu.memory_space<hbm>>
        %dma_start3A_624 = tpu.memref_slice %arg4[%run_scoped3A_620, %add3A_617, %mul3A_619] : memref<3x102400x128xf32, #tpu.memory_space<hbm>> -> memref<1x128x64xf32, #tpu.memory_space<hbm>>
        %dma_start3A_625 = tpu.memref_squeeze %dma_start3A_624 : memref<1x128x64xf32, #tpu.memory_space<hbm>> -> memref<128x64xf32, #tpu.memory_space<hbm>>
        tpu.enqueue_dma source(%arg7 : memref<128x64xf32, #tpu.memory_space<vmem>>) target(%dma_start3A_625 : memref<128x64xf32, #tpu.memory_space<hbm>>) target_semaphore(%run_scoped3A_621 : memref<!tpu.dma_semaphore, #tpu.memory_space<semaphore_mem>>)
        %dma_wait3A_626 = tpu.memref_slice %arg4[%run_scoped3A_620, %add3A_617, %mul3A_619] : memref<3x102400x128xf32, #tpu.memory_space<hbm>> -> memref<1x128x64xf32, #tpu.memory_space<hbm>>
        %dma_wait3A_627 = tpu.memref_squeeze %dma_wait3A_626 : memref<1x128x64xf32, #tpu.memory_space<hbm>> -> memref<128x64xf32, #tpu.memory_space<hbm>>
        %dma_wait3A_628 = tpu.memref_slice %arg4[%run_scoped3A_620, %add3A_617, %mul3A_619] : memref<3x102400x128xf32, #tpu.memory_space<hbm>> -> memref<1x128x64xf32, #tpu.memory_space<hbm>>
        %dma_wait3A_629 = tpu.memref_squeeze %dma_wait3A_628 : memref<1x128x64xf32, #tpu.memory_space<hbm>> -> memref<128x64xf32, #tpu.memory_space<hbm>>
        tpu.wait_dma2 semaphore(%run_scoped3A_621 : memref<!tpu.dma_semaphore, #tpu.memory_space<semaphore_mem>>) src(%arg7 : memref<128x64xf32, #tpu.memory_space<vmem>>) dst(%dma_wait3A_629 : memref<128x64xf32, #tpu.memory_space<hbm>>)
        tpu.yield
      }) : () -> ()
    }
    %scan3A_161 = arith.constant 24 : i32
    %dma_start3A_162 = arith.constant 49 : i32
    %dma_start3A_163 = arith.constant 0 : i32
    %dma_start3A_164 = tpu.memref_slice %arg5[%dma_start3A_162, %dma_start3A_163] : memref<50x128xi32, #tpu.memory_space<vmem>> -> memref<1x128xi32, #tpu.memory_space<vmem>>
    %dma_start3A_165 = tpu.memref_squeeze %dma_start3A_164 : memref<1x128xi32, #tpu.memory_space<vmem>> -> memref<128xi32, #tpu.memory_space<vmem>>
    %dma_start3A_166 = arith.constant 0 : i32
    %dma_start3A_167 = arith.constant 0 : i32
    %dma_start3A_168 = tpu.memref_slice %arg3[%dma_start3A_166, %dma_start3A_167] : memref<300000x64xf32, #tpu.memory_space<hbm>> -> memref<300000x64xf32, #tpu.memory_space<hbm>>
    tpu.enqueue_indirect_dma source(%dma_start3A_168 : memref<300000x64xf32, #tpu.memory_space<hbm>>) target(%arg7 : memref<128x64xf32, #tpu.memory_space<vmem>>) offsets(%dma_start3A_165 : memref<128xi32, #tpu.memory_space<vmem>>) semaphore(%arg9 : memref<!tpu.dma_semaphore, #tpu.memory_space<semaphore_mem>>)
    %dma_wait3A_169 = arith.constant 0 : i32
    %dma_wait3A_170 = arith.constant 0 : i32
    %dma_wait3A_171 = tpu.memref_slice %arg3[%dma_wait3A_169, %dma_wait3A_170] : memref<300000x64xf32, #tpu.memory_space<hbm>> -> memref<128x64xf32, #tpu.memory_space<hbm>>
    %dma_wait3A_172 = arith.constant 0 : i32
    %dma_wait3A_173 = arith.constant 0 : i32
    %dma_wait3A_174 = tpu.memref_slice %arg3[%dma_wait3A_172, %dma_wait3A_173] : memref<300000x64xf32, #tpu.memory_space<hbm>> -> memref<128x64xf32, #tpu.memory_space<hbm>>
    tpu.wait_dma2 semaphore(%arg8 : memref<!tpu.dma_semaphore, #tpu.memory_space<semaphore_mem>>) src(%dma_wait3A_174 : memref<128x64xf32, #tpu.memory_space<hbm>>) dst(%arg6 : memref<128x64xf32, #tpu.memory_space<vmem>>)
    %add3A_175 = arith.constant 6144 : i32
    %add3A_176 = arith.addi %mul3A_2, %add3A_175 : i32
    %jit3A_177 = arith.constant 1024 : i32
    %div3A_178 = arith.divsi %add3A_176, %jit3A_177 : i32
    %sign3A_179 = arith.constant 0 : i32
    %sign3A_180 = arith.cmpi sgt, %add3A_176, %sign3A_179 : i32
    %sign3A_181 = arith.extui %sign3A_180 : i1 to i32
    %sign3A_182 = arith.constant 0 : i32
    %sign3A_183 = arith.cmpi slt, %add3A_176, %sign3A_182 : i32
    %sign3A_184 = arith.extui %sign3A_183 : i1 to i32
    %sign3A_185 = arith.subi %sign3A_181, %sign3A_184 : i32
    %sign3A_186 = arith.constant 0 : i32
    %sign3A_187 = arith.cmpi sgt, %jit3A_177, %sign3A_186 : i32
    %sign3A_188 = arith.extui %sign3A_187 : i1 to i32
    %sign3A_189 = arith.constant 0 : i32
    %sign3A_190 = arith.cmpi slt, %jit3A_177, %sign3A_189 : i32
    %sign3A_191 = arith.extui %sign3A_190 : i1 to i32
    %sign3A_192 = arith.subi %sign3A_188, %sign3A_191 : i32
    %ne3A_193 = arith.cmpi ne, %sign3A_185, %sign3A_192 : i32
    %rem3A_194 = arith.remsi %add3A_176, %jit3A_177 : i32
    %ne3A_195 = arith.constant 0 : i32
    %ne3A_196 = arith.cmpi ne, %rem3A_194, %ne3A_195 : i32
    %and3A_197 = arith.andi %ne3A_193, %ne3A_196 : i1
    %sub3A_198 = arith.constant 1 : i32
    %sub3A_199 = arith.subi %div3A_178, %sub3A_198 : i32
    %select_n3A_200 = arith.select %and3A_197, %sub3A_199, %div3A_178 : i32
    %mul3A_201 = arith.constant 1024 : i32
    %mul3A_202 = arith.muli %select_n3A_200, %mul3A_201 : i32
    %sub3A_203 = arith.subi %add3A_176, %mul3A_202 : i32
    %jit3A_204 = arith.constant 512 : i32
    %div3A_205 = arith.divsi %sub3A_203, %jit3A_204 : i32
    %sign3A_206 = arith.constant 0 : i32
    %sign3A_207 = arith.cmpi sgt, %sub3A_203, %sign3A_206 : i32
    %sign3A_208 = arith.extui %sign3A_207 : i1 to i32
    %sign3A_209 = arith.constant 0 : i32
    %sign3A_210 = arith.cmpi slt, %sub3A_203, %sign3A_209 : i32
    %sign3A_211 = arith.extui %sign3A_210 : i1 to i32
    %sign3A_212 = arith.subi %sign3A_208, %sign3A_211 : i32
    %sign3A_213 = arith.constant 0 : i32
    %sign3A_214 = arith.cmpi sgt, %jit3A_204, %sign3A_213 : i32
    %sign3A_215 = arith.extui %sign3A_214 : i1 to i32
    %sign3A_216 = arith.constant 0 : i32
    %sign3A_217 = arith.cmpi slt, %jit3A_204, %sign3A_216 : i32
    %sign3A_218 = arith.extui %sign3A_217 : i1 to i32
    %sign3A_219 = arith.subi %sign3A_215, %sign3A_218 : i32
    %ne3A_220 = arith.cmpi ne, %sign3A_212, %sign3A_219 : i32
    %rem3A_221 = arith.remsi %sub3A_203, %jit3A_204 : i32
    %ne3A_222 = arith.constant 0 : i32
    %ne3A_223 = arith.cmpi ne, %rem3A_221, %ne3A_222 : i32
    %and3A_224 = arith.andi %ne3A_220, %ne3A_223 : i1
    %sub3A_225 = arith.constant 1 : i32
    %sub3A_226 = arith.subi %div3A_205, %sub3A_225 : i32
    %select_n3A_227 = arith.select %and3A_224, %sub3A_226, %div3A_205 : i32
    %mul3A_228 = arith.constant 512 : i32
    %mul3A_229 = arith.muli %select_n3A_227, %mul3A_228 : i32
    %sub3A_230 = arith.subi %sub3A_203, %mul3A_229 : i32
    %mul3A_231 = arith.constant 512 : i32
    %mul3A_232 = arith.muli %select_n3A_200, %mul3A_231 : i32
    %add3A_233 = arith.addi %mul3A_232, %sub3A_230 : i32
    %mul3A_234 = arith.constant 64 : i32
    %mul3A_235 = arith.muli %select_n3A_227, %mul3A_234 : i32
    %run_scoped3A_236 = arith.constant 1 : i32
    "tpu.region"() ({
      %run_scoped3A_462 = tpu.sem_alloc : memref<!tpu.dma_semaphore, #tpu.memory_space<semaphore_mem>>
      %dma_start3A_463 = tpu.memref_slice %arg4[%run_scoped3A_236, %add3A_233, %mul3A_235] : memref<3x102400x128xf32, #tpu.memory_space<hbm>> -> memref<1x128x64xf32, #tpu.memory_space<hbm>>
      %dma_start3A_464 = tpu.memref_squeeze %dma_start3A_463 : memref<1x128x64xf32, #tpu.memory_space<hbm>> -> memref<128x64xf32, #tpu.memory_space<hbm>>
      %dma_start3A_465 = tpu.memref_slice %arg4[%run_scoped3A_236, %add3A_233, %mul3A_235] : memref<3x102400x128xf32, #tpu.memory_space<hbm>> -> memref<1x128x64xf32, #tpu.memory_space<hbm>>
      %dma_start3A_466 = tpu.memref_squeeze %dma_start3A_465 : memref<1x128x64xf32, #tpu.memory_space<hbm>> -> memref<128x64xf32, #tpu.memory_space<hbm>>
      tpu.enqueue_dma source(%arg6 : memref<128x64xf32, #tpu.memory_space<vmem>>) target(%dma_start3A_466 : memref<128x64xf32, #tpu.memory_space<hbm>>) target_semaphore(%run_scoped3A_462 : memref<!tpu.dma_semaphore, #tpu.memory_space<semaphore_mem>>)
      %dma_wait3A_467 = tpu.memref_slice %arg4[%run_scoped3A_236, %add3A_233, %mul3A_235] : memref<3x102400x128xf32, #tpu.memory_space<hbm>> -> memref<1x128x64xf32, #tpu.memory_space<hbm>>
      %dma_wait3A_468 = tpu.memref_squeeze %dma_wait3A_467 : memref<1x128x64xf32, #tpu.memory_space<hbm>> -> memref<128x64xf32, #tpu.memory_space<hbm>>
      %dma_wait3A_469 = tpu.memref_slice %arg4[%run_scoped3A_236, %add3A_233, %mul3A_235] : memref<3x102400x128xf32, #tpu.memory_space<hbm>> -> memref<1x128x64xf32, #tpu.memory_space<hbm>>
      %dma_wait3A_470 = tpu.memref_squeeze %dma_wait3A_469 : memref<1x128x64xf32, #tpu.memory_space<hbm>> -> memref<128x64xf32, #tpu.memory_space<hbm>>
      tpu.wait_dma2 semaphore(%run_scoped3A_462 : memref<!tpu.dma_semaphore, #tpu.memory_space<semaphore_mem>>) src(%arg6 : memref<128x64xf32, #tpu.memory_space<vmem>>) dst(%dma_wait3A_470 : memref<128x64xf32, #tpu.memory_space<hbm>>)
      tpu.yield
    }) : () -> ()
    %dma_wait3A_237 = arith.constant 0 : i32
    %dma_wait3A_238 = arith.constant 0 : i32
    %dma_wait3A_239 = tpu.memref_slice %arg3[%dma_wait3A_237, %dma_wait3A_238] : memref<300000x64xf32, #tpu.memory_space<hbm>> -> memref<128x64xf32, #tpu.memory_space<hbm>>
    %dma_wait3A_240 = arith.constant 0 : i32
    %dma_wait3A_241 = arith.constant 0 : i32
    %dma_wait3A_242 = tpu.memref_slice %arg3[%dma_wait3A_240, %dma_wait3A_241] : memref<300000x64xf32, #tpu.memory_space<hbm>> -> memref<128x64xf32, #tpu.memory_space<hbm>>
    tpu.wait_dma2 semaphore(%arg9 : memref<!tpu.dma_semaphore, #tpu.memory_space<semaphore_mem>>) src(%dma_wait3A_242 : memref<128x64xf32, #tpu.memory_space<hbm>>) dst(%arg7 : memref<128x64xf32, #tpu.memory_space<vmem>>)
    %add3A_243 = arith.constant 6272 : i32
    %add3A_244 = arith.addi %mul3A_2, %add3A_243 : i32
    %jit3A_245 = arith.constant 1024 : i32
    %div3A_246 = arith.divsi %add3A_244, %jit3A_245 : i32
    %sign3A_247 = arith.constant 0 : i32
    %sign3A_248 = arith.cmpi sgt, %add3A_244, %sign3A_247 : i32
    %sign3A_249 = arith.extui %sign3A_248 : i1 to i32
    %sign3A_250 = arith.constant 0 : i32
    %sign3A_251 = arith.cmpi slt, %add3A_244, %sign3A_250 : i32
    %sign3A_252 = arith.extui %sign3A_251 : i1 to i32
    %sign3A_253 = arith.subi %sign3A_249, %sign3A_252 : i32
    %sign3A_254 = arith.constant 0 : i32
    %sign3A_255 = arith.cmpi sgt, %jit3A_245, %sign3A_254 : i32
    %sign3A_256 = arith.extui %sign3A_255 : i1 to i32
    %sign3A_257 = arith.constant 0 : i32
    %sign3A_258 = arith.cmpi slt, %jit3A_245, %sign3A_257 : i32
    %sign3A_259 = arith.extui %sign3A_258 : i1 to i32
    %sign3A_260 = arith.subi %sign3A_256, %sign3A_259 : i32
    %ne3A_261 = arith.cmpi ne, %sign3A_253, %sign3A_260 : i32
    %rem3A_262 = arith.remsi %add3A_244, %jit3A_245 : i32
    %ne3A_263 = arith.constant 0 : i32
    %ne3A_264 = arith.cmpi ne, %rem3A_262, %ne3A_263 : i32
    %and3A_265 = arith.andi %ne3A_261, %ne3A_264 : i1
    %sub3A_266 = arith.constant 1 : i32
    %sub3A_267 = arith.subi %div3A_246, %sub3A_266 : i32
    %select_n3A_268 = arith.select %and3A_265, %sub3A_267, %div3A_246 : i32
    %mul3A_269 = arith.constant 1024 : i32
    %mul3A_270 = arith.muli %select_n3A_268, %mul3A_269 : i32
    %sub3A_271 = arith.subi %add3A_244, %mul3A_270 : i32
    %jit3A_272 = arith.constant 512 : i32
    %div3A_273 = arith.divsi %sub3A_271, %jit3A_272 : i32
    %sign3A_274 = arith.constant 0 : i32
    %sign3A_275 = arith.cmpi sgt, %sub3A_271, %sign3A_274 : i32
    %sign3A_276 = arith.extui %sign3A_275 : i1 to i32
    %sign3A_277 = arith.constant 0 : i32
    %sign3A_278 = arith.cmpi slt, %sub3A_271, %sign3A_277 : i32
    %sign3A_279 = arith.extui %sign3A_278 : i1 to i32
    %sign3A_280 = arith.subi %sign3A_276, %sign3A_279 : i32
    %sign3A_281 = arith.constant 0 : i32
    %sign3A_282 = arith.cmpi sgt, %jit3A_272, %sign3A_281 : i32
    %sign3A_283 = arith.extui %sign3A_282 : i1 to i32
    %sign3A_284 = arith.constant 0 : i32
    %sign3A_285 = arith.cmpi slt, %jit3A_272, %sign3A_284 : i32
    %sign3A_286 = arith.extui %sign3A_285 : i1 to i32
    %sign3A_287 = arith.subi %sign3A_283, %sign3A_286 : i32
    %ne3A_288 = arith.cmpi ne, %sign3A_280, %sign3A_287 : i32
    %rem3A_289 = arith.remsi %sub3A_271, %jit3A_272 : i32
    %ne3A_290 = arith.constant 0 : i32
    %ne3A_291 = arith.cmpi ne, %rem3A_289, %ne3A_290 : i32
    %and3A_292 = arith.andi %ne3A_288, %ne3A_291 : i1
    %sub3A_293 = arith.constant 1 : i32
    %sub3A_294 = arith.subi %div3A_273, %sub3A_293 : i32
    %select_n3A_295 = arith.select %and3A_292, %sub3A_294, %div3A_273 : i32
    %mul3A_296 = arith.constant 512 : i32
    %mul3A_297 = arith.muli %select_n3A_295, %mul3A_296 : i32
    %sub3A_298 = arith.subi %sub3A_271, %mul3A_297 : i32
    %mul3A_299 = arith.constant 512 : i32
    %mul3A_300 = arith.muli %select_n3A_268, %mul3A_299 : i32
    %add3A_301 = arith.addi %mul3A_300, %sub3A_298 : i32
    %mul3A_302 = arith.constant 64 : i32
    %mul3A_303 = arith.muli %select_n3A_295, %mul3A_302 : i32
    %run_scoped3A_304 = arith.constant 1 : i32
    "tpu.region"() ({
      %run_scoped3A_462 = tpu.sem_alloc : memref<!tpu.dma_semaphore, #tpu.memory_space<semaphore_mem>>
      %dma_start3A_463 = tpu.memref_slice %arg4[%run_scoped3A_304, %add3A_301, %mul3A_303] : memref<3x102400x128xf32, #tpu.memory_space<hbm>> -> memref<1x128x64xf32, #tpu.memory_space<hbm>>
      %dma_start3A_464 = tpu.memref_squeeze %dma_start3A_463 : memref<1x128x64xf32, #tpu.memory_space<hbm>> -> memref<128x64xf32, #tpu.memory_space<hbm>>
      %dma_start3A_465 = tpu.memref_slice %arg4[%run_scoped3A_304, %add3A_301, %mul3A_303] : memref<3x102400x128xf32, #tpu.memory_space<hbm>> -> memref<1x128x64xf32, #tpu.memory_space<hbm>>
      %dma_start3A_466 = tpu.memref_squeeze %dma_start3A_465 : memref<1x128x64xf32, #tpu.memory_space<hbm>> -> memref<128x64xf32, #tpu.memory_space<hbm>>
      tpu.enqueue_dma source(%arg7 : memref<128x64xf32, #tpu.memory_space<vmem>>) target(%dma_start3A_466 : memref<128x64xf32, #tpu.memory_space<hbm>>) target_semaphore(%run_scoped3A_462 : memref<!tpu.dma_semaphore, #tpu.memory_space<semaphore_mem>>)
      %dma_wait3A_467 = tpu.memref_slice %arg4[%run_scoped3A_304, %add3A_301, %mul3A_303] : memref<3x102400x128xf32, #tpu.memory_space<hbm>> -> memref<1x128x64xf32, #tpu.memory_space<hbm>>
      %dma_wait3A_468 = tpu.memref_squeeze %dma_wait3A_467 : memref<1x128x64xf32, #tpu.memory_space<hbm>> -> memref<128x64xf32, #tpu.memory_space<hbm>>
      %dma_wait3A_469 = tpu.memref_slice %arg4[%run_scoped3A_304, %add3A_301, %mul3A_303] : memref<3x102400x128xf32, #tpu.memory_space<hbm>> -> memref<1x128x64xf32, #tpu.memory_space<hbm>>
      %dma_wait3A_470 = tpu.memref_squeeze %dma_wait3A_469 : memref<1x128x64xf32, #tpu.memory_space<hbm>> -> memref<128x64xf32, #tpu.memory_space<hbm>>
      tpu.wait_dma2 semaphore(%run_scoped3A_462 : memref<!tpu.dma_semaphore, #tpu.memory_space<semaphore_mem>>) src(%arg7 : memref<128x64xf32, #tpu.memory_space<vmem>>) dst(%dma_wait3A_470 : memref<128x64xf32, #tpu.memory_space<hbm>>)
      tpu.yield
    }) : () -> ()
    %run_scoped3A_305 = arith.constant 2 : i32
    "tpu.region"() ({
      %run_scoped3A_462 = tpu.sem_alloc : memref<!tpu.dma_semaphore, #tpu.memory_space<semaphore_mem>>
      %dma_start3A_463 = arith.constant 0 : i32
      %dma_start3A_464 = arith.constant 0 : i32
      %dma_start3A_465 = tpu.memref_slice %arg2[%run_scoped3A_305, %add3A, %dma_start3A_463, %dma_start3A_464] : memref<3x32x50x128xi32, #tpu.memory_space<hbm>> -> memref<1x1x50x128xi32, #tpu.memory_space<hbm>>
      %dma_start3A_466 = tpu.memref_squeeze %dma_start3A_465 : memref<1x1x50x128xi32, #tpu.memory_space<hbm>> -> memref<50x128xi32, #tpu.memory_space<hbm>>
      %dma_start3A_467 = arith.constant 0 : i32
      %dma_start3A_468 = arith.constant 0 : i32
      %dma_start3A_469 = tpu.memref_slice %arg2[%run_scoped3A_305, %add3A, %dma_start3A_467, %dma_start3A_468] : memref<3x32x50x128xi32, #tpu.memory_space<hbm>> -> memref<1x1x50x128xi32, #tpu.memory_space<hbm>>
      %dma_start3A_470 = tpu.memref_squeeze %dma_start3A_469 : memref<1x1x50x128xi32, #tpu.memory_space<hbm>> -> memref<50x128xi32, #tpu.memory_space<hbm>>
      tpu.enqueue_dma source(%dma_start3A_470 : memref<50x128xi32, #tpu.memory_space<hbm>>) target(%arg5 : memref<50x128xi32, #tpu.memory_space<vmem>>) target_semaphore(%run_scoped3A_462 : memref<!tpu.dma_semaphore, #tpu.memory_space<semaphore_mem>>)
      %dma_wait3A_471 = arith.constant 0 : i32
      %dma_wait3A_472 = arith.constant 0 : i32
      %dma_wait3A_473 = tpu.memref_slice %arg2[%run_scoped3A_305, %add3A, %dma_wait3A_471, %dma_wait3A_472] : memref<3x32x50x128xi32, #tpu.memory_space<hbm>> -> memref<1x1x50x128xi32, #tpu.memory_space<hbm>>
      %dma_wait3A_474 = tpu.memref_squeeze %dma_wait3A_473 : memref<1x1x50x128xi32, #tpu.memory_space<hbm>> -> memref<50x128xi32, #tpu.memory_space<hbm>>
      %dma_wait3A_475 = arith.constant 0 : i32
      %dma_wait3A_476 = arith.constant 0 : i32
      %dma_wait3A_477 = tpu.memref_slice %arg2[%run_scoped3A_305, %add3A, %dma_wait3A_475, %dma_wait3A_476] : memref<3x32x50x128xi32, #tpu.memory_space<hbm>> -> memref<1x1x50x128xi32, #tpu.memory_space<hbm>>
      %dma_wait3A_478 = tpu.memref_squeeze %dma_wait3A_477 : memref<1x1x50x128xi32, #tpu.memory_space<hbm>> -> memref<50x128xi32, #tpu.memory_space<hbm>>
      tpu.wait_dma2 semaphore(%run_scoped3A_462 : memref<!tpu.dma_semaphore, #tpu.memory_space<semaphore_mem>>) src(%dma_wait3A_478 : memref<50x128xi32, #tpu.memory_space<hbm>>) dst(%arg5 : memref<50x128xi32, #tpu.memory_space<vmem>>)
      tpu.yield
    }) : () -> ()
    %dma_start3A_306 = arith.constant 0 : i32
    %dma_start3A_307 = arith.constant 0 : i32
    %dma_start3A_308 = tpu.memref_slice %arg5[%dma_start3A_306, %dma_start3A_307] : memref<50x128xi32, #tpu.memory_space<vmem>> -> memref<1x128xi32, #tpu.memory_space<vmem>>
    %dma_start3A_309 = tpu.memref_squeeze %dma_start3A_308 : memref<1x128xi32, #tpu.memory_space<vmem>> -> memref<128xi32, #tpu.memory_space<vmem>>
    %dma_start3A_310 = arith.constant 0 : i32
    %dma_start3A_311 = arith.constant 0 : i32
    %dma_start3A_312 = tpu.memref_slice %arg3[%dma_start3A_310, %dma_start3A_311] : memref<300000x64xf32, #tpu.memory_space<hbm>> -> memref<300000x64xf32, #tpu.memory_space<hbm>>
    tpu.enqueue_indirect_dma source(%dma_start3A_312 : memref<300000x64xf32, #tpu.memory_space<hbm>>) target(%arg6 : memref<128x64xf32, #tpu.memory_space<vmem>>) offsets(%dma_start3A_309 : memref<128xi32, #tpu.memory_space<vmem>>) semaphore(%arg8 : memref<!tpu.dma_semaphore, #tpu.memory_space<semaphore_mem>>)
    %scan3A_313 = arith.constant 0 : i32
    %scan3A_314 = arith.constant 0 : i32
    %scan3A_315 = arith.constant 24 : i32
    %scan3A_316 = arith.addi %scan3A_314, %scan3A_315 : i32
    %scan3A_317 = arith.constant 1 : i32
    scf.for %scan3A_462 = %scan3A_314 to %scan3A_316 step %scan3A_317  : i32 {
      %mul3A_463 = arith.constant 2 : i32
      %mul3A_464 = arith.muli %mul3A_463, %scan3A_462 : i32
      %add3A_465 = arith.constant 1 : i32
      %add3A_466 = arith.addi %mul3A_464, %add3A_465 : i32
      %dma_start3A_467 = arith.constant 0 : i32
      %dma_start3A_468 = tpu.memref_slice %arg5[%add3A_466, %dma_start3A_467] : memref<50x128xi32, #tpu.memory_space<vmem>> -> memref<1x128xi32, #tpu.memory_space<vmem>>
      %dma_start3A_469 = tpu.memref_squeeze %dma_start3A_468 : memref<1x128xi32, #tpu.memory_space<vmem>> -> memref<128xi32, #tpu.memory_space<vmem>>
      %dma_start3A_470 = arith.constant 0 : i32
      %dma_start3A_471 = arith.constant 0 : i32
      %dma_start3A_472 = tpu.memref_slice %arg3[%dma_start3A_470, %dma_start3A_471] : memref<300000x64xf32, #tpu.memory_space<hbm>> -> memref<300000x64xf32, #tpu.memory_space<hbm>>
      tpu.enqueue_indirect_dma source(%dma_start3A_472 : memref<300000x64xf32, #tpu.memory_space<hbm>>) target(%arg7 : memref<128x64xf32, #tpu.memory_space<vmem>>) offsets(%dma_start3A_469 : memref<128xi32, #tpu.memory_space<vmem>>) semaphore(%arg9 : memref<!tpu.dma_semaphore, #tpu.memory_space<semaphore_mem>>)
      %dma_wait3A_473 = arith.constant 0 : i32
      %dma_wait3A_474 = arith.constant 0 : i32
      %dma_wait3A_475 = tpu.memref_slice %arg3[%dma_wait3A_473, %dma_wait3A_474] : memref<300000x64xf32, #tpu.memory_space<hbm>> -> memref<128x64xf32, #tpu.memory_space<hbm>>
      %dma_wait3A_476 = arith.constant 0 : i32
      %dma_wait3A_477 = arith.constant 0 : i32
      %dma_wait3A_478 = tpu.memref_slice %arg3[%dma_wait3A_476, %dma_wait3A_477] : memref<300000x64xf32, #tpu.memory_space<hbm>> -> memref<128x64xf32, #tpu.memory_space<hbm>>
      tpu.wait_dma2 semaphore(%arg8 : memref<!tpu.dma_semaphore, #tpu.memory_space<semaphore_mem>>) src(%dma_wait3A_478 : memref<128x64xf32, #tpu.memory_space<hbm>>) dst(%arg6 : memref<128x64xf32, #tpu.memory_space<vmem>>)
      %mul3A_479 = arith.constant 128 : i32
      %mul3A_480 = arith.muli %mul3A_464, %mul3A_479 : i32
      %add3A_481 = arith.addi %mul3A_2, %mul3A_480 : i32
      %jit3A_482 = arith.constant 1024 : i32
      %div3A_483 = arith.divsi %add3A_481, %jit3A_482 : i32
      %sign3A_484 = arith.constant 0 : i32
      %sign3A_485 = arith.cmpi sgt, %add3A_481, %sign3A_484 : i32
      %sign3A_486 = arith.extui %sign3A_485 : i1 to i32
      %sign3A_487 = arith.constant 0 : i32
      %sign3A_488 = arith.cmpi slt, %add3A_481, %sign3A_487 : i32
      %sign3A_489 = arith.extui %sign3A_488 : i1 to i32
      %sign3A_490 = arith.subi %sign3A_486, %sign3A_489 : i32
      %sign3A_491 = arith.constant 0 : i32
      %sign3A_492 = arith.cmpi sgt, %jit3A_482, %sign3A_491 : i32
      %sign3A_493 = arith.extui %sign3A_492 : i1 to i32
      %sign3A_494 = arith.constant 0 : i32
      %sign3A_495 = arith.cmpi slt, %jit3A_482, %sign3A_494 : i32
      %sign3A_496 = arith.extui %sign3A_495 : i1 to i32
      %sign3A_497 = arith.subi %sign3A_493, %sign3A_496 : i32
      %ne3A_498 = arith.cmpi ne, %sign3A_490, %sign3A_497 : i32
      %rem3A_499 = arith.remsi %add3A_481, %jit3A_482 : i32
      %ne3A_500 = arith.constant 0 : i32
      %ne3A_501 = arith.cmpi ne, %rem3A_499, %ne3A_500 : i32
      %and3A_502 = arith.andi %ne3A_498, %ne3A_501 : i1
      %sub3A_503 = arith.constant 1 : i32
      %sub3A_504 = arith.subi %div3A_483, %sub3A_503 : i32
      %select_n3A_505 = arith.select %and3A_502, %sub3A_504, %div3A_483 : i32
      %mul3A_506 = arith.constant 1024 : i32
      %mul3A_507 = arith.muli %select_n3A_505, %mul3A_506 : i32
      %sub3A_508 = arith.subi %add3A_481, %mul3A_507 : i32
      %jit3A_509 = arith.constant 512 : i32
      %div3A_510 = arith.divsi %sub3A_508, %jit3A_509 : i32
      %sign3A_511 = arith.constant 0 : i32
      %sign3A_512 = arith.cmpi sgt, %sub3A_508, %sign3A_511 : i32
      %sign3A_513 = arith.extui %sign3A_512 : i1 to i32
      %sign3A_514 = arith.constant 0 : i32
      %sign3A_515 = arith.cmpi slt, %sub3A_508, %sign3A_514 : i32
      %sign3A_516 = arith.extui %sign3A_515 : i1 to i32
      %sign3A_517 = arith.subi %sign3A_513, %sign3A_516 : i32
      %sign3A_518 = arith.constant 0 : i32
      %sign3A_519 = arith.cmpi sgt, %jit3A_509, %sign3A_518 : i32
      %sign3A_520 = arith.extui %sign3A_519 : i1 to i32
      %sign3A_521 = arith.constant 0 : i32
      %sign3A_522 = arith.cmpi slt, %jit3A_509, %sign3A_521 : i32
      %sign3A_523 = arith.extui %sign3A_522 : i1 to i32
      %sign3A_524 = arith.subi %sign3A_520, %sign3A_523 : i32
      %ne3A_525 = arith.cmpi ne, %sign3A_517, %sign3A_524 : i32
      %rem3A_526 = arith.remsi %sub3A_508, %jit3A_509 : i32
      %ne3A_527 = arith.constant 0 : i32
      %ne3A_528 = arith.cmpi ne, %rem3A_526, %ne3A_527 : i32
      %and3A_529 = arith.andi %ne3A_525, %ne3A_528 : i1
      %sub3A_530 = arith.constant 1 : i32
      %sub3A_531 = arith.subi %div3A_510, %sub3A_530 : i32
      %select_n3A_532 = arith.select %and3A_529, %sub3A_531, %div3A_510 : i32
      %mul3A_533 = arith.constant 512 : i32
      %mul3A_534 = arith.muli %select_n3A_532, %mul3A_533 : i32
      %sub3A_535 = arith.subi %sub3A_508, %mul3A_534 : i32
      %mul3A_536 = arith.constant 512 : i32
      %mul3A_537 = arith.muli %select_n3A_505, %mul3A_536 : i32
      %add3A_538 = arith.addi %mul3A_537, %sub3A_535 : i32
      %mul3A_539 = arith.constant 64 : i32
      %mul3A_540 = arith.muli %select_n3A_532, %mul3A_539 : i32
      %run_scoped3A_541 = arith.constant 2 : i32
      "tpu.region"() ({
        %run_scoped3A_621 = tpu.sem_alloc : memref<!tpu.dma_semaphore, #tpu.memory_space<semaphore_mem>>
        %dma_start3A_622 = tpu.memref_slice %arg4[%run_scoped3A_541, %add3A_538, %mul3A_540] : memref<3x102400x128xf32, #tpu.memory_space<hbm>> -> memref<1x128x64xf32, #tpu.memory_space<hbm>>
        %dma_start3A_623 = tpu.memref_squeeze %dma_start3A_622 : memref<1x128x64xf32, #tpu.memory_space<hbm>> -> memref<128x64xf32, #tpu.memory_space<hbm>>
        %dma_start3A_624 = tpu.memref_slice %arg4[%run_scoped3A_541, %add3A_538, %mul3A_540] : memref<3x102400x128xf32, #tpu.memory_space<hbm>> -> memref<1x128x64xf32, #tpu.memory_space<hbm>>
        %dma_start3A_625 = tpu.memref_squeeze %dma_start3A_624 : memref<1x128x64xf32, #tpu.memory_space<hbm>> -> memref<128x64xf32, #tpu.memory_space<hbm>>
        tpu.enqueue_dma source(%arg6 : memref<128x64xf32, #tpu.memory_space<vmem>>) target(%dma_start3A_625 : memref<128x64xf32, #tpu.memory_space<hbm>>) target_semaphore(%run_scoped3A_621 : memref<!tpu.dma_semaphore, #tpu.memory_space<semaphore_mem>>)
        %dma_wait3A_626 = tpu.memref_slice %arg4[%run_scoped3A_541, %add3A_538, %mul3A_540] : memref<3x102400x128xf32, #tpu.memory_space<hbm>> -> memref<1x128x64xf32, #tpu.memory_space<hbm>>
        %dma_wait3A_627 = tpu.memref_squeeze %dma_wait3A_626 : memref<1x128x64xf32, #tpu.memory_space<hbm>> -> memref<128x64xf32, #tpu.memory_space<hbm>>
        %dma_wait3A_628 = tpu.memref_slice %arg4[%run_scoped3A_541, %add3A_538, %mul3A_540] : memref<3x102400x128xf32, #tpu.memory_space<hbm>> -> memref<1x128x64xf32, #tpu.memory_space<hbm>>
        %dma_wait3A_629 = tpu.memref_squeeze %dma_wait3A_628 : memref<1x128x64xf32, #tpu.memory_space<hbm>> -> memref<128x64xf32, #tpu.memory_space<hbm>>
        tpu.wait_dma2 semaphore(%run_scoped3A_621 : memref<!tpu.dma_semaphore, #tpu.memory_space<semaphore_mem>>) src(%arg6 : memref<128x64xf32, #tpu.memory_space<vmem>>) dst(%dma_wait3A_629 : memref<128x64xf32, #tpu.memory_space<hbm>>)
        tpu.yield
      }) : () -> ()
      %add3A_542 = arith.constant 2 : i32
      %add3A_543 = arith.addi %mul3A_464, %add3A_542 : i32
      %dma_start3A_544 = arith.constant 0 : i32
      %dma_start3A_545 = tpu.memref_slice %arg5[%add3A_543, %dma_start3A_544] : memref<50x128xi32, #tpu.memory_space<vmem>> -> memref<1x128xi32, #tpu.memory_space<vmem>>
      %dma_start3A_546 = tpu.memref_squeeze %dma_start3A_545 : memref<1x128xi32, #tpu.memory_space<vmem>> -> memref<128xi32, #tpu.memory_space<vmem>>
      %dma_start3A_547 = arith.constant 0 : i32
      %dma_start3A_548 = arith.constant 0 : i32
      %dma_start3A_549 = tpu.memref_slice %arg3[%dma_start3A_547, %dma_start3A_548] : memref<300000x64xf32, #tpu.memory_space<hbm>> -> memref<300000x64xf32, #tpu.memory_space<hbm>>
      tpu.enqueue_indirect_dma source(%dma_start3A_549 : memref<300000x64xf32, #tpu.memory_space<hbm>>) target(%arg6 : memref<128x64xf32, #tpu.memory_space<vmem>>) offsets(%dma_start3A_546 : memref<128xi32, #tpu.memory_space<vmem>>) semaphore(%arg8 : memref<!tpu.dma_semaphore, #tpu.memory_space<semaphore_mem>>)
      %dma_wait3A_550 = arith.constant 0 : i32
      %dma_wait3A_551 = arith.constant 0 : i32
      %dma_wait3A_552 = tpu.memref_slice %arg3[%dma_wait3A_550, %dma_wait3A_551] : memref<300000x64xf32, #tpu.memory_space<hbm>> -> memref<128x64xf32, #tpu.memory_space<hbm>>
      %dma_wait3A_553 = arith.constant 0 : i32
      %dma_wait3A_554 = arith.constant 0 : i32
      %dma_wait3A_555 = tpu.memref_slice %arg3[%dma_wait3A_553, %dma_wait3A_554] : memref<300000x64xf32, #tpu.memory_space<hbm>> -> memref<128x64xf32, #tpu.memory_space<hbm>>
      tpu.wait_dma2 semaphore(%arg9 : memref<!tpu.dma_semaphore, #tpu.memory_space<semaphore_mem>>) src(%dma_wait3A_555 : memref<128x64xf32, #tpu.memory_space<hbm>>) dst(%arg7 : memref<128x64xf32, #tpu.memory_space<vmem>>)
      %add3A_556 = arith.constant 1 : i32
      %add3A_557 = arith.addi %mul3A_464, %add3A_556 : i32
      %mul3A_558 = arith.constant 128 : i32
      %mul3A_559 = arith.muli %add3A_557, %mul3A_558 : i32
      %add3A_560 = arith.addi %mul3A_2, %mul3A_559 : i32
      %jit3A_561 = arith.constant 1024 : i32
      %div3A_562 = arith.divsi %add3A_560, %jit3A_561 : i32
      %sign3A_563 = arith.constant 0 : i32
      %sign3A_564 = arith.cmpi sgt, %add3A_560, %sign3A_563 : i32
      %sign3A_565 = arith.extui %sign3A_564 : i1 to i32
      %sign3A_566 = arith.constant 0 : i32
      %sign3A_567 = arith.cmpi slt, %add3A_560, %sign3A_566 : i32
      %sign3A_568 = arith.extui %sign3A_567 : i1 to i32
      %sign3A_569 = arith.subi %sign3A_565, %sign3A_568 : i32
      %sign3A_570 = arith.constant 0 : i32
      %sign3A_571 = arith.cmpi sgt, %jit3A_561, %sign3A_570 : i32
      %sign3A_572 = arith.extui %sign3A_571 : i1 to i32
      %sign3A_573 = arith.constant 0 : i32
      %sign3A_574 = arith.cmpi slt, %jit3A_561, %sign3A_573 : i32
      %sign3A_575 = arith.extui %sign3A_574 : i1 to i32
      %sign3A_576 = arith.subi %sign3A_572, %sign3A_575 : i32
      %ne3A_577 = arith.cmpi ne, %sign3A_569, %sign3A_576 : i32
      %rem3A_578 = arith.remsi %add3A_560, %jit3A_561 : i32
      %ne3A_579 = arith.constant 0 : i32
      %ne3A_580 = arith.cmpi ne, %rem3A_578, %ne3A_579 : i32
      %and3A_581 = arith.andi %ne3A_577, %ne3A_580 : i1
      %sub3A_582 = arith.constant 1 : i32
      %sub3A_583 = arith.subi %div3A_562, %sub3A_582 : i32
      %select_n3A_584 = arith.select %and3A_581, %sub3A_583, %div3A_562 : i32
      %mul3A_585 = arith.constant 1024 : i32
      %mul3A_586 = arith.muli %select_n3A_584, %mul3A_585 : i32
      %sub3A_587 = arith.subi %add3A_560, %mul3A_586 : i32
      %jit3A_588 = arith.constant 512 : i32
      %div3A_589 = arith.divsi %sub3A_587, %jit3A_588 : i32
      %sign3A_590 = arith.constant 0 : i32
      %sign3A_591 = arith.cmpi sgt, %sub3A_587, %sign3A_590 : i32
      %sign3A_592 = arith.extui %sign3A_591 : i1 to i32
      %sign3A_593 = arith.constant 0 : i32
      %sign3A_594 = arith.cmpi slt, %sub3A_587, %sign3A_593 : i32
      %sign3A_595 = arith.extui %sign3A_594 : i1 to i32
      %sign3A_596 = arith.subi %sign3A_592, %sign3A_595 : i32
      %sign3A_597 = arith.constant 0 : i32
      %sign3A_598 = arith.cmpi sgt, %jit3A_588, %sign3A_597 : i32
      %sign3A_599 = arith.extui %sign3A_598 : i1 to i32
      %sign3A_600 = arith.constant 0 : i32
      %sign3A_601 = arith.cmpi slt, %jit3A_588, %sign3A_600 : i32
      %sign3A_602 = arith.extui %sign3A_601 : i1 to i32
      %sign3A_603 = arith.subi %sign3A_599, %sign3A_602 : i32
      %ne3A_604 = arith.cmpi ne, %sign3A_596, %sign3A_603 : i32
      %rem3A_605 = arith.remsi %sub3A_587, %jit3A_588 : i32
      %ne3A_606 = arith.constant 0 : i32
      %ne3A_607 = arith.cmpi ne, %rem3A_605, %ne3A_606 : i32
      %and3A_608 = arith.andi %ne3A_604, %ne3A_607 : i1
      %sub3A_609 = arith.constant 1 : i32
      %sub3A_610 = arith.subi %div3A_589, %sub3A_609 : i32
      %select_n3A_611 = arith.select %and3A_608, %sub3A_610, %div3A_589 : i32
      %mul3A_612 = arith.constant 512 : i32
      %mul3A_613 = arith.muli %select_n3A_611, %mul3A_612 : i32
      %sub3A_614 = arith.subi %sub3A_587, %mul3A_613 : i32
      %mul3A_615 = arith.constant 512 : i32
      %mul3A_616 = arith.muli %select_n3A_584, %mul3A_615 : i32
      %add3A_617 = arith.addi %mul3A_616, %sub3A_614 : i32
      %mul3A_618 = arith.constant 64 : i32
      %mul3A_619 = arith.muli %select_n3A_611, %mul3A_618 : i32
      %run_scoped3A_620 = arith.constant 2 : i32
      "tpu.region"() ({
        %run_scoped3A_621 = tpu.sem_alloc : memref<!tpu.dma_semaphore, #tpu.memory_space<semaphore_mem>>
        %dma_start3A_622 = tpu.memref_slice %arg4[%run_scoped3A_620, %add3A_617, %mul3A_619] : memref<3x102400x128xf32, #tpu.memory_space<hbm>> -> memref<1x128x64xf32, #tpu.memory_space<hbm>>
        %dma_start3A_623 = tpu.memref_squeeze %dma_start3A_622 : memref<1x128x64xf32, #tpu.memory_space<hbm>> -> memref<128x64xf32, #tpu.memory_space<hbm>>
        %dma_start3A_624 = tpu.memref_slice %arg4[%run_scoped3A_620, %add3A_617, %mul3A_619] : memref<3x102400x128xf32, #tpu.memory_space<hbm>> -> memref<1x128x64xf32, #tpu.memory_space<hbm>>
        %dma_start3A_625 = tpu.memref_squeeze %dma_start3A_624 : memref<1x128x64xf32, #tpu.memory_space<hbm>> -> memref<128x64xf32, #tpu.memory_space<hbm>>
        tpu.enqueue_dma source(%arg7 : memref<128x64xf32, #tpu.memory_space<vmem>>) target(%dma_start3A_625 : memref<128x64xf32, #tpu.memory_space<hbm>>) target_semaphore(%run_scoped3A_621 : memref<!tpu.dma_semaphore, #tpu.memory_space<semaphore_mem>>)
        %dma_wait3A_626 = tpu.memref_slice %arg4[%run_scoped3A_620, %add3A_617, %mul3A_619] : memref<3x102400x128xf32, #tpu.memory_space<hbm>> -> memref<1x128x64xf32, #tpu.memory_space<hbm>>
        %dma_wait3A_627 = tpu.memref_squeeze %dma_wait3A_626 : memref<1x128x64xf32, #tpu.memory_space<hbm>> -> memref<128x64xf32, #tpu.memory_space<hbm>>
        %dma_wait3A_628 = tpu.memref_slice %arg4[%run_scoped3A_620, %add3A_617, %mul3A_619] : memref<3x102400x128xf32, #tpu.memory_space<hbm>> -> memref<1x128x64xf32, #tpu.memory_space<hbm>>
        %dma_wait3A_629 = tpu.memref_squeeze %dma_wait3A_628 : memref<1x128x64xf32, #tpu.memory_space<hbm>> -> memref<128x64xf32, #tpu.memory_space<hbm>>
        tpu.wait_dma2 semaphore(%run_scoped3A_621 : memref<!tpu.dma_semaphore, #tpu.memory_space<semaphore_mem>>) src(%arg7 : memref<128x64xf32, #tpu.memory_space<vmem>>) dst(%dma_wait3A_629 : memref<128x64xf32, #tpu.memory_space<hbm>>)
        tpu.yield
      }) : () -> ()
    }
    %scan3A_318 = arith.constant 24 : i32
    %dma_start3A_319 = arith.constant 49 : i32
    %dma_start3A_320 = arith.constant 0 : i32
    %dma_start3A_321 = tpu.memref_slice %arg5[%dma_start3A_319, %dma_start3A_320] : memref<50x128xi32, #tpu.memory_space<vmem>> -> memref<1x128xi32, #tpu.memory_space<vmem>>
    %dma_start3A_322 = tpu.memref_squeeze %dma_start3A_321 : memref<1x128xi32, #tpu.memory_space<vmem>> -> memref<128xi32, #tpu.memory_space<vmem>>
    %dma_start3A_323 = arith.constant 0 : i32
    %dma_start3A_324 = arith.constant 0 : i32
    %dma_start3A_325 = tpu.memref_slice %arg3[%dma_start3A_323, %dma_start3A_324] : memref<300000x64xf32, #tpu.memory_space<hbm>> -> memref<300000x64xf32, #tpu.memory_space<hbm>>
    tpu.enqueue_indirect_dma source(%dma_start3A_325 : memref<300000x64xf32, #tpu.memory_space<hbm>>) target(%arg7 : memref<128x64xf32, #tpu.memory_space<vmem>>) offsets(%dma_start3A_322 : memref<128xi32, #tpu.memory_space<vmem>>) semaphore(%arg9 : memref<!tpu.dma_semaphore, #tpu.memory_space<semaphore_mem>>)
    %dma_wait3A_326 = arith.constant 0 : i32
    %dma_wait3A_327 = arith.constant 0 : i32
    %dma_wait3A_328 = tpu.memref_slice %arg3[%dma_wait3A_326, %dma_wait3A_327] : memref<300000x64xf32, #tpu.memory_space<hbm>> -> memref<128x64xf32, #tpu.memory_space<hbm>>
    %dma_wait3A_329 = arith.constant 0 : i32
    %dma_wait3A_330 = arith.constant 0 : i32
    %dma_wait3A_331 = tpu.memref_slice %arg3[%dma_wait3A_329, %dma_wait3A_330] : memref<300000x64xf32, #tpu.memory_space<hbm>> -> memref<128x64xf32, #tpu.memory_space<hbm>>
    tpu.wait_dma2 semaphore(%arg8 : memref<!tpu.dma_semaphore, #tpu.memory_space<semaphore_mem>>) src(%dma_wait3A_331 : memref<128x64xf32, #tpu.memory_space<hbm>>) dst(%arg6 : memref<128x64xf32, #tpu.memory_space<vmem>>)
    %add3A_332 = arith.constant 6144 : i32
    %add3A_333 = arith.addi %mul3A_2, %add3A_332 : i32
    %jit3A_334 = arith.constant 1024 : i32
    %div3A_335 = arith.divsi %add3A_333, %jit3A_334 : i32
    %sign3A_336 = arith.constant 0 : i32
    %sign3A_337 = arith.cmpi sgt, %add3A_333, %sign3A_336 : i32
    %sign3A_338 = arith.extui %sign3A_337 : i1 to i32
    %sign3A_339 = arith.constant 0 : i32
    %sign3A_340 = arith.cmpi slt, %add3A_333, %sign3A_339 : i32
    %sign3A_341 = arith.extui %sign3A_340 : i1 to i32
    %sign3A_342 = arith.subi %sign3A_338, %sign3A_341 : i32
    %sign3A_343 = arith.constant 0 : i32
    %sign3A_344 = arith.cmpi sgt, %jit3A_334, %sign3A_343 : i32
    %sign3A_345 = arith.extui %sign3A_344 : i1 to i32
    %sign3A_346 = arith.constant 0 : i32
    %sign3A_347 = arith.cmpi slt, %jit3A_334, %sign3A_346 : i32
    %sign3A_348 = arith.extui %sign3A_347 : i1 to i32
    %sign3A_349 = arith.subi %sign3A_345, %sign3A_348 : i32
    %ne3A_350 = arith.cmpi ne, %sign3A_342, %sign3A_349 : i32
    %rem3A_351 = arith.remsi %add3A_333, %jit3A_334 : i32
    %ne3A_352 = arith.constant 0 : i32
    %ne3A_353 = arith.cmpi ne, %rem3A_351, %ne3A_352 : i32
    %and3A_354 = arith.andi %ne3A_350, %ne3A_353 : i1
    %sub3A_355 = arith.constant 1 : i32
    %sub3A_356 = arith.subi %div3A_335, %sub3A_355 : i32
    %select_n3A_357 = arith.select %and3A_354, %sub3A_356, %div3A_335 : i32
    %mul3A_358 = arith.constant 1024 : i32
    %mul3A_359 = arith.muli %select_n3A_357, %mul3A_358 : i32
    %sub3A_360 = arith.subi %add3A_333, %mul3A_359 : i32
    %jit3A_361 = arith.constant 512 : i32
    %div3A_362 = arith.divsi %sub3A_360, %jit3A_361 : i32
    %sign3A_363 = arith.constant 0 : i32
    %sign3A_364 = arith.cmpi sgt, %sub3A_360, %sign3A_363 : i32
    %sign3A_365 = arith.extui %sign3A_364 : i1 to i32
    %sign3A_366 = arith.constant 0 : i32
    %sign3A_367 = arith.cmpi slt, %sub3A_360, %sign3A_366 : i32
    %sign3A_368 = arith.extui %sign3A_367 : i1 to i32
    %sign3A_369 = arith.subi %sign3A_365, %sign3A_368 : i32
    %sign3A_370 = arith.constant 0 : i32
    %sign3A_371 = arith.cmpi sgt, %jit3A_361, %sign3A_370 : i32
    %sign3A_372 = arith.extui %sign3A_371 : i1 to i32
    %sign3A_373 = arith.constant 0 : i32
    %sign3A_374 = arith.cmpi slt, %jit3A_361, %sign3A_373 : i32
    %sign3A_375 = arith.extui %sign3A_374 : i1 to i32
    %sign3A_376 = arith.subi %sign3A_372, %sign3A_375 : i32
    %ne3A_377 = arith.cmpi ne, %sign3A_369, %sign3A_376 : i32
    %rem3A_378 = arith.remsi %sub3A_360, %jit3A_361 : i32
    %ne3A_379 = arith.constant 0 : i32
    %ne3A_380 = arith.cmpi ne, %rem3A_378, %ne3A_379 : i32
    %and3A_381 = arith.andi %ne3A_377, %ne3A_380 : i1
    %sub3A_382 = arith.constant 1 : i32
    %sub3A_383 = arith.subi %div3A_362, %sub3A_382 : i32
    %select_n3A_384 = arith.select %and3A_381, %sub3A_383, %div3A_362 : i32
    %mul3A_385 = arith.constant 512 : i32
    %mul3A_386 = arith.muli %select_n3A_384, %mul3A_385 : i32
    %sub3A_387 = arith.subi %sub3A_360, %mul3A_386 : i32
    %mul3A_388 = arith.constant 512 : i32
    %mul3A_389 = arith.muli %select_n3A_357, %mul3A_388 : i32
    %add3A_390 = arith.addi %mul3A_389, %sub3A_387 : i32
    %mul3A_391 = arith.constant 64 : i32
    %mul3A_392 = arith.muli %select_n3A_384, %mul3A_391 : i32
    %run_scoped3A_393 = arith.constant 2 : i32
    "tpu.region"() ({
      %run_scoped3A_462 = tpu.sem_alloc : memref<!tpu.dma_semaphore, #tpu.memory_space<semaphore_mem>>
      %dma_start3A_463 = tpu.memref_slice %arg4[%run_scoped3A_393, %add3A_390, %mul3A_392] : memref<3x102400x128xf32, #tpu.memory_space<hbm>> -> memref<1x128x64xf32, #tpu.memory_space<hbm>>
      %dma_start3A_464 = tpu.memref_squeeze %dma_start3A_463 : memref<1x128x64xf32, #tpu.memory_space<hbm>> -> memref<128x64xf32, #tpu.memory_space<hbm>>
      %dma_start3A_465 = tpu.memref_slice %arg4[%run_scoped3A_393, %add3A_390, %mul3A_392] : memref<3x102400x128xf32, #tpu.memory_space<hbm>> -> memref<1x128x64xf32, #tpu.memory_space<hbm>>
      %dma_start3A_466 = tpu.memref_squeeze %dma_start3A_465 : memref<1x128x64xf32, #tpu.memory_space<hbm>> -> memref<128x64xf32, #tpu.memory_space<hbm>>
      tpu.enqueue_dma source(%arg6 : memref<128x64xf32, #tpu.memory_space<vmem>>) target(%dma_start3A_466 : memref<128x64xf32, #tpu.memory_space<hbm>>) target_semaphore(%run_scoped3A_462 : memref<!tpu.dma_semaphore, #tpu.memory_space<semaphore_mem>>)
      %dma_wait3A_467 = tpu.memref_slice %arg4[%run_scoped3A_393, %add3A_390, %mul3A_392] : memref<3x102400x128xf32, #tpu.memory_space<hbm>> -> memref<1x128x64xf32, #tpu.memory_space<hbm>>
      %dma_wait3A_468 = tpu.memref_squeeze %dma_wait3A_467 : memref<1x128x64xf32, #tpu.memory_space<hbm>> -> memref<128x64xf32, #tpu.memory_space<hbm>>
      %dma_wait3A_469 = tpu.memref_slice %arg4[%run_scoped3A_393, %add3A_390, %mul3A_392] : memref<3x102400x128xf32, #tpu.memory_space<hbm>> -> memref<1x128x64xf32, #tpu.memory_space<hbm>>
      %dma_wait3A_470 = tpu.memref_squeeze %dma_wait3A_469 : memref<1x128x64xf32, #tpu.memory_space<hbm>> -> memref<128x64xf32, #tpu.memory_space<hbm>>
      tpu.wait_dma2 semaphore(%run_scoped3A_462 : memref<!tpu.dma_semaphore, #tpu.memory_space<semaphore_mem>>) src(%arg6 : memref<128x64xf32, #tpu.memory_space<vmem>>) dst(%dma_wait3A_470 : memref<128x64xf32, #tpu.memory_space<hbm>>)
      tpu.yield
    }) : () -> ()
    %dma_wait3A_394 = arith.constant 0 : i32
    %dma_wait3A_395 = arith.constant 0 : i32
    %dma_wait3A_396 = tpu.memref_slice %arg3[%dma_wait3A_394, %dma_wait3A_395] : memref<300000x64xf32, #tpu.memory_space<hbm>> -> memref<128x64xf32, #tpu.memory_space<hbm>>
    %dma_wait3A_397 = arith.constant 0 : i32
    %dma_wait3A_398 = arith.constant 0 : i32
    %dma_wait3A_399 = tpu.memref_slice %arg3[%dma_wait3A_397, %dma_wait3A_398] : memref<300000x64xf32, #tpu.memory_space<hbm>> -> memref<128x64xf32, #tpu.memory_space<hbm>>
    tpu.wait_dma2 semaphore(%arg9 : memref<!tpu.dma_semaphore, #tpu.memory_space<semaphore_mem>>) src(%dma_wait3A_399 : memref<128x64xf32, #tpu.memory_space<hbm>>) dst(%arg7 : memref<128x64xf32, #tpu.memory_space<vmem>>)
    %add3A_400 = arith.constant 6272 : i32
    %add3A_401 = arith.addi %mul3A_2, %add3A_400 : i32
    %jit3A_402 = arith.constant 1024 : i32
    %div3A_403 = arith.divsi %add3A_401, %jit3A_402 : i32
    %sign3A_404 = arith.constant 0 : i32
    %sign3A_405 = arith.cmpi sgt, %add3A_401, %sign3A_404 : i32
    %sign3A_406 = arith.extui %sign3A_405 : i1 to i32
    %sign3A_407 = arith.constant 0 : i32
    %sign3A_408 = arith.cmpi slt, %add3A_401, %sign3A_407 : i32
    %sign3A_409 = arith.extui %sign3A_408 : i1 to i32
    %sign3A_410 = arith.subi %sign3A_406, %sign3A_409 : i32
    %sign3A_411 = arith.constant 0 : i32
    %sign3A_412 = arith.cmpi sgt, %jit3A_402, %sign3A_411 : i32
    %sign3A_413 = arith.extui %sign3A_412 : i1 to i32
    %sign3A_414 = arith.constant 0 : i32
    %sign3A_415 = arith.cmpi slt, %jit3A_402, %sign3A_414 : i32
    %sign3A_416 = arith.extui %sign3A_415 : i1 to i32
    %sign3A_417 = arith.subi %sign3A_413, %sign3A_416 : i32
    %ne3A_418 = arith.cmpi ne, %sign3A_410, %sign3A_417 : i32
    %rem3A_419 = arith.remsi %add3A_401, %jit3A_402 : i32
    %ne3A_420 = arith.constant 0 : i32
    %ne3A_421 = arith.cmpi ne, %rem3A_419, %ne3A_420 : i32
    %and3A_422 = arith.andi %ne3A_418, %ne3A_421 : i1
    %sub3A_423 = arith.constant 1 : i32
    %sub3A_424 = arith.subi %div3A_403, %sub3A_423 : i32
    %select_n3A_425 = arith.select %and3A_422, %sub3A_424, %div3A_403 : i32
    %mul3A_426 = arith.constant 1024 : i32
    %mul3A_427 = arith.muli %select_n3A_425, %mul3A_426 : i32
    %sub3A_428 = arith.subi %add3A_401, %mul3A_427 : i32
    %jit3A_429 = arith.constant 512 : i32
    %div3A_430 = arith.divsi %sub3A_428, %jit3A_429 : i32
    %sign3A_431 = arith.constant 0 : i32
    %sign3A_432 = arith.cmpi sgt, %sub3A_428, %sign3A_431 : i32
    %sign3A_433 = arith.extui %sign3A_432 : i1 to i32
    %sign3A_434 = arith.constant 0 : i32
    %sign3A_435 = arith.cmpi slt, %sub3A_428, %sign3A_434 : i32
    %sign3A_436 = arith.extui %sign3A_435 : i1 to i32
    %sign3A_437 = arith.subi %sign3A_433, %sign3A_436 : i32
    %sign3A_438 = arith.constant 0 : i32
    %sign3A_439 = arith.cmpi sgt, %jit3A_429, %sign3A_438 : i32
    %sign3A_440 = arith.extui %sign3A_439 : i1 to i32
    %sign3A_441 = arith.constant 0 : i32
    %sign3A_442 = arith.cmpi slt, %jit3A_429, %sign3A_441 : i32
    %sign3A_443 = arith.extui %sign3A_442 : i1 to i32
    %sign3A_444 = arith.subi %sign3A_440, %sign3A_443 : i32
    %ne3A_445 = arith.cmpi ne, %sign3A_437, %sign3A_444 : i32
    %rem3A_446 = arith.remsi %sub3A_428, %jit3A_429 : i32
    %ne3A_447 = arith.constant 0 : i32
    %ne3A_448 = arith.cmpi ne, %rem3A_446, %ne3A_447 : i32
    %and3A_449 = arith.andi %ne3A_445, %ne3A_448 : i1
    %sub3A_450 = arith.constant 1 : i32
    %sub3A_451 = arith.subi %div3A_430, %sub3A_450 : i32
    %select_n3A_452 = arith.select %and3A_449, %sub3A_451, %div3A_430 : i32
    %mul3A_453 = arith.constant 512 : i32
    %mul3A_454 = arith.muli %select_n3A_452, %mul3A_453 : i32
    %sub3A_455 = arith.subi %sub3A_428, %mul3A_454 : i32
    %mul3A_456 = arith.constant 512 : i32
    %mul3A_457 = arith.muli %select_n3A_425, %mul3A_456 : i32
    %add3A_458 = arith.addi %mul3A_457, %sub3A_455 : i32
    %mul3A_459 = arith.constant 64 : i32
    %mul3A_460 = arith.muli %select_n3A_452, %mul3A_459 : i32
    %run_scoped3A_461 = arith.constant 2 : i32
    "tpu.region"() ({
      %run_scoped3A_462 = tpu.sem_alloc : memref<!tpu.dma_semaphore, #tpu.memory_space<semaphore_mem>>
      %dma_start3A_463 = tpu.memref_slice %arg4[%run_scoped3A_461, %add3A_458, %mul3A_460] : memref<3x102400x128xf32, #tpu.memory_space<hbm>> -> memref<1x128x64xf32, #tpu.memory_space<hbm>>
      %dma_start3A_464 = tpu.memref_squeeze %dma_start3A_463 : memref<1x128x64xf32, #tpu.memory_space<hbm>> -> memref<128x64xf32, #tpu.memory_space<hbm>>
      %dma_start3A_465 = tpu.memref_slice %arg4[%run_scoped3A_461, %add3A_458, %mul3A_460] : memref<3x102400x128xf32, #tpu.memory_space<hbm>> -> memref<1x128x64xf32, #tpu.memory_space<hbm>>
      %dma_start3A_466 = tpu.memref_squeeze %dma_start3A_465 : memref<1x128x64xf32, #tpu.memory_space<hbm>> -> memref<128x64xf32, #tpu.memory_space<hbm>>
      tpu.enqueue_dma source(%arg7 : memref<128x64xf32, #tpu.memory_space<vmem>>) target(%dma_start3A_466 : memref<128x64xf32, #tpu.memory_space<hbm>>) target_semaphore(%run_scoped3A_462 : memref<!tpu.dma_semaphore, #tpu.memory_space<semaphore_mem>>)
      %dma_wait3A_467 = tpu.memref_slice %arg4[%run_scoped3A_461, %add3A_458, %mul3A_460] : memref<3x102400x128xf32, #tpu.memory_space<hbm>> -> memref<1x128x64xf32, #tpu.memory_space<hbm>>
      %dma_wait3A_468 = tpu.memref_squeeze %dma_wait3A_467 : memref<1x128x64xf32, #tpu.memory_space<hbm>> -> memref<128x64xf32, #tpu.memory_space<hbm>>
      %dma_wait3A_469 = tpu.memref_slice %arg4[%run_scoped3A_461, %add3A_458, %mul3A_460] : memref<3x102400x128xf32, #tpu.memory_space<hbm>> -> memref<1x128x64xf32, #tpu.memory_space<hbm>>
      %dma_wait3A_470 = tpu.memref_squeeze %dma_wait3A_469 : memref<1x128x64xf32, #tpu.memory_space<hbm>> -> memref<128x64xf32, #tpu.memory_space<hbm>>
      tpu.wait_dma2 semaphore(%run_scoped3A_462 : memref<!tpu.dma_semaphore, #tpu.memory_space<semaphore_mem>>) src(%arg7 : memref<128x64xf32, #tpu.memory_space<vmem>>) dst(%dma_wait3A_470 : memref<128x64xf32, #tpu.memory_space<hbm>>)
      tpu.yield
    }) : () -> ()
    return
  }
}

module attributes {stable_mosaic.version = 14 : i64} {
  func.func @_tgt_body(%arg0: i32, %arg1: memref<1x1x1x1024xf32, #tpu.memory_space<vmem>>, %arg2: memref<1x64xf32, #tpu.memory_space<vmem>>, %arg3: memref<1x64xf32, #tpu.memory_space<vmem>>, %arg4: memref<1x1x64x1024xf32, #tpu.memory_space<vmem>>) attributes {dimension_semantics = [#tpu.dimension_semantics<arbitrary>], iteration_bounds = array<i64: 200>, scalar_prefetch = 0 : i64, scratch_operands = 0 : i64, tpu.core_type = #tpu.core_type<tc>, window_params = [{transform_indices = @transform_0, window_bounds = array<i64: 1, 1, 1, 1024>}, {pipeline_mode = #tpu.pipeline_mode<synchronous>, transform_indices = @transform_1, window_bounds = array<i64: 1, 64>}, {pipeline_mode = #tpu.pipeline_mode<synchronous>, transform_indices = @transform_2, window_bounds = array<i64: 1, 64>}, {transform_indices = @transform_3, window_bounds = array<i64: 1, 1, 64, 1024>}]} {
    %get3A = arith.constant 0 : index
    %get3A_0 = arith.constant 0 : index
    %get3A_1 = vector.load %arg2[%get3A, %get3A_0] : memref<1x64xf32, #tpu.memory_space<vmem>>, vector<1x64xf32>
    %get3A_2 = vector.shape_cast %get3A_1 : vector<1x64xf32> to vector<64xf32>
    %broadcast_in_dim3A = vector.shape_cast %get3A_2 : vector<64xf32> to vector<64x1xf32>
    %get3A_3 = arith.constant 0 : index
    %get3A_4 = arith.constant 0 : index
    %get3A_5 = arith.constant 0 : index
    %get3A_6 = arith.constant 0 : index
    %get3A_7 = vector.load %arg1[%get3A_3, %get3A_4, %get3A_5, %get3A_6] : memref<1x1x1x1024xf32, #tpu.memory_space<vmem>>, vector<1x1x1x1024xf32>
    %get3A_8 = vector.shape_cast %get3A_7 : vector<1x1x1x1024xf32> to vector<1024xf32>
    %broadcast_in_dim3A_9 = vector.shape_cast %get3A_8 : vector<1024xf32> to vector<1x1024xf32>
    %mul3A = vector.broadcast %broadcast_in_dim3A : vector<64x1xf32> to vector<64x1024xf32>
    %mul3A_10 = vector.broadcast %broadcast_in_dim3A_9 : vector<1x1024xf32> to vector<64x1024xf32>
    %mul3A_11 = arith.mulf %mul3A, %mul3A_10 : vector<64x1024xf32>
    %get3A_12 = arith.constant 0 : index
    %get3A_13 = arith.constant 0 : index
    %get3A_14 = vector.load %arg3[%get3A_12, %get3A_13] : memref<1x64xf32, #tpu.memory_space<vmem>>, vector<1x64xf32>
    %get3A_15 = vector.shape_cast %get3A_14 : vector<1x64xf32> to vector<64xf32>
    %broadcast_in_dim3A_16 = vector.shape_cast %get3A_15 : vector<64xf32> to vector<64x1xf32>
    %add3A = vector.broadcast %broadcast_in_dim3A_16 : vector<64x1xf32> to vector<64x1024xf32>
    %add3A_17 = arith.addf %mul3A_11, %add3A : vector<64x1024xf32>
    %swap3A = arith.constant 0 : index
    %swap3A_18 = arith.constant 0 : index
    %swap3A_19 = arith.constant 0 : index
    %swap3A_20 = arith.constant 0 : index
    %swap3A_21 = vector.load %arg4[%swap3A, %swap3A_18, %swap3A_19, %swap3A_20] : memref<1x1x64x1024xf32, #tpu.memory_space<vmem>>, vector<1x1x64x1024xf32>
    %swap3A_22 = vector.shape_cast %swap3A_21 : vector<1x1x64x1024xf32> to vector<64x1024xf32>
    %swap3A_23 = vector.shape_cast %add3A_17 : vector<64x1024xf32> to vector<1x1x64x1024xf32>
    tpu.vector_store %arg4[%swap3A, %swap3A_18, %swap3A_19, %swap3A_20], %swap3A_23 {strides = array<i32>} : memref<1x1x64x1024xf32, #tpu.memory_space<vmem>>, vector<1x1x64x1024xf32>,
    return
  }
  func.func @transform_0(%arg0: i32) -> (i32, i32, i32, i32) {
    %c0_i32 = arith.constant 0 : i32
    %c0_i32_0 = arith.constant 0 : i32
    %c0_i32_1 = arith.constant 0 : i32
    %c0_i32_2 = arith.constant 0 : i32
    return %c0_i32, %arg0, %c0_i32_0, %c0_i32_1 : i32, i32, i32, i32
  }
  func.func @transform_1(%arg0: i32) -> (i32, i32) {
    %c0_i32 = arith.constant 0 : i32
    %c0_i32_0 = arith.constant 0 : i32
    %c0_i32_1 = arith.constant 0 : i32
    return %c0_i32, %c0_i32_0 : i32, i32
  }
  func.func @transform_2(%arg0: i32) -> (i32, i32) {
    %c0_i32 = arith.constant 0 : i32
    %c0_i32_0 = arith.constant 0 : i32
    %c0_i32_1 = arith.constant 0 : i32
    return %c0_i32, %c0_i32_0 : i32, i32
  }
  func.func @transform_3(%arg0: i32) -> (i32, i32, i32, i32) {
    %c0_i32 = arith.constant 0 : i32
    %c0_i32_0 = arith.constant 0 : i32
    %c0_i32_1 = arith.constant 0 : i32
    %c0_i32_2 = arith.constant 0 : i32
    return %arg0, %c0_i32, %c0_i32_0, %c0_i32_1 : i32, i32, i32, i32
  }
}

module attributes {stable_mosaic.version = 14 : i64} {
  func.func @_sinp_body(%arg0: i32, %arg1: memref<3x512x128xf32, #tpu.memory_space<vmem>>, %arg2: memref<4x1024xf32, #tpu.memory_space<vmem>>, %arg3: memref<4x64xf32, #tpu.memory_space<vmem>>, %arg4: memref<4x64xf32, #tpu.memory_space<vmem>>, %arg5: memref<7x64x1024xf32, #tpu.memory_space<vmem>>) attributes {dimension_semantics = [#tpu.dimension_semantics<arbitrary>], iteration_bounds = array<i64: 1>, scalar_prefetch = 0 : i64, scratch_operands = 0 : i64, tpu.core_type = #tpu.core_type<tc>, window_params = [{pipeline_mode = #tpu.pipeline_mode<synchronous>, transform_indices = @transform_0, window_bounds = array<i64: 3, 512, 128>}, {pipeline_mode = #tpu.pipeline_mode<synchronous>, transform_indices = @transform_1, window_bounds = array<i64: 4, 1024>}, {pipeline_mode = #tpu.pipeline_mode<synchronous>, transform_indices = @transform_2, window_bounds = array<i64: 4, 64>}, {pipeline_mode = #tpu.pipeline_mode<synchronous>, transform_indices = @transform_3, window_bounds = array<i64: 4, 64>}, {pipeline_mode = #tpu.pipeline_mode<synchronous>, transform_indices = @transform_4, window_bounds = array<i64: 7, 64, 1024>}]} {
    %get3A = arith.constant 0 : index
    %get3A_0 = arith.constant 0 : index
    %get3A_1 = arith.constant 0 : index
    %get3A_2 = vector.load %arg1[%get3A, %get3A_0, %get3A_1] : memref<3x512x128xf32, #tpu.memory_space<vmem>>, vector<1x512x128xf32>
    %get3A_3 = vector.shape_cast %get3A_2 : vector<1x512x128xf32> to vector<512x128xf32>
    %slice3A = vector.extract_strided_slice %get3A_3 {offsets = [0, 0], sizes = [512, 64], strides = [1, 1]} : vector<512x128xf32> to vector<512x64xf32>
    %transpose3A = tpu.transpose %slice3A, [1, 0] : vector<512x64xf32> -> vector<64x512xf32>
    %slice3A_4 = vector.extract_strided_slice %get3A_3 {offsets = [0, 64], sizes = [512, 64], strides = [1, 1]} : vector<512x128xf32> to vector<512x64xf32>
    %transpose3A_5 = tpu.transpose %slice3A_4, [1, 0] : vector<512x64xf32> -> vector<64x512xf32>
    %concatenate3A = tpu.concatenate %transpose3A, %transpose3A_5 in 1 : vector<64x512xf32>, vector<64x512xf32> -> vector<64x1024xf32>
    %swap3A = arith.constant 0 : index
    %swap3A_6 = arith.constant 0 : index
    %swap3A_7 = arith.constant 0 : index
    %swap3A_8 = vector.load %arg5[%swap3A, %swap3A_6, %swap3A_7] : memref<7x64x1024xf32, #tpu.memory_space<vmem>>, vector<1x64x1024xf32>
    %swap3A_9 = vector.shape_cast %swap3A_8 : vector<1x64x1024xf32> to vector<64x1024xf32>
    %swap3A_10 = vector.shape_cast %concatenate3A : vector<64x1024xf32> to vector<1x64x1024xf32>
    tpu.vector_store %arg5[%swap3A, %swap3A_6, %swap3A_7], %swap3A_10 {strides = array<i32>} : memref<7x64x1024xf32, #tpu.memory_space<vmem>>, vector<1x64x1024xf32>,
    %get3A_11 = arith.constant 1 : index
    %get3A_12 = arith.constant 0 : index
    %get3A_13 = arith.constant 0 : index
    %get3A_14 = vector.load %arg1[%get3A_11, %get3A_12, %get3A_13] : memref<3x512x128xf32, #tpu.memory_space<vmem>>, vector<1x512x128xf32>
    %get3A_15 = vector.shape_cast %get3A_14 : vector<1x512x128xf32> to vector<512x128xf32>
    %slice3A_16 = vector.extract_strided_slice %get3A_15 {offsets = [0, 0], sizes = [512, 64], strides = [1, 1]} : vector<512x128xf32> to vector<512x64xf32>
    %transpose3A_17 = tpu.transpose %slice3A_16, [1, 0] : vector<512x64xf32> -> vector<64x512xf32>
    %slice3A_18 = vector.extract_strided_slice %get3A_15 {offsets = [0, 64], sizes = [512, 64], strides = [1, 1]} : vector<512x128xf32> to vector<512x64xf32>
    %transpose3A_19 = tpu.transpose %slice3A_18, [1, 0] : vector<512x64xf32> -> vector<64x512xf32>
    %concatenate3A_20 = tpu.concatenate %transpose3A_17, %transpose3A_19 in 1 : vector<64x512xf32>, vector<64x512xf32> -> vector<64x1024xf32>
    %swap3A_21 = arith.constant 1 : index
    %swap3A_22 = arith.constant 0 : index
    %swap3A_23 = arith.constant 0 : index
    %swap3A_24 = vector.load %arg5[%swap3A_21, %swap3A_22, %swap3A_23] : memref<7x64x1024xf32, #tpu.memory_space<vmem>>, vector<1x64x1024xf32>
    %swap3A_25 = vector.shape_cast %swap3A_24 : vector<1x64x1024xf32> to vector<64x1024xf32>
    %swap3A_26 = vector.shape_cast %concatenate3A_20 : vector<64x1024xf32> to vector<1x64x1024xf32>
    tpu.vector_store %arg5[%swap3A_21, %swap3A_22, %swap3A_23], %swap3A_26 {strides = array<i32>} : memref<7x64x1024xf32, #tpu.memory_space<vmem>>, vector<1x64x1024xf32>,
    %get3A_27 = arith.constant 2 : index
    %get3A_28 = arith.constant 0 : index
    %get3A_29 = arith.constant 0 : index
    %get3A_30 = vector.load %arg1[%get3A_27, %get3A_28, %get3A_29] : memref<3x512x128xf32, #tpu.memory_space<vmem>>, vector<1x512x128xf32>
    %get3A_31 = vector.shape_cast %get3A_30 : vector<1x512x128xf32> to vector<512x128xf32>
    %slice3A_32 = vector.extract_strided_slice %get3A_31 {offsets = [0, 0], sizes = [512, 64], strides = [1, 1]} : vector<512x128xf32> to vector<512x64xf32>
    %transpose3A_33 = tpu.transpose %slice3A_32, [1, 0] : vector<512x64xf32> -> vector<64x512xf32>
    %slice3A_34 = vector.extract_strided_slice %get3A_31 {offsets = [0, 64], sizes = [512, 64], strides = [1, 1]} : vector<512x128xf32> to vector<512x64xf32>
    %transpose3A_35 = tpu.transpose %slice3A_34, [1, 0] : vector<512x64xf32> -> vector<64x512xf32>
    %concatenate3A_36 = tpu.concatenate %transpose3A_33, %transpose3A_35 in 1 : vector<64x512xf32>, vector<64x512xf32> -> vector<64x1024xf32>
    %swap3A_37 = arith.constant 2 : index
    %swap3A_38 = arith.constant 0 : index
    %swap3A_39 = arith.constant 0 : index
    %swap3A_40 = vector.load %arg5[%swap3A_37, %swap3A_38, %swap3A_39] : memref<7x64x1024xf32, #tpu.memory_space<vmem>>, vector<1x64x1024xf32>
    %swap3A_41 = vector.shape_cast %swap3A_40 : vector<1x64x1024xf32> to vector<64x1024xf32>
    %swap3A_42 = vector.shape_cast %concatenate3A_36 : vector<64x1024xf32> to vector<1x64x1024xf32>
    tpu.vector_store %arg5[%swap3A_37, %swap3A_38, %swap3A_39], %swap3A_42 {strides = array<i32>} : memref<7x64x1024xf32, #tpu.memory_space<vmem>>, vector<1x64x1024xf32>,
    %get3A_43 = arith.constant 0 : index
    %get3A_44 = arith.constant 0 : index
    %get3A_45 = vector.load %arg3[%get3A_43, %get3A_44] : memref<4x64xf32, #tpu.memory_space<vmem>>, vector<1x64xf32>
    %get3A_46 = vector.shape_cast %get3A_45 : vector<1x64xf32> to vector<64xf32>
    %broadcast_in_dim3A = vector.shape_cast %get3A_46 : vector<64xf32> to vector<64x1xf32>
    %get3A_47 = arith.constant 0 : index
    %get3A_48 = arith.constant 0 : index
    %get3A_49 = vector.load %arg2[%get3A_47, %get3A_48] : memref<4x1024xf32, #tpu.memory_space<vmem>>, vector<1x1024xf32>
    %get3A_50 = vector.shape_cast %get3A_49 : vector<1x1024xf32> to vector<1024xf32>
    %broadcast_in_dim3A_51 = vector.shape_cast %get3A_50 : vector<1024xf32> to vector<1x1024xf32>
    %mul3A = vector.broadcast %broadcast_in_dim3A : vector<64x1xf32> to vector<64x1024xf32>
    %mul3A_52 = vector.broadcast %broadcast_in_dim3A_51 : vector<1x1024xf32> to vector<64x1024xf32>
    %mul3A_53 = arith.mulf %mul3A, %mul3A_52 : vector<64x1024xf32>
    %get3A_54 = arith.constant 0 : index
    %get3A_55 = arith.constant 0 : index
    %get3A_56 = vector.load %arg4[%get3A_54, %get3A_55] : memref<4x64xf32, #tpu.memory_space<vmem>>, vector<1x64xf32>
    %get3A_57 = vector.shape_cast %get3A_56 : vector<1x64xf32> to vector<64xf32>
    %broadcast_in_dim3A_58 = vector.shape_cast %get3A_57 : vector<64xf32> to vector<64x1xf32>
    %add3A = vector.broadcast %broadcast_in_dim3A_58 : vector<64x1xf32> to vector<64x1024xf32>
    %add3A_59 = arith.addf %mul3A_53, %add3A : vector<64x1024xf32>
    %swap3A_60 = arith.constant 3 : index
    %swap3A_61 = arith.constant 0 : index
    %swap3A_62 = arith.constant 0 : index
    %swap3A_63 = vector.load %arg5[%swap3A_60, %swap3A_61, %swap3A_62] : memref<7x64x1024xf32, #tpu.memory_space<vmem>>, vector<1x64x1024xf32>
    %swap3A_64 = vector.shape_cast %swap3A_63 : vector<1x64x1024xf32> to vector<64x1024xf32>
    %swap3A_65 = vector.shape_cast %add3A_59 : vector<64x1024xf32> to vector<1x64x1024xf32>
    tpu.vector_store %arg5[%swap3A_60, %swap3A_61, %swap3A_62], %swap3A_65 {strides = array<i32>} : memref<7x64x1024xf32, #tpu.memory_space<vmem>>, vector<1x64x1024xf32>,
    %get3A_66 = arith.constant 1 : index
    %get3A_67 = arith.constant 0 : index
    %get3A_68 = vector.load %arg3[%get3A_66, %get3A_67] : memref<4x64xf32, #tpu.memory_space<vmem>>, vector<1x64xf32>
    %get3A_69 = vector.shape_cast %get3A_68 : vector<1x64xf32> to vector<64xf32>
    %broadcast_in_dim3A_70 = vector.shape_cast %get3A_69 : vector<64xf32> to vector<64x1xf32>
    %get3A_71 = arith.constant 1 : index
    %get3A_72 = arith.constant 0 : index
    %get3A_73 = vector.load %arg2[%get3A_71, %get3A_72] : memref<4x1024xf32, #tpu.memory_space<vmem>>, vector<1x1024xf32>
    %get3A_74 = vector.shape_cast %get3A_73 : vector<1x1024xf32> to vector<1024xf32>
    %broadcast_in_dim3A_75 = vector.shape_cast %get3A_74 : vector<1024xf32> to vector<1x1024xf32>
    %mul3A_76 = vector.broadcast %broadcast_in_dim3A_70 : vector<64x1xf32> to vector<64x1024xf32>
    %mul3A_77 = vector.broadcast %broadcast_in_dim3A_75 : vector<1x1024xf32> to vector<64x1024xf32>
    %mul3A_78 = arith.mulf %mul3A_76, %mul3A_77 : vector<64x1024xf32>
    %get3A_79 = arith.constant 1 : index
    %get3A_80 = arith.constant 0 : index
    %get3A_81 = vector.load %arg4[%get3A_79, %get3A_80] : memref<4x64xf32, #tpu.memory_space<vmem>>, vector<1x64xf32>
    %get3A_82 = vector.shape_cast %get3A_81 : vector<1x64xf32> to vector<64xf32>
    %broadcast_in_dim3A_83 = vector.shape_cast %get3A_82 : vector<64xf32> to vector<64x1xf32>
    %add3A_84 = vector.broadcast %broadcast_in_dim3A_83 : vector<64x1xf32> to vector<64x1024xf32>
    %add3A_85 = arith.addf %mul3A_78, %add3A_84 : vector<64x1024xf32>
    %swap3A_86 = arith.constant 4 : index
    %swap3A_87 = arith.constant 0 : index
    %swap3A_88 = arith.constant 0 : index
    %swap3A_89 = vector.load %arg5[%swap3A_86, %swap3A_87, %swap3A_88] : memref<7x64x1024xf32, #tpu.memory_space<vmem>>, vector<1x64x1024xf32>
    %swap3A_90 = vector.shape_cast %swap3A_89 : vector<1x64x1024xf32> to vector<64x1024xf32>
    %swap3A_91 = vector.shape_cast %add3A_85 : vector<64x1024xf32> to vector<1x64x1024xf32>
    tpu.vector_store %arg5[%swap3A_86, %swap3A_87, %swap3A_88], %swap3A_91 {strides = array<i32>} : memref<7x64x1024xf32, #tpu.memory_space<vmem>>, vector<1x64x1024xf32>,
    %get3A_92 = arith.constant 2 : index
    %get3A_93 = arith.constant 0 : index
    %get3A_94 = vector.load %arg3[%get3A_92, %get3A_93] : memref<4x64xf32, #tpu.memory_space<vmem>>, vector<1x64xf32>
    %get3A_95 = vector.shape_cast %get3A_94 : vector<1x64xf32> to vector<64xf32>
    %broadcast_in_dim3A_96 = vector.shape_cast %get3A_95 : vector<64xf32> to vector<64x1xf32>
    %get3A_97 = arith.constant 2 : index
    %get3A_98 = arith.constant 0 : index
    %get3A_99 = vector.load %arg2[%get3A_97, %get3A_98] : memref<4x1024xf32, #tpu.memory_space<vmem>>, vector<1x1024xf32>
    %get3A_100 = vector.shape_cast %get3A_99 : vector<1x1024xf32> to vector<1024xf32>
    %broadcast_in_dim3A_101 = vector.shape_cast %get3A_100 : vector<1024xf32> to vector<1x1024xf32>
    %mul3A_102 = vector.broadcast %broadcast_in_dim3A_96 : vector<64x1xf32> to vector<64x1024xf32>
    %mul3A_103 = vector.broadcast %broadcast_in_dim3A_101 : vector<1x1024xf32> to vector<64x1024xf32>
    %mul3A_104 = arith.mulf %mul3A_102, %mul3A_103 : vector<64x1024xf32>
    %get3A_105 = arith.constant 2 : index
    %get3A_106 = arith.constant 0 : index
    %get3A_107 = vector.load %arg4[%get3A_105, %get3A_106] : memref<4x64xf32, #tpu.memory_space<vmem>>, vector<1x64xf32>
    %get3A_108 = vector.shape_cast %get3A_107 : vector<1x64xf32> to vector<64xf32>
    %broadcast_in_dim3A_109 = vector.shape_cast %get3A_108 : vector<64xf32> to vector<64x1xf32>
    %add3A_110 = vector.broadcast %broadcast_in_dim3A_109 : vector<64x1xf32> to vector<64x1024xf32>
    %add3A_111 = arith.addf %mul3A_104, %add3A_110 : vector<64x1024xf32>
    %swap3A_112 = arith.constant 5 : index
    %swap3A_113 = arith.constant 0 : index
    %swap3A_114 = arith.constant 0 : index
    %swap3A_115 = vector.load %arg5[%swap3A_112, %swap3A_113, %swap3A_114] : memref<7x64x1024xf32, #tpu.memory_space<vmem>>, vector<1x64x1024xf32>
    %swap3A_116 = vector.shape_cast %swap3A_115 : vector<1x64x1024xf32> to vector<64x1024xf32>
    %swap3A_117 = vector.shape_cast %add3A_111 : vector<64x1024xf32> to vector<1x64x1024xf32>
    tpu.vector_store %arg5[%swap3A_112, %swap3A_113, %swap3A_114], %swap3A_117 {strides = array<i32>} : memref<7x64x1024xf32, #tpu.memory_space<vmem>>, vector<1x64x1024xf32>,
    %get3A_118 = arith.constant 3 : index
    %get3A_119 = arith.constant 0 : index
    %get3A_120 = vector.load %arg3[%get3A_118, %get3A_119] : memref<4x64xf32, #tpu.memory_space<vmem>>, vector<1x64xf32>
    %get3A_121 = vector.shape_cast %get3A_120 : vector<1x64xf32> to vector<64xf32>
    %broadcast_in_dim3A_122 = vector.shape_cast %get3A_121 : vector<64xf32> to vector<64x1xf32>
    %get3A_123 = arith.constant 3 : index
    %get3A_124 = arith.constant 0 : index
    %get3A_125 = vector.load %arg2[%get3A_123, %get3A_124] : memref<4x1024xf32, #tpu.memory_space<vmem>>, vector<1x1024xf32>
    %get3A_126 = vector.shape_cast %get3A_125 : vector<1x1024xf32> to vector<1024xf32>
    %broadcast_in_dim3A_127 = vector.shape_cast %get3A_126 : vector<1024xf32> to vector<1x1024xf32>
    %mul3A_128 = vector.broadcast %broadcast_in_dim3A_122 : vector<64x1xf32> to vector<64x1024xf32>
    %mul3A_129 = vector.broadcast %broadcast_in_dim3A_127 : vector<1x1024xf32> to vector<64x1024xf32>
    %mul3A_130 = arith.mulf %mul3A_128, %mul3A_129 : vector<64x1024xf32>
    %get3A_131 = arith.constant 3 : index
    %get3A_132 = arith.constant 0 : index
    %get3A_133 = vector.load %arg4[%get3A_131, %get3A_132] : memref<4x64xf32, #tpu.memory_space<vmem>>, vector<1x64xf32>
    %get3A_134 = vector.shape_cast %get3A_133 : vector<1x64xf32> to vector<64xf32>
    %broadcast_in_dim3A_135 = vector.shape_cast %get3A_134 : vector<64xf32> to vector<64x1xf32>
    %add3A_136 = vector.broadcast %broadcast_in_dim3A_135 : vector<64x1xf32> to vector<64x1024xf32>
    %add3A_137 = arith.addf %mul3A_130, %add3A_136 : vector<64x1024xf32>
    %swap3A_138 = arith.constant 6 : index
    %swap3A_139 = arith.constant 0 : index
    %swap3A_140 = arith.constant 0 : index
    %swap3A_141 = vector.load %arg5[%swap3A_138, %swap3A_139, %swap3A_140] : memref<7x64x1024xf32, #tpu.memory_space<vmem>>, vector<1x64x1024xf32>
    %swap3A_142 = vector.shape_cast %swap3A_141 : vector<1x64x1024xf32> to vector<64x1024xf32>
    %swap3A_143 = vector.shape_cast %add3A_137 : vector<64x1024xf32> to vector<1x64x1024xf32>
    tpu.vector_store %arg5[%swap3A_138, %swap3A_139, %swap3A_140], %swap3A_143 {strides = array<i32>} : memref<7x64x1024xf32, #tpu.memory_space<vmem>>, vector<1x64x1024xf32>,
    return
  }
  func.func @transform_0(%arg0: i32) -> (i32, i32, i32) {
    %c0_i32 = arith.constant 0 : i32
    %c0_i32_0 = arith.constant 0 : i32
    %c0_i32_1 = arith.constant 0 : i32
    %c0_i32_2 = arith.constant 0 : i32
    return %c0_i32, %c0_i32_0, %c0_i32_1 : i32, i32, i32
  }
  func.func @transform_1(%arg0: i32) -> (i32, i32) {
    %c0_i32 = arith.constant 0 : i32
    %c0_i32_0 = arith.constant 0 : i32
    %c0_i32_1 = arith.constant 0 : i32
    return %c0_i32, %c0_i32_0 : i32, i32
  }
  func.func @transform_2(%arg0: i32) -> (i32, i32) {
    %c0_i32 = arith.constant 0 : i32
    %c0_i32_0 = arith.constant 0 : i32
    %c0_i32_1 = arith.constant 0 : i32
    return %c0_i32, %c0_i32_0 : i32, i32
  }
  func.func @transform_3(%arg0: i32) -> (i32, i32) {
    %c0_i32 = arith.constant 0 : i32
    %c0_i32_0 = arith.constant 0 : i32
    %c0_i32_1 = arith.constant 0 : i32
    return %c0_i32, %c0_i32_0 : i32, i32
  }
  func.func @transform_4(%arg0: i32) -> (i32, i32, i32) {
    %c0_i32 = arith.constant 0 : i32
    %c0_i32_0 = arith.constant 0 : i32
    %c0_i32_1 = arith.constant 0 : i32
    %c0_i32_2 = arith.constant 0 : i32
    return %c0_i32, %c0_i32_0, %c0_i32_1 : i32, i32, i32
  }
}

module attributes {stable_mosaic.version = 14 : i64} {
  func.func @_assemble_body(%arg0: i32, %arg1: memref<3x1x512x128xf32, #tpu.memory_space<vmem>>, %arg2: memref<4x1x1x1024xf32, #tpu.memory_space<vmem>>, %arg3: memref<4x64xf32, #tpu.memory_space<vmem>>, %arg4: memref<4x64xf32, #tpu.memory_space<vmem>>, %arg5: memref<1x7x64x1024xf32, #tpu.memory_space<vmem>>) attributes {dimension_semantics = [#tpu.dimension_semantics<arbitrary>], iteration_bounds = array<i64: 200>, scalar_prefetch = 0 : i64, scratch_operands = 0 : i64, tpu.core_type = #tpu.core_type<tc>, window_params = [{transform_indices = @transform_0, window_bounds = array<i64: 3, 1, 512, 128>}, {transform_indices = @transform_1, window_bounds = array<i64: 4, 1, 1, 1024>}, {pipeline_mode = #tpu.pipeline_mode<synchronous>, transform_indices = @transform_2, window_bounds = array<i64: 4, 64>}, {pipeline_mode = #tpu.pipeline_mode<synchronous>, transform_indices = @transform_3, window_bounds = array<i64: 4, 64>}, {transform_indices = @transform_4, window_bounds = array<i64: 1, 7, 64, 1024>}]} {
    %get3A = arith.constant 0 : index
    %get3A_0 = arith.constant 0 : index
    %get3A_1 = arith.constant 0 : index
    %get3A_2 = arith.constant 0 : index
    %get3A_3 = vector.load %arg1[%get3A, %get3A_0, %get3A_1, %get3A_2] : memref<3x1x512x128xf32, #tpu.memory_space<vmem>>, vector<1x1x512x128xf32>
    %get3A_4 = vector.shape_cast %get3A_3 : vector<1x1x512x128xf32> to vector<512x128xf32>
    %slice3A = vector.extract_strided_slice %get3A_4 {offsets = [0, 0], sizes = [512, 64], strides = [1, 1]} : vector<512x128xf32> to vector<512x64xf32>
    %transpose3A = tpu.transpose %slice3A, [1, 0] : vector<512x64xf32> -> vector<64x512xf32>
    %slice3A_5 = vector.extract_strided_slice %get3A_4 {offsets = [0, 64], sizes = [512, 64], strides = [1, 1]} : vector<512x128xf32> to vector<512x64xf32>
    %transpose3A_6 = tpu.transpose %slice3A_5, [1, 0] : vector<512x64xf32> -> vector<64x512xf32>
    %concatenate3A = tpu.concatenate %transpose3A, %transpose3A_6 in 1 : vector<64x512xf32>, vector<64x512xf32> -> vector<64x1024xf32>
    %swap3A = arith.constant 0 : index
    %swap3A_7 = arith.constant 0 : index
    %swap3A_8 = arith.constant 0 : index
    %swap3A_9 = arith.constant 0 : index
    %swap3A_10 = vector.load %arg5[%swap3A, %swap3A_7, %swap3A_8, %swap3A_9] : memref<1x7x64x1024xf32, #tpu.memory_space<vmem>>, vector<1x1x64x1024xf32>
    %swap3A_11 = vector.shape_cast %swap3A_10 : vector<1x1x64x1024xf32> to vector<64x1024xf32>
    %swap3A_12 = vector.shape_cast %concatenate3A : vector<64x1024xf32> to vector<1x1x64x1024xf32>
    tpu.vector_store %arg5[%swap3A, %swap3A_7, %swap3A_8, %swap3A_9], %swap3A_12 {strides = array<i32>} : memref<1x7x64x1024xf32, #tpu.memory_space<vmem>>, vector<1x1x64x1024xf32>,
    %get3A_13 = arith.constant 1 : index
    %get3A_14 = arith.constant 0 : index
    %get3A_15 = arith.constant 0 : index
    %get3A_16 = arith.constant 0 : index
    %get3A_17 = vector.load %arg1[%get3A_13, %get3A_14, %get3A_15, %get3A_16] : memref<3x1x512x128xf32, #tpu.memory_space<vmem>>, vector<1x1x512x128xf32>
    %get3A_18 = vector.shape_cast %get3A_17 : vector<1x1x512x128xf32> to vector<512x128xf32>
    %slice3A_19 = vector.extract_strided_slice %get3A_18 {offsets = [0, 0], sizes = [512, 64], strides = [1, 1]} : vector<512x128xf32> to vector<512x64xf32>
    %transpose3A_20 = tpu.transpose %slice3A_19, [1, 0] : vector<512x64xf32> -> vector<64x512xf32>
    %slice3A_21 = vector.extract_strided_slice %get3A_18 {offsets = [0, 64], sizes = [512, 64], strides = [1, 1]} : vector<512x128xf32> to vector<512x64xf32>
    %transpose3A_22 = tpu.transpose %slice3A_21, [1, 0] : vector<512x64xf32> -> vector<64x512xf32>
    %concatenate3A_23 = tpu.concatenate %transpose3A_20, %transpose3A_22 in 1 : vector<64x512xf32>, vector<64x512xf32> -> vector<64x1024xf32>
    %swap3A_24 = arith.constant 0 : index
    %swap3A_25 = arith.constant 1 : index
    %swap3A_26 = arith.constant 0 : index
    %swap3A_27 = arith.constant 0 : index
    %swap3A_28 = vector.load %arg5[%swap3A_24, %swap3A_25, %swap3A_26, %swap3A_27] : memref<1x7x64x1024xf32, #tpu.memory_space<vmem>>, vector<1x1x64x1024xf32>
    %swap3A_29 = vector.shape_cast %swap3A_28 : vector<1x1x64x1024xf32> to vector<64x1024xf32>
    %swap3A_30 = vector.shape_cast %concatenate3A_23 : vector<64x1024xf32> to vector<1x1x64x1024xf32>
    tpu.vector_store %arg5[%swap3A_24, %swap3A_25, %swap3A_26, %swap3A_27], %swap3A_30 {strides = array<i32>} : memref<1x7x64x1024xf32, #tpu.memory_space<vmem>>, vector<1x1x64x1024xf32>,
    %get3A_31 = arith.constant 2 : index
    %get3A_32 = arith.constant 0 : index
    %get3A_33 = arith.constant 0 : index
    %get3A_34 = arith.constant 0 : index
    %get3A_35 = vector.load %arg1[%get3A_31, %get3A_32, %get3A_33, %get3A_34] : memref<3x1x512x128xf32, #tpu.memory_space<vmem>>, vector<1x1x512x128xf32>
    %get3A_36 = vector.shape_cast %get3A_35 : vector<1x1x512x128xf32> to vector<512x128xf32>
    %slice3A_37 = vector.extract_strided_slice %get3A_36 {offsets = [0, 0], sizes = [512, 64], strides = [1, 1]} : vector<512x128xf32> to vector<512x64xf32>
    %transpose3A_38 = tpu.transpose %slice3A_37, [1, 0] : vector<512x64xf32> -> vector<64x512xf32>
    %slice3A_39 = vector.extract_strided_slice %get3A_36 {offsets = [0, 64], sizes = [512, 64], strides = [1, 1]} : vector<512x128xf32> to vector<512x64xf32>
    %transpose3A_40 = tpu.transpose %slice3A_39, [1, 0] : vector<512x64xf32> -> vector<64x512xf32>
    %concatenate3A_41 = tpu.concatenate %transpose3A_38, %transpose3A_40 in 1 : vector<64x512xf32>, vector<64x512xf32> -> vector<64x1024xf32>
    %swap3A_42 = arith.constant 0 : index
    %swap3A_43 = arith.constant 2 : index
    %swap3A_44 = arith.constant 0 : index
    %swap3A_45 = arith.constant 0 : index
    %swap3A_46 = vector.load %arg5[%swap3A_42, %swap3A_43, %swap3A_44, %swap3A_45] : memref<1x7x64x1024xf32, #tpu.memory_space<vmem>>, vector<1x1x64x1024xf32>
    %swap3A_47 = vector.shape_cast %swap3A_46 : vector<1x1x64x1024xf32> to vector<64x1024xf32>
    %swap3A_48 = vector.shape_cast %concatenate3A_41 : vector<64x1024xf32> to vector<1x1x64x1024xf32>
    tpu.vector_store %arg5[%swap3A_42, %swap3A_43, %swap3A_44, %swap3A_45], %swap3A_48 {strides = array<i32>} : memref<1x7x64x1024xf32, #tpu.memory_space<vmem>>, vector<1x1x64x1024xf32>,
    %get3A_49 = arith.constant 0 : index
    %get3A_50 = arith.constant 0 : index
    %get3A_51 = vector.load %arg3[%get3A_49, %get3A_50] : memref<4x64xf32, #tpu.memory_space<vmem>>, vector<1x64xf32>
    %get3A_52 = vector.shape_cast %get3A_51 : vector<1x64xf32> to vector<64xf32>
    %broadcast_in_dim3A = vector.shape_cast %get3A_52 : vector<64xf32> to vector<64x1xf32>
    %get3A_53 = arith.constant 0 : index
    %get3A_54 = arith.constant 0 : index
    %get3A_55 = arith.constant 0 : index
    %get3A_56 = arith.constant 0 : index
    %get3A_57 = vector.load %arg2[%get3A_53, %get3A_54, %get3A_55, %get3A_56] : memref<4x1x1x1024xf32, #tpu.memory_space<vmem>>, vector<1x1x1x1024xf32>
    %get3A_58 = vector.shape_cast %get3A_57 : vector<1x1x1x1024xf32> to vector<1024xf32>
    %broadcast_in_dim3A_59 = vector.shape_cast %get3A_58 : vector<1024xf32> to vector<1x1024xf32>
    %mul3A = vector.broadcast %broadcast_in_dim3A : vector<64x1xf32> to vector<64x1024xf32>
    %mul3A_60 = vector.broadcast %broadcast_in_dim3A_59 : vector<1x1024xf32> to vector<64x1024xf32>
    %mul3A_61 = arith.mulf %mul3A, %mul3A_60 : vector<64x1024xf32>
    %get3A_62 = arith.constant 0 : index
    %get3A_63 = arith.constant 0 : index
    %get3A_64 = vector.load %arg4[%get3A_62, %get3A_63] : memref<4x64xf32, #tpu.memory_space<vmem>>, vector<1x64xf32>
    %get3A_65 = vector.shape_cast %get3A_64 : vector<1x64xf32> to vector<64xf32>
    %broadcast_in_dim3A_66 = vector.shape_cast %get3A_65 : vector<64xf32> to vector<64x1xf32>
    %add3A = vector.broadcast %broadcast_in_dim3A_66 : vector<64x1xf32> to vector<64x1024xf32>
    %add3A_67 = arith.addf %mul3A_61, %add3A : vector<64x1024xf32>
    %swap3A_68 = arith.constant 0 : index
    %swap3A_69 = arith.constant 3 : index
    %swap3A_70 = arith.constant 0 : index
    %swap3A_71 = arith.constant 0 : index
    %swap3A_72 = vector.load %arg5[%swap3A_68, %swap3A_69, %swap3A_70, %swap3A_71] : memref<1x7x64x1024xf32, #tpu.memory_space<vmem>>, vector<1x1x64x1024xf32>
    %swap3A_73 = vector.shape_cast %swap3A_72 : vector<1x1x64x1024xf32> to vector<64x1024xf32>
    %swap3A_74 = vector.shape_cast %add3A_67 : vector<64x1024xf32> to vector<1x1x64x1024xf32>
    tpu.vector_store %arg5[%swap3A_68, %swap3A_69, %swap3A_70, %swap3A_71], %swap3A_74 {strides = array<i32>} : memref<1x7x64x1024xf32, #tpu.memory_space<vmem>>, vector<1x1x64x1024xf32>,
    %get3A_75 = arith.constant 1 : index
    %get3A_76 = arith.constant 0 : index
    %get3A_77 = vector.load %arg3[%get3A_75, %get3A_76] : memref<4x64xf32, #tpu.memory_space<vmem>>, vector<1x64xf32>
    %get3A_78 = vector.shape_cast %get3A_77 : vector<1x64xf32> to vector<64xf32>
    %broadcast_in_dim3A_79 = vector.shape_cast %get3A_78 : vector<64xf32> to vector<64x1xf32>
    %get3A_80 = arith.constant 1 : index
    %get3A_81 = arith.constant 0 : index
    %get3A_82 = arith.constant 0 : index
    %get3A_83 = arith.constant 0 : index
    %get3A_84 = vector.load %arg2[%get3A_80, %get3A_81, %get3A_82, %get3A_83] : memref<4x1x1x1024xf32, #tpu.memory_space<vmem>>, vector<1x1x1x1024xf32>
    %get3A_85 = vector.shape_cast %get3A_84 : vector<1x1x1x1024xf32> to vector<1024xf32>
    %broadcast_in_dim3A_86 = vector.shape_cast %get3A_85 : vector<1024xf32> to vector<1x1024xf32>
    %mul3A_87 = vector.broadcast %broadcast_in_dim3A_79 : vector<64x1xf32> to vector<64x1024xf32>
    %mul3A_88 = vector.broadcast %broadcast_in_dim3A_86 : vector<1x1024xf32> to vector<64x1024xf32>
    %mul3A_89 = arith.mulf %mul3A_87, %mul3A_88 : vector<64x1024xf32>
    %get3A_90 = arith.constant 1 : index
    %get3A_91 = arith.constant 0 : index
    %get3A_92 = vector.load %arg4[%get3A_90, %get3A_91] : memref<4x64xf32, #tpu.memory_space<vmem>>, vector<1x64xf32>
    %get3A_93 = vector.shape_cast %get3A_92 : vector<1x64xf32> to vector<64xf32>
    %broadcast_in_dim3A_94 = vector.shape_cast %get3A_93 : vector<64xf32> to vector<64x1xf32>
    %add3A_95 = vector.broadcast %broadcast_in_dim3A_94 : vector<64x1xf32> to vector<64x1024xf32>
    %add3A_96 = arith.addf %mul3A_89, %add3A_95 : vector<64x1024xf32>
    %swap3A_97 = arith.constant 0 : index
    %swap3A_98 = arith.constant 4 : index
    %swap3A_99 = arith.constant 0 : index
    %swap3A_100 = arith.constant 0 : index
    %swap3A_101 = vector.load %arg5[%swap3A_97, %swap3A_98, %swap3A_99, %swap3A_100] : memref<1x7x64x1024xf32, #tpu.memory_space<vmem>>, vector<1x1x64x1024xf32>
    %swap3A_102 = vector.shape_cast %swap3A_101 : vector<1x1x64x1024xf32> to vector<64x1024xf32>
    %swap3A_103 = vector.shape_cast %add3A_96 : vector<64x1024xf32> to vector<1x1x64x1024xf32>
    tpu.vector_store %arg5[%swap3A_97, %swap3A_98, %swap3A_99, %swap3A_100], %swap3A_103 {strides = array<i32>} : memref<1x7x64x1024xf32, #tpu.memory_space<vmem>>, vector<1x1x64x1024xf32>,
    %get3A_104 = arith.constant 2 : index
    %get3A_105 = arith.constant 0 : index
    %get3A_106 = vector.load %arg3[%get3A_104, %get3A_105] : memref<4x64xf32, #tpu.memory_space<vmem>>, vector<1x64xf32>
    %get3A_107 = vector.shape_cast %get3A_106 : vector<1x64xf32> to vector<64xf32>
    %broadcast_in_dim3A_108 = vector.shape_cast %get3A_107 : vector<64xf32> to vector<64x1xf32>
    %get3A_109 = arith.constant 2 : index
    %get3A_110 = arith.constant 0 : index
    %get3A_111 = arith.constant 0 : index
    %get3A_112 = arith.constant 0 : index
    %get3A_113 = vector.load %arg2[%get3A_109, %get3A_110, %get3A_111, %get3A_112] : memref<4x1x1x1024xf32, #tpu.memory_space<vmem>>, vector<1x1x1x1024xf32>
    %get3A_114 = vector.shape_cast %get3A_113 : vector<1x1x1x1024xf32> to vector<1024xf32>
    %broadcast_in_dim3A_115 = vector.shape_cast %get3A_114 : vector<1024xf32> to vector<1x1024xf32>
    %mul3A_116 = vector.broadcast %broadcast_in_dim3A_108 : vector<64x1xf32> to vector<64x1024xf32>
    %mul3A_117 = vector.broadcast %broadcast_in_dim3A_115 : vector<1x1024xf32> to vector<64x1024xf32>
    %mul3A_118 = arith.mulf %mul3A_116, %mul3A_117 : vector<64x1024xf32>
    %get3A_119 = arith.constant 2 : index
    %get3A_120 = arith.constant 0 : index
    %get3A_121 = vector.load %arg4[%get3A_119, %get3A_120] : memref<4x64xf32, #tpu.memory_space<vmem>>, vector<1x64xf32>
    %get3A_122 = vector.shape_cast %get3A_121 : vector<1x64xf32> to vector<64xf32>
    %broadcast_in_dim3A_123 = vector.shape_cast %get3A_122 : vector<64xf32> to vector<64x1xf32>
    %add3A_124 = vector.broadcast %broadcast_in_dim3A_123 : vector<64x1xf32> to vector<64x1024xf32>
    %add3A_125 = arith.addf %mul3A_118, %add3A_124 : vector<64x1024xf32>
    %swap3A_126 = arith.constant 0 : index
    %swap3A_127 = arith.constant 5 : index
    %swap3A_128 = arith.constant 0 : index
    %swap3A_129 = arith.constant 0 : index
    %swap3A_130 = vector.load %arg5[%swap3A_126, %swap3A_127, %swap3A_128, %swap3A_129] : memref<1x7x64x1024xf32, #tpu.memory_space<vmem>>, vector<1x1x64x1024xf32>
    %swap3A_131 = vector.shape_cast %swap3A_130 : vector<1x1x64x1024xf32> to vector<64x1024xf32>
    %swap3A_132 = vector.shape_cast %add3A_125 : vector<64x1024xf32> to vector<1x1x64x1024xf32>
    tpu.vector_store %arg5[%swap3A_126, %swap3A_127, %swap3A_128, %swap3A_129], %swap3A_132 {strides = array<i32>} : memref<1x7x64x1024xf32, #tpu.memory_space<vmem>>, vector<1x1x64x1024xf32>,
    %get3A_133 = arith.constant 3 : index
    %get3A_134 = arith.constant 0 : index
    %get3A_135 = vector.load %arg3[%get3A_133, %get3A_134] : memref<4x64xf32, #tpu.memory_space<vmem>>, vector<1x64xf32>
    %get3A_136 = vector.shape_cast %get3A_135 : vector<1x64xf32> to vector<64xf32>
    %broadcast_in_dim3A_137 = vector.shape_cast %get3A_136 : vector<64xf32> to vector<64x1xf32>
    %get3A_138 = arith.constant 3 : index
    %get3A_139 = arith.constant 0 : index
    %get3A_140 = arith.constant 0 : index
    %get3A_141 = arith.constant 0 : index
    %get3A_142 = vector.load %arg2[%get3A_138, %get3A_139, %get3A_140, %get3A_141] : memref<4x1x1x1024xf32, #tpu.memory_space<vmem>>, vector<1x1x1x1024xf32>
    %get3A_143 = vector.shape_cast %get3A_142 : vector<1x1x1x1024xf32> to vector<1024xf32>
    %broadcast_in_dim3A_144 = vector.shape_cast %get3A_143 : vector<1024xf32> to vector<1x1024xf32>
    %mul3A_145 = vector.broadcast %broadcast_in_dim3A_137 : vector<64x1xf32> to vector<64x1024xf32>
    %mul3A_146 = vector.broadcast %broadcast_in_dim3A_144 : vector<1x1024xf32> to vector<64x1024xf32>
    %mul3A_147 = arith.mulf %mul3A_145, %mul3A_146 : vector<64x1024xf32>
    %get3A_148 = arith.constant 3 : index
    %get3A_149 = arith.constant 0 : index
    %get3A_150 = vector.load %arg4[%get3A_148, %get3A_149] : memref<4x64xf32, #tpu.memory_space<vmem>>, vector<1x64xf32>
    %get3A_151 = vector.shape_cast %get3A_150 : vector<1x64xf32> to vector<64xf32>
    %broadcast_in_dim3A_152 = vector.shape_cast %get3A_151 : vector<64xf32> to vector<64x1xf32>
    %add3A_153 = vector.broadcast %broadcast_in_dim3A_152 : vector<64x1xf32> to vector<64x1024xf32>
    %add3A_154 = arith.addf %mul3A_147, %add3A_153 : vector<64x1024xf32>
    %swap3A_155 = arith.constant 0 : index
    %swap3A_156 = arith.constant 6 : index
    %swap3A_157 = arith.constant 0 : index
    %swap3A_158 = arith.constant 0 : index
    %swap3A_159 = vector.load %arg5[%swap3A_155, %swap3A_156, %swap3A_157, %swap3A_158] : memref<1x7x64x1024xf32, #tpu.memory_space<vmem>>, vector<1x1x64x1024xf32>
    %swap3A_160 = vector.shape_cast %swap3A_159 : vector<1x1x64x1024xf32> to vector<64x1024xf32>
    %swap3A_161 = vector.shape_cast %add3A_154 : vector<64x1024xf32> to vector<1x1x64x1024xf32>
    tpu.vector_store %arg5[%swap3A_155, %swap3A_156, %swap3A_157, %swap3A_158], %swap3A_161 {strides = array<i32>} : memref<1x7x64x1024xf32, #tpu.memory_space<vmem>>, vector<1x1x64x1024xf32>,
    return
  }
  func.func @transform_0(%arg0: i32) -> (i32, i32, i32, i32) {
    %c0_i32 = arith.constant 0 : i32
    %c0_i32_0 = arith.constant 0 : i32
    %c0_i32_1 = arith.constant 0 : i32
    %c0_i32_2 = arith.constant 0 : i32
    return %c0_i32, %arg0, %c0_i32_0, %c0_i32_1 : i32, i32, i32, i32
  }
  func.func @transform_1(%arg0: i32) -> (i32, i32, i32, i32) {
    %c0_i32 = arith.constant 0 : i32
    %c0_i32_0 = arith.constant 0 : i32
    %c0_i32_1 = arith.constant 0 : i32
    %c0_i32_2 = arith.constant 0 : i32
    return %c0_i32, %arg0, %c0_i32_0, %c0_i32_1 : i32, i32, i32, i32
  }
  func.func @transform_2(%arg0: i32) -> (i32, i32) {
    %c0_i32 = arith.constant 0 : i32
    %c0_i32_0 = arith.constant 0 : i32
    %c0_i32_1 = arith.constant 0 : i32
    return %c0_i32, %c0_i32_0 : i32, i32
  }
  func.func @transform_3(%arg0: i32) -> (i32, i32) {
    %c0_i32 = arith.constant 0 : i32
    %c0_i32_0 = arith.constant 0 : i32
    %c0_i32_1 = arith.constant 0 : i32
    return %c0_i32, %c0_i32_0 : i32, i32
  }
  func.func @transform_4(%arg0: i32) -> (i32, i32, i32, i32) {
    %c0_i32 = arith.constant 0 : i32
    %c0_i32_0 = arith.constant 0 : i32
    %c0_i32_1 = arith.constant 0 : i32
    %c0_i32_2 = arith.constant 0 : i32
    return %arg0, %c0_i32, %c0_i32_0, %c0_i32_1 : i32, i32, i32, i32
  }
}

module attributes {stable_mosaic.version = 14 : i64} {
  func.func @_assemble_body(%arg0: i32, %arg1: memref<2x1x512x128xf32, #tpu.memory_space<vmem>>, %arg2: memref<6x1x1x1024xf32, #tpu.memory_space<vmem>>, %arg3: memref<6x64xf32, #tpu.memory_space<vmem>>, %arg4: memref<6x64xf32, #tpu.memory_space<vmem>>, %arg5: memref<1x8x64x1024xf32, #tpu.memory_space<vmem>>) attributes {dimension_semantics = [#tpu.dimension_semantics<arbitrary>], iteration_bounds = array<i64: 200>, scalar_prefetch = 0 : i64, scratch_operands = 0 : i64, tpu.core_type = #tpu.core_type<tc>, window_params = [{transform_indices = @transform_0, window_bounds = array<i64: 2, 1, 512, 128>}, {transform_indices = @transform_1, window_bounds = array<i64: 6, 1, 1, 1024>}, {pipeline_mode = #tpu.pipeline_mode<synchronous>, transform_indices = @transform_2, window_bounds = array<i64: 6, 64>}, {pipeline_mode = #tpu.pipeline_mode<synchronous>, transform_indices = @transform_3, window_bounds = array<i64: 6, 64>}, {transform_indices = @transform_4, window_bounds = array<i64: 1, 8, 64, 1024>}]} {
    %get3A = arith.constant 0 : index
    %get3A_0 = arith.constant 0 : index
    %get3A_1 = arith.constant 0 : index
    %get3A_2 = arith.constant 0 : index
    %get3A_3 = vector.load %arg1[%get3A, %get3A_0, %get3A_1, %get3A_2] : memref<2x1x512x128xf32, #tpu.memory_space<vmem>>, vector<1x1x512x128xf32>
    %get3A_4 = vector.shape_cast %get3A_3 : vector<1x1x512x128xf32> to vector<512x128xf32>
    %slice3A = vector.extract_strided_slice %get3A_4 {offsets = [0, 0], sizes = [512, 64], strides = [1, 1]} : vector<512x128xf32> to vector<512x64xf32>
    %transpose3A = tpu.transpose %slice3A, [1, 0] : vector<512x64xf32> -> vector<64x512xf32>
    %slice3A_5 = vector.extract_strided_slice %get3A_4 {offsets = [0, 64], sizes = [512, 64], strides = [1, 1]} : vector<512x128xf32> to vector<512x64xf32>
    %transpose3A_6 = tpu.transpose %slice3A_5, [1, 0] : vector<512x64xf32> -> vector<64x512xf32>
    %concatenate3A = tpu.concatenate %transpose3A, %transpose3A_6 in 1 : vector<64x512xf32>, vector<64x512xf32> -> vector<64x1024xf32>
    %swap3A = arith.constant 0 : index
    %swap3A_7 = arith.constant 0 : index
    %swap3A_8 = arith.constant 0 : index
    %swap3A_9 = arith.constant 0 : index
    %swap3A_10 = vector.load %arg5[%swap3A, %swap3A_7, %swap3A_8, %swap3A_9] : memref<1x8x64x1024xf32, #tpu.memory_space<vmem>>, vector<1x1x64x1024xf32>
    %swap3A_11 = vector.shape_cast %swap3A_10 : vector<1x1x64x1024xf32> to vector<64x1024xf32>
    %swap3A_12 = vector.shape_cast %concatenate3A : vector<64x1024xf32> to vector<1x1x64x1024xf32>
    tpu.vector_store %arg5[%swap3A, %swap3A_7, %swap3A_8, %swap3A_9], %swap3A_12 {strides = array<i32>} : memref<1x8x64x1024xf32, #tpu.memory_space<vmem>>, vector<1x1x64x1024xf32>,
    %get3A_13 = arith.constant 1 : index
    %get3A_14 = arith.constant 0 : index
    %get3A_15 = arith.constant 0 : index
    %get3A_16 = arith.constant 0 : index
    %get3A_17 = vector.load %arg1[%get3A_13, %get3A_14, %get3A_15, %get3A_16] : memref<2x1x512x128xf32, #tpu.memory_space<vmem>>, vector<1x1x512x128xf32>
    %get3A_18 = vector.shape_cast %get3A_17 : vector<1x1x512x128xf32> to vector<512x128xf32>
    %slice3A_19 = vector.extract_strided_slice %get3A_18 {offsets = [0, 0], sizes = [512, 64], strides = [1, 1]} : vector<512x128xf32> to vector<512x64xf32>
    %transpose3A_20 = tpu.transpose %slice3A_19, [1, 0] : vector<512x64xf32> -> vector<64x512xf32>
    %slice3A_21 = vector.extract_strided_slice %get3A_18 {offsets = [0, 64], sizes = [512, 64], strides = [1, 1]} : vector<512x128xf32> to vector<512x64xf32>
    %transpose3A_22 = tpu.transpose %slice3A_21, [1, 0] : vector<512x64xf32> -> vector<64x512xf32>
    %concatenate3A_23 = tpu.concatenate %transpose3A_20, %transpose3A_22 in 1 : vector<64x512xf32>, vector<64x512xf32> -> vector<64x1024xf32>
    %swap3A_24 = arith.constant 0 : index
    %swap3A_25 = arith.constant 1 : index
    %swap3A_26 = arith.constant 0 : index
    %swap3A_27 = arith.constant 0 : index
    %swap3A_28 = vector.load %arg5[%swap3A_24, %swap3A_25, %swap3A_26, %swap3A_27] : memref<1x8x64x1024xf32, #tpu.memory_space<vmem>>, vector<1x1x64x1024xf32>
    %swap3A_29 = vector.shape_cast %swap3A_28 : vector<1x1x64x1024xf32> to vector<64x1024xf32>
    %swap3A_30 = vector.shape_cast %concatenate3A_23 : vector<64x1024xf32> to vector<1x1x64x1024xf32>
    tpu.vector_store %arg5[%swap3A_24, %swap3A_25, %swap3A_26, %swap3A_27], %swap3A_30 {strides = array<i32>} : memref<1x8x64x1024xf32, #tpu.memory_space<vmem>>, vector<1x1x64x1024xf32>,
    %get3A_31 = arith.constant 0 : index
    %get3A_32 = arith.constant 0 : index
    %get3A_33 = vector.load %arg3[%get3A_31, %get3A_32] : memref<6x64xf32, #tpu.memory_space<vmem>>, vector<1x64xf32>
    %get3A_34 = vector.shape_cast %get3A_33 : vector<1x64xf32> to vector<64xf32>
    %broadcast_in_dim3A = vector.shape_cast %get3A_34 : vector<64xf32> to vector<64x1xf32>
    %get3A_35 = arith.constant 0 : index
    %get3A_36 = arith.constant 0 : index
    %get3A_37 = arith.constant 0 : index
    %get3A_38 = arith.constant 0 : index
    %get3A_39 = vector.load %arg2[%get3A_35, %get3A_36, %get3A_37, %get3A_38] : memref<6x1x1x1024xf32, #tpu.memory_space<vmem>>, vector<1x1x1x1024xf32>
    %get3A_40 = vector.shape_cast %get3A_39 : vector<1x1x1x1024xf32> to vector<1024xf32>
    %broadcast_in_dim3A_41 = vector.shape_cast %get3A_40 : vector<1024xf32> to vector<1x1024xf32>
    %mul3A = vector.broadcast %broadcast_in_dim3A : vector<64x1xf32> to vector<64x1024xf32>
    %mul3A_42 = vector.broadcast %broadcast_in_dim3A_41 : vector<1x1024xf32> to vector<64x1024xf32>
    %mul3A_43 = arith.mulf %mul3A, %mul3A_42 : vector<64x1024xf32>
    %get3A_44 = arith.constant 0 : index
    %get3A_45 = arith.constant 0 : index
    %get3A_46 = vector.load %arg4[%get3A_44, %get3A_45] : memref<6x64xf32, #tpu.memory_space<vmem>>, vector<1x64xf32>
    %get3A_47 = vector.shape_cast %get3A_46 : vector<1x64xf32> to vector<64xf32>
    %broadcast_in_dim3A_48 = vector.shape_cast %get3A_47 : vector<64xf32> to vector<64x1xf32>
    %add3A = vector.broadcast %broadcast_in_dim3A_48 : vector<64x1xf32> to vector<64x1024xf32>
    %add3A_49 = arith.addf %mul3A_43, %add3A : vector<64x1024xf32>
    %swap3A_50 = arith.constant 0 : index
    %swap3A_51 = arith.constant 2 : index
    %swap3A_52 = arith.constant 0 : index
    %swap3A_53 = arith.constant 0 : index
    %swap3A_54 = vector.load %arg5[%swap3A_50, %swap3A_51, %swap3A_52, %swap3A_53] : memref<1x8x64x1024xf32, #tpu.memory_space<vmem>>, vector<1x1x64x1024xf32>
    %swap3A_55 = vector.shape_cast %swap3A_54 : vector<1x1x64x1024xf32> to vector<64x1024xf32>
    %swap3A_56 = vector.shape_cast %add3A_49 : vector<64x1024xf32> to vector<1x1x64x1024xf32>
    tpu.vector_store %arg5[%swap3A_50, %swap3A_51, %swap3A_52, %swap3A_53], %swap3A_56 {strides = array<i32>} : memref<1x8x64x1024xf32, #tpu.memory_space<vmem>>, vector<1x1x64x1024xf32>,
    %get3A_57 = arith.constant 1 : index
    %get3A_58 = arith.constant 0 : index
    %get3A_59 = vector.load %arg3[%get3A_57, %get3A_58] : memref<6x64xf32, #tpu.memory_space<vmem>>, vector<1x64xf32>
    %get3A_60 = vector.shape_cast %get3A_59 : vector<1x64xf32> to vector<64xf32>
    %broadcast_in_dim3A_61 = vector.shape_cast %get3A_60 : vector<64xf32> to vector<64x1xf32>
    %get3A_62 = arith.constant 1 : index
    %get3A_63 = arith.constant 0 : index
    %get3A_64 = arith.constant 0 : index
    %get3A_65 = arith.constant 0 : index
    %get3A_66 = vector.load %arg2[%get3A_62, %get3A_63, %get3A_64, %get3A_65] : memref<6x1x1x1024xf32, #tpu.memory_space<vmem>>, vector<1x1x1x1024xf32>
    %get3A_67 = vector.shape_cast %get3A_66 : vector<1x1x1x1024xf32> to vector<1024xf32>
    %broadcast_in_dim3A_68 = vector.shape_cast %get3A_67 : vector<1024xf32> to vector<1x1024xf32>
    %mul3A_69 = vector.broadcast %broadcast_in_dim3A_61 : vector<64x1xf32> to vector<64x1024xf32>
    %mul3A_70 = vector.broadcast %broadcast_in_dim3A_68 : vector<1x1024xf32> to vector<64x1024xf32>
    %mul3A_71 = arith.mulf %mul3A_69, %mul3A_70 : vector<64x1024xf32>
    %get3A_72 = arith.constant 1 : index
    %get3A_73 = arith.constant 0 : index
    %get3A_74 = vector.load %arg4[%get3A_72, %get3A_73] : memref<6x64xf32, #tpu.memory_space<vmem>>, vector<1x64xf32>
    %get3A_75 = vector.shape_cast %get3A_74 : vector<1x64xf32> to vector<64xf32>
    %broadcast_in_dim3A_76 = vector.shape_cast %get3A_75 : vector<64xf32> to vector<64x1xf32>
    %add3A_77 = vector.broadcast %broadcast_in_dim3A_76 : vector<64x1xf32> to vector<64x1024xf32>
    %add3A_78 = arith.addf %mul3A_71, %add3A_77 : vector<64x1024xf32>
    %swap3A_79 = arith.constant 0 : index
    %swap3A_80 = arith.constant 3 : index
    %swap3A_81 = arith.constant 0 : index
    %swap3A_82 = arith.constant 0 : index
    %swap3A_83 = vector.load %arg5[%swap3A_79, %swap3A_80, %swap3A_81, %swap3A_82] : memref<1x8x64x1024xf32, #tpu.memory_space<vmem>>, vector<1x1x64x1024xf32>
    %swap3A_84 = vector.shape_cast %swap3A_83 : vector<1x1x64x1024xf32> to vector<64x1024xf32>
    %swap3A_85 = vector.shape_cast %add3A_78 : vector<64x1024xf32> to vector<1x1x64x1024xf32>
    tpu.vector_store %arg5[%swap3A_79, %swap3A_80, %swap3A_81, %swap3A_82], %swap3A_85 {strides = array<i32>} : memref<1x8x64x1024xf32, #tpu.memory_space<vmem>>, vector<1x1x64x1024xf32>,
    %get3A_86 = arith.constant 2 : index
    %get3A_87 = arith.constant 0 : index
    %get3A_88 = vector.load %arg3[%get3A_86, %get3A_87] : memref<6x64xf32, #tpu.memory_space<vmem>>, vector<1x64xf32>
    %get3A_89 = vector.shape_cast %get3A_88 : vector<1x64xf32> to vector<64xf32>
    %broadcast_in_dim3A_90 = vector.shape_cast %get3A_89 : vector<64xf32> to vector<64x1xf32>
    %get3A_91 = arith.constant 2 : index
    %get3A_92 = arith.constant 0 : index
    %get3A_93 = arith.constant 0 : index
    %get3A_94 = arith.constant 0 : index
    %get3A_95 = vector.load %arg2[%get3A_91, %get3A_92, %get3A_93, %get3A_94] : memref<6x1x1x1024xf32, #tpu.memory_space<vmem>>, vector<1x1x1x1024xf32>
    %get3A_96 = vector.shape_cast %get3A_95 : vector<1x1x1x1024xf32> to vector<1024xf32>
    %broadcast_in_dim3A_97 = vector.shape_cast %get3A_96 : vector<1024xf32> to vector<1x1024xf32>
    %mul3A_98 = vector.broadcast %broadcast_in_dim3A_90 : vector<64x1xf32> to vector<64x1024xf32>
    %mul3A_99 = vector.broadcast %broadcast_in_dim3A_97 : vector<1x1024xf32> to vector<64x1024xf32>
    %mul3A_100 = arith.mulf %mul3A_98, %mul3A_99 : vector<64x1024xf32>
    %get3A_101 = arith.constant 2 : index
    %get3A_102 = arith.constant 0 : index
    %get3A_103 = vector.load %arg4[%get3A_101, %get3A_102] : memref<6x64xf32, #tpu.memory_space<vmem>>, vector<1x64xf32>
    %get3A_104 = vector.shape_cast %get3A_103 : vector<1x64xf32> to vector<64xf32>
    %broadcast_in_dim3A_105 = vector.shape_cast %get3A_104 : vector<64xf32> to vector<64x1xf32>
    %add3A_106 = vector.broadcast %broadcast_in_dim3A_105 : vector<64x1xf32> to vector<64x1024xf32>
    %add3A_107 = arith.addf %mul3A_100, %add3A_106 : vector<64x1024xf32>
    %swap3A_108 = arith.constant 0 : index
    %swap3A_109 = arith.constant 4 : index
    %swap3A_110 = arith.constant 0 : index
    %swap3A_111 = arith.constant 0 : index
    %swap3A_112 = vector.load %arg5[%swap3A_108, %swap3A_109, %swap3A_110, %swap3A_111] : memref<1x8x64x1024xf32, #tpu.memory_space<vmem>>, vector<1x1x64x1024xf32>
    %swap3A_113 = vector.shape_cast %swap3A_112 : vector<1x1x64x1024xf32> to vector<64x1024xf32>
    %swap3A_114 = vector.shape_cast %add3A_107 : vector<64x1024xf32> to vector<1x1x64x1024xf32>
    tpu.vector_store %arg5[%swap3A_108, %swap3A_109, %swap3A_110, %swap3A_111], %swap3A_114 {strides = array<i32>} : memref<1x8x64x1024xf32, #tpu.memory_space<vmem>>, vector<1x1x64x1024xf32>,
    %get3A_115 = arith.constant 3 : index
    %get3A_116 = arith.constant 0 : index
    %get3A_117 = vector.load %arg3[%get3A_115, %get3A_116] : memref<6x64xf32, #tpu.memory_space<vmem>>, vector<1x64xf32>
    %get3A_118 = vector.shape_cast %get3A_117 : vector<1x64xf32> to vector<64xf32>
    %broadcast_in_dim3A_119 = vector.shape_cast %get3A_118 : vector<64xf32> to vector<64x1xf32>
    %get3A_120 = arith.constant 3 : index
    %get3A_121 = arith.constant 0 : index
    %get3A_122 = arith.constant 0 : index
    %get3A_123 = arith.constant 0 : index
    %get3A_124 = vector.load %arg2[%get3A_120, %get3A_121, %get3A_122, %get3A_123] : memref<6x1x1x1024xf32, #tpu.memory_space<vmem>>, vector<1x1x1x1024xf32>
    %get3A_125 = vector.shape_cast %get3A_124 : vector<1x1x1x1024xf32> to vector<1024xf32>
    %broadcast_in_dim3A_126 = vector.shape_cast %get3A_125 : vector<1024xf32> to vector<1x1024xf32>
    %mul3A_127 = vector.broadcast %broadcast_in_dim3A_119 : vector<64x1xf32> to vector<64x1024xf32>
    %mul3A_128 = vector.broadcast %broadcast_in_dim3A_126 : vector<1x1024xf32> to vector<64x1024xf32>
    %mul3A_129 = arith.mulf %mul3A_127, %mul3A_128 : vector<64x1024xf32>
    %get3A_130 = arith.constant 3 : index
    %get3A_131 = arith.constant 0 : index
    %get3A_132 = vector.load %arg4[%get3A_130, %get3A_131] : memref<6x64xf32, #tpu.memory_space<vmem>>, vector<1x64xf32>
    %get3A_133 = vector.shape_cast %get3A_132 : vector<1x64xf32> to vector<64xf32>
    %broadcast_in_dim3A_134 = vector.shape_cast %get3A_133 : vector<64xf32> to vector<64x1xf32>
    %add3A_135 = vector.broadcast %broadcast_in_dim3A_134 : vector<64x1xf32> to vector<64x1024xf32>
    %add3A_136 = arith.addf %mul3A_129, %add3A_135 : vector<64x1024xf32>
    %swap3A_137 = arith.constant 0 : index
    %swap3A_138 = arith.constant 5 : index
    %swap3A_139 = arith.constant 0 : index
    %swap3A_140 = arith.constant 0 : index
    %swap3A_141 = vector.load %arg5[%swap3A_137, %swap3A_138, %swap3A_139, %swap3A_140] : memref<1x8x64x1024xf32, #tpu.memory_space<vmem>>, vector<1x1x64x1024xf32>
    %swap3A_142 = vector.shape_cast %swap3A_141 : vector<1x1x64x1024xf32> to vector<64x1024xf32>
    %swap3A_143 = vector.shape_cast %add3A_136 : vector<64x1024xf32> to vector<1x1x64x1024xf32>
    tpu.vector_store %arg5[%swap3A_137, %swap3A_138, %swap3A_139, %swap3A_140], %swap3A_143 {strides = array<i32>} : memref<1x8x64x1024xf32, #tpu.memory_space<vmem>>, vector<1x1x64x1024xf32>,
    %get3A_144 = arith.constant 4 : index
    %get3A_145 = arith.constant 0 : index
    %get3A_146 = vector.load %arg3[%get3A_144, %get3A_145] : memref<6x64xf32, #tpu.memory_space<vmem>>, vector<1x64xf32>
    %get3A_147 = vector.shape_cast %get3A_146 : vector<1x64xf32> to vector<64xf32>
    %broadcast_in_dim3A_148 = vector.shape_cast %get3A_147 : vector<64xf32> to vector<64x1xf32>
    %get3A_149 = arith.constant 4 : index
    %get3A_150 = arith.constant 0 : index
    %get3A_151 = arith.constant 0 : index
    %get3A_152 = arith.constant 0 : index
    %get3A_153 = vector.load %arg2[%get3A_149, %get3A_150, %get3A_151, %get3A_152] : memref<6x1x1x1024xf32, #tpu.memory_space<vmem>>, vector<1x1x1x1024xf32>
    %get3A_154 = vector.shape_cast %get3A_153 : vector<1x1x1x1024xf32> to vector<1024xf32>
    %broadcast_in_dim3A_155 = vector.shape_cast %get3A_154 : vector<1024xf32> to vector<1x1024xf32>
    %mul3A_156 = vector.broadcast %broadcast_in_dim3A_148 : vector<64x1xf32> to vector<64x1024xf32>
    %mul3A_157 = vector.broadcast %broadcast_in_dim3A_155 : vector<1x1024xf32> to vector<64x1024xf32>
    %mul3A_158 = arith.mulf %mul3A_156, %mul3A_157 : vector<64x1024xf32>
    %get3A_159 = arith.constant 4 : index
    %get3A_160 = arith.constant 0 : index
    %get3A_161 = vector.load %arg4[%get3A_159, %get3A_160] : memref<6x64xf32, #tpu.memory_space<vmem>>, vector<1x64xf32>
    %get3A_162 = vector.shape_cast %get3A_161 : vector<1x64xf32> to vector<64xf32>
    %broadcast_in_dim3A_163 = vector.shape_cast %get3A_162 : vector<64xf32> to vector<64x1xf32>
    %add3A_164 = vector.broadcast %broadcast_in_dim3A_163 : vector<64x1xf32> to vector<64x1024xf32>
    %add3A_165 = arith.addf %mul3A_158, %add3A_164 : vector<64x1024xf32>
    %swap3A_166 = arith.constant 0 : index
    %swap3A_167 = arith.constant 6 : index
    %swap3A_168 = arith.constant 0 : index
    %swap3A_169 = arith.constant 0 : index
    %swap3A_170 = vector.load %arg5[%swap3A_166, %swap3A_167, %swap3A_168, %swap3A_169] : memref<1x8x64x1024xf32, #tpu.memory_space<vmem>>, vector<1x1x64x1024xf32>
    %swap3A_171 = vector.shape_cast %swap3A_170 : vector<1x1x64x1024xf32> to vector<64x1024xf32>
    %swap3A_172 = vector.shape_cast %add3A_165 : vector<64x1024xf32> to vector<1x1x64x1024xf32>
    tpu.vector_store %arg5[%swap3A_166, %swap3A_167, %swap3A_168, %swap3A_169], %swap3A_172 {strides = array<i32>} : memref<1x8x64x1024xf32, #tpu.memory_space<vmem>>, vector<1x1x64x1024xf32>,
    %get3A_173 = arith.constant 5 : index
    %get3A_174 = arith.constant 0 : index
    %get3A_175 = vector.load %arg3[%get3A_173, %get3A_174] : memref<6x64xf32, #tpu.memory_space<vmem>>, vector<1x64xf32>
    %get3A_176 = vector.shape_cast %get3A_175 : vector<1x64xf32> to vector<64xf32>
    %broadcast_in_dim3A_177 = vector.shape_cast %get3A_176 : vector<64xf32> to vector<64x1xf32>
    %get3A_178 = arith.constant 5 : index
    %get3A_179 = arith.constant 0 : index
    %get3A_180 = arith.constant 0 : index
    %get3A_181 = arith.constant 0 : index
    %get3A_182 = vector.load %arg2[%get3A_178, %get3A_179, %get3A_180, %get3A_181] : memref<6x1x1x1024xf32, #tpu.memory_space<vmem>>, vector<1x1x1x1024xf32>
    %get3A_183 = vector.shape_cast %get3A_182 : vector<1x1x1x1024xf32> to vector<1024xf32>
    %broadcast_in_dim3A_184 = vector.shape_cast %get3A_183 : vector<1024xf32> to vector<1x1024xf32>
    %mul3A_185 = vector.broadcast %broadcast_in_dim3A_177 : vector<64x1xf32> to vector<64x1024xf32>
    %mul3A_186 = vector.broadcast %broadcast_in_dim3A_184 : vector<1x1024xf32> to vector<64x1024xf32>
    %mul3A_187 = arith.mulf %mul3A_185, %mul3A_186 : vector<64x1024xf32>
    %get3A_188 = arith.constant 5 : index
    %get3A_189 = arith.constant 0 : index
    %get3A_190 = vector.load %arg4[%get3A_188, %get3A_189] : memref<6x64xf32, #tpu.memory_space<vmem>>, vector<1x64xf32>
    %get3A_191 = vector.shape_cast %get3A_190 : vector<1x64xf32> to vector<64xf32>
    %broadcast_in_dim3A_192 = vector.shape_cast %get3A_191 : vector<64xf32> to vector<64x1xf32>
    %add3A_193 = vector.broadcast %broadcast_in_dim3A_192 : vector<64x1xf32> to vector<64x1024xf32>
    %add3A_194 = arith.addf %mul3A_187, %add3A_193 : vector<64x1024xf32>
    %swap3A_195 = arith.constant 0 : index
    %swap3A_196 = arith.constant 7 : index
    %swap3A_197 = arith.constant 0 : index
    %swap3A_198 = arith.constant 0 : index
    %swap3A_199 = vector.load %arg5[%swap3A_195, %swap3A_196, %swap3A_197, %swap3A_198] : memref<1x8x64x1024xf32, #tpu.memory_space<vmem>>, vector<1x1x64x1024xf32>
    %swap3A_200 = vector.shape_cast %swap3A_199 : vector<1x1x64x1024xf32> to vector<64x1024xf32>
    %swap3A_201 = vector.shape_cast %add3A_194 : vector<64x1024xf32> to vector<1x1x64x1024xf32>
    tpu.vector_store %arg5[%swap3A_195, %swap3A_196, %swap3A_197, %swap3A_198], %swap3A_201 {strides = array<i32>} : memref<1x8x64x1024xf32, #tpu.memory_space<vmem>>, vector<1x1x64x1024xf32>,
    return
  }
  func.func @transform_0(%arg0: i32) -> (i32, i32, i32, i32) {
    %c0_i32 = arith.constant 0 : i32
    %c0_i32_0 = arith.constant 0 : i32
    %c0_i32_1 = arith.constant 0 : i32
    %c0_i32_2 = arith.constant 0 : i32
    return %c0_i32, %arg0, %c0_i32_0, %c0_i32_1 : i32, i32, i32, i32
  }
  func.func @transform_1(%arg0: i32) -> (i32, i32, i32, i32) {
    %c0_i32 = arith.constant 0 : i32
    %c0_i32_0 = arith.constant 0 : i32
    %c0_i32_1 = arith.constant 0 : i32
    %c0_i32_2 = arith.constant 0 : i32
    return %c0_i32, %arg0, %c0_i32_0, %c0_i32_1 : i32, i32, i32, i32
  }
  func.func @transform_2(%arg0: i32) -> (i32, i32) {
    %c0_i32 = arith.constant 0 : i32
    %c0_i32_0 = arith.constant 0 : i32
    %c0_i32_1 = arith.constant 0 : i32
    return %c0_i32, %c0_i32_0 : i32, i32
  }
  func.func @transform_3(%arg0: i32) -> (i32, i32) {
    %c0_i32 = arith.constant 0 : i32
    %c0_i32_0 = arith.constant 0 : i32
    %c0_i32_1 = arith.constant 0 : i32
    return %c0_i32, %c0_i32_0 : i32, i32
  }
  func.func @transform_4(%arg0: i32) -> (i32, i32, i32, i32) {
    %c0_i32 = arith.constant 0 : i32
    %c0_i32_0 = arith.constant 0 : i32
    %c0_i32_1 = arith.constant 0 : i32
    %c0_i32_2 = arith.constant 0 : i32
    return %arg0, %c0_i32, %c0_i32_0, %c0_i32_1 : i32, i32, i32, i32
  }
}

</mosaic_0001>

<sc_bundles>
// kernel: kernel.11.cloned.1.call-start
scs
__scs_entry_jumppad:
0x0: {  	(pc) =	sbr.rel $0x88, $3  }
0x1: {  	(tag) =	ssettag $0x0;
	lr =	simm.s32 $0x1  }
0x2: {  	[smem:$0x3F8F] =	sst lr;
	_ =	strace $0xD0000000  }
0x3: {  	_ = 	snop  }
0x4: {  	_ = 	snop  }
0x5: {  	_ = 	snop  }
0x6: {  	_ = 	snop  }
0x7: {  	_ = 	snop  }
__scs_overlays_trampoline_lowered:
0x8: {  	[smem:$0x3F9E] =	sst s0  }
0x9: {  	[smem:$0x3F9F] =	sst s1  }
0xa: {  	[smem:$0x3FA0] =	sst s2  }
0xb: {  	[smem:$0x3FA1] =	sst s3  }
0xc: {  	[smem:$0x3FA2] =	sst s4  }
0xd: {  	[smem:$0x3FA3] =	sst s5  }
0xe: {  	[smem:$0x3FA4] =	sst s6  }
0xf: {  	[smem:$0x3FA5] =	sst s7  }
0x10: {  	[smem:$0x3FA6] =	sst s8  }
0x11: {  	[smem:$0x3FA7] =	sst s9;
	s0 =	simm.s32 @!p0 $0x0  }
0x12: {  	s1 =	sld [smem:$0x3F8D];
	s0 =	simm.s32 @p0 $0x1  }
0x13: {  	[smem:$0x3FA8] =	sst s0;
	s0 =	simm.s32 @!p1 $0x0  }
0x14: {  	s2 =	sld [smem:$0x3F8C];
	s0 =	simm.s32 @p1 $0x1  }
0x15: {  	[smem:$0x3FA9] =	sst s0;
	s0 =	simm.s32 @!p2 $0x0  }
0x16: {  	s3 =	sld [smem:$0x3FDB];
	s0 =	simm.s32 @p2 $0x1  }
0x17: {  	s4 =	simm.s32 $0x1BF5;
	[smem:$0x3FAB] =	sst s0  }
0x18: {  	s0 =	sld [smem:$0x3F8E];
	_ =	swait.ge [sflag:s4], $0x0  }
0x19: {  	s7 =	sld [smem:$0x3F8F]  }
0x1a: {  	s8 =	sadd.s32 $0xFFFFE003, lr  }
0x1b: {  	s9 =	sadd.s32 $0xFFFFFEF7, lr;
	s5 =	simm.s32 $0xFFFFFFFF;
	p2 =	slt.u32 s8, $0xFFFFF086  }
0x1c: {  	p1 =	slt.u32 s9, $0xF7A;
	s5 =	simm.s32 @!p2 $0x0  }
0x1d: {  	s5 =	simm.s32 @p1 $0x1;
	p0 =	seq.s32 s7, s2  }
0x1e: {  	s7 =	smul.u32 @!p0 $0xF7A, s2;
	p2 =	seq.s32 @!p0 s5, $0x0  }
0x1f: {  	s9 =	smul.u32 $0xF7A, s1;
	s8 =	simm.s32 @!p0 $0x1BF5;
	p2 =	por !p2, p0  }
0x20: {  	[sflag:s8] =	ssyncset.s32 @!p0 $0xFFFFF086;
	s6 =	sadd.s32 @!p0 s3, s7;
	s7 =	simm.s32 @!p0 $0x108  }
0x21: {  	s3 =	sadd.s32 s3, s9;
	s6 =	sadd.s32 @!p0 $0x88, s6;
	s7 =	simm.s32 @p2 $0x1082  }
0x22: {  	[simem:s7], [sflag:s8] =	dma.local @!p0 [hbm:s6], $0xF7A  }
0x23: {  	s9 =	sor.u32 $0xD0000000, s2;
	s6 =	simm.s32 $0x108;
	_ =	swait.ge @!p0 [sflag:s8], $0x0  }
0x24: {  	s3 =	sadd.s32 $0x88, s3;
	s6 =	simm.s32 @!p1 $0x1082;
	[sflag:s4] =	ssyncset.s32 $0xFFFFF086  }
0x25: {  	[simem:s6], [sflag:s4] =	dma.local [hbm:s3], $0xF7A  }
0x26: {  	[smem:$0x3F8F] =	sst s1;
	(tag) =	ssettag s2;
	_ =	strace s9  }
0x27: {  	s1 =	sld [smem:$0x3F9F]  }
0x28: {  	s2 =	sld [smem:$0x3FA0]  }
0x29: {  	s4 =	sld [smem:$0x3FA2]  }
0x2a: {  	p0 =	seq.s32 s5, $0x0;
	s5 =	sld [smem:$0x3FA3]  }
0x2b: {  	s6 =	sld [smem:$0x3FA4]  }
0x2c: {  	s7 =	sld [smem:$0x3FA5]  }
0x2d: {  	s3 =	simm.s32 $0x108;
	s8 =	sld [smem:$0x3FA6]  }
0x2e: {  	s3 =	simm.s32 @!p0 $0x1082;
	s9 =	sld [smem:$0x3FA7]  }
0x2f: {  	lr =	sadd.s32 s0, s3;
	s0 =	sld [smem:$0x3F9E]  }
0x30: {  	s3 =	sld [smem:$0x3FA1]  }
0x31: {  	[smem:$0x3FAA] =	sst s10  }
0x32: {  	s10 =	sld [smem:$0x3FA8];
	_ =	sdelay $0x3  }
0x33: {  	p0 =	seq.s32 s10, $0x1;
	s10 =	sld [smem:$0x3FAA];
	_ =	sdelay $0x3  }
0x34: {  	[smem:$0x3FAA] =	sst s10  }
0x35: {  	s10 =	sld [smem:$0x3FA9];
	_ =	sdelay $0x3  }
0x36: {  	p1 =	seq.s32 s10, $0x1;
	s10 =	sld [smem:$0x3FAA];
	_ =	sdelay $0x3  }
0x37: {  	[smem:$0x3FAA] =	sst s10  }
0x38: {  	s10 =	sld [smem:$0x3FAB]  }
0x39: {  	_ = 	snop;
	(pc) =	sbr.ind lr, $3  }
0x3a: {  	_ = 	snop  }
0x3b: {  	_ = 	snop  }
0x3c: {  	p2 =	seq.s32 s10, $0x1;
	s10 =	sld [smem:$0x3FAA]  }
0x3d: {  	_ =	shalt  }
0x3e: {  	_ =	shalt  }
0x3f: {  	_ =	shalt  }
0x40: {  	_ =	shalt  }
0x41: {  	_ =	shalt  }
0x42: {  	_ =	shalt  }
0x43: {  	_ =	shalt  }
0x44: {  	_ =	shalt  }
0x45: {  	_ =	shalt  }
0x46: {  	_ =	shalt  }
0x47: {  	_ =	shalt  }
0x48: {  	_ =	shalt  }
0x49: {  	_ =	shalt  }
0x4a: {  	_ =	shalt  }
0x4b: {  	_ =	shalt  }
0x4c: {  	_ =	shalt  }
0x4d: {  	_ =	shalt  }
0x4e: {  	_ =	shalt  }
0x4f: {  	_ =	shalt  }
0x50: {  	_ =	shalt  }
0x51: {  	_ =	shalt  }
0x52: {  	_ =	shalt  }
0x53: {  	_ =	shalt  }
0x54: {  	_ =	shalt  }
0x55: {  	_ =	shalt  }
0x56: {  	_ =	shalt  }
0x57: {  	_ =	shalt  }
0x58: {  	_ =	shalt  }
0x59: {  	_ =	shalt  }
0x5a: {  	_ =	shalt  }
0x5b: {  	_ =	shalt  }
0x5c: {  	_ =	shalt  }
0x5d: {  	_ =	shalt  }
0x5e: {  	_ =	shalt  }
0x5f: {  	_ =	shalt  }
0x60: {  	_ =	shalt  }
0x61: {  	_ =	shalt  }
0x62: {  	_ =	shalt  }
0x63: {  	_ =	shalt  }
0x64: {  	_ =	shalt  }
0x65: {  	_ =	shalt  }
0x66: {  	_ =	shalt  }
0x67: {  	_ =	shalt  }
0x68: {  	_ =	shalt  }
0x69: {  	_ =	shalt  }
0x6a: {  	_ =	shalt  }
0x6b: {  	_ =	shalt  }
0x6c: {  	_ =	shalt  }
0x6d: {  	_ =	shalt  }
0x6e: {  	_ =	shalt  }
0x6f: {  	_ =	shalt  }
0x70: {  	_ =	shalt  }
0x71: {  	_ =	shalt  }
0x72: {  	_ =	shalt  }
0x73: {  	_ =	shalt  }
0x74: {  	_ =	shalt  }
0x75: {  	_ =	shalt  }
0x76: {  	_ =	shalt  }
0x77: {  	_ =	shalt  }
0x78: {  	_ =	shalt  }
0x79: {  	_ =	shalt  }
0x7a: {  	_ =	shalt  }
0x7b: {  	_ =	shalt  }
0x7c: {  	_ =	shalt  }
0x7d: {  	_ =	shalt  }
0x7e: {  	_ =	shalt  }
0x7f: {  	_ =	shalt  }
0x80: {  	_ =	shalt  }
0x81: {  	_ =	shalt  }
0x82: {  	_ =	shalt  }
0x83: {  	_ =	shalt  }
0x84: {  	_ =	shalt  }
0x85: {  	_ =	shalt  }
0x86: {  	_ =	shalt  }
0x87: {  	_ =	shalt  }
.Lfunc_end0:
.L_simem_size_0:
called_computation.1_lowered:
.L_overlay_start_0:
0x88: {  	s2 =	sld [smem:$0x3FD9]  }
0x89: {  	s3 =	sld [smem:$0x3FFE];
	_ =	sdelay $0x1  }
0x8a: {  	s1 =	srdreg.scid  }
0x8b: {  	s0 =	sand.u32 $0x1, s1  }
0x8c: {  	s14 =	sshll.u32 s0, $0xA;
	s2 =	sadd.s32 s3, s2  }
0x8d: {  	s2 =	sadd.s32 s2, s14  }
0x8e: {  	[smem:$0x3FB6] =	sst s2  }
0x8f: {  	_ = 	snop  }
0x90: {  	s2 =	sld [smem:$0x3FD0];
	_ =	sdelay $0x2  }
0x91: {  	s15 =	simm.s32 $0xB;
	s4 =	simm.s32 $0x10  }
0x92: {  	[smem:s4], [sflag:s15] =	dma.local [hbm:s2], $0x1  }
0x93: {  	_ =	swait.eq [sflag:s15], $0x1  }
0x94: {  	[sflag:s15] =	ssyncset.done $0x0  }
0x95: {  	[sflag:s15] =	ssyncadd.s32 $0xFFFFFFFF  }
0x96: {  	s16 =	sld [smem:$0x10];
	(tm) =	ssettm $0x1  }
0x97: {  	s17 =	sld [smem:$0x3FFB];
	_ =	sdelay $0x3  }
0x98: {  	_ =	strace s17  }
0x99: {  	s3 =	sld [smem:$0x3FFC];
	_ =	sdelay $0x3  }
0x9a: {  	_ =	strace s3  }
0x9b: {  	s3 =	sld [smem:$0x3FFD];
	_ =	sdelay $0x3  }
0x9c: {  	_ =	strace s3  }
0x9d: {  	_ =	strace $0x8FFFFFFF  }
0x9e: {  	s18 =	sld [smem:$0x3FDB];
	_ =	sdelay $0x1  }
0x9f: {  	s19 =	simm.s32 $_scs_section_size  }
0xa0: {  	s5 =	simm.s32 $_size__tile_overlayer_lowered;
	s6 =	simm.s32 $_tile_overlayer_lowered  }
0xa1: {  	s22 =	simm.s32 $0x1BFF;
	s21 =	sshll.u32 s6, $0x1;
	s3 =	sadd.s32 s19, s18  }
0xa2: {  	s7 =	simm.s32 $0x0;
	s20 =	sshll.u32 s5, $0x1;
	s5 =	sadd.s32 s21, s3  }
0xa3: {  	[timem:s7], [sflag:s22] =	dma.local [hbm:s5], s20  }
0xa4: {  	_ =	swait.ge [sflag:s22], s20  }
0xa5: {  	s4 =	ssub.s32 $0x0, s20;
	[sflag:s22] =	ssyncset.done $0x0  }
0xa6: {  	[sflag:s22] =	ssyncadd.s32 s4;
	_ =	sdelay $0x1  }
0xa7: {  	s23 =	simm.s32 $0x1B8B  }
0xa8: {  	_ =	swait.ge [sflag:s23], $0x1  }
0xa9: {  	[sflag:s23] =	ssyncset.done $0x0  }
0xaa: {  	s25 =	simm.s32 $0x1B8E;
	s24 =	sld [smem:$0x3FFE];
	[sflag:s23] =	ssyncadd.s32 $0xFFFFFFFF  }
0xab: {  	s26 =	simm.s32 $execute0_lowered;
	[smem:$0x3FD2] =	sst s25  }
0xac: {  	s5 =	sshll.u32 s26, $0x1;
	_ =	strace $0x80000046;
	[dreg:$0x1] =	wrdreg $0xFFFFFFFF  }
0xad: {  	s28 =	simm.s32 $_size_execute0_lowered;
	s3 =	sadd.s32 s3, s5;
	[dreg:$0x0] =	wrdreg $0x0  }
0xae: {  	s5 =	sshll.u32 s28, $0x1;
	[dreg:$0x2] =	wrdreg s3  }
0xaf: {  	[dreg:$0x3] =	wrdreg s5  }
0xb0: {  	[dreg:$0x4] =	wrdreg $0xC0  }
0xb1: {  	_ =	task [dreg:s7], $0x5FFFF  }
0xb2: {  	[dreg:$0x1] =	wrdreg $0xFFFFFFFF  }
0xb3: {  	[dreg:$0x0] =	wrdreg $0x60  }
0xb4: {  	[dreg:$0x2] =	wrdreg s16  }
0xb5: {  	[dreg:$0x3] =	wrdreg s24  }
0xb6: {  	[dreg:$0x4] =	wrdreg $0xA  }
0xb7: {  	_ =	task.clear_ibuf [dreg:s7], $0x5FFFF;
	_ =	strace $0x90000046  }
0xb8: {  	s29 =	simm.s32 $0xA;
	_ =	strace $0x80000048  }
0xb9: {  	_ =	swait.ge [sflag:s29], $0x1  }
0xba: {  	[sflag:s29] =	ssyncadd.s32 $0xFFFFFFFF  }
0xbb: {  	_ =	strace $0x90000048  }
0xbc: {  	_ =	sfence  }
0xbd: {  	s30 =	sld [smem:$0x0];
	_ =	sdelay $0x2  }
0xbe: {  	s31 =	sshll.u32 s1, $0xD;
	s1 =	sshrl.u32 s1, $0x2  }
0xbf: {  	s3 =	sand.u32 $0x4000, s31;
	s1 =	sadd.s32 s1, s30  }
0xc0: {  	s0 =	sor.u32 s3, s0;
	s1 =	sshll.u32 s1, $0x11  }
0xc1: {  	s0 =	sor.u32 s1, s0  }
0xc2: {  	s0 =	sadd.s32 $0x8F2B, s0  }
0xc3: {  	[sflag:s0] =	ssyncadd.remote.s32 $0x1  }
0xc4: {  	_ =	sfence.sel $0xFFFF  }
0xc5: {  	[dreg:$0x0] =	wrdreg $0xFFFFFFFF;
	(pc) =	sbr.abs _section_cstart, $3  }
0xc6: {  	[dreg:$0x1] =	wrdreg $0xFFFFFFFF  }
0xc7: {  	_ =	task.clear_ibuf [dreg:s7], $0x2FFFF;
	_ =	strace $0x9FFFFFFF  }
0xc8: {  	(tm) =	ssettm $0x7FFFFFFF  }
0xc9: {  	_ =	shalt  }
tec
execute0_lowered:
.L_overlay_start_1:
0x0: {  	(tag) =	ssettag $0x1  }
0x1: {  	s1 =	rddreg [dreg:$0x0]  }
0x2: {  	s0 =	srdreg.scid;
	s13 =	stileid.u32  }
0x3: {  	s6 =	rddreg [dreg:$0x1];
	s2 =	simm.s32 $0x0;
	s28 =	simm.s32 $0x80  }
0x4: {  	s29 =	simm.s32 $0x1900;
	s30 =	simm.s32 $0x3900;
	s31 =	simm.s32 $0x2  }
0x5: {  	s0 =	sand.u32 $0x1, s0;
	s3 =	sshll.u32 s13, $0x1;
	[smem:$0x7FF] =	sst s2  }
0x6: {  	s4 =	sadd.s32 $0x189E00, s6;
	s9 =	sshrl.u32 s13, $0x3;
	s5 =	sadd.s32 $0x3D9E00, s6  }
0x7: {  	s7 =	sor.u32 s0, s3;
	_ =	strace $0x80000047;
	s10 =	sshll.u32 s9, $0x10  }
0x8: {  	s12 =	ssub.s32 $0x2, s0;
	s9 =	sshll.u32 s9, $0x6;
	s3 =	sshll.u32 s7, $0x2  }
0x9: {  	s11 =	sshll.u32 s7, $0xC;
	s18 =	sshrl.u32 s12, $0x1;
	s19 =	smul.u32 $0x1900, s7  }
0xa: {  	s7 =	smul.u32 $0x64000, s7;
	s8 =	sadd.s32 s3, s6;
	s10 =	ssub.s32 s11, s10  }
0xb: {  	s3 =	sadd.s32 $0x3400, s6;
	s6 =	sadd.s32 $0x3D3E00, s6;
	s9 =	sor.u32 s9, s10  }
0xc: {  	s10 =	ssub.s32 s12, s18;
	s14 =	sadd.s32 $0x3200, s8;
	s22 =	sadd.s32 $0x3280, s8  }
0xd: {  	s8 =	sadd.s32 $0x3300, s8;
	s24 =	sshrl.u32 s19, $0x3;
	s25 =	sand.u32 $0x300, s19  }
0xe: {  	s7 =	sand.u32 $0xFF0000, s7;
	s15 =	sadd.s32 $0x1880, s19;
	[dreg:$0x3] =	wrdreg s14  }
0xf: {  	s20 =	sshrl.u32 s9, $0x3;
	s21 =	sadd.s32 $0x10000, s9;
	[dreg:$0x5] =	wrdreg s22  }
0x10: {  	s9 =	sadd.s32 $0x20000, s9;
	[dreg:$0x7] =	wrdreg s8;
	s26 =	sadd.s32 s1, s24  }
0x11: {  	s16 =	sand.u32 $0x380, s15;
	s8 =	sshll.u32 s15, $0x6;
	s22 =	smul.u32 $0x64000, s0  }
0x12: {  	s0 =	smul.u32 $0x1900, s0;
	s12 =	sadd.s32 s6, s20;
	s23 =	sshrl.u32 s9, $0x3  }
0x13: {  	s17 =	sshrl.u32 s16, $0x9;
	s8 =	sand.u32 $0x1FF0000, s8;
	[dreg:$0x9] =	wrdreg s26  }
0x14: {  	s24 =	sadd.s32 $0x6400, s26;
	s26 =	smax.u32 s10, $0x1;
	[dreg:$0x4] =	wrdreg s12  }
0x15: {  	s12 =	sshrl.u32 s21, $0x3;
	s19 =	sshll.u32 s17, $0x10;
	[dreg:$0xc] =	wrdreg s24  }
0x16: {  	s20 =	sshll.u32 s17, $0x6;
	[dreg:$0xf] =	wrdreg s26;
	s12 =	sadd.s32 s6, s12  }
0x17: {  	s21 =	smul.u32 $0xC8000, s13;
	s6 =	sadd.s32 s6, s23;
	[dreg:$0x6] =	wrdreg s12  }
0x18: {  	[dreg:$0x8] =	wrdreg s6;
	s6 =	sshrl.u32 s25, $0x9;
	s12 =	sshll.u32 s25, $0x7  }
0x19: {  	s24 =	simm.s32 $0x5920;
	s7 =	sadd.s32 s12, s7;
	s1 =	sshll.u32 s6, $0x10  }
0x1a: {  	s9 =	sshll.u32 s6, $0x6;
	s1 =	ssub.s32 s7, s1;
	s7 =	sshll.u32 s16, $0x7  }
0x1b: {  	s26 =	simm.s32 $0x40;
	s1 =	sor.u32 s9, s1;
	s18 =	sadd.s32 s7, s8  }
0x1c: {  	s23 =	smul.u32 $0x3200, s13;
	s6 =	ssub.s32 s18, s19;
	s1 =	sadd.s32 $0x60000, s1  }
0x1d: {  	s19 =	sadd.s32 s22, s21;
	s21 =	simm.s32 $0x5900;
	s1 =	sshrl.u32 s1, $0x3  }
0x1e: {  	s22 =	simm.s32 $0x3;
	s6 =	sor.u32 s20, s6;
	s1 =	sadd.s32 s5, s1  }
0x1f: {  	s6 =	sshrl.u32 s6, $0x3;
	[dreg:$0xa] =	wrdreg s1;
	s1 =	sadd.s32 $0x190000, s1  }
0x20: {  	s20 =	sadd.s32 s0, s23;
	s6 =	sadd.s32 s5, s6;
	[dreg:$0xd] =	wrdreg s1  }
0x21: {  	s23 =	simm.s32 $0x20;
	[dreg:$0xb] =	wrdreg s6;
	s25 =	sadd.s32 $0x190000, s6  }
0x22: {  	s0 =	simm.s32 $0x0;
	[dreg:$0xe] =	wrdreg s25;
	s25 =	simm.s32 $0x1  }
.LBB2_1:
0x23: {  	s1 =	rddreg [dreg:$0x3]  }
0x24: {  	[tilespmem:s21], [sflag:$0x3] =	stream.linear.gather [hbm4b:s1+s2], $0x20, $0x38;
	[tilespmem:$0x6120] =	vst v63  }
0x25: {  	_ =	swait.ge [sflag:s22], $0x20  }
0x26: {  	[sflag:s22] =	ssyncset.done $0x0  }
0x27: {  	[sflag:s22] =	ssyncadd.s32 $0xFFFFFFE0  }
0x28: {  	[tilespmem:s24], [sflag:$0x1] =	stream.indirect.gather [hbm4b:s4+s23], $0x40, s21, s23, $0xb8;
	[tilespmem:$0x6120] =	vst v63  }
0x29: {  	_ =	swait.ge [sflag:s25], $0x800  }
0x2a: {  	[sflag:s25] =	ssyncset.done $0x0  }
0x2b: {  	s9 =	rddreg [dreg:$0x4];
	[sflag:s25] =	ssyncadd.s32 $0xFFFFF800  }
0x2c: {  	[hbm4b:s9+s26] =	stream.strided.scatter [tilespmem:s24], [sflag:$0x3], $0x800, s28, s26, $0x38;
	[tilespmem:$0x6120] =	vst v63  }
0x2d: {  	_ =	swait.ge [sflag:s22], $0x800  }
0x2e: {  	[sflag:s22] =	ssyncset.done $0x0  }
0x2f: {  	s10 =	rddreg [dreg:$0x5];
	[sflag:s22] =	ssyncadd.s32 $0xFFFFF800  }
0x30: {  	[tilespmem:s21], [sflag:$0x3] =	stream.linear.gather [hbm4b:s10+s2], $0x20, $0x38;
	[tilespmem:$0x6120] =	vst v63  }
0x31: {  	_ =	swait.ge [sflag:s22], $0x20  }
0x32: {  	[sflag:s22] =	ssyncset.done $0x0  }
0x33: {  	[sflag:s22] =	ssyncadd.s32 $0xFFFFFFE0  }
0x34: {  	[tilespmem:s24], [sflag:$0x1] =	stream.indirect.gather [hbm4b:s4+s23], $0x40, s21, s23, $0xb8;
	[tilespmem:$0x6120] =	vst v63  }
0x35: {  	_ =	swait.ge [sflag:s25], $0x800  }
0x36: {  	[sflag:s25] =	ssyncset.done $0x0  }
0x37: {  	s11 =	rddreg [dreg:$0x6];
	[sflag:s25] =	ssyncadd.s32 $0xFFFFF800  }
0x38: {  	[hbm4b:s11+s26] =	stream.strided.scatter [tilespmem:s24], [sflag:$0x3], $0x800, s28, s26, $0x38;
	[tilespmem:$0x6120] =	vst v63  }
0x39: {  	_ =	swait.ge [sflag:s22], $0x800  }
0x3a: {  	[sflag:s22] =	ssyncset.done $0x0  }
0x3b: {  	s12 =	rddreg [dreg:$0x7];
	[sflag:s22] =	ssyncadd.s32 $0xFFFFF800  }
0x3c: {  	[tilespmem:s21], [sflag:$0x3] =	stream.linear.gather [hbm4b:s12+s2], $0x20, $0x38;
	[tilespmem:$0x6120] =	vst v63  }
0x3d: {  	_ =	swait.ge [sflag:s22], $0x20  }
0x3e: {  	[sflag:s22] =	ssyncset.done $0x0  }
0x3f: {  	[sflag:s22] =	ssyncadd.s32 $0xFFFFFFE0  }
0x40: {  	[tilespmem:s24], [sflag:$0x1] =	stream.indirect.gather [hbm4b:s4+s23], $0x40, s21, s23, $0xb8;
	[tilespmem:$0x6120] =	vst v63  }
0x41: {  	_ =	swait.ge [sflag:s25], $0x800  }
0x42: {  	[sflag:s25] =	ssyncset.done $0x0  }
0x43: {  	s13 =	rddreg [dreg:$0x8];
	[sflag:s25] =	ssyncadd.s32 $0xFFFFF800  }
0x44: {  	[hbm4b:s13+s26] =	stream.strided.scatter [tilespmem:s24], [sflag:$0x3], $0x800, s28, s26, $0x38;
	[tilespmem:$0x6120] =	vst v63  }
0x45: {  	s6 =	sand.u32 $0x300, s20;
	_ =	swait.ge [sflag:s22], $0x800  }
0x46: {  	s7 =	sand.u32 $0x7FFF0000, s19;
	s15 =	simm.s32 $0x80;
	[sflag:s22] =	ssyncset.done $0x0  }
0x47: {  	s16 =	sadd.s32 $0x80, s20;
	s14 =	rddreg [dreg:$0x9];
	[sflag:s22] =	ssyncadd.s32 $0xFFFFF800  }
0x48: {  	[tilespmem:s2], [sflag:$0x3] =	stream.linear.gather [hbm4b:s14+s2], $0x1900, $0x38;
	[tilespmem:$0x6120] =	vst v63  }
0x49: {  	s8 =	sshll.u32 s6, $0x7;
	s9 =	sshrl.u32 s6, $0x9;
	_ =	swait.ge [sflag:s22], $0x1900  }
0x4a: {  	s6 =	sadd.s32 s8, s7;
	s7 =	sshll.u32 s9, $0x10;
	[sflag:s22] =	ssyncset.done $0x0  }
0x4b: {  	s8 =	sshll.u32 s9, $0x6;
	s10 =	ssub.s32 s6, s7;
	[sflag:s22] =	ssyncadd.s32 $0xFFFFE700  }
0x4c: {  	[tilespmem:s29], [sflag:$0x1] =	stream.indirect.gather [hbm4b:s3+s28], $0x40, s2, s28, $0xb8;
	[tilespmem:$0x6120] =	vst v63  }
0x4d: {  	s17 =	simm.s32 $0x100;
	s9 =	sor.u32 s8, s10;
	s10 =	sand.u32 $0x380, s16  }
0x4e: {  	[tilespmem:s30], [sflag:$0x2] =	stream.indirect.gather [hbm4b:s3+s28], $0x40, s15, s28, $0xb8;
	[tilespmem:$0x6120] =	vst v63  }
0x4f: {  	s9 =	sshrl.u32 s9, $0x3;
	s16 =	sshrl.u32 s10, $0x9;
	_ =	swait.ge [sflag:s25], $0x2000  }
0x50: {  	s9 =	sadd.s32 s5, s9;
	s11 =	sadd.s32 $0x2000, s19;
	[sflag:s25] =	ssyncset.done $0x0  }
0x51: {  	s11 =	sand.u32 $0x7FFF0000, s11;
	s15 =	sshll.u32 s10, $0x7;
	[sflag:s25] =	ssyncadd.s32 $0xFFFFE000  }
0x52: {  	[hbm4b:s9+s26] =	stream.strided.scatter [tilespmem:s29], [sflag:$0x3], $0x2000, s28, s26, $0x38;
	[tilespmem:$0x6120] =	vst v63  }
0x53: {  	s10 =	sadd.s32 s15, s11;
	s9 =	sshll.u32 s16, $0x10;
	_ =	swait.ge [sflag:s22], $0x2000  }
0x54: {  	s11 =	sshll.u32 s16, $0x6;
	s15 =	ssub.s32 s10, s9;
	[sflag:s22] =	ssyncset.done $0x0  }
0x55: {  	s12 =	simm.s32 $0x400;
	s15 =	sor.u32 s11, s15;
	[sflag:s22] =	ssyncadd.s32 $0xFFFFE000  }
0x56: {  	[tilespmem:s29], [sflag:$0x1] =	stream.indirect.gather [hbm4b:s3+s28], $0x40, s17, s28, $0xb8;
	[tilespmem:$0x6120] =	vst v63  }
0x57: {  	s16 =	sadd.s32 $0x4000, s19;
	s18 =	sshrl.u32 s15, $0x3;
	_ =	swait.ge [sflag:s31], $0x2000  }
0x58: {  	s15 =	sadd.s32 $0x100, s20;
	s17 =	sadd.s32 s5, s18;
	[sflag:s31] =	ssyncset.done $0x0  }
.LBB2_2:
0x59: {  	s18 =	sand.u32 $0x7FFF0000, s16;
	s13 =	sand.u32 $0x300, s15;
	[sflag:s31] =	ssyncadd.s32 $0xFFFFE000  }
0x5a: {  	[hbm4b:s17+s26] =	stream.strided.scatter [tilespmem:s30], [sflag:$0x3], $0x2000, s28, s26, $0x38;
	[tilespmem:$0x6120] =	vst v63  }
0x5b: {  	s17 =	sshll.u32 s13, $0x7;
	s13 =	sshrl.u32 s13, $0x9;
	_ =	swait.ge [sflag:s22], $0x2000  }
0x5c: {  	s17 =	sadd.s32 s17, s18;
	s18 =	sshll.u32 s13, $0x10;
	[sflag:s22] =	ssyncset.done $0x0  }
0x5d: {  	s13 =	sshll.u32 s13, $0x6;
	s17 =	ssub.s32 s17, s18;
	[sflag:s22] =	ssyncadd.s32 $0xFFFFE000  }
0x5e: {  	p0 =	sne.s32 s12, $0x5C00;
	s18 =	sshra.s32 s12, $0x2;
	s13 =	sor.u32 s13, s17  }
0x5f: {  	s12 =	sadd.s32 $0x400, s12;
	s17 =	sadd.s32 $0x80, s18;
	s13 =	sshrl.u32 s13, $0x3  }
0x60: {  	[tilespmem:s30], [sflag:$0x2] =	stream.indirect.gather [hbm4b:s3+s28], $0x40, s17, s28, $0xb8;
	[tilespmem:$0x6120] =	vst v63  }
0x61: {  	s14 =	sadd.s32 $0x2000, s16;
	s17 =	sadd.s32 $0x80, s15;
	_ =	swait.ge [sflag:s25], $0x2000  }
0x62: {  	s13 =	sadd.s32 s5, s13;
	s17 =	sand.u32 $0x380, s17;
	[sflag:s25] =	ssyncset.done $0x0  }
0x63: {  	s14 =	sand.u32 $0x7FFF0000, s14;
	s1 =	sshll.u32 s17, $0x7;
	[sflag:s25] =	ssyncadd.s32 $0xFFFFE000  }
0x64: {  	s17 =	sshrl.u32 s17, $0x9;
	s1 =	sadd.s32 s1, s14  }
0x65: {  	[hbm4b:s13+s26] =	stream.strided.scatter [tilespmem:s29], [sflag:$0x3], $0x2000, s28, s26, $0x38;
	[tilespmem:$0x6120] =	vst v63  }
0x66: {  	s14 =	sshll.u32 s17, $0x6;
	s13 =	sshll.u32 s17, $0x10;
	_ =	swait.ge [sflag:s22], $0x2000  }
.Ltmp0:
0x67: {  	s1 =	ssub.s32 s1, s13;
	[sflag:s22] =	ssyncset.done $0x0;
	(pc) =	sbr.rel @p0 .LBB2_2-.Ltmp0, $4  }
0x68: {  	s13 =	sadd.s32 $0x100, s18;
	s1 =	sor.u32 s14, s1;
	[sflag:s22] =	ssyncadd.s32 $0xFFFFE000  }
0x69: {  	[tilespmem:s29], [sflag:$0x1] =	stream.indirect.gather [hbm4b:s3+s28], $0x40, s13, s28, $0xb8;
	[tilespmem:$0x6120] =	vst v63  }
0x6a: {  	s15 =	sadd.s32 $0x100, s15;
	s1 =	sshrl.u32 s1, $0x3;
	_ =	swait.ge [sflag:s31], $0x2000  }
0x6b: {  	s16 =	sadd.s32 $0x4000, s16;
	s17 =	sadd.s32 s5, s1;
	[sflag:s31] =	ssyncset.done $0x0  }
0x6c: {  	[sflag:s31] =	ssyncadd.s32 $0xFFFFE000  }
0x6d: {  	[hbm4b:s17+s26] =	stream.strided.scatter [tilespmem:s30], [sflag:$0x3], $0x2000, s28, s26, $0x38;
	[tilespmem:$0x6120] =	vst v63  }
0x6e: {  	_ =	swait.ge [sflag:s22], $0x2000  }
0x6f: {  	[sflag:s22] =	ssyncset.done $0x0  }
0x70: {  	s13 =	simm.s32 $0x1880;
	[sflag:s22] =	ssyncadd.s32 $0xFFFFE000  }
0x71: {  	[tilespmem:s30], [sflag:$0x2] =	stream.indirect.gather [hbm4b:s3+s28], $0x40, s13, s28, $0xb8;
	[tilespmem:$0x6120] =	vst v63  }
0x72: {  	_ =	swait.ge [sflag:s25], $0x2000  }
0x73: {  	[sflag:s25] =	ssyncset.done $0x0  }
0x74: {  	s1 =	rddreg [dreg:$0xa];
	[sflag:s25] =	ssyncadd.s32 $0xFFFFE000  }
0x75: {  	[hbm4b:s1+s26] =	stream.strided.scatter [tilespmem:s29], [sflag:$0x3], $0x2000, s28, s26, $0x38;
	[tilespmem:$0x6120] =	vst v63  }
0x76: {  	_ =	swait.ge [sflag:s22], $0x2000  }
0x77: {  	[sflag:s22] =	ssyncset.done $0x0  }
0x78: {  	[sflag:s22] =	ssyncadd.s32 $0xFFFFE000  }
0x79: {  	_ =	swait.ge [sflag:s31], $0x2000  }
0x7a: {  	[sflag:s31] =	ssyncset.done $0x0  }
0x7b: {  	s12 =	rddreg [dreg:$0xb];
	[sflag:s31] =	ssyncadd.s32 $0xFFFFE000  }
0x7c: {  	[hbm4b:s12+s26] =	stream.strided.scatter [tilespmem:s30], [sflag:$0x3], $0x2000, s28, s26, $0x38;
	[tilespmem:$0x6120] =	vst v63  }
0x7d: {  	_ =	swait.ge [sflag:s22], $0x2000  }
0x7e: {  	[sflag:s22] =	ssyncset.done $0x0  }
0x7f: {  	s14 =	simm.s32 $0x0;
	s12 =	rddreg [dreg:$0xc];
	[sflag:s22] =	ssyncadd.s32 $0xFFFFE000  }
0x80: {  	[tilespmem:s14], [sflag:$0x3] =	stream.linear.gather [hbm4b:s12+s14], $0x1900, $0x38;
	[tilespmem:$0x6120] =	vst v63  }
0x81: {  	_ =	swait.ge [sflag:s22], $0x1900  }
0x82: {  	[sflag:s22] =	ssyncset.done $0x0  }
0x83: {  	s15 =	sor.u32 s8, s6;
	[sflag:s22] =	ssyncadd.s32 $0xFFFFE700  }
0x84: {  	[tilespmem:s29], [sflag:$0x1] =	stream.indirect.gather [hbm4b:s3+s28], $0x40, s14, s28, $0xb8;
	[tilespmem:$0x6120] =	vst v63  }
0x85: {  	s16 =	simm.s32 $0x80;
	s1 =	ssub.s32 s15, s7  }
0x86: {  	[tilespmem:s30], [sflag:$0x2] =	stream.indirect.gather [hbm4b:s3+s28], $0x40, s16, s28, $0xb8;
	[tilespmem:$0x6120] =	vst v63  }
0x87: {  	s1 =	sadd.s32 $0xC80000, s1;
	_ =	swait.ge [sflag:s25], $0x2000  }
0x88: {  	s1 =	sshrl.u32 s1, $0x3;
	[sflag:s25] =	ssyncset.done $0x0  }
0x89: {  	s1 =	sadd.s32 s5, s1;
	[sflag:s25] =	ssyncadd.s32 $0xFFFFE000  }
0x8a: {  	[hbm4b:s1+s26] =	stream.strided.scatter [tilespmem:s29], [sflag:$0x3], $0x2000, s28, s26, $0x38;
	[tilespmem:$0x6120] =	vst v63  }
0x8b: {  	_ =	swait.ge [sflag:s22], $0x2000  }
0x8c: {  	s17 =	sor.u32 s11, s10;
	[sflag:s22] =	ssyncset.done $0x0  }
0x8d: {  	s18 =	simm.s32 $0x100;
	s1 =	ssub.s32 s17, s9;
	[sflag:s22] =	ssyncadd.s32 $0xFFFFE000  }
0x8e: {  	[tilespmem:s29], [sflag:$0x1] =	stream.indirect.gather [hbm4b:s3+s28], $0x40, s18, s28, $0xb8;
	[tilespmem:$0x6120] =	vst v63  }
0x8f: {  	s6 =	simm.s32 $0x400;
	s1 =	sadd.s32 $0xC80000, s1;
	_ =	swait.ge [sflag:s31], $0x2000  }
0x90: {  	s8 =	sadd.s32 $0x4000, s19;
	s1 =	sshrl.u32 s1, $0x3;
	[sflag:s31] =	ssyncset.done $0x0  }
0x91: {  	s7 =	sadd.s32 $0x100, s20;
	s9 =	sadd.s32 s5, s1;
	[sflag:s31] =	ssyncadd.s32 $0xFFFFE000  }
.LBB2_4:
0x92: {  	[hbm4b:s9+s26] =	stream.strided.scatter [tilespmem:s30], [sflag:$0x3], $0x2000, s28, s26, $0x38;
	[tilespmem:$0x6120] =	vst v63  }
0x93: {  	s1 =	sand.u32 $0x7FFF0000, s8;
	s9 =	sand.u32 $0x300, s7;
	_ =	swait.ge [sflag:s22], $0x2000  }
0x94: {  	s10 =	sshra.s32 s6, $0x2;
	s11 =	sshll.u32 s9, $0x7;
	s9 =	sshrl.u32 s9, $0x9  }
0x95: {  	s12 =	sshll.u32 s9, $0x6;
	s1 =	sadd.s32 s11, s1;
	[sflag:s22] =	ssyncset.done $0x0  }
0x96: {  	s9 =	sshll.u32 s9, $0x10;
	s1 =	sor.u32 s12, s1;
	[sflag:s22] =	ssyncadd.s32 $0xFFFFE000  }
0x97: {  	p0 =	sne.s32 s6, $0x5C00;
	s6 =	sadd.s32 $0x400, s6;
	s1 =	ssub.s32 s1, s9  }
0x98: {  	s9 =	sadd.s32 $0x100, s10;
	s1 =	sadd.s32 $0xC80000, s1  }
0x99: {  	s11 =	sadd.s32 $0x80, s7;
	s10 =	sadd.s32 $0x80, s10;
	s1 =	sshrl.u32 s1, $0x3  }
0x9a: {  	[tilespmem:s30], [sflag:$0x2] =	stream.indirect.gather [hbm4b:s3+s28], $0x40, s10, s28, $0xb8;
	[tilespmem:$0x6120] =	vst v63  }
0x9b: {  	s11 =	sand.u32 $0x380, s11;
	s10 =	sadd.s32 $0x2000, s8;
	_ =	swait.ge [sflag:s25], $0x2000  }
0x9c: {  	s1 =	sadd.s32 s5, s1;
	s10 =	sand.u32 $0x7FFF0000, s10;
	[sflag:s25] =	ssyncset.done $0x0  }
0x9d: {  	s12 =	sshll.u32 s11, $0x7;
	s11 =	sshrl.u32 s11, $0x9;
	[sflag:s25] =	ssyncadd.s32 $0xFFFFE000  }
0x9e: {  	[hbm4b:s1+s26] =	stream.strided.scatter [tilespmem:s29], [sflag:$0x3], $0x2000, s28, s26, $0x38;
	[tilespmem:$0x6120] =	vst v63  }
0x9f: {  	s10 =	sadd.s32 s12, s10;
	s1 =	sshll.u32 s11, $0x6;
	_ =	swait.ge [sflag:s22], $0x2000  }
0xa0: {  	s1 =	sor.u32 s1, s10;
	s10 =	sshll.u32 s11, $0x10;
	[sflag:s22] =	ssyncset.done $0x0  }
.Ltmp1:
0xa1: {  	s1 =	ssub.s32 s1, s10;
	[sflag:s22] =	ssyncadd.s32 $0xFFFFE000;
	(pc) =	sbr.rel @p0 .LBB2_4-.Ltmp1, $4  }
0xa2: {  	[tilespmem:s29], [sflag:$0x1] =	stream.indirect.gather [hbm4b:s3+s28], $0x40, s9, s28, $0xb8;
	[tilespmem:$0x6120] =	vst v63  }
0xa3: {  	s1 =	sadd.s32 $0xC80000, s1;
	_ =	swait.ge [sflag:s31], $0x2000  }
0xa4: {  	s7 =	sadd.s32 $0x100, s7;
	s1 =	sshrl.u32 s1, $0x3;
	[sflag:s31] =	ssyncset.done $0x0  }
0xa5: {  	s8 =	sadd.s32 $0x4000, s8;
	s9 =	sadd.s32 s5, s1;
	[sflag:s31] =	ssyncadd.s32 $0xFFFFE000  }
0xa6: {  	[hbm4b:s9+s26] =	stream.strided.scatter [tilespmem:s30], [sflag:$0x3], $0x2000, s28, s26, $0x38;
	[tilespmem:$0x6120] =	vst v63  }
0xa7: {  	_ =	swait.ge [sflag:s22], $0x2000  }
0xa8: {  	[sflag:s22] =	ssyncset.done $0x0  }
0xa9: {  	[sflag:s22] =	ssyncadd.s32 $0xFFFFE000  }
0xaa: {  	[tilespmem:s30], [sflag:$0x2] =	stream.indirect.gather [hbm4b:s3+s28], $0x40, s13, s28, $0xb8;
	[tilespmem:$0x6120] =	vst v63  }
0xab: {  	_ =	swait.ge [sflag:s25], $0x2000  }
0xac: {  	[sflag:s25] =	ssyncset.done $0x0  }
0xad: {  	s1 =	rddreg [dreg:$0xd];
	[sflag:s25] =	ssyncadd.s32 $0xFFFFE000  }
0xae: {  	[hbm4b:s1+s26] =	stream.strided.scatter [tilespmem:s29], [sflag:$0x3], $0x2000, s28, s26, $0x38;
	[tilespmem:$0x6120] =	vst v63  }
0xaf: {  	_ =	swait.ge [sflag:s22], $0x2000  }
0xb0: {  	[sflag:s22] =	ssyncset.done $0x0  }
0xb1: {  	[sflag:s22] =	ssyncadd.s32 $0xFFFFE000  }
0xb2: {  	_ =	swait.ge [sflag:s31], $0x2000  }
0xb3: {  	[sflag:s31] =	ssyncset.done $0x0  }
0xb4: {  	s17 =	rddreg [dreg:$0xe];
	[sflag:s31] =	ssyncadd.s32 $0xFFFFE000  }
0xb5: {  	[hbm4b:s17+s26] =	stream.strided.scatter [tilespmem:s30], [sflag:$0x3], $0x2000, s28, s26, $0x38;
	[tilespmem:$0x6120] =	vst v63  }
0xb6: {  	_ =	swait.ge [sflag:s22], $0x2000  }
0xb7: {  	s0 =	sadd.s32 $0x1, s0;
	s18 =	rddreg [dreg:$0xf]  }
0xb8: {  	p0 =	sne.s32 s0, s18  }
.Ltmp2:
0xb9: {  	_ = 	snop;
	(pc) =	sbr.rel @p0 .LBB2_1-.Ltmp2, $3  }
0xba: {  	_ =	sdelay $0x1  }
0xbb: {  	[sflag:s22] =	ssyncset.done $0x0  }
0xbc: {  	[sflag:s22] =	ssyncadd.s32 $0xFFFFE000  }
0xbd: {  	_ =	sfence.sel $0x180000  }
0xbe: {  	[bflag:$0x0] =	sbarrier.arrive $0xFFFF  }
0xbf: {  	_ =	strace $0x90000047  }
0xc0: {  	s0 =	stileid.u32;
	[bflag:$0x2] =	sbarrier.arrive $0xFFFF  }
0xc1: {  	p0 =	sne.s32 s0, $0x0;
	s0 =	rddreg [dreg:$0x2]  }
0xc2: {  	s0 =	sadd.s32 @!p0 $0x100000, s0  }
0xc3: {  	[sflag:s0] =	ssyncadd.tile.s32 @!p0 $0x1;
	_ =	shalt  }
.Lfunc_end2:
_tile_overlayer_lowered:
.L_overlay_start_2:
0xc4: {  	(tag) =	ssettag $0x2  }
0xc5: {  	s0 =	rddreg [dreg:$0x0];
	s2 =	stileid.u32  }
0xc6: {  	s1 =	rddreg [dreg:$0x1];
	p0 =	sne.s32 s2, $0x0  }
0xc7: {  	s3 =	rddreg [dreg:$0x2];
	[bflag:$0x3] =	sbarrier.arrive $0xFFFF;
	s2 =	simm.s32 @!p0 $0x1C03  }
0xc8: {  	[timem:s3], [sflag:s2] =	dma.local @!p0 [hbm:s0], s1  }
0xc9: {  	s0 =	simm.s32 @!p0 $0x3  }
0xca: {  	_ =	swait.ge @!p0 [sflag:s0], s1  }
0xcb: {  	s1 =	ssub.s32 @!p0 $0x0, s1;
	[sflag:s0] =	ssyncset.done @!p0 $0x0  }
0xcc: {  	[sflag:s0] =	ssyncadd.s32 @!p0 s1  }
0xcd: {  	[bflag:$0x3] =	sbarrier.arrive $0xFFFF  }
0xce: {  	_ =	shalt  }

// kernel: kernel.8.cloned.1.call-start
scs
__scs_entry_jumppad:
0x0: {  	(pc) =	sbr.rel $0x88, $3  }
0x1: {  	(tag) =	ssettag $0x0;
	lr =	simm.s32 $0x1  }
0x2: {  	[smem:$0x3F8F] =	sst lr;
	_ =	strace $0xD0000000  }
0x3: {  	_ = 	snop  }
0x4: {  	_ = 	snop  }
0x5: {  	_ = 	snop  }
0x6: {  	_ = 	snop  }
0x7: {  	_ = 	snop  }
__scs_overlays_trampoline_lowered:
0x8: {  	[smem:$0x3F9E] =	sst s0  }
0x9: {  	[smem:$0x3F9F] =	sst s1  }
0xa: {  	[smem:$0x3FA0] =	sst s2  }
0xb: {  	[smem:$0x3FA1] =	sst s3  }
0xc: {  	[smem:$0x3FA2] =	sst s4  }
0xd: {  	[smem:$0x3FA3] =	sst s5  }
0xe: {  	[smem:$0x3FA4] =	sst s6  }
0xf: {  	[smem:$0x3FA5] =	sst s7  }
0x10: {  	[smem:$0x3FA6] =	sst s8  }
0x11: {  	[smem:$0x3FA7] =	sst s9;
	s0 =	simm.s32 @!p0 $0x0  }
0x12: {  	s1 =	sld [smem:$0x3F8D];
	s0 =	simm.s32 @p0 $0x1  }
0x13: {  	[smem:$0x3FA8] =	sst s0;
	s0 =	simm.s32 @!p1 $0x0  }
0x14: {  	s2 =	sld [smem:$0x3F8C];
	s0 =	simm.s32 @p1 $0x1  }
0x15: {  	[smem:$0x3FA9] =	sst s0;
	s0 =	simm.s32 @!p2 $0x0  }
0x16: {  	s3 =	sld [smem:$0x3FDB];
	s0 =	simm.s32 @p2 $0x1  }
0x17: {  	s4 =	simm.s32 $0x1BF5;
	[smem:$0x3FAB] =	sst s0  }
0x18: {  	s0 =	sld [smem:$0x3F8E];
	_ =	swait.ge [sflag:s4], $0x0  }
0x19: {  	s7 =	sld [smem:$0x3F8F]  }
0x1a: {  	s8 =	sadd.s32 $0xFFFFE003, lr  }
0x1b: {  	s9 =	sadd.s32 $0xFFFFFEF7, lr;
	s5 =	simm.s32 $0xFFFFFFFF;
	p2 =	slt.u32 s8, $0xFFFFF086  }
0x1c: {  	p1 =	slt.u32 s9, $0xF7A;
	s5 =	simm.s32 @!p2 $0x0  }
0x1d: {  	s5 =	simm.s32 @p1 $0x1;
	p0 =	seq.s32 s7, s2  }
0x1e: {  	s7 =	smul.u32 @!p0 $0xF7A, s2;
	p2 =	seq.s32 @!p0 s5, $0x0  }
0x1f: {  	s9 =	smul.u32 $0xF7A, s1;
	s8 =	simm.s32 @!p0 $0x1BF5;
	p2 =	por !p2, p0  }
0x20: {  	[sflag:s8] =	ssyncset.s32 @!p0 $0xFFFFF086;
	s6 =	sadd.s32 @!p0 s3, s7;
	s7 =	simm.s32 @!p0 $0x108  }
0x21: {  	s3 =	sadd.s32 s3, s9;
	s6 =	sadd.s32 @!p0 $0x88, s6;
	s7 =	simm.s32 @p2 $0x1082  }
0x22: {  	[simem:s7], [sflag:s8] =	dma.local @!p0 [hbm:s6], $0xF7A  }
0x23: {  	s9 =	sor.u32 $0xD0000000, s2;
	s6 =	simm.s32 $0x108;
	_ =	swait.ge @!p0 [sflag:s8], $0x0  }
0x24: {  	s3 =	sadd.s32 $0x88, s3;
	s6 =	simm.s32 @!p1 $0x1082;
	[sflag:s4] =	ssyncset.s32 $0xFFFFF086  }
0x25: {  	[simem:s6], [sflag:s4] =	dma.local [hbm:s3], $0xF7A  }
0x26: {  	[smem:$0x3F8F] =	sst s1;
	(tag) =	ssettag s2;
	_ =	strace s9  }
0x27: {  	s1 =	sld [smem:$0x3F9F]  }
0x28: {  	s2 =	sld [smem:$0x3FA0]  }
0x29: {  	s4 =	sld [smem:$0x3FA2]  }
0x2a: {  	p0 =	seq.s32 s5, $0x0;
	s5 =	sld [smem:$0x3FA3]  }
0x2b: {  	s6 =	sld [smem:$0x3FA4]  }
0x2c: {  	s7 =	sld [smem:$0x3FA5]  }
0x2d: {  	s3 =	simm.s32 $0x108;
	s8 =	sld [smem:$0x3FA6]  }
0x2e: {  	s3 =	simm.s32 @!p0 $0x1082;
	s9 =	sld [smem:$0x3FA7]  }
0x2f: {  	lr =	sadd.s32 s0, s3;
	s0 =	sld [smem:$0x3F9E]  }
0x30: {  	s3 =	sld [smem:$0x3FA1]  }
0x31: {  	[smem:$0x3FAA] =	sst s10  }
0x32: {  	s10 =	sld [smem:$0x3FA8];
	_ =	sdelay $0x3  }
0x33: {  	p0 =	seq.s32 s10, $0x1;
	s10 =	sld [smem:$0x3FAA];
	_ =	sdelay $0x3  }
0x34: {  	[smem:$0x3FAA] =	sst s10  }
0x35: {  	s10 =	sld [smem:$0x3FA9];
	_ =	sdelay $0x3  }
0x36: {  	p1 =	seq.s32 s10, $0x1;
	s10 =	sld [smem:$0x3FAA];
	_ =	sdelay $0x3  }
0x37: {  	[smem:$0x3FAA] =	sst s10  }
0x38: {  	s10 =	sld [smem:$0x3FAB]  }
0x39: {  	_ = 	snop;
	(pc) =	sbr.ind lr, $3  }
0x3a: {  	_ = 	snop  }
0x3b: {  	_ = 	snop  }
0x3c: {  	p2 =	seq.s32 s10, $0x1;
	s10 =	sld [smem:$0x3FAA]  }
0x3d: {  	_ =	shalt  }
0x3e: {  	_ =	shalt  }
0x3f: {  	_ =	shalt  }
0x40: {  	_ =	shalt  }
0x41: {  	_ =	shalt  }
0x42: {  	_ =	shalt  }
0x43: {  	_ =	shalt  }
0x44: {  	_ =	shalt  }
0x45: {  	_ =	shalt  }
0x46: {  	_ =	shalt  }
0x47: {  	_ =	shalt  }
0x48: {  	_ =	shalt  }
0x49: {  	_ =	shalt  }
0x4a: {  	_ =	shalt  }
0x4b: {  	_ =	shalt  }
0x4c: {  	_ =	shalt  }
0x4d: {  	_ =	shalt  }
0x4e: {  	_ =	shalt  }
0x4f: {  	_ =	shalt  }
0x50: {  	_ =	shalt  }
0x51: {  	_ =	shalt  }
0x52: {  	_ =	shalt  }
0x53: {  	_ =	shalt  }
0x54: {  	_ =	shalt  }
0x55: {  	_ =	shalt  }
0x56: {  	_ =	shalt  }
0x57: {  	_ =	shalt  }
0x58: {  	_ =	shalt  }
0x59: {  	_ =	shalt  }
0x5a: {  	_ =	shalt  }
0x5b: {  	_ =	shalt  }
0x5c: {  	_ =	shalt  }
0x5d: {  	_ =	shalt  }
0x5e: {  	_ =	shalt  }
0x5f: {  	_ =	shalt  }
0x60: {  	_ =	shalt  }
0x61: {  	_ =	shalt  }
0x62: {  	_ =	shalt  }
0x63: {  	_ =	shalt  }
0x64: {  	_ =	shalt  }
0x65: {  	_ =	shalt  }
0x66: {  	_ =	shalt  }
0x67: {  	_ =	shalt  }
0x68: {  	_ =	shalt  }
0x69: {  	_ =	shalt  }
0x6a: {  	_ =	shalt  }
0x6b: {  	_ =	shalt  }
0x6c: {  	_ =	shalt  }
0x6d: {  	_ =	shalt  }
0x6e: {  	_ =	shalt  }
0x6f: {  	_ =	shalt  }
0x70: {  	_ =	shalt  }
0x71: {  	_ =	shalt  }
0x72: {  	_ =	shalt  }
0x73: {  	_ =	shalt  }
0x74: {  	_ =	shalt  }
0x75: {  	_ =	shalt  }
0x76: {  	_ =	shalt  }
0x77: {  	_ =	shalt  }
0x78: {  	_ =	shalt  }
0x79: {  	_ =	shalt  }
0x7a: {  	_ =	shalt  }
0x7b: {  	_ =	shalt  }
0x7c: {  	_ =	shalt  }
0x7d: {  	_ =	shalt  }
0x7e: {  	_ =	shalt  }
0x7f: {  	_ =	shalt  }
0x80: {  	_ =	shalt  }
0x81: {  	_ =	shalt  }
0x82: {  	_ =	shalt  }
0x83: {  	_ =	shalt  }
0x84: {  	_ =	shalt  }
0x85: {  	_ =	shalt  }
0x86: {  	_ =	shalt  }
0x87: {  	_ =	shalt  }
.Lfunc_end0:
.L_simem_size_0:
called_computation_lowered:
.L_overlay_start_0:
0x88: {  	s2 =	sld [smem:$0x3FD9]  }
0x89: {  	s3 =	sld [smem:$0x3FFE];
	_ =	sdelay $0x1  }
0x8a: {  	s1 =	srdreg.scid  }
0x8b: {  	s0 =	sand.u32 $0x1, s1  }
0x8c: {  	s15 =	sshll.u32 s0, $0xA;
	s2 =	sadd.s32 s3, s2  }
0x8d: {  	s2 =	sadd.s32 s2, s15  }
0x8e: {  	[smem:$0x3FB6] =	sst s2  }
0x8f: {  	_ = 	snop  }
0x90: {  	s2 =	sld [smem:$0x3FD0];
	_ =	sdelay $0x2  }
0x91: {  	s16 =	simm.s32 $0xB;
	s4 =	simm.s32 $0x10  }
0x92: {  	[smem:s4], [sflag:s16] =	dma.local [hbm:s2], $0x1  }
0x93: {  	_ =	swait.eq [sflag:s16], $0x1  }
0x94: {  	[sflag:s16] =	ssyncset.done $0x0  }
0x95: {  	[sflag:s16] =	ssyncadd.s32 $0xFFFFFFFF  }
0x96: {  	s17 =	sld [smem:$0x12];
	(tm) =	ssettm $0x1  }
0x97: {  	s18 =	sld [smem:$0x3FFB];
	_ =	sdelay $0x3  }
0x98: {  	_ =	strace s18  }
0x99: {  	s2 =	sld [smem:$0x3FFC];
	_ =	sdelay $0x3  }
0x9a: {  	_ =	strace s2  }
0x9b: {  	s2 =	sld [smem:$0x3FFD];
	_ =	sdelay $0x3  }
0x9c: {  	_ =	strace s2  }
0x9d: {  	_ =	strace $0x8FFFFFFF  }
0x9e: {  	s19 =	sld [smem:$0x3FDB];
	_ =	sdelay $0x1  }
0x9f: {  	s20 =	simm.s32 $_scs_section_size  }
0xa0: {  	s5 =	simm.s32 $_size__tile_overlayer_lowered;
	s6 =	simm.s32 $_tile_overlayer_lowered  }
0xa1: {  	s7 =	simm.s32 $0x1BFF;
	s21 =	sshll.u32 s6, $0x1;
	s4 =	sadd.s32 s20, s19  }
0xa2: {  	s22 =	simm.s32 $0x0;
	s5 =	sshll.u32 s5, $0x1;
	s6 =	sadd.s32 s21, s4  }
0xa3: {  	[timem:s22], [sflag:s7] =	dma.local [hbm:s6], s5  }
0xa4: {  	_ =	swait.ge [sflag:s7], s5  }
0xa5: {  	s5 =	ssub.s32 $0x0, s5;
	[sflag:s7] =	ssyncset.done $0x0  }
0xa6: {  	[sflag:s7] =	ssyncadd.s32 s5;
	_ =	sdelay $0x1  }
0xa7: {  	s23 =	simm.s32 $0x1B8B  }
0xa8: {  	_ =	swait.ge [sflag:s23], $0x1  }
0xa9: {  	[sflag:s23] =	ssyncset.done $0x0  }
0xaa: {  	[sflag:s23] =	ssyncadd.s32 $0xFFFFFFFF  }
0xab: {  	s5 =	sld [smem:$0x0]  }
0xac: {  	s6 =	sand.u32 $0xFFFFFFFE, s1  }
0xad: {  	p0 =	sne.s32 s1, s6  }
0xae: {  	s6 =	sshll.u32 @p0 s6, $0xE  }
0xaf: {  	s6 =	sadd.s32 @p0 $0x11B8D, s6;
	s7 =	sshll.u32 @p0 s5, $0x11  }
0xb0: {  	s6 =	sor.u32 @p0 s7, s6  }
0xb1: {  	[sflag:s6] =	ssyncadd.remote.s32 @p0 $0x1;
	_ =	sdelay $0x1  }
0xb2: {  	s6 =	simm.s32 @p0 $0x1B8D  }
0xb3: {  	_ =	swait.eq @p0 [sflag:s6], $0x1  }
0xb4: {  	[sflag:s6] =	ssyncadd.s32 @p0 $0xFFFFFFFF  }
0xb5: {  	s7 =	sshll.u32 @!p0 s1, $0xE  }
0xb6: {  	s7 =	sor.u32 @!p0 $0x4000, s7;
	s6 =	simm.s32 @!p0 $0x1B8D  }
0xb7: {  	s5 =	sshll.u32 @!p0 s5, $0x11;
	s7 =	sadd.s32 @!p0 $0x11B8D, s7;
	_ =	swait.eq @!p0 [sflag:s6], $0x1  }
0xb8: {  	s5 =	sor.u32 @!p0 s5, s7;
	[sflag:s6] =	ssyncadd.s32 @!p0 $0xFFFFFFFF  }
0xb9: {  	s25 =	simm.s32 $0x1B8E;
	s24 =	sld [smem:$0x3FFE];
	[sflag:s5] =	ssyncadd.remote.s32 @!p0 $0x1  }
0xba: {  	s26 =	simm.s32 $execute0_lowered;
	[smem:$0x3FD2] =	sst s25  }
0xbb: {  	s6 =	sshll.u32 s26, $0x1;
	_ =	strace $0x80000049;
	[dreg:$0x1] =	wrdreg $0xFFFFFFFF  }
0xbc: {  	s28 =	simm.s32 $_size_execute0_lowered;
	s4 =	sadd.s32 s4, s6;
	[dreg:$0x0] =	wrdreg $0x0  }
0xbd: {  	s6 =	sshll.u32 s28, $0x1;
	[dreg:$0x2] =	wrdreg s4  }
0xbe: {  	[dreg:$0x3] =	wrdreg s6  }
0xbf: {  	[dreg:$0x4] =	wrdreg $0xC0  }
0xc0: {  	_ =	task [dreg:s22], $0x5FFFF  }
0xc1: {  	[dreg:$0x1] =	wrdreg $0xFFFFFFFF  }
0xc2: {  	[dreg:$0x0] =	wrdreg $0x60  }
0xc3: {  	[dreg:$0x2] =	wrdreg s24  }
0xc4: {  	[dreg:$0x3] =	wrdreg s17  }
0xc5: {  	[dreg:$0x4] =	wrdreg $0x9  }
0xc6: {  	_ =	task.clear_ibuf [dreg:s22], $0x5FFFF;
	_ =	strace $0x90000049  }
0xc7: {  	s29 =	simm.s32 $0x9;
	_ =	strace $0x8000004B  }
0xc8: {  	_ =	swait.ge [sflag:s29], $0x1  }
0xc9: {  	[sflag:s29] =	ssyncadd.s32 $0xFFFFFFFF  }
0xca: {  	_ =	strace $0x9000004B  }
0xcb: {  	_ =	sfence  }
0xcc: {  	s30 =	sld [smem:$0x0];
	_ =	sdelay $0x2  }
0xcd: {  	s31 =	sshll.u32 s1, $0xD;
	s1 =	sshrl.u32 s1, $0x2  }
0xce: {  	s4 =	sand.u32 $0x4000, s31;
	s1 =	sadd.s32 s1, s30  }
0xcf: {  	s0 =	sor.u32 s4, s0;
	s1 =	sshll.u32 s1, $0x11  }
0xd0: {  	s0 =	sor.u32 s1, s0  }
0xd1: {  	s0 =	sadd.s32 $0x8F2B, s0  }
0xd2: {  	[sflag:s0] =	ssyncadd.remote.s32 $0x1  }
0xd3: {  	_ =	sfence.sel $0xFFFF  }
0xd4: {  	[dreg:$0x0] =	wrdreg $0xFFFFFFFF;
	(pc) =	sbr.abs _section_cstart, $3  }
0xd5: {  	[dreg:$0x1] =	wrdreg $0xFFFFFFFF  }
0xd6: {  	_ =	task.clear_ibuf [dreg:s22], $0x2FFFF;
	_ =	strace $0x9FFFFFFF  }
0xd7: {  	(tm) =	ssettm $0x7FFFFFFF  }
tec
execute0_lowered:
.L_overlay_start_1:
0x0: {  	(tag) =	ssettag $0x1  }
0x1: {  	s0 =	srdreg.scid  }
0x2: {  	s10 =	stileid.u32;
	s1 =	rddreg [dreg:$0x0]  }
0x3: {  	s2 =	rddreg [dreg:$0x1];
	s4 =	simm.s32 $0x0;
	s15 =	smul.u32 $0xC8000, s10  }
0x4: {  	s0 =	sand.u32 $0x1, s0;
	s3 =	sshll.u32 s10, $0x1;
	s28 =	smul.u32 $0x3200, s10  }
0x5: {  	[smem:$0x7FF] =	sst s4;
	s4 =	sadd.s32 $0x70CA00, s1;
	s25 =	smul.u32 $0x64000, s0  }
0x6: {  	s3 =	sor.u32 s0, s3;
	s18 =	ssub.s32 $0x2, s0;
	s0 =	smul.u32 $0x1900, s0  }
0x7: {  	_ =	strace $0x8000004A;
	s5 =	smul.u32 $0x1900, s3;
	s6 =	sshrl.u32 s18, $0x1  }
0x8: {  	s3 =	smul.u32 $0x64000, s3;
	s15 =	sadd.s32 s25, s15;
	s16 =	sadd.s32 s0, s28  }
0x9: {  	s25 =	simm.s32 $0x0;
	s17 =	sshrl.u32 s5, $0x3;
	s7 =	sand.u32 $0x300, s5  }
0xa: {  	s3 =	sand.u32 $0xFF0000, s3;
	s5 =	sadd.s32 $0x1880, s5;
	s8 =	sadd.s32 s17, s1  }
0xb: {  	s1 =	ssub.s32 s18, s6;
	s20 =	sshrl.u32 s7, $0x9;
	s7 =	sshll.u32 s7, $0x7  }
0xc: {  	s21 =	sand.u32 $0x380, s5;
	s5 =	sshll.u32 s5, $0x6;
	s17 =	simm.s32 $0x3  }
0xd: {  	s18 =	simm.s32 $0x80;
	s19 =	sadd.s32 $0x6F9E00, s8;
	s9 =	sshll.u32 s20, $0x6  }
0xe: {  	s3 =	sadd.s32 s7, s3;
	s22 =	sshrl.u32 s21, $0x9;
	s5 =	sand.u32 $0x1FF0000, s5  }
0xf: {  	s6 =	sshll.u32 s20, $0x10;
	s26 =	sadd.s32 $0x700200, s8;
	s8 =	sadd.s32 $0x706600, s8  }
0x10: {  	s14 =	smax.u32 s1, $0x1;
	s20 =	simm.s32 $0x3900;
	[dreg:$0x3] =	wrdreg s19  }
0x11: {  	s3 =	ssub.s32 s3, s6;
	s6 =	sshll.u32 s21, $0x7;
	s23 =	sshll.u32 s22, $0x10  }
0x12: {  	s7 =	sshll.u32 s22, $0x6;
	[dreg:$0x4] =	wrdreg s26;
	s3 =	sor.u32 s9, s3  }
0x13: {  	[dreg:$0x7] =	wrdreg s8;
	s5 =	sadd.s32 s6, s5;
	s3 =	sadd.s32 $0x60000, s3  }
0x14: {  	s19 =	simm.s32 $0x1900;
	s5 =	ssub.s32 s5, s23;
	s3 =	sshrl.u32 s3, $0x3  }
0x15: {  	s21 =	simm.s32 $0x1;
	s5 =	sor.u32 s7, s5;
	s6 =	sadd.s32 s2, s3  }
0x16: {  	s22 =	simm.s32 $0x40;
	s24 =	sshrl.u32 s5, $0x3;
	s29 =	sadd.s32 $0x190000, s6  }
0x17: {  	s7 =	sadd.s32 s2, s24;
	s31 =	sadd.s32 $0x320000, s6;
	[dreg:$0x5] =	wrdreg s29  }
0x18: {  	s23 =	simm.s32 $0x2;
	s30 =	sadd.s32 $0x190000, s7;
	[dreg:$0x8] =	wrdreg s31  }
0x19: {  	s24 =	simm.s32 $0x1880;
	s13 =	sadd.s32 $0x320000, s7;
	[dreg:$0x6] =	wrdreg s30  }
.LBB2_1:
0x1a: {  	s0 =	simm.s32 $0x0;
	s1 =	rddreg [dreg:$0x3]  }
0x1b: {  	[tilespmem:s0], [sflag:$0x3] =	stream.linear.gather [hbm4b:s1+s0], $0x1900, $0x38;
	[tilespmem:$0x5900] =	vst v63  }
0x1c: {  	_ =	swait.ge [sflag:s17], $0x1900  }
0x1d: {  	[sflag:s17] =	ssyncset.done $0x0  }
0x1e: {  	s12 =	sand.u32 $0x300, s16;
	[sflag:s17] =	ssyncadd.s32 $0xFFFFE700  }
0x1f: {  	[tilespmem:s19], [sflag:$0x1] =	stream.indirect.gather [hbm4b:s4+s18], $0x40, s0, s18, $0xb8;
	[tilespmem:$0x5900] =	vst v63  }
0x20: {  	s26 =	sand.u32 $0x7FFF0000, s15;
	s3 =	sshll.u32 s12, $0x7;
	s0 =	sshrl.u32 s12, $0x9  }
0x21: {  	s5 =	simm.s32 $0x80;
	s26 =	sadd.s32 s3, s26;
	s28 =	sshll.u32 s0, $0x10  }
0x22: {  	s9 =	sadd.s32 $0x80, s16;
	s29 =	sshll.u32 s0, $0x6;
	s1 =	ssub.s32 s26, s28  }
0x23: {  	[tilespmem:s20], [sflag:$0x2] =	stream.indirect.gather [hbm4b:s4+s18], $0x40, s5, s18, $0xb8;
	[tilespmem:$0x5900] =	vst v63  }
0x24: {  	s11 =	simm.s32 $0x100;
	s3 =	sand.u32 $0x380, s9;
	s0 =	sor.u32 s29, s1  }
0x25: {  	s5 =	sadd.s32 $0x2000, s15;
	_ =	swait.ge [sflag:s21], $0x2000;
	s8 =	sshrl.u32 s0, $0x3  }
0x26: {  	s5 =	sand.u32 $0x7FFF0000, s5;
	[sflag:s21] =	ssyncset.done $0x0;
	s1 =	sadd.s32 s2, s8  }
0x27: {  	[sflag:s21] =	ssyncadd.s32 $0xFFFFE000;
	s8 =	sshll.u32 s3, $0x7;
	s3 =	sshrl.u32 s3, $0x9  }
0x28: {  	[hbm4b:s1+s22] =	stream.strided.scatter [tilespmem:s19], [sflag:$0x3], $0x2000, s18, s22, $0x38;
	[tilespmem:$0x5900] =	vst v63  }
0x29: {  	s31 =	sadd.s32 s8, s5;
	s30 =	sshll.u32 s3, $0x10;
	_ =	swait.ge [sflag:s17], $0x2000  }
0x2a: {  	s1 =	sshll.u32 s3, $0x6;
	s10 =	ssub.s32 s31, s30;
	[sflag:s17] =	ssyncset.done $0x0  }
0x2b: {  	s0 =	simm.s32 $0x400;
	s3 =	sor.u32 s1, s10;
	[sflag:s17] =	ssyncadd.s32 $0xFFFFE000  }
0x2c: {  	[tilespmem:s19], [sflag:$0x1] =	stream.indirect.gather [hbm4b:s4+s18], $0x40, s11, s18, $0xb8;
	[tilespmem:$0x5900] =	vst v63  }
0x2d: {  	s5 =	sadd.s32 $0x4000, s15;
	s12 =	sshrl.u32 s3, $0x3;
	_ =	swait.ge [sflag:s23], $0x2000  }
0x2e: {  	s3 =	sadd.s32 $0x100, s16;
	s8 =	sadd.s32 s2, s12;
	[sflag:s23] =	ssyncset.done $0x0  }
.LBB2_2:
0x2f: {  	s9 =	sand.u32 $0x7FFF0000, s5;
	s10 =	sand.u32 $0x300, s3;
	[sflag:s23] =	ssyncadd.s32 $0xFFFFE000  }
0x30: {  	[hbm4b:s8+s22] =	stream.strided.scatter [tilespmem:s20], [sflag:$0x3], $0x2000, s18, s22, $0x38;
	[tilespmem:$0x5900] =	vst v63  }
0x31: {  	s8 =	sshll.u32 s10, $0x7;
	s10 =	sshrl.u32 s10, $0x9;
	_ =	swait.ge [sflag:s17], $0x2000  }
0x32: {  	s8 =	sadd.s32 s8, s9;
	s9 =	sshll.u32 s10, $0x10;
	[sflag:s17] =	ssyncset.done $0x0  }
0x33: {  	s8 =	ssub.s32 s8, s9;
	s9 =	sshll.u32 s10, $0x6;
	[sflag:s17] =	ssyncadd.s32 $0xFFFFE000  }
0x34: {  	p0 =	sne.s32 s0, $0x5C00;
	s10 =	sshra.s32 s0, $0x2;
	s8 =	sor.u32 s9, s8  }
0x35: {  	s0 =	sadd.s32 $0x400, s0;
	s9 =	sadd.s32 $0x80, s10;
	s8 =	sshrl.u32 s8, $0x3  }
0x36: {  	[tilespmem:s20], [sflag:$0x2] =	stream.indirect.gather [hbm4b:s4+s18], $0x40, s9, s18, $0xb8;
	[tilespmem:$0x5900] =	vst v63  }
0x37: {  	s11 =	sadd.s32 $0x2000, s5;
	s9 =	sadd.s32 $0x80, s3;
	_ =	swait.ge [sflag:s21], $0x2000  }
0x38: {  	s8 =	sadd.s32 s2, s8;
	s9 =	sand.u32 $0x380, s9;
	[sflag:s21] =	ssyncset.done $0x0  }
0x39: {  	s11 =	sand.u32 $0x7FFF0000, s11;
	s12 =	sshll.u32 s9, $0x7;
	[sflag:s21] =	ssyncadd.s32 $0xFFFFE000  }
0x3a: {  	s9 =	sshrl.u32 s9, $0x9;
	s11 =	sadd.s32 s12, s11  }
0x3b: {  	[hbm4b:s8+s22] =	stream.strided.scatter [tilespmem:s19], [sflag:$0x3], $0x2000, s18, s22, $0x38;
	[tilespmem:$0x5900] =	vst v63  }
0x3c: {  	s8 =	sshll.u32 s9, $0x10;
	s9 =	sshll.u32 s9, $0x6;
	_ =	swait.ge [sflag:s17], $0x2000  }
.Ltmp0:
0x3d: {  	s8 =	ssub.s32 s11, s8;
	[sflag:s17] =	ssyncset.done $0x0;
	(pc) =	sbr.rel @p0 .LBB2_2-.Ltmp0, $4  }
0x3e: {  	s10 =	sadd.s32 $0x100, s10;
	s8 =	sor.u32 s9, s8;
	[sflag:s17] =	ssyncadd.s32 $0xFFFFE000  }
0x3f: {  	[tilespmem:s19], [sflag:$0x1] =	stream.indirect.gather [hbm4b:s4+s18], $0x40, s10, s18, $0xb8;
	[tilespmem:$0x5900] =	vst v63  }
0x40: {  	s3 =	sadd.s32 $0x100, s3;
	s8 =	sshrl.u32 s8, $0x3;
	_ =	swait.ge [sflag:s23], $0x2000  }
0x41: {  	s5 =	sadd.s32 $0x4000, s5;
	s8 =	sadd.s32 s2, s8;
	[sflag:s23] =	ssyncset.done $0x0  }
0x42: {  	[sflag:s23] =	ssyncadd.s32 $0xFFFFE000  }
0x43: {  	[hbm4b:s8+s22] =	stream.strided.scatter [tilespmem:s20], [sflag:$0x3], $0x2000, s18, s22, $0x38;
	[tilespmem:$0x5900] =	vst v63  }
0x44: {  	_ =	swait.ge [sflag:s17], $0x2000  }
0x45: {  	[sflag:s17] =	ssyncset.done $0x0  }
0x46: {  	[sflag:s17] =	ssyncadd.s32 $0xFFFFE000  }
0x47: {  	[tilespmem:s20], [sflag:$0x2] =	stream.indirect.gather [hbm4b:s4+s18], $0x40, s24, s18, $0xb8;
	[tilespmem:$0x5900] =	vst v63  }
0x48: {  	_ =	swait.ge [sflag:s21], $0x2000  }
0x49: {  	[sflag:s21] =	ssyncset.done $0x0  }
0x4a: {  	[sflag:s21] =	ssyncadd.s32 $0xFFFFE000  }
0x4b: {  	[hbm4b:s6+s22] =	stream.strided.scatter [tilespmem:s19], [sflag:$0x3], $0x2000, s18, s22, $0x38;
	[tilespmem:$0x5900] =	vst v63  }
0x4c: {  	_ =	swait.ge [sflag:s17], $0x2000  }
0x4d: {  	[sflag:s17] =	ssyncset.done $0x0  }
0x4e: {  	[sflag:s17] =	ssyncadd.s32 $0xFFFFE000  }
0x4f: {  	_ =	swait.ge [sflag:s23], $0x2000  }
0x50: {  	[sflag:s23] =	ssyncset.done $0x0  }
0x51: {  	[sflag:s23] =	ssyncadd.s32 $0xFFFFE000  }
0x52: {  	[hbm4b:s7+s22] =	stream.strided.scatter [tilespmem:s20], [sflag:$0x3], $0x2000, s18, s22, $0x38;
	[tilespmem:$0x5900] =	vst v63  }
0x53: {  	_ =	swait.ge [sflag:s17], $0x2000  }
0x54: {  	[sflag:s17] =	ssyncset.done $0x0  }
0x55: {  	s0 =	simm.s32 $0x0;
	s3 =	rddreg [dreg:$0x4];
	[sflag:s17] =	ssyncadd.s32 $0xFFFFE000  }
0x56: {  	[tilespmem:s0], [sflag:$0x3] =	stream.linear.gather [hbm4b:s3+s0], $0x1900, $0x38;
	[tilespmem:$0x5900] =	vst v63  }
0x57: {  	_ =	swait.ge [sflag:s17], $0x1900  }
0x58: {  	[sflag:s17] =	ssyncset.done $0x0  }
0x59: {  	s9 =	sor.u32 s29, s26;
	[sflag:s17] =	ssyncadd.s32 $0xFFFFE700  }
0x5a: {  	[tilespmem:s19], [sflag:$0x1] =	stream.indirect.gather [hbm4b:s4+s18], $0x40, s0, s18, $0xb8;
	[tilespmem:$0x5900] =	vst v63  }
0x5b: {  	s10 =	simm.s32 $0x80;
	s26 =	ssub.s32 s9, s28  }
0x5c: {  	[tilespmem:s20], [sflag:$0x2] =	stream.indirect.gather [hbm4b:s4+s18], $0x40, s10, s18, $0xb8;
	[tilespmem:$0x5900] =	vst v63  }
0x5d: {  	s11 =	sadd.s32 $0xC80000, s26;
	_ =	swait.ge [sflag:s21], $0x2000  }
0x5e: {  	s0 =	sshrl.u32 s11, $0x3;
	[sflag:s21] =	ssyncset.done $0x0  }
0x5f: {  	s0 =	sadd.s32 s2, s0;
	[sflag:s21] =	ssyncadd.s32 $0xFFFFE000  }
0x60: {  	[hbm4b:s0+s22] =	stream.strided.scatter [tilespmem:s19], [sflag:$0x3], $0x2000, s18, s22, $0x38;
	[tilespmem:$0x5900] =	vst v63  }
0x61: {  	s12 =	sor.u32 s1, s31;
	_ =	swait.ge [sflag:s17], $0x2000  }
0x62: {  	s28 =	ssub.s32 s12, s30;
	[sflag:s17] =	ssyncset.done $0x0  }
0x63: {  	s29 =	simm.s32 $0x100;
	s30 =	sadd.s32 $0xC80000, s28;
	[sflag:s17] =	ssyncadd.s32 $0xFFFFE000  }
0x64: {  	[tilespmem:s19], [sflag:$0x1] =	stream.indirect.gather [hbm4b:s4+s18], $0x40, s29, s18, $0xb8;
	[tilespmem:$0x5900] =	vst v63  }
0x65: {  	s31 =	sshrl.u32 s30, $0x3;
	_ =	swait.ge [sflag:s23], $0x2000  }
0x66: {  	s1 =	sadd.s32 $0x100, s16;
	s5 =	sadd.s32 s2, s31;
	[sflag:s23] =	ssyncset.done $0x0  }
0x67: {  	s3 =	sadd.s32 $0x4000, s15;
	s0 =	simm.s32 $0x400;
	[sflag:s23] =	ssyncadd.s32 $0xFFFFE000  }
.LBB2_4:
0x68: {  	[hbm4b:s5+s22] =	stream.strided.scatter [tilespmem:s20], [sflag:$0x3], $0x2000, s18, s22, $0x38;
	[tilespmem:$0x5900] =	vst v63  }
0x69: {  	s5 =	sand.u32 $0x7FFF0000, s3;
	s8 =	sand.u32 $0x300, s1;
	_ =	swait.ge [sflag:s17], $0x2000  }
0x6a: {  	s9 =	sshra.s32 s0, $0x2;
	s10 =	sshll.u32 s8, $0x7;
	s8 =	sshrl.u32 s8, $0x9  }
0x6b: {  	s11 =	sshll.u32 s8, $0x6;
	s5 =	sadd.s32 s10, s5;
	[sflag:s17] =	ssyncset.done $0x0  }
0x6c: {  	s8 =	sshll.u32 s8, $0x10;
	s5 =	sor.u32 s11, s5;
	[sflag:s17] =	ssyncadd.s32 $0xFFFFE000  }
0x6d: {  	p0 =	sne.s32 s0, $0x5C00;
	s0 =	sadd.s32 $0x400, s0;
	s5 =	ssub.s32 s5, s8  }
0x6e: {  	s8 =	sadd.s32 $0x100, s9;
	s5 =	sadd.s32 $0xC80000, s5  }
0x6f: {  	s10 =	sadd.s32 $0x80, s1;
	s9 =	sadd.s32 $0x80, s9;
	s5 =	sshrl.u32 s5, $0x3  }
0x70: {  	[tilespmem:s20], [sflag:$0x2] =	stream.indirect.gather [hbm4b:s4+s18], $0x40, s9, s18, $0xb8;
	[tilespmem:$0x5900] =	vst v63  }
0x71: {  	s10 =	sand.u32 $0x380, s10;
	s9 =	sadd.s32 $0x2000, s3;
	_ =	swait.ge [sflag:s21], $0x2000  }
0x72: {  	s5 =	sadd.s32 s2, s5;
	s9 =	sand.u32 $0x7FFF0000, s9;
	[sflag:s21] =	ssyncset.done $0x0  }
0x73: {  	s11 =	sshll.u32 s10, $0x7;
	s10 =	sshrl.u32 s10, $0x9;
	[sflag:s21] =	ssyncadd.s32 $0xFFFFE000  }
0x74: {  	[hbm4b:s5+s22] =	stream.strided.scatter [tilespmem:s19], [sflag:$0x3], $0x2000, s18, s22, $0x38;
	[tilespmem:$0x5900] =	vst v63  }
0x75: {  	s9 =	sadd.s32 s11, s9;
	s5 =	sshll.u32 s10, $0x6;
	_ =	swait.ge [sflag:s17], $0x2000  }
0x76: {  	s5 =	sor.u32 s5, s9;
	s9 =	sshll.u32 s10, $0x10;
	[sflag:s17] =	ssyncset.done $0x0  }
.Ltmp1:
0x77: {  	s5 =	ssub.s32 s5, s9;
	[sflag:s17] =	ssyncadd.s32 $0xFFFFE000;
	(pc) =	sbr.rel @p0 .LBB2_4-.Ltmp1, $4  }
0x78: {  	[tilespmem:s19], [sflag:$0x1] =	stream.indirect.gather [hbm4b:s4+s18], $0x40, s8, s18, $0xb8;
	[tilespmem:$0x5900] =	vst v63  }
0x79: {  	s5 =	sadd.s32 $0xC80000, s5;
	_ =	swait.ge [sflag:s23], $0x2000  }
0x7a: {  	s1 =	sadd.s32 $0x100, s1;
	s5 =	sshrl.u32 s5, $0x3;
	[sflag:s23] =	ssyncset.done $0x0  }
0x7b: {  	s3 =	sadd.s32 $0x4000, s3;
	s5 =	sadd.s32 s2, s5;
	[sflag:s23] =	ssyncadd.s32 $0xFFFFE000  }
0x7c: {  	[hbm4b:s5+s22] =	stream.strided.scatter [tilespmem:s20], [sflag:$0x3], $0x2000, s18, s22, $0x38;
	[tilespmem:$0x5900] =	vst v63  }
0x7d: {  	_ =	swait.ge [sflag:s17], $0x2000  }
0x7e: {  	[sflag:s17] =	ssyncset.done $0x0  }
0x7f: {  	[sflag:s17] =	ssyncadd.s32 $0xFFFFE000  }
0x80: {  	[tilespmem:s20], [sflag:$0x2] =	stream.indirect.gather [hbm4b:s4+s18], $0x40, s24, s18, $0xb8;
	[tilespmem:$0x5900] =	vst v63  }
0x81: {  	_ =	swait.ge [sflag:s21], $0x2000  }
0x82: {  	[sflag:s21] =	ssyncset.done $0x0  }
0x83: {  	s0 =	rddreg [dreg:$0x5];
	[sflag:s21] =	ssyncadd.s32 $0xFFFFE000  }
0x84: {  	[hbm4b:s0+s22] =	stream.strided.scatter [tilespmem:s19], [sflag:$0x3], $0x2000, s18, s22, $0x38;
	[tilespmem:$0x5900] =	vst v63  }
0x85: {  	_ =	swait.ge [sflag:s17], $0x2000  }
0x86: {  	[sflag:s17] =	ssyncset.done $0x0  }
0x87: {  	[sflag:s17] =	ssyncadd.s32 $0xFFFFE000  }
0x88: {  	_ =	swait.ge [sflag:s23], $0x2000  }
0x89: {  	[sflag:s23] =	ssyncset.done $0x0  }
0x8a: {  	s10 =	rddreg [dreg:$0x6];
	[sflag:s23] =	ssyncadd.s32 $0xFFFFE000  }
0x8b: {  	[hbm4b:s10+s22] =	stream.strided.scatter [tilespmem:s20], [sflag:$0x3], $0x2000, s18, s22, $0x38;
	[tilespmem:$0x5900] =	vst v63  }
0x8c: {  	_ =	swait.ge [sflag:s17], $0x2000  }
0x8d: {  	[sflag:s17] =	ssyncset.done $0x0  }
0x8e: {  	s11 =	simm.s32 $0x0;
	s1 =	rddreg [dreg:$0x7];
	[sflag:s17] =	ssyncadd.s32 $0xFFFFE000  }
0x8f: {  	[tilespmem:s11], [sflag:$0x3] =	stream.linear.gather [hbm4b:s1+s11], $0x1900, $0x38;
	[tilespmem:$0x5900] =	vst v63  }
0x90: {  	_ =	swait.ge [sflag:s17], $0x1900  }
0x91: {  	[sflag:s17] =	ssyncset.done $0x0  }
0x92: {  	[sflag:s17] =	ssyncadd.s32 $0xFFFFE700  }
0x93: {  	[tilespmem:s19], [sflag:$0x1] =	stream.indirect.gather [hbm4b:s4+s18], $0x40, s11, s18, $0xb8;
	[tilespmem:$0x5900] =	vst v63  }
0x94: {  	s12 =	simm.s32 $0x80  }
0x95: {  	[tilespmem:s20], [sflag:$0x2] =	stream.indirect.gather [hbm4b:s4+s18], $0x40, s12, s18, $0xb8;
	[tilespmem:$0x5900] =	vst v63  }
0x96: {  	s29 =	sadd.s32 $0x1900000, s26;
	_ =	swait.ge [sflag:s21], $0x2000  }
0x97: {  	s0 =	sshrl.u32 s29, $0x3;
	[sflag:s21] =	ssyncset.done $0x0  }
0x98: {  	s0 =	sadd.s32 s2, s0;
	[sflag:s21] =	ssyncadd.s32 $0xFFFFE000  }
0x99: {  	[hbm4b:s0+s22] =	stream.strided.scatter [tilespmem:s19], [sflag:$0x3], $0x2000, s18, s22, $0x38;
	[tilespmem:$0x5900] =	vst v63  }
0x9a: {  	_ =	swait.ge [sflag:s17], $0x2000  }
0x9b: {  	[sflag:s17] =	ssyncset.done $0x0  }
0x9c: {  	s30 =	simm.s32 $0x100;
	s31 =	sadd.s32 $0x1900000, s28;
	[sflag:s17] =	ssyncadd.s32 $0xFFFFE000  }
0x9d: {  	[tilespmem:s19], [sflag:$0x1] =	stream.indirect.gather [hbm4b:s4+s18], $0x40, s30, s18, $0xb8;
	[tilespmem:$0x5900] =	vst v63  }
0x9e: {  	s3 =	sshrl.u32 s31, $0x3;
	_ =	swait.ge [sflag:s23], $0x2000  }
0x9f: {  	s5 =	sadd.s32 s2, s3;
	s3 =	sadd.s32 $0x4000, s15;
	[sflag:s23] =	ssyncset.done $0x0  }
0xa0: {  	s1 =	sadd.s32 $0x100, s16;
	s0 =	simm.s32 $0x400;
	[sflag:s23] =	ssyncadd.s32 $0xFFFFE000  }
.LBB2_6:
0xa1: {  	[hbm4b:s5+s22] =	stream.strided.scatter [tilespmem:s20], [sflag:$0x3], $0x2000, s18, s22, $0x38;
	[tilespmem:$0x5900] =	vst v63  }
0xa2: {  	s5 =	sand.u32 $0x7FFF0000, s3;
	s8 =	sand.u32 $0x300, s1;
	_ =	swait.ge [sflag:s17], $0x2000  }
0xa3: {  	s9 =	sshra.s32 s0, $0x2;
	s10 =	sshll.u32 s8, $0x7;
	s8 =	sshrl.u32 s8, $0x9  }
0xa4: {  	s11 =	sshll.u32 s8, $0x6;
	s5 =	sadd.s32 s10, s5;
	[sflag:s17] =	ssyncset.done $0x0  }
0xa5: {  	s8 =	sshll.u32 s8, $0x10;
	s5 =	sor.u32 s11, s5;
	[sflag:s17] =	ssyncadd.s32 $0xFFFFE000  }
0xa6: {  	p0 =	sne.s32 s0, $0x5C00;
	s0 =	sadd.s32 $0x400, s0;
	s5 =	ssub.s32 s5, s8  }
0xa7: {  	s8 =	sadd.s32 $0x100, s9;
	s5 =	sadd.s32 $0x1900000, s5  }
0xa8: {  	s10 =	sadd.s32 $0x80, s1;
	s9 =	sadd.s32 $0x80, s9;
	s5 =	sshrl.u32 s5, $0x3  }
0xa9: {  	[tilespmem:s20], [sflag:$0x2] =	stream.indirect.gather [hbm4b:s4+s18], $0x40, s9, s18, $0xb8;
	[tilespmem:$0x5900] =	vst v63  }
0xaa: {  	s10 =	sand.u32 $0x380, s10;
	s9 =	sadd.s32 $0x2000, s3;
	_ =	swait.ge [sflag:s21], $0x2000  }
0xab: {  	s5 =	sadd.s32 s2, s5;
	s9 =	sand.u32 $0x7FFF0000, s9;
	[sflag:s21] =	ssyncset.done $0x0  }
0xac: {  	s11 =	sshll.u32 s10, $0x7;
	s10 =	sshrl.u32 s10, $0x9;
	[sflag:s21] =	ssyncadd.s32 $0xFFFFE000  }
0xad: {  	[hbm4b:s5+s22] =	stream.strided.scatter [tilespmem:s19], [sflag:$0x3], $0x2000, s18, s22, $0x38;
	[tilespmem:$0x5900] =	vst v63  }
0xae: {  	s9 =	sadd.s32 s11, s9;
	s5 =	sshll.u32 s10, $0x6;
	_ =	swait.ge [sflag:s17], $0x2000  }
0xaf: {  	s5 =	sor.u32 s5, s9;
	s9 =	sshll.u32 s10, $0x10;
	[sflag:s17] =	ssyncset.done $0x0  }
.Ltmp2:
0xb0: {  	s5 =	ssub.s32 s5, s9;
	[sflag:s17] =	ssyncadd.s32 $0xFFFFE000;
	(pc) =	sbr.rel @p0 .LBB2_6-.Ltmp2, $4  }
0xb1: {  	[tilespmem:s19], [sflag:$0x1] =	stream.indirect.gather [hbm4b:s4+s18], $0x40, s8, s18, $0xb8;
	[tilespmem:$0x5900] =	vst v63  }
0xb2: {  	s5 =	sadd.s32 $0x1900000, s5;
	_ =	swait.ge [sflag:s23], $0x2000  }
0xb3: {  	s1 =	sadd.s32 $0x100, s1;
	s5 =	sshrl.u32 s5, $0x3;
	[sflag:s23] =	ssyncset.done $0x0  }
0xb4: {  	s3 =	sadd.s32 $0x4000, s3;
	s5 =	sadd.s32 s2, s5;
	[sflag:s23] =	ssyncadd.s32 $0xFFFFE000  }
0xb5: {  	[hbm4b:s5+s22] =	stream.strided.scatter [tilespmem:s20], [sflag:$0x3], $0x2000, s18, s22, $0x38;
	[tilespmem:$0x5900] =	vst v63  }
0xb6: {  	_ =	swait.ge [sflag:s17], $0x2000  }
0xb7: {  	[sflag:s17] =	ssyncset.done $0x0  }
0xb8: {  	[sflag:s17] =	ssyncadd.s32 $0xFFFFE000  }
0xb9: {  	[tilespmem:s20], [sflag:$0x2] =	stream.indirect.gather [hbm4b:s4+s18], $0x40, s24, s18, $0xb8;
	[tilespmem:$0x5900] =	vst v63  }
0xba: {  	_ =	swait.ge [sflag:s21], $0x2000  }
0xbb: {  	[sflag:s21] =	ssyncset.done $0x0  }
0xbc: {  	s0 =	rddreg [dreg:$0x8];
	[sflag:s21] =	ssyncadd.s32 $0xFFFFE000  }
0xbd: {  	[hbm4b:s0+s22] =	stream.strided.scatter [tilespmem:s19], [sflag:$0x3], $0x2000, s18, s22, $0x38;
	[tilespmem:$0x5900] =	vst v63  }
0xbe: {  	_ =	swait.ge [sflag:s17], $0x2000  }
0xbf: {  	[sflag:s17] =	ssyncset.done $0x0  }
0xc0: {  	[sflag:s17] =	ssyncadd.s32 $0xFFFFE000  }
0xc1: {  	s25 =	sadd.s32 $0x1, s25;
	_ =	swait.ge [sflag:s23], $0x2000  }
0xc2: {  	p0 =	sne.s32 s25, s14;
	[sflag:s23] =	ssyncset.done $0x0  }
.Ltmp3:
0xc3: {  	[sflag:s23] =	ssyncadd.s32 $0xFFFFE000;
	(pc) =	sbr.rel @p0 .LBB2_1-.Ltmp3, $4  }
0xc4: {  	[hbm4b:s13+s22] =	stream.strided.scatter [tilespmem:s20], [sflag:$0x3], $0x2000, s18, s22, $0x38;
	[tilespmem:$0x5900] =	vst v63  }
0xc5: {  	_ =	swait.ge [sflag:s17], $0x2000  }
0xc6: {  	[sflag:s17] =	ssyncset.done $0x0  }
0xc7: {  	[sflag:s17] =	ssyncadd.s32 $0xFFFFE000  }
0xc8: {  	_ =	sfence.sel $0x180000  }
0xc9: {  	[bflag:$0x0] =	sbarrier.arrive $0xFFFF  }
0xca: {  	_ =	strace $0x9000004A  }
0xcb: {  	s0 =	stileid.u32;
	[bflag:$0x2] =	sbarrier.arrive $0xFFFF  }
0xcc: {  	p0 =	sne.s32 s0, $0x0;
	s0 =	rddreg [dreg:$0x2]  }
0xcd: {  	s0 =	sadd.s32 @!p0 $0x100000, s0  }
0xce: {  	[sflag:s0] =	ssyncadd.tile.s32 @!p0 $0x1;
	_ =	shalt  }
.Lfunc_end2:
_tile_overlayer_lowered:
.L_overlay_start_2:
0xcf: {  	(tag) =	ssettag $0x2  }
0xd0: {  	s0 =	rddreg [dreg:$0x0];
	s2 =	stileid.u32  }
0xd1: {  	s1 =	rddreg [dreg:$0x1];
	p0 =	sne.s32 s2, $0x0  }
0xd2: {  	s3 =	rddreg [dreg:$0x2];
	[bflag:$0x3] =	sbarrier.arrive $0xFFFF;
	s2 =	simm.s32 @!p0 $0x1C03  }
0xd3: {  	[timem:s3], [sflag:s2] =	dma.local @!p0 [hbm:s0], s1  }
0xd4: {  	s0 =	simm.s32 @!p0 $0x3  }
0xd5: {  	_ =	swait.ge @!p0 [sflag:s0], s1  }
0xd6: {  	s1 =	ssub.s32 @!p0 $0x0, s1;
	[sflag:s0] =	ssyncset.done @!p0 $0x0  }
0xd7: {  	[sflag:s0] =	ssyncadd.s32 @!p0 s1  }
0xd8: {  	[bflag:$0x3] =	sbarrier.arrive $0xFFFF  }
0xd9: {  	_ =	shalt  }

</sc_bundles>
